<compile_context>
chip_gen: v7x
topology: tpu7x:2x2x1
jax: 0.10.2.dev20260603
libtpu: 0.0.44.dev20260713+nightly
codegen_flags: <defaults>
</compile_context>

<pallas_src>
import functools

import jax
import jax.numpy as jnp
from jax import lax
from jax.experimental import pallas as pl
from jax.experimental.pallas import tpu as pltpu
from jax.experimental.pallas import tpu_sc as plsc

N = 10000
E = 320000
D = 128
FFD = 256
NC = 2
NS = 16
NW = NC * NS
EPT = E // NW
C = 80
NCH = EPT // C
W = 25
NWIN = NCH // W
NPAD = 10240

_sc_mesh = plsc.VectorSubcoreMesh(
    core_axis_name="c", subcore_axis_name="s", num_cores=NC, num_subcores=NS)



@functools.partial(
    pl.kernel,
    out_type=jax.ShapeDtypeStruct((NC, NPAD), jnp.float32),
    mesh=_sc_mesh,
    scratch_types=[
        pltpu.VMEM((NCH, C), jnp.int32),
        pltpu.VMEM((C,), jnp.float32),
        pltpu.VMEM((NPAD // NS,), jnp.float32),
        pltpu.VMEM_SHARED((NPAD,), jnp.float32),
        pltpu.SemaphoreType.DMA,
    ],
)
def _deg_kernel(e4_hbm, deg_out, dst_v, ones_v, z_v, deg_sh, isem):
    cid = lax.axis_index("c")
    sid = lax.axis_index("s")
    wid = sid * NC + cid

    for w in range(NWIN):
        pltpu.async_copy(e4_hbm.at[1, wid, w],
                         dst_v.at[pl.ds(w * W, W)], isem)

    def zb(i, carry):
        z_v[pl.ds(i * 16, 16)] = jnp.zeros((16,), jnp.float32)
        return carry

    lax.fori_loop(0, NPAD // NS // 16, zb, 0)
    pltpu.sync_copy(z_v, deg_sh.at[pl.ds(sid * (NPAD // NS), NPAD // NS)])
    for k in range(C // 16):
        ones_v[pl.ds(k * 16, 16)] = jnp.full((16,), 1.0, jnp.float32)
    for w in range(NWIN):
        pltpu.make_async_copy(e4_hbm.at[1, wid, w],
                              dst_v.at[pl.ds(w * W, W)], isem).wait()
    plsc.subcore_barrier()

    def body(j, carry):
        pltpu.sync_copy(ones_v, deg_sh.at[dst_v.at[j]], add=True)
        return carry

    lax.fori_loop(0, NCH, body, 0)
    plsc.subcore_barrier()

    @pl.when(sid == 0)
    def _():
        pltpu.sync_copy(deg_sh, deg_out.at[cid])



@functools.partial(
    pl.kernel,
    out_type=jax.ShapeDtypeStruct((NC, N, D), jnp.float32),
    mesh=_sc_mesh,
    scratch_types=[
        pltpu.VMEM((2, W, C), jnp.int32),
        pltpu.VMEM((2, W, C), jnp.int32),
        pltpu.VMEM((3, C, D), jnp.float32),
        pltpu.VMEM_SHARED((N, D), jnp.float32),
        pltpu.SemaphoreType.DMA,
        pltpu.SemaphoreType.DMA,
        pltpu.SemaphoreType.DMA,
    ],
)
def _gs_kernel(y_hbm, e4_hbm, agg_out,
               src_v, dst_v, rows_v, agg_sh, gsem, ssem, isem):
    cid = lax.axis_index("c")
    sid = lax.axis_index("s")
    wid = sid * NC + cid

    def zbody(r, carry):
        for k in range(D // 16):
            rows_v[0, r, pl.ds(k * 16, 16)] = jnp.zeros((16,), jnp.float32)
        return carry

    lax.fori_loop(0, C, zbody, 0)
    for k in range(8):
        ch = sid + k * NS

        @pl.when(ch < NCH)
        def _():
            pltpu.sync_copy(rows_v.at[0], agg_sh.at[pl.ds(ch * C, C)])

    plsc.subcore_barrier()

    def _drain_scatter():
        pltpu.make_async_copy(rows_v.at[0], agg_sh.at[dst_v.at[0, 0]],
                              ssem).wait()

    pltpu.async_copy(e4_hbm.at[0, wid, 0], src_v.at[0], isem)
    pltpu.async_copy(e4_hbm.at[1, wid, 0], dst_v.at[0], isem)

    def wbody(w, carry):
        wb = lax.rem(w, 2)
        pltpu.make_async_copy(e4_hbm.at[0, wid, w], src_v.at[wb],
                              isem).wait()
        pltpu.make_async_copy(e4_hbm.at[1, wid, w], dst_v.at[wb],
                              isem).wait()
        pltpu.async_copy(y_hbm.at[src_v.at[wb, 0]], rows_v.at[0], gsem)
        @pl.when(w + 1 < NWIN)
        def _():
            nwb = lax.rem(w + 1, 2)
            pltpu.async_copy(e4_hbm.at[0, wid, w + 1], src_v.at[nwb], isem)
            pltpu.async_copy(e4_hbm.at[1, wid, w + 1], dst_v.at[nwb], isem)

        def body(j, carry2):
            @pl.when(j >= 2)
            def _():
                _drain_scatter()

            @pl.when(j + 1 < W)
            def _():
                pltpu.async_copy(y_hbm.at[src_v.at[wb, j + 1]],
                                 rows_v.at[lax.rem(j + 1, 3)], gsem)

            pltpu.make_async_copy(y_hbm.at[src_v.at[wb, j]],
                                  rows_v.at[lax.rem(j, 3)], gsem).wait()
            pltpu.async_copy(rows_v.at[lax.rem(j, 3)],
                             agg_sh.at[dst_v.at[wb, j]], ssem, add=True)
            return carry2

        lax.fori_loop(0, W, body, 0)
        _drain_scatter()
        _drain_scatter()
        return carry

    lax.fori_loop(0, NWIN, wbody, 0)
    plsc.subcore_barrier()

    for k in range(8):
        ch = sid + k * NS

        @pl.when(ch < NCH)
        def _():
            pltpu.sync_copy(agg_sh.at[pl.ds(ch * C, C)],
                            agg_out.at[cid, pl.ds(ch * C, C)])



_BM = 5000
_G = N // _BM


def _ln(h):
    mu = jnp.mean(h, axis=-1, keepdims=True)
    var = jnp.mean((h - mu) ** 2, axis=-1, keepdims=True)
    return (h - mu) * lax.rsqrt(var + 1e-5)


def _prep_body(x_ref, da_ref, db_ref, dinv_ref, y_ref):
    deg = da_ref[...] + db_ref[...] + 1.0
    dinv = lax.rsqrt(deg)
    dinv_ref[...] = dinv
    y_ref[...] = x_ref[...] * dinv


_prep = pl.pallas_call(
    _prep_body,
    grid=(_G,),
    in_specs=[
        pl.BlockSpec((_BM, D), lambda i: (i, 0)),
        pl.BlockSpec((_BM, 1), lambda i: (i, 0)),
        pl.BlockSpec((_BM, 1), lambda i: (i, 0)),
    ],
    out_specs=[
        pl.BlockSpec((_BM, 1), lambda i: (i, 0)),
        pl.BlockSpec((_BM, D), lambda i: (i, 0)),
    ],
    out_shape=[
        jax.ShapeDtypeStruct((N, 1), jnp.float32),
        jax.ShapeDtypeStruct((N, D), jnp.float32),
    ],
)


def _dense_chain(xb, dv, p0, p1, wg, bg, w1, b1, w2, b2, l1g, l1b, l2g, l2b):
    agg = dv * (p0 + p1) + (dv * dv) * xb
    hg = jnp.dot(agg, wg, preferred_element_type=jnp.float32)
    h = xb + hg + bg
    h = _ln(h) * l1g + l1b
    t = jnp.maximum(
        jnp.dot(h, w1, preferred_element_type=jnp.float32) + b1, 0.0)
    ff = jnp.dot(t, w2, preferred_element_type=jnp.float32) + b2
    return _ln(h + ff) * l2g + l2b


def _layer0_body(x_ref, p0_ref, p1_ref, dinv_ref,
                 wg_ref, bg_ref, w1_ref, b1_ref, w2_ref, b2_ref,
                 l1g_ref, l1b_ref, l2g_ref, l2b_ref, lvw_ref, lvb_ref,
                 xo_ref, yo_ref, pado_ref):
    dv = dinv_ref[...]
    h2 = _dense_chain(x_ref[...], dv, p0_ref[0], p1_ref[0],
                      wg_ref[...], bg_ref[...], w1_ref[...], b1_ref[...],
                      w2_ref[...], b2_ref[...], l1g_ref[...], l1b_ref[...],
                      l2g_ref[...], l2b_ref[...])
    xo_ref[...] = h2
    yo_ref[...] = h2 * dv
    pado_ref[...] = jnp.dot(
        h2, lvw_ref[...], preferred_element_type=jnp.float32) + lvb_ref[...]


def _layerf_body(x_ref, p0_ref, p1_ref, dinv_ref, pad_ref,
                 wg_ref, bg_ref, w1_ref, b1_ref, w2_ref, b2_ref,
                 l1g_ref, l1b_ref, l2g_ref, l2b_ref, lvw_ref, lvb_ref,
                 out_ref):
    dv = dinv_ref[...]
    h2 = _dense_chain(x_ref[...], dv, p0_ref[0], p1_ref[0],
                      wg_ref[...], bg_ref[...], w1_ref[...], b1_ref[...],
                      w2_ref[...], b2_ref[...], l1g_ref[...], l1b_ref[...],
                      l2g_ref[...], l2b_ref[...])
    pad = pad_ref[...] + jnp.dot(
        h2, lvw_ref[...], preferred_element_type=jnp.float32) + lvb_ref[...]
    out_ref[...] = jnp.concatenate([pad, h2], axis=1)


def _row_spec(w):
    return pl.BlockSpec((_BM, w), lambda i: (i, 0))


def _full_spec(a, b):
    return pl.BlockSpec((a, b), lambda i: (0, 0))


_W_SPECS = [
    _full_spec(D, D), _full_spec(1, D),
    _full_spec(D, FFD), _full_spec(1, FFD),
    _full_spec(FFD, D), _full_spec(1, D),
    _full_spec(1, D), _full_spec(1, D), _full_spec(1, D), _full_spec(1, D),
    _full_spec(D, 4), _full_spec(1, 4),
]

_P0_SPEC = pl.BlockSpec((1, _BM, D), lambda i: (0, i, 0))
_P1_SPEC = pl.BlockSpec((1, _BM, D), lambda i: (1, i, 0))

_layer0 = pl.pallas_call(
    _layer0_body,
    grid=(_G,),
    in_specs=[_row_spec(D), _P0_SPEC, _P1_SPEC, _row_spec(1)]
    + _W_SPECS,
    out_specs=[_row_spec(D), _row_spec(D), _row_spec(4)],
    out_shape=[
        jax.ShapeDtypeStruct((N, D), jnp.float32),
        jax.ShapeDtypeStruct((N, D), jnp.float32),
        jax.ShapeDtypeStruct((N, 4), jnp.float32),
    ],
)

_layerf = pl.pallas_call(
    _layerf_body,
    grid=(_G,),
    in_specs=[_row_spec(D), _P0_SPEC, _P1_SPEC, _row_spec(1),
              _row_spec(4)] + _W_SPECS,
    out_specs=pl.BlockSpec((_BM, 4 + D), lambda i: (i, 0)),
    out_shape=jax.ShapeDtypeStruct((N, 4 + D), jnp.float32),
)


def kernel(x, edge_index, node_indices,
           Wg0, bg0, ln1g0, ln1b0, W10, b10, W20, b20, ln2g0, ln2b0,
           LvW0, Lvb0,
           Wg1, bg1, ln1g1, ln1b1, W11, b11, W21, b21, ln2g1, ln2b1,
           LvW1, Lvb1):
    del node_indices
    e4 = edge_index.reshape(2, NW, NWIN, W, C)

    degp = _deg_kernel(e4)
    da = degp[0, :N].reshape(N, 1)
    db = degp[1, :N].reshape(N, 1)
    dinv, y0 = _prep(x, da, db)

    def lparams(Wg, bg, W1, b1, W2, b2, l1g, l1b, l2g, l2b, LvW, Lvb):
        return (Wg, bg.reshape(1, D), W1, b1.reshape(1, FFD), W2,
                b2.reshape(1, D), l1g.reshape(1, D), l1b.reshape(1, D),
                l2g.reshape(1, D), l2b.reshape(1, D), LvW, Lvb.reshape(1, 4))

    p = _gs_kernel(y0, e4)
    x1, y1, pad1 = _layer0(x, p, p, dinv,
                           *lparams(Wg0, bg0, W10, b10, W20, b20,
                                    ln1g0, ln1b0, ln2g0, ln2b0, LvW0, Lvb0))
    p2 = _gs_kernel(y1, e4)
    return _layerf(x1, p2, p2, dinv, pad1,
                   *lparams(Wg1, bg1, W11, b11, W21, b21,
                            ln1g1, ln1b1, ln2g1, ln2b1, LvW1, Lvb1))

# --- scband reference (transcript-rebuilt; emitter-appended) ---
"""Pipeline reference for scband-gpsmodel-with-voting-v-9534827397858 (READ-ONLY COPY).

The authoritative reference and input builder live on the scoring server;
editing this copy changes nothing except your own understanding.
"""

import jax, jax.numpy as jnp
import numpy as np

N = 10000
E = 320000
D = 128
FFD = 256
NLAYERS = 2
KEYS = ["Wg", "bg", "ln1g", "ln1b", "W1", "b1", "W2", "b2", "ln2g", "ln2b", "LvW", "Lvb"]
SHAPES = {"Wg": (D, D), "bg": (D,), "ln1g": (D,), "ln1b": (D,), "W1": (D, FFD), "b1": (FFD,), "W2": (FFD, D), "b2": (D,), "ln2g": (D,), "ln2b": (D,), "LvW": (D, 4), "Lvb": (4,)}


def setup_inputs(seed: int = 0):
    key = jax.random.key(seed)
    inp = {}
    inp["x"] = jax.random.normal(jax.random.fold_in(key, 0), (N, D), dtype=jnp.float32)
    inp["edge_index"] = jax.random.randint(jax.random.fold_in(key, 1), (2, E), 0, N, dtype=jnp.int32)
    inp["node_indices"] = jnp.sort(jax.random.randint(jax.random.fold_in(key, 2), (N,), 0, 16, dtype=jnp.int32))
    j = 0
    for i in range(NLAYERS):
        for k in KEYS:
            nm = k + str(i)
            shp = SHAPES[k]
            if k.startswith("ln"):
                inp[nm] = jnp.ones(shp, jnp.float32) if k[3] == "g" else jnp.zeros(shp, jnp.float32)
            elif k in ("bg", "b1", "b2", "Lvb"):
                inp[nm] = jnp.zeros(shp, jnp.float32)
            else:
                inp[nm] = jax.random.normal(jax.random.fold_in(key, 100 + j), shp, dtype=jnp.float32) / np.sqrt(shp[0])
            j += 1
    return inp


def _layer_norm(h, g, b):
    mu = jnp.mean(h, axis=-1, keepdims=True)
    var = jnp.mean((h - mu) ** 2, axis=-1, keepdims=True)
    return (h - mu) / jnp.sqrt(var + 1e-5) * g + b


def _gcn(x, src, dst, W, b):
    n = x.shape[0]
    loops = jnp.arange(n, dtype=src.dtype)
    s = jnp.concatenate([src, loops])
    d = jnp.concatenate([dst, loops])
    deg = jax.ops.segment_sum(jnp.ones(s.shape[0], x.dtype), d, num_segments=n)
    dinv = jnp.where(deg > 0, 1.0 / jnp.sqrt(jnp.maximum(deg, 1e-12)), 0.0)
    norm = dinv[s] * dinv[d]
    msg = x[s] * norm[:, None]
    agg = jax.ops.segment_sum(msg, d, num_segments=n)
    return agg @ W + b


def _forward(x, edge_index, params):
    src, dst = edge_index[0], edge_index[1]
    pad = jnp.zeros((x.shape[0], 4), x.dtype)
    for i in range(NLAYERS):
        p = params[i]
        h_in = x
        h = _gcn(x, src, dst, p["Wg"], p["bg"])
        h = h_in + h
        h = _layer_norm(h, p["ln1g"], p["ln1b"])
        ff = jax.nn.relu(h @ p["W1"] + p["b1"]) @ p["W2"] + p["b2"]
        h = _layer_norm(h + ff, p["ln2g"], p["ln2b"])
        x = h
        pad = pad + (x @ p["LvW"] + p["Lvb"])
    return jnp.concatenate([pad, x], axis=1)


def reference(x, edge_index, node_indices,
              Wg0, bg0, ln1g0, ln1b0, W10, b10, W20, b20, ln2g0, ln2b0, LvW0, Lvb0,
              Wg1, bg1, ln1g1, ln1b1, W11, b11, W21, b21, ln2g1, ln2b1, LvW1, Lvb1):
    kw = dict(locals())
    params = [{k: kw[k + str(i)] for k in KEYS} for i in range(NLAYERS)]
    edge_index = edge_index + node_indices[0] * 0
    return _forward(x, edge_index, params)

if __name__ == "__main__":
    import jax
    _d = setup_inputs()
    print(jax.jit(kernel)(*tuple(_d.values())))

</pallas_src>

<mosaic_0001>
#map = affine_map<(d0, d1) -> (0, 0)>
#map1 = affine_map<(d0, d1) -> (0, 0, 0, 0, 0)>
#map2 = affine_map<(d0, d1) -> (0, 0, 0)>
module attributes {stable_mosaic.version = 14 : i64} {
  func.func @_gs_kernel(%arg0: i32, %arg1: i32, %arg2: memref<10000x128xf32, #tpu.memory_space<hbm>>, %arg3: memref<2x32x5x25x80xi32, #tpu.memory_space<hbm>>, %arg4: memref<2x10000x128xf32, #tpu.memory_space<hbm>>, %arg5: memref<2x25x80xi32, #tpu.memory_space<vmem>>, %arg6: memref<2x25x80xi32, #tpu.memory_space<vmem>>, %arg7: memref<3x80x128xf32, #tpu.memory_space<vmem>>, %arg8: memref<10000x128xf32, #tpu.memory_space<vmem_shared>>, %arg9: memref<!tpu.dma_semaphore, #tpu.memory_space<semaphore_mem>>, %arg10: memref<!tpu.dma_semaphore, #tpu.memory_space<semaphore_mem>>, %arg11: memref<!tpu.dma_semaphore, #tpu.memory_space<semaphore_mem>>) attributes {dimension_semantics = [#tpu.dimension_semantics<core_parallel>, #tpu.dimension_semantics<subcore_parallel>], iteration_bounds = array<i64: 2, 16>, scalar_prefetch = 0 : i64, scratch_operands = 7 : i64, tpu.core_type = #tpu.core_type<sc_vector_subcore>, window_params = [{transform_indices = #map}, {transform_indices = #map1}, {transform_indices = #map2}]} {
    %mul3A = arith.constant 2 : i32
    %mul3A_0 = arith.muli %arg1, %mul3A : i32
    %add3A = arith.addi %mul3A_0, %arg0 : i32
    %scan3A = arith.constant 0 : i32
    %scan3A_1 = arith.constant 0 : i32
    %scan3A_2 = arith.constant 80 : i32
    %scan3A_3 = arith.addi %scan3A_1, %scan3A_2 : i32
    %scan3A_4 = arith.constant 1 : i32
    scf.for %scan3A_159 = %scan3A_1 to %scan3A_3 step %scan3A_4  : i32 {
      %broadcast_in_dim3A = arith.constant 0.000000e+00 : f32
      %broadcast_in_dim3A_160 = vector.broadcast %broadcast_in_dim3A : f32 to vector<16xf32>
      %swap3A = arith.constant 0 : i32
      %swap3A_161 = arith.index_cast %swap3A : i32 to index
      %swap3A_162 = arith.index_cast %scan3A_159 : i32 to index
      %swap3A_163 = arith.constant 0 : index
      %swap3A_164 = tpu.vector_load %arg7[%swap3A_161, %swap3A_162, %swap3A_163] {strides = array<i32>} : memref<3x80x128xf32, #tpu.memory_space<vmem>>, vector<1x1x16xf32>,
      %swap3A_165 = vector.shape_cast %swap3A_164 : vector<1x1x16xf32> to vector<16xf32>
      %swap3A_166 = vector.shape_cast %broadcast_in_dim3A_160 : vector<16xf32> to vector<1x1x16xf32>
      tpu.vector_store %arg7[%swap3A_161, %swap3A_162, %swap3A_163], %swap3A_166 {strides = array<i32>} : memref<3x80x128xf32, #tpu.memory_space<vmem>>, vector<1x1x16xf32>,
      %broadcast_in_dim3A_167 = arith.constant 0.000000e+00 : f32
      %broadcast_in_dim3A_168 = vector.broadcast %broadcast_in_dim3A_167 : f32 to vector<16xf32>
      %swap3A_169 = arith.constant 0 : i32
      %swap3A_170 = arith.index_cast %swap3A_169 : i32 to index
      %swap3A_171 = arith.index_cast %scan3A_159 : i32 to index
      %swap3A_172 = arith.constant 16 : index
      %swap3A_173 = tpu.vector_load %arg7[%swap3A_170, %swap3A_171, %swap3A_172] {strides = array<i32>} : memref<3x80x128xf32, #tpu.memory_space<vmem>>, vector<1x1x16xf32>,
      %swap3A_174 = vector.shape_cast %swap3A_173 : vector<1x1x16xf32> to vector<16xf32>
      %swap3A_175 = vector.shape_cast %broadcast_in_dim3A_168 : vector<16xf32> to vector<1x1x16xf32>
      tpu.vector_store %arg7[%swap3A_170, %swap3A_171, %swap3A_172], %swap3A_175 {strides = array<i32>} : memref<3x80x128xf32, #tpu.memory_space<vmem>>, vector<1x1x16xf32>,
      %broadcast_in_dim3A_176 = arith.constant 0.000000e+00 : f32
      %broadcast_in_dim3A_177 = vector.broadcast %broadcast_in_dim3A_176 : f32 to vector<16xf32>
      %swap3A_178 = arith.constant 0 : i32
      %swap3A_179 = arith.index_cast %swap3A_178 : i32 to index
      %swap3A_180 = arith.index_cast %scan3A_159 : i32 to index
      %swap3A_181 = arith.constant 32 : index
      %swap3A_182 = tpu.vector_load %arg7[%swap3A_179, %swap3A_180, %swap3A_181] {strides = array<i32>} : memref<3x80x128xf32, #tpu.memory_space<vmem>>, vector<1x1x16xf32>,
      %swap3A_183 = vector.shape_cast %swap3A_182 : vector<1x1x16xf32> to vector<16xf32>
      %swap3A_184 = vector.shape_cast %broadcast_in_dim3A_177 : vector<16xf32> to vector<1x1x16xf32>
      tpu.vector_store %arg7[%swap3A_179, %swap3A_180, %swap3A_181], %swap3A_184 {strides = array<i32>} : memref<3x80x128xf32, #tpu.memory_space<vmem>>, vector<1x1x16xf32>,
      %broadcast_in_dim3A_185 = arith.constant 0.000000e+00 : f32
      %broadcast_in_dim3A_186 = vector.broadcast %broadcast_in_dim3A_185 : f32 to vector<16xf32>
      %swap3A_187 = arith.constant 0 : i32
      %swap3A_188 = arith.index_cast %swap3A_187 : i32 to index
      %swap3A_189 = arith.index_cast %scan3A_159 : i32 to index
      %swap3A_190 = arith.constant 48 : index
      %swap3A_191 = tpu.vector_load %arg7[%swap3A_188, %swap3A_189, %swap3A_190] {strides = array<i32>} : memref<3x80x128xf32, #tpu.memory_space<vmem>>, vector<1x1x16xf32>,
      %swap3A_192 = vector.shape_cast %swap3A_191 : vector<1x1x16xf32> to vector<16xf32>
      %swap3A_193 = vector.shape_cast %broadcast_in_dim3A_186 : vector<16xf32> to vector<1x1x16xf32>
      tpu.vector_store %arg7[%swap3A_188, %swap3A_189, %swap3A_190], %swap3A_193 {strides = array<i32>} : memref<3x80x128xf32, #tpu.memory_space<vmem>>, vector<1x1x16xf32>,
      %broadcast_in_dim3A_194 = arith.constant 0.000000e+00 : f32
      %broadcast_in_dim3A_195 = vector.broadcast %broadcast_in_dim3A_194 : f32 to vector<16xf32>
      %swap3A_196 = arith.constant 0 : i32
      %swap3A_197 = arith.index_cast %swap3A_196 : i32 to index
      %swap3A_198 = arith.index_cast %scan3A_159 : i32 to index
      %swap3A_199 = arith.constant 64 : index
      %swap3A_200 = tpu.vector_load %arg7[%swap3A_197, %swap3A_198, %swap3A_199] {strides = array<i32>} : memref<3x80x128xf32, #tpu.memory_space<vmem>>, vector<1x1x16xf32>,
      %swap3A_201 = vector.shape_cast %swap3A_200 : vector<1x1x16xf32> to vector<16xf32>
      %swap3A_202 = vector.shape_cast %broadcast_in_dim3A_195 : vector<16xf32> to vector<1x1x16xf32>
      tpu.vector_store %arg7[%swap3A_197, %swap3A_198, %swap3A_199], %swap3A_202 {strides = array<i32>} : memref<3x80x128xf32, #tpu.memory_space<vmem>>, vector<1x1x16xf32>,
      %broadcast_in_dim3A_203 = arith.constant 0.000000e+00 : f32
      %broadcast_in_dim3A_204 = vector.broadcast %broadcast_in_dim3A_203 : f32 to vector<16xf32>
      %swap3A_205 = arith.constant 0 : i32
      %swap3A_206 = arith.index_cast %swap3A_205 : i32 to index
      %swap3A_207 = arith.index_cast %scan3A_159 : i32 to index
      %swap3A_208 = arith.constant 80 : index
      %swap3A_209 = tpu.vector_load %arg7[%swap3A_206, %swap3A_207, %swap3A_208] {strides = array<i32>} : memref<3x80x128xf32, #tpu.memory_space<vmem>>, vector<1x1x16xf32>,
      %swap3A_210 = vector.shape_cast %swap3A_209 : vector<1x1x16xf32> to vector<16xf32>
      %swap3A_211 = vector.shape_cast %broadcast_in_dim3A_204 : vector<16xf32> to vector<1x1x16xf32>
      tpu.vector_store %arg7[%swap3A_206, %swap3A_207, %swap3A_208], %swap3A_211 {strides = array<i32>} : memref<3x80x128xf32, #tpu.memory_space<vmem>>, vector<1x1x16xf32>,
      %broadcast_in_dim3A_212 = arith.constant 0.000000e+00 : f32
      %broadcast_in_dim3A_213 = vector.broadcast %broadcast_in_dim3A_212 : f32 to vector<16xf32>
      %swap3A_214 = arith.constant 0 : i32
      %swap3A_215 = arith.index_cast %swap3A_214 : i32 to index
      %swap3A_216 = arith.index_cast %scan3A_159 : i32 to index
      %swap3A_217 = arith.constant 96 : index
      %swap3A_218 = tpu.vector_load %arg7[%swap3A_215, %swap3A_216, %swap3A_217] {strides = array<i32>} : memref<3x80x128xf32, #tpu.memory_space<vmem>>, vector<1x1x16xf32>,
      %swap3A_219 = vector.shape_cast %swap3A_218 : vector<1x1x16xf32> to vector<16xf32>
      %swap3A_220 = vector.shape_cast %broadcast_in_dim3A_213 : vector<16xf32> to vector<1x1x16xf32>
      tpu.vector_store %arg7[%swap3A_215, %swap3A_216, %swap3A_217], %swap3A_220 {strides = array<i32>} : memref<3x80x128xf32, #tpu.memory_space<vmem>>, vector<1x1x16xf32>,
      %broadcast_in_dim3A_221 = arith.constant 0.000000e+00 : f32
      %broadcast_in_dim3A_222 = vector.broadcast %broadcast_in_dim3A_221 : f32 to vector<16xf32>
      %swap3A_223 = arith.constant 0 : i32
      %swap3A_224 = arith.index_cast %swap3A_223 : i32 to index
      %swap3A_225 = arith.index_cast %scan3A_159 : i32 to index
      %swap3A_226 = arith.constant 112 : index
      %swap3A_227 = tpu.vector_load %arg7[%swap3A_224, %swap3A_225, %swap3A_226] {strides = array<i32>} : memref<3x80x128xf32, #tpu.memory_space<vmem>>, vector<1x1x16xf32>,
      %swap3A_228 = vector.shape_cast %swap3A_227 : vector<1x1x16xf32> to vector<16xf32>
      %swap3A_229 = vector.shape_cast %broadcast_in_dim3A_222 : vector<16xf32> to vector<1x1x16xf32>
      tpu.vector_store %arg7[%swap3A_224, %swap3A_225, %swap3A_226], %swap3A_229 {strides = array<i32>} : memref<3x80x128xf32, #tpu.memory_space<vmem>>, vector<1x1x16xf32>,
    }
    %scan3A_5 = arith.constant 80 : i32
    %add3A_6 = arith.constant 0 : i32
    %add3A_7 = arith.addi %arg1, %add3A_6 : i32
    %lt3A = arith.constant 125 : i32
    %lt3A_8 = arith.cmpi slt, %add3A_7, %lt3A : i32
    %convert_element_type3A = arith.extui %lt3A_8 : i1 to i32
    %cond3A = arith.constant 0 : i32
    %cond3A_9 = arith.cmpi ne, %convert_element_type3A, %cond3A : i32
    scf.if %cond3A_9 {
      %mul3A_159 = arith.constant 80 : i32
      %mul3A_160 = arith.muli %add3A_7, %mul3A_159 : i32
      %run_scoped3A = arith.constant 0 : i32
      "tpu.region"() ({
        %run_scoped3A_161 = tpu.sem_alloc : memref<!tpu.dma_semaphore, #tpu.memory_space<semaphore_mem>>
        %dma_start3A_162 = arith.constant 0 : i32
        %dma_start3A_163 = arith.constant 0 : i32
        %dma_start3A_164 = tpu.memref_slice %arg7[%run_scoped3A, %dma_start3A_162, %dma_start3A_163] : memref<3x80x128xf32, #tpu.memory_space<vmem>> -> memref<1x80x128xf32, #tpu.memory_space<vmem>>
        %dma_start3A_165 = tpu.memref_squeeze %dma_start3A_164 : memref<1x80x128xf32, #tpu.memory_space<vmem>> -> memref<80x128xf32, #tpu.memory_space<vmem>>
        %dma_start3A_166 = arith.constant 0 : i32
        %dma_start3A_167 = tpu.memref_slice %arg8[%mul3A_160, %dma_start3A_166] : memref<10000x128xf32, #tpu.memory_space<vmem_shared>> -> memref<80x128xf32, #tpu.memory_space<vmem_shared>>
        %dma_start3A_168 = arith.constant 0 : i32
        %dma_start3A_169 = tpu.memref_slice %arg8[%mul3A_160, %dma_start3A_168] : memref<10000x128xf32, #tpu.memory_space<vmem_shared>> -> memref<80x128xf32, #tpu.memory_space<vmem_shared>>
        %dma_start3A_170 = arith.constant 0 : i32
        %dma_start3A_171 = arith.constant 0 : i32
        %dma_start3A_172 = tpu.memref_slice %arg7[%run_scoped3A, %dma_start3A_170, %dma_start3A_171] : memref<3x80x128xf32, #tpu.memory_space<vmem>> -> memref<1x80x128xf32, #tpu.memory_space<vmem>>
        %dma_start3A_173 = tpu.memref_squeeze %dma_start3A_172 : memref<1x80x128xf32, #tpu.memory_space<vmem>> -> memref<80x128xf32, #tpu.memory_space<vmem>>
        tpu.enqueue_dma source(%dma_start3A_173 : memref<80x128xf32, #tpu.memory_space<vmem>>) target(%dma_start3A_169 : memref<80x128xf32, #tpu.memory_space<vmem_shared>>) target_semaphore(%run_scoped3A_161 : memref<!tpu.dma_semaphore, #tpu.memory_space<semaphore_mem>>)
        %dma_wait3A = arith.constant 0 : i32
        %dma_wait3A_174 = arith.constant 0 : i32
        %dma_wait3A_175 = tpu.memref_slice %arg7[%run_scoped3A, %dma_wait3A, %dma_wait3A_174] : memref<3x80x128xf32, #tpu.memory_space<vmem>> -> memref<1x80x128xf32, #tpu.memory_space<vmem>>
        %dma_wait3A_176 = tpu.memref_squeeze %dma_wait3A_175 : memref<1x80x128xf32, #tpu.memory_space<vmem>> -> memref<80x128xf32, #tpu.memory_space<vmem>>
        %dma_wait3A_177 = arith.constant 0 : i32
        %dma_wait3A_178 = tpu.memref_slice %arg8[%mul3A_160, %dma_wait3A_177] : memref<10000x128xf32, #tpu.memory_space<vmem_shared>> -> memref<80x128xf32, #tpu.memory_space<vmem_shared>>
        %dma_wait3A_179 = arith.constant 0 : i32
        %dma_wait3A_180 = tpu.memref_slice %arg8[%mul3A_160, %dma_wait3A_179] : memref<10000x128xf32, #tpu.memory_space<vmem_shared>> -> memref<80x128xf32, #tpu.memory_space<vmem_shared>>
        %dma_wait3A_181 = arith.constant 0 : i32
        %dma_wait3A_182 = arith.constant 0 : i32
        %dma_wait3A_183 = tpu.memref_slice %arg7[%run_scoped3A, %dma_wait3A_181, %dma_wait3A_182] : memref<3x80x128xf32, #tpu.memory_space<vmem>> -> memref<1x80x128xf32, #tpu.memory_space<vmem>>
        %dma_wait3A_184 = tpu.memref_squeeze %dma_wait3A_183 : memref<1x80x128xf32, #tpu.memory_space<vmem>> -> memref<80x128xf32, #tpu.memory_space<vmem>>
        tpu.wait_dma2 semaphore(%run_scoped3A_161 : memref<!tpu.dma_semaphore, #tpu.memory_space<semaphore_mem>>) src(%dma_wait3A_184 : memref<80x128xf32, #tpu.memory_space<vmem>>) dst(%dma_wait3A_180 : memref<80x128xf32, #tpu.memory_space<vmem_shared>>)
        tpu.yield
      }) : () -> ()
    } else {
    }
    %add3A_10 = arith.constant 16 : i32
    %add3A_11 = arith.addi %arg1, %add3A_10 : i32
    %lt3A_12 = arith.constant 125 : i32
    %lt3A_13 = arith.cmpi slt, %add3A_11, %lt3A_12 : i32
    %convert_element_type3A_14 = arith.extui %lt3A_13 : i1 to i32
    %cond3A_15 = arith.constant 0 : i32
    %cond3A_16 = arith.cmpi ne, %convert_element_type3A_14, %cond3A_15 : i32
    scf.if %cond3A_16 {
      %mul3A_159 = arith.constant 80 : i32
      %mul3A_160 = arith.muli %add3A_11, %mul3A_159 : i32
      %run_scoped3A = arith.constant 0 : i32
      "tpu.region"() ({
        %run_scoped3A_161 = tpu.sem_alloc : memref<!tpu.dma_semaphore, #tpu.memory_space<semaphore_mem>>
        %dma_start3A_162 = arith.constant 0 : i32
        %dma_start3A_163 = arith.constant 0 : i32
        %dma_start3A_164 = tpu.memref_slice %arg7[%run_scoped3A, %dma_start3A_162, %dma_start3A_163] : memref<3x80x128xf32, #tpu.memory_space<vmem>> -> memref<1x80x128xf32, #tpu.memory_space<vmem>>
        %dma_start3A_165 = tpu.memref_squeeze %dma_start3A_164 : memref<1x80x128xf32, #tpu.memory_space<vmem>> -> memref<80x128xf32, #tpu.memory_space<vmem>>
        %dma_start3A_166 = arith.constant 0 : i32
        %dma_start3A_167 = tpu.memref_slice %arg8[%mul3A_160, %dma_start3A_166] : memref<10000x128xf32, #tpu.memory_space<vmem_shared>> -> memref<80x128xf32, #tpu.memory_space<vmem_shared>>
        %dma_start3A_168 = arith.constant 0 : i32
        %dma_start3A_169 = tpu.memref_slice %arg8[%mul3A_160, %dma_start3A_168] : memref<10000x128xf32, #tpu.memory_space<vmem_shared>> -> memref<80x128xf32, #tpu.memory_space<vmem_shared>>
        %dma_start3A_170 = arith.constant 0 : i32
        %dma_start3A_171 = arith.constant 0 : i32
        %dma_start3A_172 = tpu.memref_slice %arg7[%run_scoped3A, %dma_start3A_170, %dma_start3A_171] : memref<3x80x128xf32, #tpu.memory_space<vmem>> -> memref<1x80x128xf32, #tpu.memory_space<vmem>>
        %dma_start3A_173 = tpu.memref_squeeze %dma_start3A_172 : memref<1x80x128xf32, #tpu.memory_space<vmem>> -> memref<80x128xf32, #tpu.memory_space<vmem>>
        tpu.enqueue_dma source(%dma_start3A_173 : memref<80x128xf32, #tpu.memory_space<vmem>>) target(%dma_start3A_169 : memref<80x128xf32, #tpu.memory_space<vmem_shared>>) target_semaphore(%run_scoped3A_161 : memref<!tpu.dma_semaphore, #tpu.memory_space<semaphore_mem>>)
        %dma_wait3A = arith.constant 0 : i32
        %dma_wait3A_174 = arith.constant 0 : i32
        %dma_wait3A_175 = tpu.memref_slice %arg7[%run_scoped3A, %dma_wait3A, %dma_wait3A_174] : memref<3x80x128xf32, #tpu.memory_space<vmem>> -> memref<1x80x128xf32, #tpu.memory_space<vmem>>
        %dma_wait3A_176 = tpu.memref_squeeze %dma_wait3A_175 : memref<1x80x128xf32, #tpu.memory_space<vmem>> -> memref<80x128xf32, #tpu.memory_space<vmem>>
        %dma_wait3A_177 = arith.constant 0 : i32
        %dma_wait3A_178 = tpu.memref_slice %arg8[%mul3A_160, %dma_wait3A_177] : memref<10000x128xf32, #tpu.memory_space<vmem_shared>> -> memref<80x128xf32, #tpu.memory_space<vmem_shared>>
        %dma_wait3A_179 = arith.constant 0 : i32
        %dma_wait3A_180 = tpu.memref_slice %arg8[%mul3A_160, %dma_wait3A_179] : memref<10000x128xf32, #tpu.memory_space<vmem_shared>> -> memref<80x128xf32, #tpu.memory_space<vmem_shared>>
        %dma_wait3A_181 = arith.constant 0 : i32
        %dma_wait3A_182 = arith.constant 0 : i32
        %dma_wait3A_183 = tpu.memref_slice %arg7[%run_scoped3A, %dma_wait3A_181, %dma_wait3A_182] : memref<3x80x128xf32, #tpu.memory_space<vmem>> -> memref<1x80x128xf32, #tpu.memory_space<vmem>>
        %dma_wait3A_184 = tpu.memref_squeeze %dma_wait3A_183 : memref<1x80x128xf32, #tpu.memory_space<vmem>> -> memref<80x128xf32, #tpu.memory_space<vmem>>
        tpu.wait_dma2 semaphore(%run_scoped3A_161 : memref<!tpu.dma_semaphore, #tpu.memory_space<semaphore_mem>>) src(%dma_wait3A_184 : memref<80x128xf32, #tpu.memory_space<vmem>>) dst(%dma_wait3A_180 : memref<80x128xf32, #tpu.memory_space<vmem_shared>>)
        tpu.yield
      }) : () -> ()
    } else {
    }
    %add3A_17 = arith.constant 32 : i32
    %add3A_18 = arith.addi %arg1, %add3A_17 : i32
    %lt3A_19 = arith.constant 125 : i32
    %lt3A_20 = arith.cmpi slt, %add3A_18, %lt3A_19 : i32
    %convert_element_type3A_21 = arith.extui %lt3A_20 : i1 to i32
    %cond3A_22 = arith.constant 0 : i32
    %cond3A_23 = arith.cmpi ne, %convert_element_type3A_21, %cond3A_22 : i32
    scf.if %cond3A_23 {
      %mul3A_159 = arith.constant 80 : i32
      %mul3A_160 = arith.muli %add3A_18, %mul3A_159 : i32
      %run_scoped3A = arith.constant 0 : i32
      "tpu.region"() ({
        %run_scoped3A_161 = tpu.sem_alloc : memref<!tpu.dma_semaphore, #tpu.memory_space<semaphore_mem>>
        %dma_start3A_162 = arith.constant 0 : i32
        %dma_start3A_163 = arith.constant 0 : i32
        %dma_start3A_164 = tpu.memref_slice %arg7[%run_scoped3A, %dma_start3A_162, %dma_start3A_163] : memref<3x80x128xf32, #tpu.memory_space<vmem>> -> memref<1x80x128xf32, #tpu.memory_space<vmem>>
        %dma_start3A_165 = tpu.memref_squeeze %dma_start3A_164 : memref<1x80x128xf32, #tpu.memory_space<vmem>> -> memref<80x128xf32, #tpu.memory_space<vmem>>
        %dma_start3A_166 = arith.constant 0 : i32
        %dma_start3A_167 = tpu.memref_slice %arg8[%mul3A_160, %dma_start3A_166] : memref<10000x128xf32, #tpu.memory_space<vmem_shared>> -> memref<80x128xf32, #tpu.memory_space<vmem_shared>>
        %dma_start3A_168 = arith.constant 0 : i32
        %dma_start3A_169 = tpu.memref_slice %arg8[%mul3A_160, %dma_start3A_168] : memref<10000x128xf32, #tpu.memory_space<vmem_shared>> -> memref<80x128xf32, #tpu.memory_space<vmem_shared>>
        %dma_start3A_170 = arith.constant 0 : i32
        %dma_start3A_171 = arith.constant 0 : i32
        %dma_start3A_172 = tpu.memref_slice %arg7[%run_scoped3A, %dma_start3A_170, %dma_start3A_171] : memref<3x80x128xf32, #tpu.memory_space<vmem>> -> memref<1x80x128xf32, #tpu.memory_space<vmem>>
        %dma_start3A_173 = tpu.memref_squeeze %dma_start3A_172 : memref<1x80x128xf32, #tpu.memory_space<vmem>> -> memref<80x128xf32, #tpu.memory_space<vmem>>
        tpu.enqueue_dma source(%dma_start3A_173 : memref<80x128xf32, #tpu.memory_space<vmem>>) target(%dma_start3A_169 : memref<80x128xf32, #tpu.memory_space<vmem_shared>>) target_semaphore(%run_scoped3A_161 : memref<!tpu.dma_semaphore, #tpu.memory_space<semaphore_mem>>)
        %dma_wait3A = arith.constant 0 : i32
        %dma_wait3A_174 = arith.constant 0 : i32
        %dma_wait3A_175 = tpu.memref_slice %arg7[%run_scoped3A, %dma_wait3A, %dma_wait3A_174] : memref<3x80x128xf32, #tpu.memory_space<vmem>> -> memref<1x80x128xf32, #tpu.memory_space<vmem>>
        %dma_wait3A_176 = tpu.memref_squeeze %dma_wait3A_175 : memref<1x80x128xf32, #tpu.memory_space<vmem>> -> memref<80x128xf32, #tpu.memory_space<vmem>>
        %dma_wait3A_177 = arith.constant 0 : i32
        %dma_wait3A_178 = tpu.memref_slice %arg8[%mul3A_160, %dma_wait3A_177] : memref<10000x128xf32, #tpu.memory_space<vmem_shared>> -> memref<80x128xf32, #tpu.memory_space<vmem_shared>>
        %dma_wait3A_179 = arith.constant 0 : i32
        %dma_wait3A_180 = tpu.memref_slice %arg8[%mul3A_160, %dma_wait3A_179] : memref<10000x128xf32, #tpu.memory_space<vmem_shared>> -> memref<80x128xf32, #tpu.memory_space<vmem_shared>>
        %dma_wait3A_181 = arith.constant 0 : i32
        %dma_wait3A_182 = arith.constant 0 : i32
        %dma_wait3A_183 = tpu.memref_slice %arg7[%run_scoped3A, %dma_wait3A_181, %dma_wait3A_182] : memref<3x80x128xf32, #tpu.memory_space<vmem>> -> memref<1x80x128xf32, #tpu.memory_space<vmem>>
        %dma_wait3A_184 = tpu.memref_squeeze %dma_wait3A_183 : memref<1x80x128xf32, #tpu.memory_space<vmem>> -> memref<80x128xf32, #tpu.memory_space<vmem>>
        tpu.wait_dma2 semaphore(%run_scoped3A_161 : memref<!tpu.dma_semaphore, #tpu.memory_space<semaphore_mem>>) src(%dma_wait3A_184 : memref<80x128xf32, #tpu.memory_space<vmem>>) dst(%dma_wait3A_180 : memref<80x128xf32, #tpu.memory_space<vmem_shared>>)
        tpu.yield
      }) : () -> ()
    } else {
    }
    %add3A_24 = arith.constant 48 : i32
    %add3A_25 = arith.addi %arg1, %add3A_24 : i32
    %lt3A_26 = arith.constant 125 : i32
    %lt3A_27 = arith.cmpi slt, %add3A_25, %lt3A_26 : i32
    %convert_element_type3A_28 = arith.extui %lt3A_27 : i1 to i32
    %cond3A_29 = arith.constant 0 : i32
    %cond3A_30 = arith.cmpi ne, %convert_element_type3A_28, %cond3A_29 : i32
    scf.if %cond3A_30 {
      %mul3A_159 = arith.constant 80 : i32
      %mul3A_160 = arith.muli %add3A_25, %mul3A_159 : i32
      %run_scoped3A = arith.constant 0 : i32
      "tpu.region"() ({
        %run_scoped3A_161 = tpu.sem_alloc : memref<!tpu.dma_semaphore, #tpu.memory_space<semaphore_mem>>
        %dma_start3A_162 = arith.constant 0 : i32
        %dma_start3A_163 = arith.constant 0 : i32
        %dma_start3A_164 = tpu.memref_slice %arg7[%run_scoped3A, %dma_start3A_162, %dma_start3A_163] : memref<3x80x128xf32, #tpu.memory_space<vmem>> -> memref<1x80x128xf32, #tpu.memory_space<vmem>>
        %dma_start3A_165 = tpu.memref_squeeze %dma_start3A_164 : memref<1x80x128xf32, #tpu.memory_space<vmem>> -> memref<80x128xf32, #tpu.memory_space<vmem>>
        %dma_start3A_166 = arith.constant 0 : i32
        %dma_start3A_167 = tpu.memref_slice %arg8[%mul3A_160, %dma_start3A_166] : memref<10000x128xf32, #tpu.memory_space<vmem_shared>> -> memref<80x128xf32, #tpu.memory_space<vmem_shared>>
        %dma_start3A_168 = arith.constant 0 : i32
        %dma_start3A_169 = tpu.memref_slice %arg8[%mul3A_160, %dma_start3A_168] : memref<10000x128xf32, #tpu.memory_space<vmem_shared>> -> memref<80x128xf32, #tpu.memory_space<vmem_shared>>
        %dma_start3A_170 = arith.constant 0 : i32
        %dma_start3A_171 = arith.constant 0 : i32
        %dma_start3A_172 = tpu.memref_slice %arg7[%run_scoped3A, %dma_start3A_170, %dma_start3A_171] : memref<3x80x128xf32, #tpu.memory_space<vmem>> -> memref<1x80x128xf32, #tpu.memory_space<vmem>>
        %dma_start3A_173 = tpu.memref_squeeze %dma_start3A_172 : memref<1x80x128xf32, #tpu.memory_space<vmem>> -> memref<80x128xf32, #tpu.memory_space<vmem>>
        tpu.enqueue_dma source(%dma_start3A_173 : memref<80x128xf32, #tpu.memory_space<vmem>>) target(%dma_start3A_169 : memref<80x128xf32, #tpu.memory_space<vmem_shared>>) target_semaphore(%run_scoped3A_161 : memref<!tpu.dma_semaphore, #tpu.memory_space<semaphore_mem>>)
        %dma_wait3A = arith.constant 0 : i32
        %dma_wait3A_174 = arith.constant 0 : i32
        %dma_wait3A_175 = tpu.memref_slice %arg7[%run_scoped3A, %dma_wait3A, %dma_wait3A_174] : memref<3x80x128xf32, #tpu.memory_space<vmem>> -> memref<1x80x128xf32, #tpu.memory_space<vmem>>
        %dma_wait3A_176 = tpu.memref_squeeze %dma_wait3A_175 : memref<1x80x128xf32, #tpu.memory_space<vmem>> -> memref<80x128xf32, #tpu.memory_space<vmem>>
        %dma_wait3A_177 = arith.constant 0 : i32
        %dma_wait3A_178 = tpu.memref_slice %arg8[%mul3A_160, %dma_wait3A_177] : memref<10000x128xf32, #tpu.memory_space<vmem_shared>> -> memref<80x128xf32, #tpu.memory_space<vmem_shared>>
        %dma_wait3A_179 = arith.constant 0 : i32
        %dma_wait3A_180 = tpu.memref_slice %arg8[%mul3A_160, %dma_wait3A_179] : memref<10000x128xf32, #tpu.memory_space<vmem_shared>> -> memref<80x128xf32, #tpu.memory_space<vmem_shared>>
        %dma_wait3A_181 = arith.constant 0 : i32
        %dma_wait3A_182 = arith.constant 0 : i32
        %dma_wait3A_183 = tpu.memref_slice %arg7[%run_scoped3A, %dma_wait3A_181, %dma_wait3A_182] : memref<3x80x128xf32, #tpu.memory_space<vmem>> -> memref<1x80x128xf32, #tpu.memory_space<vmem>>
        %dma_wait3A_184 = tpu.memref_squeeze %dma_wait3A_183 : memref<1x80x128xf32, #tpu.memory_space<vmem>> -> memref<80x128xf32, #tpu.memory_space<vmem>>
        tpu.wait_dma2 semaphore(%run_scoped3A_161 : memref<!tpu.dma_semaphore, #tpu.memory_space<semaphore_mem>>) src(%dma_wait3A_184 : memref<80x128xf32, #tpu.memory_space<vmem>>) dst(%dma_wait3A_180 : memref<80x128xf32, #tpu.memory_space<vmem_shared>>)
        tpu.yield
      }) : () -> ()
    } else {
    }
    %add3A_31 = arith.constant 64 : i32
    %add3A_32 = arith.addi %arg1, %add3A_31 : i32
    %lt3A_33 = arith.constant 125 : i32
    %lt3A_34 = arith.cmpi slt, %add3A_32, %lt3A_33 : i32
    %convert_element_type3A_35 = arith.extui %lt3A_34 : i1 to i32
    %cond3A_36 = arith.constant 0 : i32
    %cond3A_37 = arith.cmpi ne, %convert_element_type3A_35, %cond3A_36 : i32
    scf.if %cond3A_37 {
      %mul3A_159 = arith.constant 80 : i32
      %mul3A_160 = arith.muli %add3A_32, %mul3A_159 : i32
      %run_scoped3A = arith.constant 0 : i32
      "tpu.region"() ({
        %run_scoped3A_161 = tpu.sem_alloc : memref<!tpu.dma_semaphore, #tpu.memory_space<semaphore_mem>>
        %dma_start3A_162 = arith.constant 0 : i32
        %dma_start3A_163 = arith.constant 0 : i32
        %dma_start3A_164 = tpu.memref_slice %arg7[%run_scoped3A, %dma_start3A_162, %dma_start3A_163] : memref<3x80x128xf32, #tpu.memory_space<vmem>> -> memref<1x80x128xf32, #tpu.memory_space<vmem>>
        %dma_start3A_165 = tpu.memref_squeeze %dma_start3A_164 : memref<1x80x128xf32, #tpu.memory_space<vmem>> -> memref<80x128xf32, #tpu.memory_space<vmem>>
        %dma_start3A_166 = arith.constant 0 : i32
        %dma_start3A_167 = tpu.memref_slice %arg8[%mul3A_160, %dma_start3A_166] : memref<10000x128xf32, #tpu.memory_space<vmem_shared>> -> memref<80x128xf32, #tpu.memory_space<vmem_shared>>
        %dma_start3A_168 = arith.constant 0 : i32
        %dma_start3A_169 = tpu.memref_slice %arg8[%mul3A_160, %dma_start3A_168] : memref<10000x128xf32, #tpu.memory_space<vmem_shared>> -> memref<80x128xf32, #tpu.memory_space<vmem_shared>>
        %dma_start3A_170 = arith.constant 0 : i32
        %dma_start3A_171 = arith.constant 0 : i32
        %dma_start3A_172 = tpu.memref_slice %arg7[%run_scoped3A, %dma_start3A_170, %dma_start3A_171] : memref<3x80x128xf32, #tpu.memory_space<vmem>> -> memref<1x80x128xf32, #tpu.memory_space<vmem>>
        %dma_start3A_173 = tpu.memref_squeeze %dma_start3A_172 : memref<1x80x128xf32, #tpu.memory_space<vmem>> -> memref<80x128xf32, #tpu.memory_space<vmem>>
        tpu.enqueue_dma source(%dma_start3A_173 : memref<80x128xf32, #tpu.memory_space<vmem>>) target(%dma_start3A_169 : memref<80x128xf32, #tpu.memory_space<vmem_shared>>) target_semaphore(%run_scoped3A_161 : memref<!tpu.dma_semaphore, #tpu.memory_space<semaphore_mem>>)
        %dma_wait3A = arith.constant 0 : i32
        %dma_wait3A_174 = arith.constant 0 : i32
        %dma_wait3A_175 = tpu.memref_slice %arg7[%run_scoped3A, %dma_wait3A, %dma_wait3A_174] : memref<3x80x128xf32, #tpu.memory_space<vmem>> -> memref<1x80x128xf32, #tpu.memory_space<vmem>>
        %dma_wait3A_176 = tpu.memref_squeeze %dma_wait3A_175 : memref<1x80x128xf32, #tpu.memory_space<vmem>> -> memref<80x128xf32, #tpu.memory_space<vmem>>
        %dma_wait3A_177 = arith.constant 0 : i32
        %dma_wait3A_178 = tpu.memref_slice %arg8[%mul3A_160, %dma_wait3A_177] : memref<10000x128xf32, #tpu.memory_space<vmem_shared>> -> memref<80x128xf32, #tpu.memory_space<vmem_shared>>
        %dma_wait3A_179 = arith.constant 0 : i32
        %dma_wait3A_180 = tpu.memref_slice %arg8[%mul3A_160, %dma_wait3A_179] : memref<10000x128xf32, #tpu.memory_space<vmem_shared>> -> memref<80x128xf32, #tpu.memory_space<vmem_shared>>
        %dma_wait3A_181 = arith.constant 0 : i32
        %dma_wait3A_182 = arith.constant 0 : i32
        %dma_wait3A_183 = tpu.memref_slice %arg7[%run_scoped3A, %dma_wait3A_181, %dma_wait3A_182] : memref<3x80x128xf32, #tpu.memory_space<vmem>> -> memref<1x80x128xf32, #tpu.memory_space<vmem>>
        %dma_wait3A_184 = tpu.memref_squeeze %dma_wait3A_183 : memref<1x80x128xf32, #tpu.memory_space<vmem>> -> memref<80x128xf32, #tpu.memory_space<vmem>>
        tpu.wait_dma2 semaphore(%run_scoped3A_161 : memref<!tpu.dma_semaphore, #tpu.memory_space<semaphore_mem>>) src(%dma_wait3A_184 : memref<80x128xf32, #tpu.memory_space<vmem>>) dst(%dma_wait3A_180 : memref<80x128xf32, #tpu.memory_space<vmem_shared>>)
        tpu.yield
      }) : () -> ()
    } else {
    }
    %add3A_38 = arith.constant 80 : i32
    %add3A_39 = arith.addi %arg1, %add3A_38 : i32
    %lt3A_40 = arith.constant 125 : i32
    %lt3A_41 = arith.cmpi slt, %add3A_39, %lt3A_40 : i32
    %convert_element_type3A_42 = arith.extui %lt3A_41 : i1 to i32
    %cond3A_43 = arith.constant 0 : i32
    %cond3A_44 = arith.cmpi ne, %convert_element_type3A_42, %cond3A_43 : i32
    scf.if %cond3A_44 {
      %mul3A_159 = arith.constant 80 : i32
      %mul3A_160 = arith.muli %add3A_39, %mul3A_159 : i32
      %run_scoped3A = arith.constant 0 : i32
      "tpu.region"() ({
        %run_scoped3A_161 = tpu.sem_alloc : memref<!tpu.dma_semaphore, #tpu.memory_space<semaphore_mem>>
        %dma_start3A_162 = arith.constant 0 : i32
        %dma_start3A_163 = arith.constant 0 : i32
        %dma_start3A_164 = tpu.memref_slice %arg7[%run_scoped3A, %dma_start3A_162, %dma_start3A_163] : memref<3x80x128xf32, #tpu.memory_space<vmem>> -> memref<1x80x128xf32, #tpu.memory_space<vmem>>
        %dma_start3A_165 = tpu.memref_squeeze %dma_start3A_164 : memref<1x80x128xf32, #tpu.memory_space<vmem>> -> memref<80x128xf32, #tpu.memory_space<vmem>>
        %dma_start3A_166 = arith.constant 0 : i32
        %dma_start3A_167 = tpu.memref_slice %arg8[%mul3A_160, %dma_start3A_166] : memref<10000x128xf32, #tpu.memory_space<vmem_shared>> -> memref<80x128xf32, #tpu.memory_space<vmem_shared>>
        %dma_start3A_168 = arith.constant 0 : i32
        %dma_start3A_169 = tpu.memref_slice %arg8[%mul3A_160, %dma_start3A_168] : memref<10000x128xf32, #tpu.memory_space<vmem_shared>> -> memref<80x128xf32, #tpu.memory_space<vmem_shared>>
        %dma_start3A_170 = arith.constant 0 : i32
        %dma_start3A_171 = arith.constant 0 : i32
        %dma_start3A_172 = tpu.memref_slice %arg7[%run_scoped3A, %dma_start3A_170, %dma_start3A_171] : memref<3x80x128xf32, #tpu.memory_space<vmem>> -> memref<1x80x128xf32, #tpu.memory_space<vmem>>
        %dma_start3A_173 = tpu.memref_squeeze %dma_start3A_172 : memref<1x80x128xf32, #tpu.memory_space<vmem>> -> memref<80x128xf32, #tpu.memory_space<vmem>>
        tpu.enqueue_dma source(%dma_start3A_173 : memref<80x128xf32, #tpu.memory_space<vmem>>) target(%dma_start3A_169 : memref<80x128xf32, #tpu.memory_space<vmem_shared>>) target_semaphore(%run_scoped3A_161 : memref<!tpu.dma_semaphore, #tpu.memory_space<semaphore_mem>>)
        %dma_wait3A = arith.constant 0 : i32
        %dma_wait3A_174 = arith.constant 0 : i32
        %dma_wait3A_175 = tpu.memref_slice %arg7[%run_scoped3A, %dma_wait3A, %dma_wait3A_174] : memref<3x80x128xf32, #tpu.memory_space<vmem>> -> memref<1x80x128xf32, #tpu.memory_space<vmem>>
        %dma_wait3A_176 = tpu.memref_squeeze %dma_wait3A_175 : memref<1x80x128xf32, #tpu.memory_space<vmem>> -> memref<80x128xf32, #tpu.memory_space<vmem>>
        %dma_wait3A_177 = arith.constant 0 : i32
        %dma_wait3A_178 = tpu.memref_slice %arg8[%mul3A_160, %dma_wait3A_177] : memref<10000x128xf32, #tpu.memory_space<vmem_shared>> -> memref<80x128xf32, #tpu.memory_space<vmem_shared>>
        %dma_wait3A_179 = arith.constant 0 : i32
        %dma_wait3A_180 = tpu.memref_slice %arg8[%mul3A_160, %dma_wait3A_179] : memref<10000x128xf32, #tpu.memory_space<vmem_shared>> -> memref<80x128xf32, #tpu.memory_space<vmem_shared>>
        %dma_wait3A_181 = arith.constant 0 : i32
        %dma_wait3A_182 = arith.constant 0 : i32
        %dma_wait3A_183 = tpu.memref_slice %arg7[%run_scoped3A, %dma_wait3A_181, %dma_wait3A_182] : memref<3x80x128xf32, #tpu.memory_space<vmem>> -> memref<1x80x128xf32, #tpu.memory_space<vmem>>
        %dma_wait3A_184 = tpu.memref_squeeze %dma_wait3A_183 : memref<1x80x128xf32, #tpu.memory_space<vmem>> -> memref<80x128xf32, #tpu.memory_space<vmem>>
        tpu.wait_dma2 semaphore(%run_scoped3A_161 : memref<!tpu.dma_semaphore, #tpu.memory_space<semaphore_mem>>) src(%dma_wait3A_184 : memref<80x128xf32, #tpu.memory_space<vmem>>) dst(%dma_wait3A_180 : memref<80x128xf32, #tpu.memory_space<vmem_shared>>)
        tpu.yield
      }) : () -> ()
    } else {
    }
    %add3A_45 = arith.constant 96 : i32
    %add3A_46 = arith.addi %arg1, %add3A_45 : i32
    %lt3A_47 = arith.constant 125 : i32
    %lt3A_48 = arith.cmpi slt, %add3A_46, %lt3A_47 : i32
    %convert_element_type3A_49 = arith.extui %lt3A_48 : i1 to i32
    %cond3A_50 = arith.constant 0 : i32
    %cond3A_51 = arith.cmpi ne, %convert_element_type3A_49, %cond3A_50 : i32
    scf.if %cond3A_51 {
      %mul3A_159 = arith.constant 80 : i32
      %mul3A_160 = arith.muli %add3A_46, %mul3A_159 : i32
      %run_scoped3A = arith.constant 0 : i32
      "tpu.region"() ({
        %run_scoped3A_161 = tpu.sem_alloc : memref<!tpu.dma_semaphore, #tpu.memory_space<semaphore_mem>>
        %dma_start3A_162 = arith.constant 0 : i32
        %dma_start3A_163 = arith.constant 0 : i32
        %dma_start3A_164 = tpu.memref_slice %arg7[%run_scoped3A, %dma_start3A_162, %dma_start3A_163] : memref<3x80x128xf32, #tpu.memory_space<vmem>> -> memref<1x80x128xf32, #tpu.memory_space<vmem>>
        %dma_start3A_165 = tpu.memref_squeeze %dma_start3A_164 : memref<1x80x128xf32, #tpu.memory_space<vmem>> -> memref<80x128xf32, #tpu.memory_space<vmem>>
        %dma_start3A_166 = arith.constant 0 : i32
        %dma_start3A_167 = tpu.memref_slice %arg8[%mul3A_160, %dma_start3A_166] : memref<10000x128xf32, #tpu.memory_space<vmem_shared>> -> memref<80x128xf32, #tpu.memory_space<vmem_shared>>
        %dma_start3A_168 = arith.constant 0 : i32
        %dma_start3A_169 = tpu.memref_slice %arg8[%mul3A_160, %dma_start3A_168] : memref<10000x128xf32, #tpu.memory_space<vmem_shared>> -> memref<80x128xf32, #tpu.memory_space<vmem_shared>>
        %dma_start3A_170 = arith.constant 0 : i32
        %dma_start3A_171 = arith.constant 0 : i32
        %dma_start3A_172 = tpu.memref_slice %arg7[%run_scoped3A, %dma_start3A_170, %dma_start3A_171] : memref<3x80x128xf32, #tpu.memory_space<vmem>> -> memref<1x80x128xf32, #tpu.memory_space<vmem>>
        %dma_start3A_173 = tpu.memref_squeeze %dma_start3A_172 : memref<1x80x128xf32, #tpu.memory_space<vmem>> -> memref<80x128xf32, #tpu.memory_space<vmem>>
        tpu.enqueue_dma source(%dma_start3A_173 : memref<80x128xf32, #tpu.memory_space<vmem>>) target(%dma_start3A_169 : memref<80x128xf32, #tpu.memory_space<vmem_shared>>) target_semaphore(%run_scoped3A_161 : memref<!tpu.dma_semaphore, #tpu.memory_space<semaphore_mem>>)
        %dma_wait3A = arith.constant 0 : i32
        %dma_wait3A_174 = arith.constant 0 : i32
        %dma_wait3A_175 = tpu.memref_slice %arg7[%run_scoped3A, %dma_wait3A, %dma_wait3A_174] : memref<3x80x128xf32, #tpu.memory_space<vmem>> -> memref<1x80x128xf32, #tpu.memory_space<vmem>>
        %dma_wait3A_176 = tpu.memref_squeeze %dma_wait3A_175 : memref<1x80x128xf32, #tpu.memory_space<vmem>> -> memref<80x128xf32, #tpu.memory_space<vmem>>
        %dma_wait3A_177 = arith.constant 0 : i32
        %dma_wait3A_178 = tpu.memref_slice %arg8[%mul3A_160, %dma_wait3A_177] : memref<10000x128xf32, #tpu.memory_space<vmem_shared>> -> memref<80x128xf32, #tpu.memory_space<vmem_shared>>
        %dma_wait3A_179 = arith.constant 0 : i32
        %dma_wait3A_180 = tpu.memref_slice %arg8[%mul3A_160, %dma_wait3A_179] : memref<10000x128xf32, #tpu.memory_space<vmem_shared>> -> memref<80x128xf32, #tpu.memory_space<vmem_shared>>
        %dma_wait3A_181 = arith.constant 0 : i32
        %dma_wait3A_182 = arith.constant 0 : i32
        %dma_wait3A_183 = tpu.memref_slice %arg7[%run_scoped3A, %dma_wait3A_181, %dma_wait3A_182] : memref<3x80x128xf32, #tpu.memory_space<vmem>> -> memref<1x80x128xf32, #tpu.memory_space<vmem>>
        %dma_wait3A_184 = tpu.memref_squeeze %dma_wait3A_183 : memref<1x80x128xf32, #tpu.memory_space<vmem>> -> memref<80x128xf32, #tpu.memory_space<vmem>>
        tpu.wait_dma2 semaphore(%run_scoped3A_161 : memref<!tpu.dma_semaphore, #tpu.memory_space<semaphore_mem>>) src(%dma_wait3A_184 : memref<80x128xf32, #tpu.memory_space<vmem>>) dst(%dma_wait3A_180 : memref<80x128xf32, #tpu.memory_space<vmem_shared>>)
        tpu.yield
      }) : () -> ()
    } else {
    }
    %add3A_52 = arith.constant 112 : i32
    %add3A_53 = arith.addi %arg1, %add3A_52 : i32
    %lt3A_54 = arith.constant 125 : i32
    %lt3A_55 = arith.cmpi slt, %add3A_53, %lt3A_54 : i32
    %convert_element_type3A_56 = arith.extui %lt3A_55 : i1 to i32
    %cond3A_57 = arith.constant 0 : i32
    %cond3A_58 = arith.cmpi ne, %convert_element_type3A_56, %cond3A_57 : i32
    scf.if %cond3A_58 {
      %mul3A_159 = arith.constant 80 : i32
      %mul3A_160 = arith.muli %add3A_53, %mul3A_159 : i32
      %run_scoped3A = arith.constant 0 : i32
      "tpu.region"() ({
        %run_scoped3A_161 = tpu.sem_alloc : memref<!tpu.dma_semaphore, #tpu.memory_space<semaphore_mem>>
        %dma_start3A_162 = arith.constant 0 : i32
        %dma_start3A_163 = arith.constant 0 : i32
        %dma_start3A_164 = tpu.memref_slice %arg7[%run_scoped3A, %dma_start3A_162, %dma_start3A_163] : memref<3x80x128xf32, #tpu.memory_space<vmem>> -> memref<1x80x128xf32, #tpu.memory_space<vmem>>
        %dma_start3A_165 = tpu.memref_squeeze %dma_start3A_164 : memref<1x80x128xf32, #tpu.memory_space<vmem>> -> memref<80x128xf32, #tpu.memory_space<vmem>>
        %dma_start3A_166 = arith.constant 0 : i32
        %dma_start3A_167 = tpu.memref_slice %arg8[%mul3A_160, %dma_start3A_166] : memref<10000x128xf32, #tpu.memory_space<vmem_shared>> -> memref<80x128xf32, #tpu.memory_space<vmem_shared>>
        %dma_start3A_168 = arith.constant 0 : i32
        %dma_start3A_169 = tpu.memref_slice %arg8[%mul3A_160, %dma_start3A_168] : memref<10000x128xf32, #tpu.memory_space<vmem_shared>> -> memref<80x128xf32, #tpu.memory_space<vmem_shared>>
        %dma_start3A_170 = arith.constant 0 : i32
        %dma_start3A_171 = arith.constant 0 : i32
        %dma_start3A_172 = tpu.memref_slice %arg7[%run_scoped3A, %dma_start3A_170, %dma_start3A_171] : memref<3x80x128xf32, #tpu.memory_space<vmem>> -> memref<1x80x128xf32, #tpu.memory_space<vmem>>
        %dma_start3A_173 = tpu.memref_squeeze %dma_start3A_172 : memref<1x80x128xf32, #tpu.memory_space<vmem>> -> memref<80x128xf32, #tpu.memory_space<vmem>>
        tpu.enqueue_dma source(%dma_start3A_173 : memref<80x128xf32, #tpu.memory_space<vmem>>) target(%dma_start3A_169 : memref<80x128xf32, #tpu.memory_space<vmem_shared>>) target_semaphore(%run_scoped3A_161 : memref<!tpu.dma_semaphore, #tpu.memory_space<semaphore_mem>>)
        %dma_wait3A = arith.constant 0 : i32
        %dma_wait3A_174 = arith.constant 0 : i32
        %dma_wait3A_175 = tpu.memref_slice %arg7[%run_scoped3A, %dma_wait3A, %dma_wait3A_174] : memref<3x80x128xf32, #tpu.memory_space<vmem>> -> memref<1x80x128xf32, #tpu.memory_space<vmem>>
        %dma_wait3A_176 = tpu.memref_squeeze %dma_wait3A_175 : memref<1x80x128xf32, #tpu.memory_space<vmem>> -> memref<80x128xf32, #tpu.memory_space<vmem>>
        %dma_wait3A_177 = arith.constant 0 : i32
        %dma_wait3A_178 = tpu.memref_slice %arg8[%mul3A_160, %dma_wait3A_177] : memref<10000x128xf32, #tpu.memory_space<vmem_shared>> -> memref<80x128xf32, #tpu.memory_space<vmem_shared>>
        %dma_wait3A_179 = arith.constant 0 : i32
        %dma_wait3A_180 = tpu.memref_slice %arg8[%mul3A_160, %dma_wait3A_179] : memref<10000x128xf32, #tpu.memory_space<vmem_shared>> -> memref<80x128xf32, #tpu.memory_space<vmem_shared>>
        %dma_wait3A_181 = arith.constant 0 : i32
        %dma_wait3A_182 = arith.constant 0 : i32
        %dma_wait3A_183 = tpu.memref_slice %arg7[%run_scoped3A, %dma_wait3A_181, %dma_wait3A_182] : memref<3x80x128xf32, #tpu.memory_space<vmem>> -> memref<1x80x128xf32, #tpu.memory_space<vmem>>
        %dma_wait3A_184 = tpu.memref_squeeze %dma_wait3A_183 : memref<1x80x128xf32, #tpu.memory_space<vmem>> -> memref<80x128xf32, #tpu.memory_space<vmem>>
        tpu.wait_dma2 semaphore(%run_scoped3A_161 : memref<!tpu.dma_semaphore, #tpu.memory_space<semaphore_mem>>) src(%dma_wait3A_184 : memref<80x128xf32, #tpu.memory_space<vmem>>) dst(%dma_wait3A_180 : memref<80x128xf32, #tpu.memory_space<vmem_shared>>)
        tpu.yield
      }) : () -> ()
    } else {
    }
    %barrier3A = arith.constant 0 : index
    tpu.barrier barrier_id(%barrier3A)
    %dma_start3A = arith.constant 0 : i32
    %dma_start3A_59 = arith.constant 0 : i32
    %dma_start3A_60 = arith.constant 0 : i32
    %dma_start3A_61 = arith.constant 0 : i32
    %dma_start3A_62 = arith.constant 0 : i32
    %dma_start3A_63 = tpu.memref_slice %arg5[%dma_start3A_60, %dma_start3A_61, %dma_start3A_62] : memref<2x25x80xi32, #tpu.memory_space<vmem>> -> memref<1x25x80xi32, #tpu.memory_space<vmem>>
    %dma_start3A_64 = tpu.memref_squeeze %dma_start3A_63 : memref<1x25x80xi32, #tpu.memory_space<vmem>> -> memref<25x80xi32, #tpu.memory_space<vmem>>
    %dma_start3A_65 = arith.constant 0 : i32
    %dma_start3A_66 = arith.constant 0 : i32
    %dma_start3A_67 = tpu.memref_slice %arg3[%dma_start3A, %add3A, %dma_start3A_59, %dma_start3A_65, %dma_start3A_66] : memref<2x32x5x25x80xi32, #tpu.memory_space<hbm>> -> memref<1x1x1x25x80xi32, #tpu.memory_space<hbm>>
    %dma_start3A_68 = tpu.memref_squeeze %dma_start3A_67 : memref<1x1x1x25x80xi32, #tpu.memory_space<hbm>> -> memref<25x80xi32, #tpu.memory_space<hbm>>
    %dma_start3A_69 = arith.constant 0 : i32
    %dma_start3A_70 = arith.constant 0 : i32
    %dma_start3A_71 = tpu.memref_slice %arg5[%dma_start3A_60, %dma_start3A_69, %dma_start3A_70] : memref<2x25x80xi32, #tpu.memory_space<vmem>> -> memref<1x25x80xi32, #tpu.memory_space<vmem>>
    %dma_start3A_72 = tpu.memref_squeeze %dma_start3A_71 : memref<1x25x80xi32, #tpu.memory_space<vmem>> -> memref<25x80xi32, #tpu.memory_space<vmem>>
    %dma_start3A_73 = arith.constant 0 : i32
    %dma_start3A_74 = arith.constant 0 : i32
    %dma_start3A_75 = tpu.memref_slice %arg3[%dma_start3A, %add3A, %dma_start3A_59, %dma_start3A_73, %dma_start3A_74] : memref<2x32x5x25x80xi32, #tpu.memory_space<hbm>> -> memref<1x1x1x25x80xi32, #tpu.memory_space<hbm>>
    %dma_start3A_76 = tpu.memref_squeeze %dma_start3A_75 : memref<1x1x1x25x80xi32, #tpu.memory_space<hbm>> -> memref<25x80xi32, #tpu.memory_space<hbm>>
    tpu.enqueue_dma source(%dma_start3A_76 : memref<25x80xi32, #tpu.memory_space<hbm>>) target(%dma_start3A_72 : memref<25x80xi32, #tpu.memory_space<vmem>>) target_semaphore(%arg11 : memref<!tpu.dma_semaphore, #tpu.memory_space<semaphore_mem>>)
    %dma_start3A_77 = arith.constant 1 : i32
    %dma_start3A_78 = arith.constant 0 : i32
    %dma_start3A_79 = arith.constant 0 : i32
    %dma_start3A_80 = arith.constant 0 : i32
    %dma_start3A_81 = arith.constant 0 : i32
    %dma_start3A_82 = tpu.memref_slice %arg6[%dma_start3A_79, %dma_start3A_80, %dma_start3A_81] : memref<2x25x80xi32, #tpu.memory_space<vmem>> -> memref<1x25x80xi32, #tpu.memory_space<vmem>>
    %dma_start3A_83 = tpu.memref_squeeze %dma_start3A_82 : memref<1x25x80xi32, #tpu.memory_space<vmem>> -> memref<25x80xi32, #tpu.memory_space<vmem>>
    %dma_start3A_84 = arith.constant 0 : i32
    %dma_start3A_85 = arith.constant 0 : i32
    %dma_start3A_86 = tpu.memref_slice %arg3[%dma_start3A_77, %add3A, %dma_start3A_78, %dma_start3A_84, %dma_start3A_85] : memref<2x32x5x25x80xi32, #tpu.memory_space<hbm>> -> memref<1x1x1x25x80xi32, #tpu.memory_space<hbm>>
    %dma_start3A_87 = tpu.memref_squeeze %dma_start3A_86 : memref<1x1x1x25x80xi32, #tpu.memory_space<hbm>> -> memref<25x80xi32, #tpu.memory_space<hbm>>
    %dma_start3A_88 = arith.constant 0 : i32
    %dma_start3A_89 = arith.constant 0 : i32
    %dma_start3A_90 = tpu.memref_slice %arg6[%dma_start3A_79, %dma_start3A_88, %dma_start3A_89] : memref<2x25x80xi32, #tpu.memory_space<vmem>> -> memref<1x25x80xi32, #tpu.memory_space<vmem>>
    %dma_start3A_91 = tpu.memref_squeeze %dma_start3A_90 : memref<1x25x80xi32, #tpu.memory_space<vmem>> -> memref<25x80xi32, #tpu.memory_space<vmem>>
    %dma_start3A_92 = arith.constant 0 : i32
    %dma_start3A_93 = arith.constant 0 : i32
    %dma_start3A_94 = tpu.memref_slice %arg3[%dma_start3A_77, %add3A, %dma_start3A_78, %dma_start3A_92, %dma_start3A_93] : memref<2x32x5x25x80xi32, #tpu.memory_space<hbm>> -> memref<1x1x1x25x80xi32, #tpu.memory_space<hbm>>
    %dma_start3A_95 = tpu.memref_squeeze %dma_start3A_94 : memref<1x1x1x25x80xi32, #tpu.memory_space<hbm>> -> memref<25x80xi32, #tpu.memory_space<hbm>>
    tpu.enqueue_dma source(%dma_start3A_95 : memref<25x80xi32, #tpu.memory_space<hbm>>) target(%dma_start3A_91 : memref<25x80xi32, #tpu.memory_space<vmem>>) target_semaphore(%arg11 : memref<!tpu.dma_semaphore, #tpu.memory_space<semaphore_mem>>)
    %scan3A_96 = arith.constant 0 : i32
    %scan3A_97 = arith.constant 0 : i32
    %scan3A_98 = arith.constant 5 : i32
    %scan3A_99 = arith.addi %scan3A_97, %scan3A_98 : i32
    %scan3A_100 = arith.constant 1 : i32
    scf.for %scan3A_159 = %scan3A_97 to %scan3A_99 step %scan3A_100  : i32 {
      %rem3A = arith.constant 2 : i32
      %rem3A_160 = arith.remsi %scan3A_159, %rem3A : i32
      %dma_wait3A = arith.constant 0 : i32
      %dma_wait3A_161 = arith.constant 0 : i32
      %dma_wait3A_162 = arith.constant 0 : i32
      %dma_wait3A_163 = tpu.memref_slice %arg5[%rem3A_160, %dma_wait3A_161, %dma_wait3A_162] : memref<2x25x80xi32, #tpu.memory_space<vmem>> -> memref<1x25x80xi32, #tpu.memory_space<vmem>>
      %dma_wait3A_164 = tpu.memref_squeeze %dma_wait3A_163 : memref<1x25x80xi32, #tpu.memory_space<vmem>> -> memref<25x80xi32, #tpu.memory_space<vmem>>
      %dma_wait3A_165 = arith.constant 0 : i32
      %dma_wait3A_166 = arith.constant 0 : i32
      %dma_wait3A_167 = tpu.memref_slice %arg3[%dma_wait3A, %add3A, %scan3A_159, %dma_wait3A_165, %dma_wait3A_166] : memref<2x32x5x25x80xi32, #tpu.memory_space<hbm>> -> memref<1x1x1x25x80xi32, #tpu.memory_space<hbm>>
      %dma_wait3A_168 = tpu.memref_squeeze %dma_wait3A_167 : memref<1x1x1x25x80xi32, #tpu.memory_space<hbm>> -> memref<25x80xi32, #tpu.memory_space<hbm>>
      %dma_wait3A_169 = arith.constant 0 : i32
      %dma_wait3A_170 = arith.constant 0 : i32
      %dma_wait3A_171 = tpu.memref_slice %arg5[%rem3A_160, %dma_wait3A_169, %dma_wait3A_170] : memref<2x25x80xi32, #tpu.memory_space<vmem>> -> memref<1x25x80xi32, #tpu.memory_space<vmem>>
      %dma_wait3A_172 = tpu.memref_squeeze %dma_wait3A_171 : memref<1x25x80xi32, #tpu.memory_space<vmem>> -> memref<25x80xi32, #tpu.memory_space<vmem>>
      %dma_wait3A_173 = arith.constant 0 : i32
      %dma_wait3A_174 = arith.constant 0 : i32
      %dma_wait3A_175 = tpu.memref_slice %arg3[%dma_wait3A, %add3A, %scan3A_159, %dma_wait3A_173, %dma_wait3A_174] : memref<2x32x5x25x80xi32, #tpu.memory_space<hbm>> -> memref<1x1x1x25x80xi32, #tpu.memory_space<hbm>>
      %dma_wait3A_176 = tpu.memref_squeeze %dma_wait3A_175 : memref<1x1x1x25x80xi32, #tpu.memory_space<hbm>> -> memref<25x80xi32, #tpu.memory_space<hbm>>
      tpu.wait_dma2 semaphore(%arg11 : memref<!tpu.dma_semaphore, #tpu.memory_space<semaphore_mem>>) src(%dma_wait3A_176 : memref<25x80xi32, #tpu.memory_space<hbm>>) dst(%dma_wait3A_172 : memref<25x80xi32, #tpu.memory_space<vmem>>)
      %dma_wait3A_177 = arith.constant 1 : i32
      %dma_wait3A_178 = arith.constant 0 : i32
      %dma_wait3A_179 = arith.constant 0 : i32
      %dma_wait3A_180 = tpu.memref_slice %arg6[%rem3A_160, %dma_wait3A_178, %dma_wait3A_179] : memref<2x25x80xi32, #tpu.memory_space<vmem>> -> memref<1x25x80xi32, #tpu.memory_space<vmem>>
      %dma_wait3A_181 = tpu.memref_squeeze %dma_wait3A_180 : memref<1x25x80xi32, #tpu.memory_space<vmem>> -> memref<25x80xi32, #tpu.memory_space<vmem>>
      %dma_wait3A_182 = arith.constant 0 : i32
      %dma_wait3A_183 = arith.constant 0 : i32
      %dma_wait3A_184 = tpu.memref_slice %arg3[%dma_wait3A_177, %add3A, %scan3A_159, %dma_wait3A_182, %dma_wait3A_183] : memref<2x32x5x25x80xi32, #tpu.memory_space<hbm>> -> memref<1x1x1x25x80xi32, #tpu.memory_space<hbm>>
      %dma_wait3A_185 = tpu.memref_squeeze %dma_wait3A_184 : memref<1x1x1x25x80xi32, #tpu.memory_space<hbm>> -> memref<25x80xi32, #tpu.memory_space<hbm>>
      %dma_wait3A_186 = arith.constant 0 : i32
      %dma_wait3A_187 = arith.constant 0 : i32
      %dma_wait3A_188 = tpu.memref_slice %arg6[%rem3A_160, %dma_wait3A_186, %dma_wait3A_187] : memref<2x25x80xi32, #tpu.memory_space<vmem>> -> memref<1x25x80xi32, #tpu.memory_space<vmem>>
      %dma_wait3A_189 = tpu.memref_squeeze %dma_wait3A_188 : memref<1x25x80xi32, #tpu.memory_space<vmem>> -> memref<25x80xi32, #tpu.memory_space<vmem>>
      %dma_wait3A_190 = arith.constant 0 : i32
      %dma_wait3A_191 = arith.constant 0 : i32
      %dma_wait3A_192 = tpu.memref_slice %arg3[%dma_wait3A_177, %add3A, %scan3A_159, %dma_wait3A_190, %dma_wait3A_191] : memref<2x32x5x25x80xi32, #tpu.memory_space<hbm>> -> memref<1x1x1x25x80xi32, #tpu.memory_space<hbm>>
      %dma_wait3A_193 = tpu.memref_squeeze %dma_wait3A_192 : memref<1x1x1x25x80xi32, #tpu.memory_space<hbm>> -> memref<25x80xi32, #tpu.memory_space<hbm>>
      tpu.wait_dma2 semaphore(%arg11 : memref<!tpu.dma_semaphore, #tpu.memory_space<semaphore_mem>>) src(%dma_wait3A_193 : memref<25x80xi32, #tpu.memory_space<hbm>>) dst(%dma_wait3A_189 : memref<25x80xi32, #tpu.memory_space<vmem>>)
      %dma_start3A_194 = arith.constant 0 : i32
      %dma_start3A_195 = arith.constant 0 : i32
      %dma_start3A_196 = arith.constant 0 : i32
      %dma_start3A_197 = arith.constant 0 : i32
      %dma_start3A_198 = tpu.memref_slice %arg7[%dma_start3A_195, %dma_start3A_196, %dma_start3A_197] : memref<3x80x128xf32, #tpu.memory_space<vmem>> -> memref<1x80x128xf32, #tpu.memory_space<vmem>>
      %dma_start3A_199 = tpu.memref_squeeze %dma_start3A_198 : memref<1x80x128xf32, #tpu.memory_space<vmem>> -> memref<80x128xf32, #tpu.memory_space<vmem>>
      %dma_start3A_200 = arith.constant 0 : i32
      %dma_start3A_201 = tpu.memref_slice %arg5[%rem3A_160, %dma_start3A_194, %dma_start3A_200] : memref<2x25x80xi32, #tpu.memory_space<vmem>> -> memref<1x1x80xi32, #tpu.memory_space<vmem>>
      %dma_start3A_202 = tpu.memref_squeeze %dma_start3A_201 : memref<1x1x80xi32, #tpu.memory_space<vmem>> -> memref<80xi32, #tpu.memory_space<vmem>>
      %dma_start3A_203 = arith.constant 0 : i32
      %dma_start3A_204 = arith.constant 0 : i32
      %dma_start3A_205 = tpu.memref_slice %arg2[%dma_start3A_203, %dma_start3A_204] : memref<10000x128xf32, #tpu.memory_space<hbm>> -> memref<10000x128xf32, #tpu.memory_space<hbm>>
      tpu.enqueue_indirect_dma source(%dma_start3A_205 : memref<10000x128xf32, #tpu.memory_space<hbm>>) target(%dma_start3A_199 : memref<80x128xf32, #tpu.memory_space<vmem>>) offsets(%dma_start3A_202 : memref<80xi32, #tpu.memory_space<vmem>>) semaphore(%arg9 : memref<!tpu.dma_semaphore, #tpu.memory_space<semaphore_mem>>)
      %add3A_206 = arith.constant 1 : i32
      %add3A_207 = arith.addi %scan3A_159, %add3A_206 : i32
      %lt3A_208 = arith.constant 5 : i32
      %lt3A_209 = arith.cmpi slt, %add3A_207, %lt3A_208 : i32
      %convert_element_type3A_210 = arith.extui %lt3A_209 : i1 to i32
      %cond3A_211 = arith.constant 0 : i32
      %cond3A_212 = arith.cmpi ne, %convert_element_type3A_210, %cond3A_211 : i32
      scf.if %cond3A_212 {
        %add3A_245 = arith.constant 1 : i32
        %add3A_246 = arith.addi %scan3A_159, %add3A_245 : i32
        %rem3A_247 = arith.constant 2 : i32
        %rem3A_248 = arith.remsi %add3A_246, %rem3A_247 : i32
        %add3A_249 = arith.constant 1 : i32
        %add3A_250 = arith.addi %scan3A_159, %add3A_249 : i32
        %dma_start3A_251 = arith.constant 0 : i32
        %dma_start3A_252 = arith.constant 0 : i32
        %dma_start3A_253 = arith.constant 0 : i32
        %dma_start3A_254 = tpu.memref_slice %arg5[%rem3A_248, %dma_start3A_252, %dma_start3A_253] : memref<2x25x80xi32, #tpu.memory_space<vmem>> -> memref<1x25x80xi32, #tpu.memory_space<vmem>>
        %dma_start3A_255 = tpu.memref_squeeze %dma_start3A_254 : memref<1x25x80xi32, #tpu.memory_space<vmem>> -> memref<25x80xi32, #tpu.memory_space<vmem>>
        %dma_start3A_256 = arith.constant 0 : i32
        %dma_start3A_257 = arith.constant 0 : i32
        %dma_start3A_258 = tpu.memref_slice %arg3[%dma_start3A_251, %add3A, %add3A_250, %dma_start3A_256, %dma_start3A_257] : memref<2x32x5x25x80xi32, #tpu.memory_space<hbm>> -> memref<1x1x1x25x80xi32, #tpu.memory_space<hbm>>
        %dma_start3A_259 = tpu.memref_squeeze %dma_start3A_258 : memref<1x1x1x25x80xi32, #tpu.memory_space<hbm>> -> memref<25x80xi32, #tpu.memory_space<hbm>>
        %dma_start3A_260 = arith.constant 0 : i32
        %dma_start3A_261 = arith.constant 0 : i32
        %dma_start3A_262 = tpu.memref_slice %arg5[%rem3A_248, %dma_start3A_260, %dma_start3A_261] : memref<2x25x80xi32, #tpu.memory_space<vmem>> -> memref<1x25x80xi32, #tpu.memory_space<vmem>>
        %dma_start3A_263 = tpu.memref_squeeze %dma_start3A_262 : memref<1x25x80xi32, #tpu.memory_space<vmem>> -> memref<25x80xi32, #tpu.memory_space<vmem>>
        %dma_start3A_264 = arith.constant 0 : i32
        %dma_start3A_265 = arith.constant 0 : i32
        %dma_start3A_266 = tpu.memref_slice %arg3[%dma_start3A_251, %add3A, %add3A_250, %dma_start3A_264, %dma_start3A_265] : memref<2x32x5x25x80xi32, #tpu.memory_space<hbm>> -> memref<1x1x1x25x80xi32, #tpu.memory_space<hbm>>
        %dma_start3A_267 = tpu.memref_squeeze %dma_start3A_266 : memref<1x1x1x25x80xi32, #tpu.memory_space<hbm>> -> memref<25x80xi32, #tpu.memory_space<hbm>>
        tpu.enqueue_dma source(%dma_start3A_267 : memref<25x80xi32, #tpu.memory_space<hbm>>) target(%dma_start3A_263 : memref<25x80xi32, #tpu.memory_space<vmem>>) target_semaphore(%arg11 : memref<!tpu.dma_semaphore, #tpu.memory_space<semaphore_mem>>)
        %add3A_268 = arith.constant 1 : i32
        %add3A_269 = arith.addi %scan3A_159, %add3A_268 : i32
        %dma_start3A_270 = arith.constant 1 : i32
        %dma_start3A_271 = arith.constant 0 : i32
        %dma_start3A_272 = arith.constant 0 : i32
        %dma_start3A_273 = tpu.memref_slice %arg6[%rem3A_248, %dma_start3A_271, %dma_start3A_272] : memref<2x25x80xi32, #tpu.memory_space<vmem>> -> memref<1x25x80xi32, #tpu.memory_space<vmem>>
        %dma_start3A_274 = tpu.memref_squeeze %dma_start3A_273 : memref<1x25x80xi32, #tpu.memory_space<vmem>> -> memref<25x80xi32, #tpu.memory_space<vmem>>
        %dma_start3A_275 = arith.constant 0 : i32
        %dma_start3A_276 = arith.constant 0 : i32
        %dma_start3A_277 = tpu.memref_slice %arg3[%dma_start3A_270, %add3A, %add3A_269, %dma_start3A_275, %dma_start3A_276] : memref<2x32x5x25x80xi32, #tpu.memory_space<hbm>> -> memref<1x1x1x25x80xi32, #tpu.memory_space<hbm>>
        %dma_start3A_278 = tpu.memref_squeeze %dma_start3A_277 : memref<1x1x1x25x80xi32, #tpu.memory_space<hbm>> -> memref<25x80xi32, #tpu.memory_space<hbm>>
        %dma_start3A_279 = arith.constant 0 : i32
        %dma_start3A_280 = arith.constant 0 : i32
        %dma_start3A_281 = tpu.memref_slice %arg6[%rem3A_248, %dma_start3A_279, %dma_start3A_280] : memref<2x25x80xi32, #tpu.memory_space<vmem>> -> memref<1x25x80xi32, #tpu.memory_space<vmem>>
        %dma_start3A_282 = tpu.memref_squeeze %dma_start3A_281 : memref<1x25x80xi32, #tpu.memory_space<vmem>> -> memref<25x80xi32, #tpu.memory_space<vmem>>
        %dma_start3A_283 = arith.constant 0 : i32
        %dma_start3A_284 = arith.constant 0 : i32
        %dma_start3A_285 = tpu.memref_slice %arg3[%dma_start3A_270, %add3A, %add3A_269, %dma_start3A_283, %dma_start3A_284] : memref<2x32x5x25x80xi32, #tpu.memory_space<hbm>> -> memref<1x1x1x25x80xi32, #tpu.memory_space<hbm>>
        %dma_start3A_286 = tpu.memref_squeeze %dma_start3A_285 : memref<1x1x1x25x80xi32, #tpu.memory_space<hbm>> -> memref<25x80xi32, #tpu.memory_space<hbm>>
        tpu.enqueue_dma source(%dma_start3A_286 : memref<25x80xi32, #tpu.memory_space<hbm>>) target(%dma_start3A_282 : memref<25x80xi32, #tpu.memory_space<vmem>>) target_semaphore(%arg11 : memref<!tpu.dma_semaphore, #tpu.memory_space<semaphore_mem>>)
      } else {
      }
      %scan3A_213 = arith.constant 0 : i32
      %scan3A_214 = arith.constant 0 : i32
      %scan3A_215 = arith.constant 25 : i32
      %scan3A_216 = arith.addi %scan3A_214, %scan3A_215 : i32
      %scan3A_217 = arith.constant 1 : i32
      scf.for %scan3A_245 = %scan3A_214 to %scan3A_216 step %scan3A_217  : i32 {
        %ge3A = arith.constant 2 : i32
        %ge3A_246 = arith.cmpi sge, %scan3A_245, %ge3A : i32
        %convert_element_type3A_247 = arith.extui %ge3A_246 : i1 to i32
        %cond3A_248 = arith.constant 0 : i32
        %cond3A_249 = arith.cmpi ne, %convert_element_type3A_247, %cond3A_248 : i32
        scf.if %cond3A_249 {
          %dma_wait3A_281 = arith.constant 0 : i32
          %dma_wait3A_282 = arith.constant 0 : i32
          %dma_wait3A_283 = arith.constant 0 : i32
          %dma_wait3A_284 = arith.constant 0 : i32
          %dma_wait3A_285 = arith.constant 0 : i32
          %dma_wait3A_286 = tpu.memref_slice %arg7[%dma_wait3A_281, %dma_wait3A_284, %dma_wait3A_285] : memref<3x80x128xf32, #tpu.memory_space<vmem>> -> memref<1x80x128xf32, #tpu.memory_space<vmem>>
          %dma_wait3A_287 = tpu.memref_squeeze %dma_wait3A_286 : memref<1x80x128xf32, #tpu.memory_space<vmem>> -> memref<80x128xf32, #tpu.memory_space<vmem>>
          %dma_wait3A_288 = arith.constant 0 : i32
          %dma_wait3A_289 = tpu.memref_slice %arg6[%dma_wait3A_282, %dma_wait3A_283, %dma_wait3A_288] : memref<2x25x80xi32, #tpu.memory_space<vmem>> -> memref<1x1x80xi32, #tpu.memory_space<vmem>>
          %dma_wait3A_290 = tpu.memref_squeeze %dma_wait3A_289 : memref<1x1x80xi32, #tpu.memory_space<vmem>> -> memref<80xi32, #tpu.memory_space<vmem>>
          %dma_wait3A_291 = arith.constant 0 : i32
          %dma_wait3A_292 = arith.constant 0 : i32
          %dma_wait3A_293 = tpu.memref_slice %arg8[%dma_wait3A_291, %dma_wait3A_292] : memref<10000x128xf32, #tpu.memory_space<vmem_shared>> -> memref<10000x128xf32, #tpu.memory_space<vmem_shared>>
          tpu.wait_indirect_dma semaphore(%arg10 : memref<!tpu.dma_semaphore, #tpu.memory_space<semaphore_mem>>) src(%dma_wait3A_287 : memref<80x128xf32, #tpu.memory_space<vmem>>) dst(%dma_wait3A_293 : memref<10000x128xf32, #tpu.memory_space<vmem_shared>>)
        } else {
        }
        %add3A_250 = arith.constant 1 : i32
        %add3A_251 = arith.addi %scan3A_245, %add3A_250 : i32
        %lt3A_252 = arith.constant 25 : i32
        %lt3A_253 = arith.cmpi slt, %add3A_251, %lt3A_252 : i32
        %convert_element_type3A_254 = arith.extui %lt3A_253 : i1 to i32
        %cond3A_255 = arith.constant 0 : i32
        %cond3A_256 = arith.cmpi ne, %convert_element_type3A_254, %cond3A_255 : i32
        scf.if %cond3A_256 {
          %add3A_281 = arith.constant 1 : i32
          %add3A_282 = arith.addi %scan3A_245, %add3A_281 : i32
          %add3A_283 = arith.constant 1 : i32
          %add3A_284 = arith.addi %scan3A_245, %add3A_283 : i32
          %rem3A_285 = arith.constant 3 : i32
          %rem3A_286 = arith.remsi %add3A_284, %rem3A_285 : i32
          %dma_start3A_287 = arith.constant 0 : i32
          %dma_start3A_288 = arith.constant 0 : i32
          %dma_start3A_289 = tpu.memref_slice %arg7[%rem3A_286, %dma_start3A_287, %dma_start3A_288] : memref<3x80x128xf32, #tpu.memory_space<vmem>> -> memref<1x80x128xf32, #tpu.memory_space<vmem>>
          %dma_start3A_290 = tpu.memref_squeeze %dma_start3A_289 : memref<1x80x128xf32, #tpu.memory_space<vmem>> -> memref<80x128xf32, #tpu.memory_space<vmem>>
          %dma_start3A_291 = arith.constant 0 : i32
          %dma_start3A_292 = tpu.memref_slice %arg5[%rem3A_160, %add3A_282, %dma_start3A_291] : memref<2x25x80xi32, #tpu.memory_space<vmem>> -> memref<1x1x80xi32, #tpu.memory_space<vmem>>
          %dma_start3A_293 = tpu.memref_squeeze %dma_start3A_292 : memref<1x1x80xi32, #tpu.memory_space<vmem>> -> memref<80xi32, #tpu.memory_space<vmem>>
          %dma_start3A_294 = arith.constant 0 : i32
          %dma_start3A_295 = arith.constant 0 : i32
          %dma_start3A_296 = tpu.memref_slice %arg2[%dma_start3A_294, %dma_start3A_295] : memref<10000x128xf32, #tpu.memory_space<hbm>> -> memref<10000x128xf32, #tpu.memory_space<hbm>>
          tpu.enqueue_indirect_dma source(%dma_start3A_296 : memref<10000x128xf32, #tpu.memory_space<hbm>>) target(%dma_start3A_290 : memref<80x128xf32, #tpu.memory_space<vmem>>) offsets(%dma_start3A_293 : memref<80xi32, #tpu.memory_space<vmem>>) semaphore(%arg9 : memref<!tpu.dma_semaphore, #tpu.memory_space<semaphore_mem>>)
        } else {
        }
        %rem3A_257 = arith.constant 3 : i32
        %rem3A_258 = arith.remsi %scan3A_245, %rem3A_257 : i32
        %dma_wait3A_259 = arith.constant 0 : i32
        %dma_wait3A_260 = arith.constant 0 : i32
        %dma_wait3A_261 = tpu.memref_slice %arg7[%rem3A_258, %dma_wait3A_259, %dma_wait3A_260] : memref<3x80x128xf32, #tpu.memory_space<vmem>> -> memref<1x80x128xf32, #tpu.memory_space<vmem>>
        %dma_wait3A_262 = tpu.memref_squeeze %dma_wait3A_261 : memref<1x80x128xf32, #tpu.memory_space<vmem>> -> memref<80x128xf32, #tpu.memory_space<vmem>>
        %dma_wait3A_263 = arith.constant 0 : i32
        %dma_wait3A_264 = tpu.memref_slice %arg5[%rem3A_160, %scan3A_245, %dma_wait3A_263] : memref<2x25x80xi32, #tpu.memory_space<vmem>> -> memref<1x1x80xi32, #tpu.memory_space<vmem>>
        %dma_wait3A_265 = tpu.memref_squeeze %dma_wait3A_264 : memref<1x1x80xi32, #tpu.memory_space<vmem>> -> memref<80xi32, #tpu.memory_space<vmem>>
        %dma_wait3A_266 = arith.constant 0 : i32
        %dma_wait3A_267 = arith.constant 0 : i32
        %dma_wait3A_268 = tpu.memref_slice %arg2[%dma_wait3A_266, %dma_wait3A_267] : memref<10000x128xf32, #tpu.memory_space<hbm>> -> memref<10000x128xf32, #tpu.memory_space<hbm>>
        tpu.wait_indirect_dma semaphore(%arg9 : memref<!tpu.dma_semaphore, #tpu.memory_space<semaphore_mem>>) src(%dma_wait3A_268 : memref<10000x128xf32, #tpu.memory_space<hbm>>) dst(%dma_wait3A_262 : memref<80x128xf32, #tpu.memory_space<vmem>>)
        %rem3A_269 = arith.constant 3 : i32
        %rem3A_270 = arith.remsi %scan3A_245, %rem3A_269 : i32
        %dma_start3A_271 = arith.constant 0 : i32
        %dma_start3A_272 = arith.constant 0 : i32
        %dma_start3A_273 = tpu.memref_slice %arg7[%rem3A_270, %dma_start3A_271, %dma_start3A_272] : memref<3x80x128xf32, #tpu.memory_space<vmem>> -> memref<1x80x128xf32, #tpu.memory_space<vmem>>
        %dma_start3A_274 = tpu.memref_squeeze %dma_start3A_273 : memref<1x80x128xf32, #tpu.memory_space<vmem>> -> memref<80x128xf32, #tpu.memory_space<vmem>>
        %dma_start3A_275 = arith.constant 0 : i32
        %dma_start3A_276 = tpu.memref_slice %arg6[%rem3A_160, %scan3A_245, %dma_start3A_275] : memref<2x25x80xi32, #tpu.memory_space<vmem>> -> memref<1x1x80xi32, #tpu.memory_space<vmem>>
        %dma_start3A_277 = tpu.memref_squeeze %dma_start3A_276 : memref<1x1x80xi32, #tpu.memory_space<vmem>> -> memref<80xi32, #tpu.memory_space<vmem>>
        %dma_start3A_278 = arith.constant 0 : i32
        %dma_start3A_279 = arith.constant 0 : i32
        %dma_start3A_280 = tpu.memref_slice %arg8[%dma_start3A_278, %dma_start3A_279] : memref<10000x128xf32, #tpu.memory_space<vmem_shared>> -> memref<10000x128xf32, #tpu.memory_space<vmem_shared>>
        tpu.enqueue_indirect_dma source(%dma_start3A_274 : memref<80x128xf32, #tpu.memory_space<vmem>>) target(%dma_start3A_280 : memref<10000x128xf32, #tpu.memory_space<vmem_shared>>) offsets(%dma_start3A_277 : memref<80xi32, #tpu.memory_space<vmem>>) semaphore(%arg10 : memref<!tpu.dma_semaphore, #tpu.memory_space<semaphore_mem>>) {add = true}
      }
      %scan3A_218 = arith.constant 25 : i32
      %dma_wait3A_219 = arith.constant 0 : i32
      %dma_wait3A_220 = arith.constant 0 : i32
      %dma_wait3A_221 = arith.constant 0 : i32
      %dma_wait3A_222 = arith.constant 0 : i32
      %dma_wait3A_223 = arith.constant 0 : i32
      %dma_wait3A_224 = tpu.memref_slice %arg7[%dma_wait3A_219, %dma_wait3A_222, %dma_wait3A_223] : memref<3x80x128xf32, #tpu.memory_space<vmem>> -> memref<1x80x128xf32, #tpu.memory_space<vmem>>
      %dma_wait3A_225 = tpu.memref_squeeze %dma_wait3A_224 : memref<1x80x128xf32, #tpu.memory_space<vmem>> -> memref<80x128xf32, #tpu.memory_space<vmem>>
      %dma_wait3A_226 = arith.constant 0 : i32
      %dma_wait3A_227 = tpu.memref_slice %arg6[%dma_wait3A_220, %dma_wait3A_221, %dma_wait3A_226] : memref<2x25x80xi32, #tpu.memory_space<vmem>> -> memref<1x1x80xi32, #tpu.memory_space<vmem>>
      %dma_wait3A_228 = tpu.memref_squeeze %dma_wait3A_227 : memref<1x1x80xi32, #tpu.memory_space<vmem>> -> memref<80xi32, #tpu.memory_space<vmem>>
      %dma_wait3A_229 = arith.constant 0 : i32
      %dma_wait3A_230 = arith.constant 0 : i32
      %dma_wait3A_231 = tpu.memref_slice %arg8[%dma_wait3A_229, %dma_wait3A_230] : memref<10000x128xf32, #tpu.memory_space<vmem_shared>> -> memref<10000x128xf32, #tpu.memory_space<vmem_shared>>
      tpu.wait_indirect_dma semaphore(%arg10 : memref<!tpu.dma_semaphore, #tpu.memory_space<semaphore_mem>>) src(%dma_wait3A_225 : memref<80x128xf32, #tpu.memory_space<vmem>>) dst(%dma_wait3A_231 : memref<10000x128xf32, #tpu.memory_space<vmem_shared>>)
      %dma_wait3A_232 = arith.constant 0 : i32
      %dma_wait3A_233 = arith.constant 0 : i32
      %dma_wait3A_234 = arith.constant 0 : i32
      %dma_wait3A_235 = arith.constant 0 : i32
      %dma_wait3A_236 = arith.constant 0 : i32
      %dma_wait3A_237 = tpu.memref_slice %arg7[%dma_wait3A_232, %dma_wait3A_235, %dma_wait3A_236] : memref<3x80x128xf32, #tpu.memory_space<vmem>> -> memref<1x80x128xf32, #tpu.memory_space<vmem>>
      %dma_wait3A_238 = tpu.memref_squeeze %dma_wait3A_237 : memref<1x80x128xf32, #tpu.memory_space<vmem>> -> memref<80x128xf32, #tpu.memory_space<vmem>>
      %dma_wait3A_239 = arith.constant 0 : i32
      %dma_wait3A_240 = tpu.memref_slice %arg6[%dma_wait3A_233, %dma_wait3A_234, %dma_wait3A_239] : memref<2x25x80xi32, #tpu.memory_space<vmem>> -> memref<1x1x80xi32, #tpu.memory_space<vmem>>
      %dma_wait3A_241 = tpu.memref_squeeze %dma_wait3A_240 : memref<1x1x80xi32, #tpu.memory_space<vmem>> -> memref<80xi32, #tpu.memory_space<vmem>>
      %dma_wait3A_242 = arith.constant 0 : i32
      %dma_wait3A_243 = arith.constant 0 : i32
      %dma_wait3A_244 = tpu.memref_slice %arg8[%dma_wait3A_242, %dma_wait3A_243] : memref<10000x128xf32, #tpu.memory_space<vmem_shared>> -> memref<10000x128xf32, #tpu.memory_space<vmem_shared>>
      tpu.wait_indirect_dma semaphore(%arg10 : memref<!tpu.dma_semaphore, #tpu.memory_space<semaphore_mem>>) src(%dma_wait3A_238 : memref<80x128xf32, #tpu.memory_space<vmem>>) dst(%dma_wait3A_244 : memref<10000x128xf32, #tpu.memory_space<vmem_shared>>)
    }
    %scan3A_101 = arith.constant 5 : i32
    %barrier3A_102 = arith.constant 0 : index
    tpu.barrier barrier_id(%barrier3A_102)
    %add3A_103 = arith.constant 0 : i32
    %add3A_104 = arith.addi %arg1, %add3A_103 : i32
    %lt3A_105 = arith.constant 125 : i32
    %lt3A_106 = arith.cmpi slt, %add3A_104, %lt3A_105 : i32
    %convert_element_type3A_107 = arith.extui %lt3A_106 : i1 to i32
    %cond3A_108 = arith.constant 0 : i32
    %cond3A_109 = arith.cmpi ne, %convert_element_type3A_107, %cond3A_108 : i32
    scf.if %cond3A_109 {
      %mul3A_159 = arith.constant 80 : i32
      %mul3A_160 = arith.muli %add3A_104, %mul3A_159 : i32
      %mul3A_161 = arith.constant 80 : i32
      %mul3A_162 = arith.muli %add3A_104, %mul3A_161 : i32
      "tpu.region"() ({
        %run_scoped3A = tpu.sem_alloc : memref<!tpu.dma_semaphore, #tpu.memory_space<semaphore_mem>>
        %dma_start3A_163 = arith.constant 0 : i32
        %dma_start3A_164 = tpu.memref_slice %arg4[%arg0, %mul3A_162, %dma_start3A_163] : memref<2x10000x128xf32, #tpu.memory_space<hbm>> -> memref<1x80x128xf32, #tpu.memory_space<hbm>>
        %dma_start3A_165 = tpu.memref_squeeze %dma_start3A_164 : memref<1x80x128xf32, #tpu.memory_space<hbm>> -> memref<80x128xf32, #tpu.memory_space<hbm>>
        %dma_start3A_166 = arith.constant 0 : i32
        %dma_start3A_167 = tpu.memref_slice %arg8[%mul3A_160, %dma_start3A_166] : memref<10000x128xf32, #tpu.memory_space<vmem_shared>> -> memref<80x128xf32, #tpu.memory_space<vmem_shared>>
        tpu.enqueue_dma source(%dma_start3A_167 : memref<80x128xf32, #tpu.memory_space<vmem_shared>>) target(%dma_start3A_165 : memref<80x128xf32, #tpu.memory_space<hbm>>) target_semaphore(%run_scoped3A : memref<!tpu.dma_semaphore, #tpu.memory_space<semaphore_mem>>)
        %dma_wait3A = arith.constant 0 : i32
        %dma_wait3A_168 = tpu.memref_slice %arg4[%arg0, %mul3A_162, %dma_wait3A] : memref<2x10000x128xf32, #tpu.memory_space<hbm>> -> memref<1x80x128xf32, #tpu.memory_space<hbm>>
        %dma_wait3A_169 = tpu.memref_squeeze %dma_wait3A_168 : memref<1x80x128xf32, #tpu.memory_space<hbm>> -> memref<80x128xf32, #tpu.memory_space<hbm>>
        %dma_wait3A_170 = arith.constant 0 : i32
        %dma_wait3A_171 = tpu.memref_slice %arg8[%mul3A_160, %dma_wait3A_170] : memref<10000x128xf32, #tpu.memory_space<vmem_shared>> -> memref<80x128xf32, #tpu.memory_space<vmem_shared>>
        tpu.wait_dma2 semaphore(%run_scoped3A : memref<!tpu.dma_semaphore, #tpu.memory_space<semaphore_mem>>) src(%dma_wait3A_171 : memref<80x128xf32, #tpu.memory_space<vmem_shared>>) dst(%dma_wait3A_169 : memref<80x128xf32, #tpu.memory_space<hbm>>)
        tpu.yield
      }) : () -> ()
    } else {
    }
    %add3A_110 = arith.constant 16 : i32
    %add3A_111 = arith.addi %arg1, %add3A_110 : i32
    %lt3A_112 = arith.constant 125 : i32
    %lt3A_113 = arith.cmpi slt, %add3A_111, %lt3A_112 : i32
    %convert_element_type3A_114 = arith.extui %lt3A_113 : i1 to i32
    %cond3A_115 = arith.constant 0 : i32
    %cond3A_116 = arith.cmpi ne, %convert_element_type3A_114, %cond3A_115 : i32
    scf.if %cond3A_116 {
      %mul3A_159 = arith.constant 80 : i32
      %mul3A_160 = arith.muli %add3A_111, %mul3A_159 : i32
      %mul3A_161 = arith.constant 80 : i32
      %mul3A_162 = arith.muli %add3A_111, %mul3A_161 : i32
      "tpu.region"() ({
        %run_scoped3A = tpu.sem_alloc : memref<!tpu.dma_semaphore, #tpu.memory_space<semaphore_mem>>
        %dma_start3A_163 = arith.constant 0 : i32
        %dma_start3A_164 = tpu.memref_slice %arg4[%arg0, %mul3A_162, %dma_start3A_163] : memref<2x10000x128xf32, #tpu.memory_space<hbm>> -> memref<1x80x128xf32, #tpu.memory_space<hbm>>
        %dma_start3A_165 = tpu.memref_squeeze %dma_start3A_164 : memref<1x80x128xf32, #tpu.memory_space<hbm>> -> memref<80x128xf32, #tpu.memory_space<hbm>>
        %dma_start3A_166 = arith.constant 0 : i32
        %dma_start3A_167 = tpu.memref_slice %arg8[%mul3A_160, %dma_start3A_166] : memref<10000x128xf32, #tpu.memory_space<vmem_shared>> -> memref<80x128xf32, #tpu.memory_space<vmem_shared>>
        tpu.enqueue_dma source(%dma_start3A_167 : memref<80x128xf32, #tpu.memory_space<vmem_shared>>) target(%dma_start3A_165 : memref<80x128xf32, #tpu.memory_space<hbm>>) target_semaphore(%run_scoped3A : memref<!tpu.dma_semaphore, #tpu.memory_space<semaphore_mem>>)
        %dma_wait3A = arith.constant 0 : i32
        %dma_wait3A_168 = tpu.memref_slice %arg4[%arg0, %mul3A_162, %dma_wait3A] : memref<2x10000x128xf32, #tpu.memory_space<hbm>> -> memref<1x80x128xf32, #tpu.memory_space<hbm>>
        %dma_wait3A_169 = tpu.memref_squeeze %dma_wait3A_168 : memref<1x80x128xf32, #tpu.memory_space<hbm>> -> memref<80x128xf32, #tpu.memory_space<hbm>>
        %dma_wait3A_170 = arith.constant 0 : i32
        %dma_wait3A_171 = tpu.memref_slice %arg8[%mul3A_160, %dma_wait3A_170] : memref<10000x128xf32, #tpu.memory_space<vmem_shared>> -> memref<80x128xf32, #tpu.memory_space<vmem_shared>>
        tpu.wait_dma2 semaphore(%run_scoped3A : memref<!tpu.dma_semaphore, #tpu.memory_space<semaphore_mem>>) src(%dma_wait3A_171 : memref<80x128xf32, #tpu.memory_space<vmem_shared>>) dst(%dma_wait3A_169 : memref<80x128xf32, #tpu.memory_space<hbm>>)
        tpu.yield
      }) : () -> ()
    } else {
    }
    %add3A_117 = arith.constant 32 : i32
    %add3A_118 = arith.addi %arg1, %add3A_117 : i32
    %lt3A_119 = arith.constant 125 : i32
    %lt3A_120 = arith.cmpi slt, %add3A_118, %lt3A_119 : i32
    %convert_element_type3A_121 = arith.extui %lt3A_120 : i1 to i32
    %cond3A_122 = arith.constant 0 : i32
    %cond3A_123 = arith.cmpi ne, %convert_element_type3A_121, %cond3A_122 : i32
    scf.if %cond3A_123 {
      %mul3A_159 = arith.constant 80 : i32
      %mul3A_160 = arith.muli %add3A_118, %mul3A_159 : i32
      %mul3A_161 = arith.constant 80 : i32
      %mul3A_162 = arith.muli %add3A_118, %mul3A_161 : i32
      "tpu.region"() ({
        %run_scoped3A = tpu.sem_alloc : memref<!tpu.dma_semaphore, #tpu.memory_space<semaphore_mem>>
        %dma_start3A_163 = arith.constant 0 : i32
        %dma_start3A_164 = tpu.memref_slice %arg4[%arg0, %mul3A_162, %dma_start3A_163] : memref<2x10000x128xf32, #tpu.memory_space<hbm>> -> memref<1x80x128xf32, #tpu.memory_space<hbm>>
        %dma_start3A_165 = tpu.memref_squeeze %dma_start3A_164 : memref<1x80x128xf32, #tpu.memory_space<hbm>> -> memref<80x128xf32, #tpu.memory_space<hbm>>
        %dma_start3A_166 = arith.constant 0 : i32
        %dma_start3A_167 = tpu.memref_slice %arg8[%mul3A_160, %dma_start3A_166] : memref<10000x128xf32, #tpu.memory_space<vmem_shared>> -> memref<80x128xf32, #tpu.memory_space<vmem_shared>>
        tpu.enqueue_dma source(%dma_start3A_167 : memref<80x128xf32, #tpu.memory_space<vmem_shared>>) target(%dma_start3A_165 : memref<80x128xf32, #tpu.memory_space<hbm>>) target_semaphore(%run_scoped3A : memref<!tpu.dma_semaphore, #tpu.memory_space<semaphore_mem>>)
        %dma_wait3A = arith.constant 0 : i32
        %dma_wait3A_168 = tpu.memref_slice %arg4[%arg0, %mul3A_162, %dma_wait3A] : memref<2x10000x128xf32, #tpu.memory_space<hbm>> -> memref<1x80x128xf32, #tpu.memory_space<hbm>>
        %dma_wait3A_169 = tpu.memref_squeeze %dma_wait3A_168 : memref<1x80x128xf32, #tpu.memory_space<hbm>> -> memref<80x128xf32, #tpu.memory_space<hbm>>
        %dma_wait3A_170 = arith.constant 0 : i32
        %dma_wait3A_171 = tpu.memref_slice %arg8[%mul3A_160, %dma_wait3A_170] : memref<10000x128xf32, #tpu.memory_space<vmem_shared>> -> memref<80x128xf32, #tpu.memory_space<vmem_shared>>
        tpu.wait_dma2 semaphore(%run_scoped3A : memref<!tpu.dma_semaphore, #tpu.memory_space<semaphore_mem>>) src(%dma_wait3A_171 : memref<80x128xf32, #tpu.memory_space<vmem_shared>>) dst(%dma_wait3A_169 : memref<80x128xf32, #tpu.memory_space<hbm>>)
        tpu.yield
      }) : () -> ()
    } else {
    }
    %add3A_124 = arith.constant 48 : i32
    %add3A_125 = arith.addi %arg1, %add3A_124 : i32
    %lt3A_126 = arith.constant 125 : i32
    %lt3A_127 = arith.cmpi slt, %add3A_125, %lt3A_126 : i32
    %convert_element_type3A_128 = arith.extui %lt3A_127 : i1 to i32
    %cond3A_129 = arith.constant 0 : i32
    %cond3A_130 = arith.cmpi ne, %convert_element_type3A_128, %cond3A_129 : i32
    scf.if %cond3A_130 {
      %mul3A_159 = arith.constant 80 : i32
      %mul3A_160 = arith.muli %add3A_125, %mul3A_159 : i32
      %mul3A_161 = arith.constant 80 : i32
      %mul3A_162 = arith.muli %add3A_125, %mul3A_161 : i32
      "tpu.region"() ({
        %run_scoped3A = tpu.sem_alloc : memref<!tpu.dma_semaphore, #tpu.memory_space<semaphore_mem>>
        %dma_start3A_163 = arith.constant 0 : i32
        %dma_start3A_164 = tpu.memref_slice %arg4[%arg0, %mul3A_162, %dma_start3A_163] : memref<2x10000x128xf32, #tpu.memory_space<hbm>> -> memref<1x80x128xf32, #tpu.memory_space<hbm>>
        %dma_start3A_165 = tpu.memref_squeeze %dma_start3A_164 : memref<1x80x128xf32, #tpu.memory_space<hbm>> -> memref<80x128xf32, #tpu.memory_space<hbm>>
        %dma_start3A_166 = arith.constant 0 : i32
        %dma_start3A_167 = tpu.memref_slice %arg8[%mul3A_160, %dma_start3A_166] : memref<10000x128xf32, #tpu.memory_space<vmem_shared>> -> memref<80x128xf32, #tpu.memory_space<vmem_shared>>
        tpu.enqueue_dma source(%dma_start3A_167 : memref<80x128xf32, #tpu.memory_space<vmem_shared>>) target(%dma_start3A_165 : memref<80x128xf32, #tpu.memory_space<hbm>>) target_semaphore(%run_scoped3A : memref<!tpu.dma_semaphore, #tpu.memory_space<semaphore_mem>>)
        %dma_wait3A = arith.constant 0 : i32
        %dma_wait3A_168 = tpu.memref_slice %arg4[%arg0, %mul3A_162, %dma_wait3A] : memref<2x10000x128xf32, #tpu.memory_space<hbm>> -> memref<1x80x128xf32, #tpu.memory_space<hbm>>
        %dma_wait3A_169 = tpu.memref_squeeze %dma_wait3A_168 : memref<1x80x128xf32, #tpu.memory_space<hbm>> -> memref<80x128xf32, #tpu.memory_space<hbm>>
        %dma_wait3A_170 = arith.constant 0 : i32
        %dma_wait3A_171 = tpu.memref_slice %arg8[%mul3A_160, %dma_wait3A_170] : memref<10000x128xf32, #tpu.memory_space<vmem_shared>> -> memref<80x128xf32, #tpu.memory_space<vmem_shared>>
        tpu.wait_dma2 semaphore(%run_scoped3A : memref<!tpu.dma_semaphore, #tpu.memory_space<semaphore_mem>>) src(%dma_wait3A_171 : memref<80x128xf32, #tpu.memory_space<vmem_shared>>) dst(%dma_wait3A_169 : memref<80x128xf32, #tpu.memory_space<hbm>>)
        tpu.yield
      }) : () -> ()
    } else {
    }
    %add3A_131 = arith.constant 64 : i32
    %add3A_132 = arith.addi %arg1, %add3A_131 : i32
    %lt3A_133 = arith.constant 125 : i32
    %lt3A_134 = arith.cmpi slt, %add3A_132, %lt3A_133 : i32
    %convert_element_type3A_135 = arith.extui %lt3A_134 : i1 to i32
    %cond3A_136 = arith.constant 0 : i32
    %cond3A_137 = arith.cmpi ne, %convert_element_type3A_135, %cond3A_136 : i32
    scf.if %cond3A_137 {
      %mul3A_159 = arith.constant 80 : i32
      %mul3A_160 = arith.muli %add3A_132, %mul3A_159 : i32
      %mul3A_161 = arith.constant 80 : i32
      %mul3A_162 = arith.muli %add3A_132, %mul3A_161 : i32
      "tpu.region"() ({
        %run_scoped3A = tpu.sem_alloc : memref<!tpu.dma_semaphore, #tpu.memory_space<semaphore_mem>>
        %dma_start3A_163 = arith.constant 0 : i32
        %dma_start3A_164 = tpu.memref_slice %arg4[%arg0, %mul3A_162, %dma_start3A_163] : memref<2x10000x128xf32, #tpu.memory_space<hbm>> -> memref<1x80x128xf32, #tpu.memory_space<hbm>>
        %dma_start3A_165 = tpu.memref_squeeze %dma_start3A_164 : memref<1x80x128xf32, #tpu.memory_space<hbm>> -> memref<80x128xf32, #tpu.memory_space<hbm>>
        %dma_start3A_166 = arith.constant 0 : i32
        %dma_start3A_167 = tpu.memref_slice %arg8[%mul3A_160, %dma_start3A_166] : memref<10000x128xf32, #tpu.memory_space<vmem_shared>> -> memref<80x128xf32, #tpu.memory_space<vmem_shared>>
        tpu.enqueue_dma source(%dma_start3A_167 : memref<80x128xf32, #tpu.memory_space<vmem_shared>>) target(%dma_start3A_165 : memref<80x128xf32, #tpu.memory_space<hbm>>) target_semaphore(%run_scoped3A : memref<!tpu.dma_semaphore, #tpu.memory_space<semaphore_mem>>)
        %dma_wait3A = arith.constant 0 : i32
        %dma_wait3A_168 = tpu.memref_slice %arg4[%arg0, %mul3A_162, %dma_wait3A] : memref<2x10000x128xf32, #tpu.memory_space<hbm>> -> memref<1x80x128xf32, #tpu.memory_space<hbm>>
        %dma_wait3A_169 = tpu.memref_squeeze %dma_wait3A_168 : memref<1x80x128xf32, #tpu.memory_space<hbm>> -> memref<80x128xf32, #tpu.memory_space<hbm>>
        %dma_wait3A_170 = arith.constant 0 : i32
        %dma_wait3A_171 = tpu.memref_slice %arg8[%mul3A_160, %dma_wait3A_170] : memref<10000x128xf32, #tpu.memory_space<vmem_shared>> -> memref<80x128xf32, #tpu.memory_space<vmem_shared>>
        tpu.wait_dma2 semaphore(%run_scoped3A : memref<!tpu.dma_semaphore, #tpu.memory_space<semaphore_mem>>) src(%dma_wait3A_171 : memref<80x128xf32, #tpu.memory_space<vmem_shared>>) dst(%dma_wait3A_169 : memref<80x128xf32, #tpu.memory_space<hbm>>)
        tpu.yield
      }) : () -> ()
    } else {
    }
    %add3A_138 = arith.constant 80 : i32
    %add3A_139 = arith.addi %arg1, %add3A_138 : i32
    %lt3A_140 = arith.constant 125 : i32
    %lt3A_141 = arith.cmpi slt, %add3A_139, %lt3A_140 : i32
    %convert_element_type3A_142 = arith.extui %lt3A_141 : i1 to i32
    %cond3A_143 = arith.constant 0 : i32
    %cond3A_144 = arith.cmpi ne, %convert_element_type3A_142, %cond3A_143 : i32
    scf.if %cond3A_144 {
      %mul3A_159 = arith.constant 80 : i32
      %mul3A_160 = arith.muli %add3A_139, %mul3A_159 : i32
      %mul3A_161 = arith.constant 80 : i32
      %mul3A_162 = arith.muli %add3A_139, %mul3A_161 : i32
      "tpu.region"() ({
        %run_scoped3A = tpu.sem_alloc : memref<!tpu.dma_semaphore, #tpu.memory_space<semaphore_mem>>
        %dma_start3A_163 = arith.constant 0 : i32
        %dma_start3A_164 = tpu.memref_slice %arg4[%arg0, %mul3A_162, %dma_start3A_163] : memref<2x10000x128xf32, #tpu.memory_space<hbm>> -> memref<1x80x128xf32, #tpu.memory_space<hbm>>
        %dma_start3A_165 = tpu.memref_squeeze %dma_start3A_164 : memref<1x80x128xf32, #tpu.memory_space<hbm>> -> memref<80x128xf32, #tpu.memory_space<hbm>>
        %dma_start3A_166 = arith.constant 0 : i32
        %dma_start3A_167 = tpu.memref_slice %arg8[%mul3A_160, %dma_start3A_166] : memref<10000x128xf32, #tpu.memory_space<vmem_shared>> -> memref<80x128xf32, #tpu.memory_space<vmem_shared>>
        tpu.enqueue_dma source(%dma_start3A_167 : memref<80x128xf32, #tpu.memory_space<vmem_shared>>) target(%dma_start3A_165 : memref<80x128xf32, #tpu.memory_space<hbm>>) target_semaphore(%run_scoped3A : memref<!tpu.dma_semaphore, #tpu.memory_space<semaphore_mem>>)
        %dma_wait3A = arith.constant 0 : i32
        %dma_wait3A_168 = tpu.memref_slice %arg4[%arg0, %mul3A_162, %dma_wait3A] : memref<2x10000x128xf32, #tpu.memory_space<hbm>> -> memref<1x80x128xf32, #tpu.memory_space<hbm>>
        %dma_wait3A_169 = tpu.memref_squeeze %dma_wait3A_168 : memref<1x80x128xf32, #tpu.memory_space<hbm>> -> memref<80x128xf32, #tpu.memory_space<hbm>>
        %dma_wait3A_170 = arith.constant 0 : i32
        %dma_wait3A_171 = tpu.memref_slice %arg8[%mul3A_160, %dma_wait3A_170] : memref<10000x128xf32, #tpu.memory_space<vmem_shared>> -> memref<80x128xf32, #tpu.memory_space<vmem_shared>>
        tpu.wait_dma2 semaphore(%run_scoped3A : memref<!tpu.dma_semaphore, #tpu.memory_space<semaphore_mem>>) src(%dma_wait3A_171 : memref<80x128xf32, #tpu.memory_space<vmem_shared>>) dst(%dma_wait3A_169 : memref<80x128xf32, #tpu.memory_space<hbm>>)
        tpu.yield
      }) : () -> ()
    } else {
    }
    %add3A_145 = arith.constant 96 : i32
    %add3A_146 = arith.addi %arg1, %add3A_145 : i32
    %lt3A_147 = arith.constant 125 : i32
    %lt3A_148 = arith.cmpi slt, %add3A_146, %lt3A_147 : i32
    %convert_element_type3A_149 = arith.extui %lt3A_148 : i1 to i32
    %cond3A_150 = arith.constant 0 : i32
    %cond3A_151 = arith.cmpi ne, %convert_element_type3A_149, %cond3A_150 : i32
    scf.if %cond3A_151 {
      %mul3A_159 = arith.constant 80 : i32
      %mul3A_160 = arith.muli %add3A_146, %mul3A_159 : i32
      %mul3A_161 = arith.constant 80 : i32
      %mul3A_162 = arith.muli %add3A_146, %mul3A_161 : i32
      "tpu.region"() ({
        %run_scoped3A = tpu.sem_alloc : memref<!tpu.dma_semaphore, #tpu.memory_space<semaphore_mem>>
        %dma_start3A_163 = arith.constant 0 : i32
        %dma_start3A_164 = tpu.memref_slice %arg4[%arg0, %mul3A_162, %dma_start3A_163] : memref<2x10000x128xf32, #tpu.memory_space<hbm>> -> memref<1x80x128xf32, #tpu.memory_space<hbm>>
        %dma_start3A_165 = tpu.memref_squeeze %dma_start3A_164 : memref<1x80x128xf32, #tpu.memory_space<hbm>> -> memref<80x128xf32, #tpu.memory_space<hbm>>
        %dma_start3A_166 = arith.constant 0 : i32
        %dma_start3A_167 = tpu.memref_slice %arg8[%mul3A_160, %dma_start3A_166] : memref<10000x128xf32, #tpu.memory_space<vmem_shared>> -> memref<80x128xf32, #tpu.memory_space<vmem_shared>>
        tpu.enqueue_dma source(%dma_start3A_167 : memref<80x128xf32, #tpu.memory_space<vmem_shared>>) target(%dma_start3A_165 : memref<80x128xf32, #tpu.memory_space<hbm>>) target_semaphore(%run_scoped3A : memref<!tpu.dma_semaphore, #tpu.memory_space<semaphore_mem>>)
        %dma_wait3A = arith.constant 0 : i32
        %dma_wait3A_168 = tpu.memref_slice %arg4[%arg0, %mul3A_162, %dma_wait3A] : memref<2x10000x128xf32, #tpu.memory_space<hbm>> -> memref<1x80x128xf32, #tpu.memory_space<hbm>>
        %dma_wait3A_169 = tpu.memref_squeeze %dma_wait3A_168 : memref<1x80x128xf32, #tpu.memory_space<hbm>> -> memref<80x128xf32, #tpu.memory_space<hbm>>
        %dma_wait3A_170 = arith.constant 0 : i32
        %dma_wait3A_171 = tpu.memref_slice %arg8[%mul3A_160, %dma_wait3A_170] : memref<10000x128xf32, #tpu.memory_space<vmem_shared>> -> memref<80x128xf32, #tpu.memory_space<vmem_shared>>
        tpu.wait_dma2 semaphore(%run_scoped3A : memref<!tpu.dma_semaphore, #tpu.memory_space<semaphore_mem>>) src(%dma_wait3A_171 : memref<80x128xf32, #tpu.memory_space<vmem_shared>>) dst(%dma_wait3A_169 : memref<80x128xf32, #tpu.memory_space<hbm>>)
        tpu.yield
      }) : () -> ()
    } else {
    }
    %add3A_152 = arith.constant 112 : i32
    %add3A_153 = arith.addi %arg1, %add3A_152 : i32
    %lt3A_154 = arith.constant 125 : i32
    %lt3A_155 = arith.cmpi slt, %add3A_153, %lt3A_154 : i32
    %convert_element_type3A_156 = arith.extui %lt3A_155 : i1 to i32
    %cond3A_157 = arith.constant 0 : i32
    %cond3A_158 = arith.cmpi ne, %convert_element_type3A_156, %cond3A_157 : i32
    scf.if %cond3A_158 {
      %mul3A_159 = arith.constant 80 : i32
      %mul3A_160 = arith.muli %add3A_153, %mul3A_159 : i32
      %mul3A_161 = arith.constant 80 : i32
      %mul3A_162 = arith.muli %add3A_153, %mul3A_161 : i32
      "tpu.region"() ({
        %run_scoped3A = tpu.sem_alloc : memref<!tpu.dma_semaphore, #tpu.memory_space<semaphore_mem>>
        %dma_start3A_163 = arith.constant 0 : i32
        %dma_start3A_164 = tpu.memref_slice %arg4[%arg0, %mul3A_162, %dma_start3A_163] : memref<2x10000x128xf32, #tpu.memory_space<hbm>> -> memref<1x80x128xf32, #tpu.memory_space<hbm>>
        %dma_start3A_165 = tpu.memref_squeeze %dma_start3A_164 : memref<1x80x128xf32, #tpu.memory_space<hbm>> -> memref<80x128xf32, #tpu.memory_space<hbm>>
        %dma_start3A_166 = arith.constant 0 : i32
        %dma_start3A_167 = tpu.memref_slice %arg8[%mul3A_160, %dma_start3A_166] : memref<10000x128xf32, #tpu.memory_space<vmem_shared>> -> memref<80x128xf32, #tpu.memory_space<vmem_shared>>
        tpu.enqueue_dma source(%dma_start3A_167 : memref<80x128xf32, #tpu.memory_space<vmem_shared>>) target(%dma_start3A_165 : memref<80x128xf32, #tpu.memory_space<hbm>>) target_semaphore(%run_scoped3A : memref<!tpu.dma_semaphore, #tpu.memory_space<semaphore_mem>>)
        %dma_wait3A = arith.constant 0 : i32
        %dma_wait3A_168 = tpu.memref_slice %arg4[%arg0, %mul3A_162, %dma_wait3A] : memref<2x10000x128xf32, #tpu.memory_space<hbm>> -> memref<1x80x128xf32, #tpu.memory_space<hbm>>
        %dma_wait3A_169 = tpu.memref_squeeze %dma_wait3A_168 : memref<1x80x128xf32, #tpu.memory_space<hbm>> -> memref<80x128xf32, #tpu.memory_space<hbm>>
        %dma_wait3A_170 = arith.constant 0 : i32
        %dma_wait3A_171 = tpu.memref_slice %arg8[%mul3A_160, %dma_wait3A_170] : memref<10000x128xf32, #tpu.memory_space<vmem_shared>> -> memref<80x128xf32, #tpu.memory_space<vmem_shared>>
        tpu.wait_dma2 semaphore(%run_scoped3A : memref<!tpu.dma_semaphore, #tpu.memory_space<semaphore_mem>>) src(%dma_wait3A_171 : memref<80x128xf32, #tpu.memory_space<vmem_shared>>) dst(%dma_wait3A_169 : memref<80x128xf32, #tpu.memory_space<hbm>>)
        tpu.yield
      }) : () -> ()
    } else {
    }
    return
  }
}

#map = affine_map<(d0, d1) -> (0, 0, 0, 0, 0)>
#map1 = affine_map<(d0, d1) -> (0, 0)>
module attributes {stable_mosaic.version = 14 : i64} {
  func.func @_deg_kernel(%arg0: i32, %arg1: i32, %arg2: memref<2x32x5x25x80xi32, #tpu.memory_space<hbm>>, %arg3: memref<2x10240xf32, #tpu.memory_space<hbm>>, %arg4: memref<125x80xi32, #tpu.memory_space<vmem>>, %arg5: memref<80xf32, #tpu.memory_space<vmem>>, %arg6: memref<640xf32, #tpu.memory_space<vmem>>, %arg7: memref<10240xf32, #tpu.memory_space<vmem_shared>>, %arg8: memref<!tpu.dma_semaphore, #tpu.memory_space<semaphore_mem>>) attributes {dimension_semantics = [#tpu.dimension_semantics<core_parallel>, #tpu.dimension_semantics<subcore_parallel>], iteration_bounds = array<i64: 2, 16>, scalar_prefetch = 0 : i64, scratch_operands = 5 : i64, tpu.core_type = #tpu.core_type<sc_vector_subcore>, window_params = [{transform_indices = #map}, {transform_indices = #map1}]} {
    %mul3A = arith.constant 2 : i32
    %mul3A_0 = arith.muli %arg1, %mul3A : i32
    %add3A = arith.addi %mul3A_0, %arg0 : i32
    %dma_start3A = arith.constant 1 : i32
    %dma_start3A_1 = arith.constant 0 : i32
    %dma_start3A_2 = arith.constant 0 : i32
    %dma_start3A_3 = arith.constant 0 : i32
    %dma_start3A_4 = tpu.memref_slice %arg4[%dma_start3A_2, %dma_start3A_3] : memref<125x80xi32, #tpu.memory_space<vmem>> -> memref<25x80xi32, #tpu.memory_space<vmem>>
    %dma_start3A_5 = arith.constant 0 : i32
    %dma_start3A_6 = arith.constant 0 : i32
    %dma_start3A_7 = tpu.memref_slice %arg2[%dma_start3A, %add3A, %dma_start3A_1, %dma_start3A_5, %dma_start3A_6] : memref<2x32x5x25x80xi32, #tpu.memory_space<hbm>> -> memref<1x1x1x25x80xi32, #tpu.memory_space<hbm>>
    %dma_start3A_8 = tpu.memref_squeeze %dma_start3A_7 : memref<1x1x1x25x80xi32, #tpu.memory_space<hbm>> -> memref<25x80xi32, #tpu.memory_space<hbm>>
    %dma_start3A_9 = arith.constant 0 : i32
    %dma_start3A_10 = arith.constant 0 : i32
    %dma_start3A_11 = tpu.memref_slice %arg4[%dma_start3A_9, %dma_start3A_10] : memref<125x80xi32, #tpu.memory_space<vmem>> -> memref<25x80xi32, #tpu.memory_space<vmem>>
    %dma_start3A_12 = arith.constant 0 : i32
    %dma_start3A_13 = arith.constant 0 : i32
    %dma_start3A_14 = tpu.memref_slice %arg2[%dma_start3A, %add3A, %dma_start3A_1, %dma_start3A_12, %dma_start3A_13] : memref<2x32x5x25x80xi32, #tpu.memory_space<hbm>> -> memref<1x1x1x25x80xi32, #tpu.memory_space<hbm>>
    %dma_start3A_15 = tpu.memref_squeeze %dma_start3A_14 : memref<1x1x1x25x80xi32, #tpu.memory_space<hbm>> -> memref<25x80xi32, #tpu.memory_space<hbm>>
    tpu.enqueue_dma source(%dma_start3A_15 : memref<25x80xi32, #tpu.memory_space<hbm>>) target(%dma_start3A_11 : memref<25x80xi32, #tpu.memory_space<vmem>>) target_semaphore(%arg8 : memref<!tpu.dma_semaphore, #tpu.memory_space<semaphore_mem>>)
    %dma_start3A_16 = arith.constant 1 : i32
    %dma_start3A_17 = arith.constant 1 : i32
    %dma_start3A_18 = arith.constant 25 : i32
    %dma_start3A_19 = arith.constant 0 : i32
    %dma_start3A_20 = tpu.memref_slice %arg4[%dma_start3A_18, %dma_start3A_19] : memref<125x80xi32, #tpu.memory_space<vmem>> -> memref<25x80xi32, #tpu.memory_space<vmem>>
    %dma_start3A_21 = arith.constant 0 : i32
    %dma_start3A_22 = arith.constant 0 : i32
    %dma_start3A_23 = tpu.memref_slice %arg2[%dma_start3A_16, %add3A, %dma_start3A_17, %dma_start3A_21, %dma_start3A_22] : memref<2x32x5x25x80xi32, #tpu.memory_space<hbm>> -> memref<1x1x1x25x80xi32, #tpu.memory_space<hbm>>
    %dma_start3A_24 = tpu.memref_squeeze %dma_start3A_23 : memref<1x1x1x25x80xi32, #tpu.memory_space<hbm>> -> memref<25x80xi32, #tpu.memory_space<hbm>>
    %dma_start3A_25 = arith.constant 25 : i32
    %dma_start3A_26 = arith.constant 0 : i32
    %dma_start3A_27 = tpu.memref_slice %arg4[%dma_start3A_25, %dma_start3A_26] : memref<125x80xi32, #tpu.memory_space<vmem>> -> memref<25x80xi32, #tpu.memory_space<vmem>>
    %dma_start3A_28 = arith.constant 0 : i32
    %dma_start3A_29 = arith.constant 0 : i32
    %dma_start3A_30 = tpu.memref_slice %arg2[%dma_start3A_16, %add3A, %dma_start3A_17, %dma_start3A_28, %dma_start3A_29] : memref<2x32x5x25x80xi32, #tpu.memory_space<hbm>> -> memref<1x1x1x25x80xi32, #tpu.memory_space<hbm>>
    %dma_start3A_31 = tpu.memref_squeeze %dma_start3A_30 : memref<1x1x1x25x80xi32, #tpu.memory_space<hbm>> -> memref<25x80xi32, #tpu.memory_space<hbm>>
    tpu.enqueue_dma source(%dma_start3A_31 : memref<25x80xi32, #tpu.memory_space<hbm>>) target(%dma_start3A_27 : memref<25x80xi32, #tpu.memory_space<vmem>>) target_semaphore(%arg8 : memref<!tpu.dma_semaphore, #tpu.memory_space<semaphore_mem>>)
    %dma_start3A_32 = arith.constant 1 : i32
    %dma_start3A_33 = arith.constant 2 : i32
    %dma_start3A_34 = arith.constant 50 : i32
    %dma_start3A_35 = arith.constant 0 : i32
    %dma_start3A_36 = tpu.memref_slice %arg4[%dma_start3A_34, %dma_start3A_35] : memref<125x80xi32, #tpu.memory_space<vmem>> -> memref<25x80xi32, #tpu.memory_space<vmem>>
    %dma_start3A_37 = arith.constant 0 : i32
    %dma_start3A_38 = arith.constant 0 : i32
    %dma_start3A_39 = tpu.memref_slice %arg2[%dma_start3A_32, %add3A, %dma_start3A_33, %dma_start3A_37, %dma_start3A_38] : memref<2x32x5x25x80xi32, #tpu.memory_space<hbm>> -> memref<1x1x1x25x80xi32, #tpu.memory_space<hbm>>
    %dma_start3A_40 = tpu.memref_squeeze %dma_start3A_39 : memref<1x1x1x25x80xi32, #tpu.memory_space<hbm>> -> memref<25x80xi32, #tpu.memory_space<hbm>>
    %dma_start3A_41 = arith.constant 50 : i32
    %dma_start3A_42 = arith.constant 0 : i32
    %dma_start3A_43 = tpu.memref_slice %arg4[%dma_start3A_41, %dma_start3A_42] : memref<125x80xi32, #tpu.memory_space<vmem>> -> memref<25x80xi32, #tpu.memory_space<vmem>>
    %dma_start3A_44 = arith.constant 0 : i32
    %dma_start3A_45 = arith.constant 0 : i32
    %dma_start3A_46 = tpu.memref_slice %arg2[%dma_start3A_32, %add3A, %dma_start3A_33, %dma_start3A_44, %dma_start3A_45] : memref<2x32x5x25x80xi32, #tpu.memory_space<hbm>> -> memref<1x1x1x25x80xi32, #tpu.memory_space<hbm>>
    %dma_start3A_47 = tpu.memref_squeeze %dma_start3A_46 : memref<1x1x1x25x80xi32, #tpu.memory_space<hbm>> -> memref<25x80xi32, #tpu.memory_space<hbm>>
    tpu.enqueue_dma source(%dma_start3A_47 : memref<25x80xi32, #tpu.memory_space<hbm>>) target(%dma_start3A_43 : memref<25x80xi32, #tpu.memory_space<vmem>>) target_semaphore(%arg8 : memref<!tpu.dma_semaphore, #tpu.memory_space<semaphore_mem>>)
    %dma_start3A_48 = arith.constant 1 : i32
    %dma_start3A_49 = arith.constant 3 : i32
    %dma_start3A_50 = arith.constant 75 : i32
    %dma_start3A_51 = arith.constant 0 : i32
    %dma_start3A_52 = tpu.memref_slice %arg4[%dma_start3A_50, %dma_start3A_51] : memref<125x80xi32, #tpu.memory_space<vmem>> -> memref<25x80xi32, #tpu.memory_space<vmem>>
    %dma_start3A_53 = arith.constant 0 : i32
    %dma_start3A_54 = arith.constant 0 : i32
    %dma_start3A_55 = tpu.memref_slice %arg2[%dma_start3A_48, %add3A, %dma_start3A_49, %dma_start3A_53, %dma_start3A_54] : memref<2x32x5x25x80xi32, #tpu.memory_space<hbm>> -> memref<1x1x1x25x80xi32, #tpu.memory_space<hbm>>
    %dma_start3A_56 = tpu.memref_squeeze %dma_start3A_55 : memref<1x1x1x25x80xi32, #tpu.memory_space<hbm>> -> memref<25x80xi32, #tpu.memory_space<hbm>>
    %dma_start3A_57 = arith.constant 75 : i32
    %dma_start3A_58 = arith.constant 0 : i32
    %dma_start3A_59 = tpu.memref_slice %arg4[%dma_start3A_57, %dma_start3A_58] : memref<125x80xi32, #tpu.memory_space<vmem>> -> memref<25x80xi32, #tpu.memory_space<vmem>>
    %dma_start3A_60 = arith.constant 0 : i32
    %dma_start3A_61 = arith.constant 0 : i32
    %dma_start3A_62 = tpu.memref_slice %arg2[%dma_start3A_48, %add3A, %dma_start3A_49, %dma_start3A_60, %dma_start3A_61] : memref<2x32x5x25x80xi32, #tpu.memory_space<hbm>> -> memref<1x1x1x25x80xi32, #tpu.memory_space<hbm>>
    %dma_start3A_63 = tpu.memref_squeeze %dma_start3A_62 : memref<1x1x1x25x80xi32, #tpu.memory_space<hbm>> -> memref<25x80xi32, #tpu.memory_space<hbm>>
    tpu.enqueue_dma source(%dma_start3A_63 : memref<25x80xi32, #tpu.memory_space<hbm>>) target(%dma_start3A_59 : memref<25x80xi32, #tpu.memory_space<vmem>>) target_semaphore(%arg8 : memref<!tpu.dma_semaphore, #tpu.memory_space<semaphore_mem>>)
    %dma_start3A_64 = arith.constant 1 : i32
    %dma_start3A_65 = arith.constant 4 : i32
    %dma_start3A_66 = arith.constant 100 : i32
    %dma_start3A_67 = arith.constant 0 : i32
    %dma_start3A_68 = tpu.memref_slice %arg4[%dma_start3A_66, %dma_start3A_67] : memref<125x80xi32, #tpu.memory_space<vmem>> -> memref<25x80xi32, #tpu.memory_space<vmem>>
    %dma_start3A_69 = arith.constant 0 : i32
    %dma_start3A_70 = arith.constant 0 : i32
    %dma_start3A_71 = tpu.memref_slice %arg2[%dma_start3A_64, %add3A, %dma_start3A_65, %dma_start3A_69, %dma_start3A_70] : memref<2x32x5x25x80xi32, #tpu.memory_space<hbm>> -> memref<1x1x1x25x80xi32, #tpu.memory_space<hbm>>
    %dma_start3A_72 = tpu.memref_squeeze %dma_start3A_71 : memref<1x1x1x25x80xi32, #tpu.memory_space<hbm>> -> memref<25x80xi32, #tpu.memory_space<hbm>>
    %dma_start3A_73 = arith.constant 100 : i32
    %dma_start3A_74 = arith.constant 0 : i32
    %dma_start3A_75 = tpu.memref_slice %arg4[%dma_start3A_73, %dma_start3A_74] : memref<125x80xi32, #tpu.memory_space<vmem>> -> memref<25x80xi32, #tpu.memory_space<vmem>>
    %dma_start3A_76 = arith.constant 0 : i32
    %dma_start3A_77 = arith.constant 0 : i32
    %dma_start3A_78 = tpu.memref_slice %arg2[%dma_start3A_64, %add3A, %dma_start3A_65, %dma_start3A_76, %dma_start3A_77] : memref<2x32x5x25x80xi32, #tpu.memory_space<hbm>> -> memref<1x1x1x25x80xi32, #tpu.memory_space<hbm>>
    %dma_start3A_79 = tpu.memref_squeeze %dma_start3A_78 : memref<1x1x1x25x80xi32, #tpu.memory_space<hbm>> -> memref<25x80xi32, #tpu.memory_space<hbm>>
    tpu.enqueue_dma source(%dma_start3A_79 : memref<25x80xi32, #tpu.memory_space<hbm>>) target(%dma_start3A_75 : memref<25x80xi32, #tpu.memory_space<vmem>>) target_semaphore(%arg8 : memref<!tpu.dma_semaphore, #tpu.memory_space<semaphore_mem>>)
    %scan3A = arith.constant 0 : i32
    %scan3A_80 = arith.constant 0 : i32
    %scan3A_81 = arith.constant 40 : i32
    %scan3A_82 = arith.addi %scan3A_80, %scan3A_81 : i32
    %scan3A_83 = arith.constant 1 : i32
    scf.for %scan3A_203 = %scan3A_80 to %scan3A_82 step %scan3A_83  : i32 {
      %broadcast_in_dim3A_204 = arith.constant 0.000000e+00 : f32
      %broadcast_in_dim3A_205 = vector.broadcast %broadcast_in_dim3A_204 : f32 to vector<16xf32>
      %mul3A_206 = arith.constant 16 : i32
      %mul3A_207 = arith.muli %scan3A_203, %mul3A_206 : i32
      %swap3A_208 = arith.index_cast %mul3A_207 : i32 to index
      %swap3A_209 = tpu.vector_load %arg6[%swap3A_208] {strides = array<i32>} : memref<640xf32, #tpu.memory_space<vmem>>, vector<16xf32>,
      %swap3A_210 = vector.shape_cast %swap3A_209 : vector<16xf32> to vector<16xf32>
      %swap3A_211 = vector.shape_cast %broadcast_in_dim3A_205 : vector<16xf32> to vector<16xf32>
      tpu.vector_store %arg6[%swap3A_208], %swap3A_211 {strides = array<i32>} : memref<640xf32, #tpu.memory_space<vmem>>, vector<16xf32>,
    }
    %scan3A_84 = arith.constant 40 : i32
    %mul3A_85 = arith.constant 640 : i32
    %mul3A_86 = arith.muli %arg1, %mul3A_85 : i32
    "tpu.region"() ({
      %run_scoped3A = tpu.sem_alloc : memref<!tpu.dma_semaphore, #tpu.memory_space<semaphore_mem>>
      %dma_start3A_203 = tpu.memref_slice %arg7[%mul3A_86] : memref<10240xf32, #tpu.memory_space<vmem_shared>> -> memref<640xf32, #tpu.memory_space<vmem_shared>>
      %dma_start3A_204 = tpu.memref_slice %arg7[%mul3A_86] : memref<10240xf32, #tpu.memory_space<vmem_shared>> -> memref<640xf32, #tpu.memory_space<vmem_shared>>
      tpu.enqueue_dma source(%arg6 : memref<640xf32, #tpu.memory_space<vmem>>) target(%dma_start3A_204 : memref<640xf32, #tpu.memory_space<vmem_shared>>) target_semaphore(%run_scoped3A : memref<!tpu.dma_semaphore, #tpu.memory_space<semaphore_mem>>)
      %dma_wait3A_205 = tpu.memref_slice %arg7[%mul3A_86] : memref<10240xf32, #tpu.memory_space<vmem_shared>> -> memref<640xf32, #tpu.memory_space<vmem_shared>>
      %dma_wait3A_206 = tpu.memref_slice %arg7[%mul3A_86] : memref<10240xf32, #tpu.memory_space<vmem_shared>> -> memref<640xf32, #tpu.memory_space<vmem_shared>>
      tpu.wait_dma2 semaphore(%run_scoped3A : memref<!tpu.dma_semaphore, #tpu.memory_space<semaphore_mem>>) src(%arg6 : memref<640xf32, #tpu.memory_space<vmem>>) dst(%dma_wait3A_206 : memref<640xf32, #tpu.memory_space<vmem_shared>>)
      tpu.yield
    }) : () -> ()
    %broadcast_in_dim3A = arith.constant 1.000000e+00 : f32
    %broadcast_in_dim3A_87 = vector.broadcast %broadcast_in_dim3A : f32 to vector<16xf32>
    %swap3A = arith.constant 0 : index
    %swap3A_88 = tpu.vector_load %arg5[%swap3A] {strides = array<i32>} : memref<80xf32, #tpu.memory_space<vmem>>, vector<16xf32>,
    %swap3A_89 = vector.shape_cast %swap3A_88 : vector<16xf32> to vector<16xf32>
    %swap3A_90 = vector.shape_cast %broadcast_in_dim3A_87 : vector<16xf32> to vector<16xf32>
    tpu.vector_store %arg5[%swap3A], %swap3A_90 {strides = array<i32>} : memref<80xf32, #tpu.memory_space<vmem>>, vector<16xf32>,
    %broadcast_in_dim3A_91 = arith.constant 1.000000e+00 : f32
    %broadcast_in_dim3A_92 = vector.broadcast %broadcast_in_dim3A_91 : f32 to vector<16xf32>
    %swap3A_93 = arith.constant 16 : index
    %swap3A_94 = tpu.vector_load %arg5[%swap3A_93] {strides = array<i32>} : memref<80xf32, #tpu.memory_space<vmem>>, vector<16xf32>,
    %swap3A_95 = vector.shape_cast %swap3A_94 : vector<16xf32> to vector<16xf32>
    %swap3A_96 = vector.shape_cast %broadcast_in_dim3A_92 : vector<16xf32> to vector<16xf32>
    tpu.vector_store %arg5[%swap3A_93], %swap3A_96 {strides = array<i32>} : memref<80xf32, #tpu.memory_space<vmem>>, vector<16xf32>,
    %broadcast_in_dim3A_97 = arith.constant 1.000000e+00 : f32
    %broadcast_in_dim3A_98 = vector.broadcast %broadcast_in_dim3A_97 : f32 to vector<16xf32>
    %swap3A_99 = arith.constant 32 : index
    %swap3A_100 = tpu.vector_load %arg5[%swap3A_99] {strides = array<i32>} : memref<80xf32, #tpu.memory_space<vmem>>, vector<16xf32>,
    %swap3A_101 = vector.shape_cast %swap3A_100 : vector<16xf32> to vector<16xf32>
    %swap3A_102 = vector.shape_cast %broadcast_in_dim3A_98 : vector<16xf32> to vector<16xf32>
    tpu.vector_store %arg5[%swap3A_99], %swap3A_102 {strides = array<i32>} : memref<80xf32, #tpu.memory_space<vmem>>, vector<16xf32>,
    %broadcast_in_dim3A_103 = arith.constant 1.000000e+00 : f32
    %broadcast_in_dim3A_104 = vector.broadcast %broadcast_in_dim3A_103 : f32 to vector<16xf32>
    %swap3A_105 = arith.constant 48 : index
    %swap3A_106 = tpu.vector_load %arg5[%swap3A_105] {strides = array<i32>} : memref<80xf32, #tpu.memory_space<vmem>>, vector<16xf32>,
    %swap3A_107 = vector.shape_cast %swap3A_106 : vector<16xf32> to vector<16xf32>
    %swap3A_108 = vector.shape_cast %broadcast_in_dim3A_104 : vector<16xf32> to vector<16xf32>
    tpu.vector_store %arg5[%swap3A_105], %swap3A_108 {strides = array<i32>} : memref<80xf32, #tpu.memory_space<vmem>>, vector<16xf32>,
    %broadcast_in_dim3A_109 = arith.constant 1.000000e+00 : f32
    %broadcast_in_dim3A_110 = vector.broadcast %broadcast_in_dim3A_109 : f32 to vector<16xf32>
    %swap3A_111 = arith.constant 64 : index
    %swap3A_112 = tpu.vector_load %arg5[%swap3A_111] {strides = array<i32>} : memref<80xf32, #tpu.memory_space<vmem>>, vector<16xf32>,
    %swap3A_113 = vector.shape_cast %swap3A_112 : vector<16xf32> to vector<16xf32>
    %swap3A_114 = vector.shape_cast %broadcast_in_dim3A_110 : vector<16xf32> to vector<16xf32>
    tpu.vector_store %arg5[%swap3A_111], %swap3A_114 {strides = array<i32>} : memref<80xf32, #tpu.memory_space<vmem>>, vector<16xf32>,
    %dma_wait3A = arith.constant 1 : i32
    %dma_wait3A_115 = arith.constant 0 : i32
    %dma_wait3A_116 = arith.constant 0 : i32
    %dma_wait3A_117 = arith.constant 0 : i32
    %dma_wait3A_118 = tpu.memref_slice %arg4[%dma_wait3A_116, %dma_wait3A_117] : memref<125x80xi32, #tpu.memory_space<vmem>> -> memref<25x80xi32, #tpu.memory_space<vmem>>
    %dma_wait3A_119 = arith.constant 0 : i32
    %dma_wait3A_120 = arith.constant 0 : i32
    %dma_wait3A_121 = tpu.memref_slice %arg2[%dma_wait3A, %add3A, %dma_wait3A_115, %dma_wait3A_119, %dma_wait3A_120] : memref<2x32x5x25x80xi32, #tpu.memory_space<hbm>> -> memref<1x1x1x25x80xi32, #tpu.memory_space<hbm>>
    %dma_wait3A_122 = tpu.memref_squeeze %dma_wait3A_121 : memref<1x1x1x25x80xi32, #tpu.memory_space<hbm>> -> memref<25x80xi32, #tpu.memory_space<hbm>>
    %dma_wait3A_123 = arith.constant 0 : i32
    %dma_wait3A_124 = arith.constant 0 : i32
    %dma_wait3A_125 = tpu.memref_slice %arg4[%dma_wait3A_123, %dma_wait3A_124] : memref<125x80xi32, #tpu.memory_space<vmem>> -> memref<25x80xi32, #tpu.memory_space<vmem>>
    %dma_wait3A_126 = arith.constant 0 : i32
    %dma_wait3A_127 = arith.constant 0 : i32
    %dma_wait3A_128 = tpu.memref_slice %arg2[%dma_wait3A, %add3A, %dma_wait3A_115, %dma_wait3A_126, %dma_wait3A_127] : memref<2x32x5x25x80xi32, #tpu.memory_space<hbm>> -> memref<1x1x1x25x80xi32, #tpu.memory_space<hbm>>
    %dma_wait3A_129 = tpu.memref_squeeze %dma_wait3A_128 : memref<1x1x1x25x80xi32, #tpu.memory_space<hbm>> -> memref<25x80xi32, #tpu.memory_space<hbm>>
    tpu.wait_dma2 semaphore(%arg8 : memref<!tpu.dma_semaphore, #tpu.memory_space<semaphore_mem>>) src(%dma_wait3A_129 : memref<25x80xi32, #tpu.memory_space<hbm>>) dst(%dma_wait3A_125 : memref<25x80xi32, #tpu.memory_space<vmem>>)
    %dma_wait3A_130 = arith.constant 1 : i32
    %dma_wait3A_131 = arith.constant 1 : i32
    %dma_wait3A_132 = arith.constant 25 : i32
    %dma_wait3A_133 = arith.constant 0 : i32
    %dma_wait3A_134 = tpu.memref_slice %arg4[%dma_wait3A_132, %dma_wait3A_133] : memref<125x80xi32, #tpu.memory_space<vmem>> -> memref<25x80xi32, #tpu.memory_space<vmem>>
    %dma_wait3A_135 = arith.constant 0 : i32
    %dma_wait3A_136 = arith.constant 0 : i32
    %dma_wait3A_137 = tpu.memref_slice %arg2[%dma_wait3A_130, %add3A, %dma_wait3A_131, %dma_wait3A_135, %dma_wait3A_136] : memref<2x32x5x25x80xi32, #tpu.memory_space<hbm>> -> memref<1x1x1x25x80xi32, #tpu.memory_space<hbm>>
    %dma_wait3A_138 = tpu.memref_squeeze %dma_wait3A_137 : memref<1x1x1x25x80xi32, #tpu.memory_space<hbm>> -> memref<25x80xi32, #tpu.memory_space<hbm>>
    %dma_wait3A_139 = arith.constant 25 : i32
    %dma_wait3A_140 = arith.constant 0 : i32
    %dma_wait3A_141 = tpu.memref_slice %arg4[%dma_wait3A_139, %dma_wait3A_140] : memref<125x80xi32, #tpu.memory_space<vmem>> -> memref<25x80xi32, #tpu.memory_space<vmem>>
    %dma_wait3A_142 = arith.constant 0 : i32
    %dma_wait3A_143 = arith.constant 0 : i32
    %dma_wait3A_144 = tpu.memref_slice %arg2[%dma_wait3A_130, %add3A, %dma_wait3A_131, %dma_wait3A_142, %dma_wait3A_143] : memref<2x32x5x25x80xi32, #tpu.memory_space<hbm>> -> memref<1x1x1x25x80xi32, #tpu.memory_space<hbm>>
    %dma_wait3A_145 = tpu.memref_squeeze %dma_wait3A_144 : memref<1x1x1x25x80xi32, #tpu.memory_space<hbm>> -> memref<25x80xi32, #tpu.memory_space<hbm>>
    tpu.wait_dma2 semaphore(%arg8 : memref<!tpu.dma_semaphore, #tpu.memory_space<semaphore_mem>>) src(%dma_wait3A_145 : memref<25x80xi32, #tpu.memory_space<hbm>>) dst(%dma_wait3A_141 : memref<25x80xi32, #tpu.memory_space<vmem>>)
    %dma_wait3A_146 = arith.constant 1 : i32
    %dma_wait3A_147 = arith.constant 2 : i32
    %dma_wait3A_148 = arith.constant 50 : i32
    %dma_wait3A_149 = arith.constant 0 : i32
    %dma_wait3A_150 = tpu.memref_slice %arg4[%dma_wait3A_148, %dma_wait3A_149] : memref<125x80xi32, #tpu.memory_space<vmem>> -> memref<25x80xi32, #tpu.memory_space<vmem>>
    %dma_wait3A_151 = arith.constant 0 : i32
    %dma_wait3A_152 = arith.constant 0 : i32
    %dma_wait3A_153 = tpu.memref_slice %arg2[%dma_wait3A_146, %add3A, %dma_wait3A_147, %dma_wait3A_151, %dma_wait3A_152] : memref<2x32x5x25x80xi32, #tpu.memory_space<hbm>> -> memref<1x1x1x25x80xi32, #tpu.memory_space<hbm>>
    %dma_wait3A_154 = tpu.memref_squeeze %dma_wait3A_153 : memref<1x1x1x25x80xi32, #tpu.memory_space<hbm>> -> memref<25x80xi32, #tpu.memory_space<hbm>>
    %dma_wait3A_155 = arith.constant 50 : i32
    %dma_wait3A_156 = arith.constant 0 : i32
    %dma_wait3A_157 = tpu.memref_slice %arg4[%dma_wait3A_155, %dma_wait3A_156] : memref<125x80xi32, #tpu.memory_space<vmem>> -> memref<25x80xi32, #tpu.memory_space<vmem>>
    %dma_wait3A_158 = arith.constant 0 : i32
    %dma_wait3A_159 = arith.constant 0 : i32
    %dma_wait3A_160 = tpu.memref_slice %arg2[%dma_wait3A_146, %add3A, %dma_wait3A_147, %dma_wait3A_158, %dma_wait3A_159] : memref<2x32x5x25x80xi32, #tpu.memory_space<hbm>> -> memref<1x1x1x25x80xi32, #tpu.memory_space<hbm>>
    %dma_wait3A_161 = tpu.memref_squeeze %dma_wait3A_160 : memref<1x1x1x25x80xi32, #tpu.memory_space<hbm>> -> memref<25x80xi32, #tpu.memory_space<hbm>>
    tpu.wait_dma2 semaphore(%arg8 : memref<!tpu.dma_semaphore, #tpu.memory_space<semaphore_mem>>) src(%dma_wait3A_161 : memref<25x80xi32, #tpu.memory_space<hbm>>) dst(%dma_wait3A_157 : memref<25x80xi32, #tpu.memory_space<vmem>>)
    %dma_wait3A_162 = arith.constant 1 : i32
    %dma_wait3A_163 = arith.constant 3 : i32
    %dma_wait3A_164 = arith.constant 75 : i32
    %dma_wait3A_165 = arith.constant 0 : i32
    %dma_wait3A_166 = tpu.memref_slice %arg4[%dma_wait3A_164, %dma_wait3A_165] : memref<125x80xi32, #tpu.memory_space<vmem>> -> memref<25x80xi32, #tpu.memory_space<vmem>>
    %dma_wait3A_167 = arith.constant 0 : i32
    %dma_wait3A_168 = arith.constant 0 : i32
    %dma_wait3A_169 = tpu.memref_slice %arg2[%dma_wait3A_162, %add3A, %dma_wait3A_163, %dma_wait3A_167, %dma_wait3A_168] : memref<2x32x5x25x80xi32, #tpu.memory_space<hbm>> -> memref<1x1x1x25x80xi32, #tpu.memory_space<hbm>>
    %dma_wait3A_170 = tpu.memref_squeeze %dma_wait3A_169 : memref<1x1x1x25x80xi32, #tpu.memory_space<hbm>> -> memref<25x80xi32, #tpu.memory_space<hbm>>
    %dma_wait3A_171 = arith.constant 75 : i32
    %dma_wait3A_172 = arith.constant 0 : i32
    %dma_wait3A_173 = tpu.memref_slice %arg4[%dma_wait3A_171, %dma_wait3A_172] : memref<125x80xi32, #tpu.memory_space<vmem>> -> memref<25x80xi32, #tpu.memory_space<vmem>>
    %dma_wait3A_174 = arith.constant 0 : i32
    %dma_wait3A_175 = arith.constant 0 : i32
    %dma_wait3A_176 = tpu.memref_slice %arg2[%dma_wait3A_162, %add3A, %dma_wait3A_163, %dma_wait3A_174, %dma_wait3A_175] : memref<2x32x5x25x80xi32, #tpu.memory_space<hbm>> -> memref<1x1x1x25x80xi32, #tpu.memory_space<hbm>>
    %dma_wait3A_177 = tpu.memref_squeeze %dma_wait3A_176 : memref<1x1x1x25x80xi32, #tpu.memory_space<hbm>> -> memref<25x80xi32, #tpu.memory_space<hbm>>
    tpu.wait_dma2 semaphore(%arg8 : memref<!tpu.dma_semaphore, #tpu.memory_space<semaphore_mem>>) src(%dma_wait3A_177 : memref<25x80xi32, #tpu.memory_space<hbm>>) dst(%dma_wait3A_173 : memref<25x80xi32, #tpu.memory_space<vmem>>)
    %dma_wait3A_178 = arith.constant 1 : i32
    %dma_wait3A_179 = arith.constant 4 : i32
    %dma_wait3A_180 = arith.constant 100 : i32
    %dma_wait3A_181 = arith.constant 0 : i32
    %dma_wait3A_182 = tpu.memref_slice %arg4[%dma_wait3A_180, %dma_wait3A_181] : memref<125x80xi32, #tpu.memory_space<vmem>> -> memref<25x80xi32, #tpu.memory_space<vmem>>
    %dma_wait3A_183 = arith.constant 0 : i32
    %dma_wait3A_184 = arith.constant 0 : i32
    %dma_wait3A_185 = tpu.memref_slice %arg2[%dma_wait3A_178, %add3A, %dma_wait3A_179, %dma_wait3A_183, %dma_wait3A_184] : memref<2x32x5x25x80xi32, #tpu.memory_space<hbm>> -> memref<1x1x1x25x80xi32, #tpu.memory_space<hbm>>
    %dma_wait3A_186 = tpu.memref_squeeze %dma_wait3A_185 : memref<1x1x1x25x80xi32, #tpu.memory_space<hbm>> -> memref<25x80xi32, #tpu.memory_space<hbm>>
    %dma_wait3A_187 = arith.constant 100 : i32
    %dma_wait3A_188 = arith.constant 0 : i32
    %dma_wait3A_189 = tpu.memref_slice %arg4[%dma_wait3A_187, %dma_wait3A_188] : memref<125x80xi32, #tpu.memory_space<vmem>> -> memref<25x80xi32, #tpu.memory_space<vmem>>
    %dma_wait3A_190 = arith.constant 0 : i32
    %dma_wait3A_191 = arith.constant 0 : i32
    %dma_wait3A_192 = tpu.memref_slice %arg2[%dma_wait3A_178, %add3A, %dma_wait3A_179, %dma_wait3A_190, %dma_wait3A_191] : memref<2x32x5x25x80xi32, #tpu.memory_space<hbm>> -> memref<1x1x1x25x80xi32, #tpu.memory_space<hbm>>
    %dma_wait3A_193 = tpu.memref_squeeze %dma_wait3A_192 : memref<1x1x1x25x80xi32, #tpu.memory_space<hbm>> -> memref<25x80xi32, #tpu.memory_space<hbm>>
    tpu.wait_dma2 semaphore(%arg8 : memref<!tpu.dma_semaphore, #tpu.memory_space<semaphore_mem>>) src(%dma_wait3A_193 : memref<25x80xi32, #tpu.memory_space<hbm>>) dst(%dma_wait3A_189 : memref<25x80xi32, #tpu.memory_space<vmem>>)
    %barrier3A = arith.constant 0 : index
    tpu.barrier barrier_id(%barrier3A)
    %scan3A_194 = arith.constant 0 : i32
    %scan3A_195 = arith.constant 0 : i32
    %scan3A_196 = arith.constant 125 : i32
    %scan3A_197 = arith.addi %scan3A_195, %scan3A_196 : i32
    %scan3A_198 = arith.constant 1 : i32
    scf.for %scan3A_203 = %scan3A_195 to %scan3A_197 step %scan3A_198  : i32 {
      "tpu.region"() ({
        %run_scoped3A = tpu.sem_alloc : memref<!tpu.dma_semaphore, #tpu.memory_space<semaphore_mem>>
        %dma_start3A_204 = arith.constant 0 : i32
        %dma_start3A_205 = tpu.memref_slice %arg4[%scan3A_203, %dma_start3A_204] : memref<125x80xi32, #tpu.memory_space<vmem>> -> memref<1x80xi32, #tpu.memory_space<vmem>>
        %dma_start3A_206 = tpu.memref_squeeze %dma_start3A_205 : memref<1x80xi32, #tpu.memory_space<vmem>> -> memref<80xi32, #tpu.memory_space<vmem>>
        %dma_start3A_207 = arith.constant 0 : i32
        %dma_start3A_208 = tpu.memref_slice %arg7[%dma_start3A_207] : memref<10240xf32, #tpu.memory_space<vmem_shared>> -> memref<10240xf32, #tpu.memory_space<vmem_shared>>
        tpu.enqueue_indirect_dma source(%arg5 : memref<80xf32, #tpu.memory_space<vmem>>) target(%dma_start3A_208 : memref<10240xf32, #tpu.memory_space<vmem_shared>>) offsets(%dma_start3A_206 : memref<80xi32, #tpu.memory_space<vmem>>) semaphore(%run_scoped3A : memref<!tpu.dma_semaphore, #tpu.memory_space<semaphore_mem>>) {add = true}
        %dma_wait3A_209 = arith.constant 0 : i32
        %dma_wait3A_210 = tpu.memref_slice %arg4[%scan3A_203, %dma_wait3A_209] : memref<125x80xi32, #tpu.memory_space<vmem>> -> memref<1x80xi32, #tpu.memory_space<vmem>>
        %dma_wait3A_211 = tpu.memref_squeeze %dma_wait3A_210 : memref<1x80xi32, #tpu.memory_space<vmem>> -> memref<80xi32, #tpu.memory_space<vmem>>
        %dma_wait3A_212 = arith.constant 0 : i32
        %dma_wait3A_213 = tpu.memref_slice %arg7[%dma_wait3A_212] : memref<10240xf32, #tpu.memory_space<vmem_shared>> -> memref<10240xf32, #tpu.memory_space<vmem_shared>>
        tpu.wait_indirect_dma semaphore(%run_scoped3A : memref<!tpu.dma_semaphore, #tpu.memory_space<semaphore_mem>>) src(%arg5 : memref<80xf32, #tpu.memory_space<vmem>>) dst(%dma_wait3A_213 : memref<10240xf32, #tpu.memory_space<vmem_shared>>)
        tpu.yield
      }) : () -> ()
    }
    %scan3A_199 = arith.constant 125 : i32
    %barrier3A_200 = arith.constant 0 : index
    tpu.barrier barrier_id(%barrier3A_200)
    %eq3A = arith.constant 0 : i32
    %eq3A_201 = arith.cmpi eq, %arg1, %eq3A : i32
    %convert_element_type3A = arith.extui %eq3A_201 : i1 to i32
    %cond3A = arith.constant 0 : i32
    %cond3A_202 = arith.cmpi ne, %convert_element_type3A, %cond3A : i32
    scf.if %cond3A_202 {
      "tpu.region"() ({
        %run_scoped3A = tpu.sem_alloc : memref<!tpu.dma_semaphore, #tpu.memory_space<semaphore_mem>>
        %dma_start3A_203 = arith.constant 0 : i32
        %dma_start3A_204 = tpu.memref_slice %arg3[%arg0, %dma_start3A_203] : memref<2x10240xf32, #tpu.memory_space<hbm>> -> memref<1x10240xf32, #tpu.memory_space<hbm>>
        %dma_start3A_205 = tpu.memref_squeeze %dma_start3A_204 : memref<1x10240xf32, #tpu.memory_space<hbm>> -> memref<10240xf32, #tpu.memory_space<hbm>>
        tpu.enqueue_dma source(%arg7 : memref<10240xf32, #tpu.memory_space<vmem_shared>>) target(%dma_start3A_205 : memref<10240xf32, #tpu.memory_space<hbm>>) target_semaphore(%run_scoped3A : memref<!tpu.dma_semaphore, #tpu.memory_space<semaphore_mem>>)
        %dma_wait3A_206 = arith.constant 0 : i32
        %dma_wait3A_207 = tpu.memref_slice %arg3[%arg0, %dma_wait3A_206] : memref<2x10240xf32, #tpu.memory_space<hbm>> -> memref<1x10240xf32, #tpu.memory_space<hbm>>
        %dma_wait3A_208 = tpu.memref_squeeze %dma_wait3A_207 : memref<1x10240xf32, #tpu.memory_space<hbm>> -> memref<10240xf32, #tpu.memory_space<hbm>>
        tpu.wait_dma2 semaphore(%run_scoped3A : memref<!tpu.dma_semaphore, #tpu.memory_space<semaphore_mem>>) src(%arg7 : memref<10240xf32, #tpu.memory_space<vmem_shared>>) dst(%dma_wait3A_208 : memref<10240xf32, #tpu.memory_space<hbm>>)
        tpu.yield
      }) : () -> ()
    } else {
    }
    return
  }
}

#map = affine_map<(d0, d1) -> (0, 0)>
#map1 = affine_map<(d0, d1) -> (0, 0, 0, 0, 0)>
#map2 = affine_map<(d0, d1) -> (0, 0, 0)>
module attributes {stable_mosaic.version = 14 : i64} {
  func.func @_gs_kernel(%arg0: i32, %arg1: i32, %arg2: memref<10000x128xf32, #tpu.memory_space<hbm>>, %arg3: memref<2x32x5x25x80xi32, #tpu.memory_space<hbm>>, %arg4: memref<2x10000x128xf32, #tpu.memory_space<hbm>>, %arg5: memref<2x25x80xi32, #tpu.memory_space<vmem>>, %arg6: memref<2x25x80xi32, #tpu.memory_space<vmem>>, %arg7: memref<3x80x128xf32, #tpu.memory_space<vmem>>, %arg8: memref<10000x128xf32, #tpu.memory_space<vmem_shared>>, %arg9: memref<!tpu.dma_semaphore, #tpu.memory_space<semaphore_mem>>, %arg10: memref<!tpu.dma_semaphore, #tpu.memory_space<semaphore_mem>>, %arg11: memref<!tpu.dma_semaphore, #tpu.memory_space<semaphore_mem>>) attributes {dimension_semantics = [#tpu.dimension_semantics<core_parallel>, #tpu.dimension_semantics<subcore_parallel>], iteration_bounds = array<i64: 2, 16>, scalar_prefetch = 0 : i64, scratch_operands = 7 : i64, tpu.core_type = #tpu.core_type<sc_vector_subcore>, window_params = [{transform_indices = #map}, {transform_indices = #map1}, {transform_indices = #map2}]} {
    %mul3A = arith.constant 2 : i32
    %mul3A_0 = arith.muli %arg1, %mul3A : i32
    %add3A = arith.addi %mul3A_0, %arg0 : i32
    %scan3A = arith.constant 0 : i32
    %scan3A_1 = arith.constant 0 : i32
    %scan3A_2 = arith.constant 80 : i32
    %scan3A_3 = arith.addi %scan3A_1, %scan3A_2 : i32
    %scan3A_4 = arith.constant 1 : i32
    scf.for %scan3A_159 = %scan3A_1 to %scan3A_3 step %scan3A_4  : i32 {
      %broadcast_in_dim3A = arith.constant 0.000000e+00 : f32
      %broadcast_in_dim3A_160 = vector.broadcast %broadcast_in_dim3A : f32 to vector<16xf32>
      %swap3A = arith.constant 0 : i32
      %swap3A_161 = arith.index_cast %swap3A : i32 to index
      %swap3A_162 = arith.index_cast %scan3A_159 : i32 to index
      %swap3A_163 = arith.constant 0 : index
      %swap3A_164 = tpu.vector_load %arg7[%swap3A_161, %swap3A_162, %swap3A_163] {strides = array<i32>} : memref<3x80x128xf32, #tpu.memory_space<vmem>>, vector<1x1x16xf32>,
      %swap3A_165 = vector.shape_cast %swap3A_164 : vector<1x1x16xf32> to vector<16xf32>
      %swap3A_166 = vector.shape_cast %broadcast_in_dim3A_160 : vector<16xf32> to vector<1x1x16xf32>
      tpu.vector_store %arg7[%swap3A_161, %swap3A_162, %swap3A_163], %swap3A_166 {strides = array<i32>} : memref<3x80x128xf32, #tpu.memory_space<vmem>>, vector<1x1x16xf32>,
      %broadcast_in_dim3A_167 = arith.constant 0.000000e+00 : f32
      %broadcast_in_dim3A_168 = vector.broadcast %broadcast_in_dim3A_167 : f32 to vector<16xf32>
      %swap3A_169 = arith.constant 0 : i32
      %swap3A_170 = arith.index_cast %swap3A_169 : i32 to index
      %swap3A_171 = arith.index_cast %scan3A_159 : i32 to index
      %swap3A_172 = arith.constant 16 : index
      %swap3A_173 = tpu.vector_load %arg7[%swap3A_170, %swap3A_171, %swap3A_172] {strides = array<i32>} : memref<3x80x128xf32, #tpu.memory_space<vmem>>, vector<1x1x16xf32>,
      %swap3A_174 = vector.shape_cast %swap3A_173 : vector<1x1x16xf32> to vector<16xf32>
      %swap3A_175 = vector.shape_cast %broadcast_in_dim3A_168 : vector<16xf32> to vector<1x1x16xf32>
      tpu.vector_store %arg7[%swap3A_170, %swap3A_171, %swap3A_172], %swap3A_175 {strides = array<i32>} : memref<3x80x128xf32, #tpu.memory_space<vmem>>, vector<1x1x16xf32>,
      %broadcast_in_dim3A_176 = arith.constant 0.000000e+00 : f32
      %broadcast_in_dim3A_177 = vector.broadcast %broadcast_in_dim3A_176 : f32 to vector<16xf32>
      %swap3A_178 = arith.constant 0 : i32
      %swap3A_179 = arith.index_cast %swap3A_178 : i32 to index
      %swap3A_180 = arith.index_cast %scan3A_159 : i32 to index
      %swap3A_181 = arith.constant 32 : index
      %swap3A_182 = tpu.vector_load %arg7[%swap3A_179, %swap3A_180, %swap3A_181] {strides = array<i32>} : memref<3x80x128xf32, #tpu.memory_space<vmem>>, vector<1x1x16xf32>,
      %swap3A_183 = vector.shape_cast %swap3A_182 : vector<1x1x16xf32> to vector<16xf32>
      %swap3A_184 = vector.shape_cast %broadcast_in_dim3A_177 : vector<16xf32> to vector<1x1x16xf32>
      tpu.vector_store %arg7[%swap3A_179, %swap3A_180, %swap3A_181], %swap3A_184 {strides = array<i32>} : memref<3x80x128xf32, #tpu.memory_space<vmem>>, vector<1x1x16xf32>,
      %broadcast_in_dim3A_185 = arith.constant 0.000000e+00 : f32
      %broadcast_in_dim3A_186 = vector.broadcast %broadcast_in_dim3A_185 : f32 to vector<16xf32>
      %swap3A_187 = arith.constant 0 : i32
      %swap3A_188 = arith.index_cast %swap3A_187 : i32 to index
      %swap3A_189 = arith.index_cast %scan3A_159 : i32 to index
      %swap3A_190 = arith.constant 48 : index
      %swap3A_191 = tpu.vector_load %arg7[%swap3A_188, %swap3A_189, %swap3A_190] {strides = array<i32>} : memref<3x80x128xf32, #tpu.memory_space<vmem>>, vector<1x1x16xf32>,
      %swap3A_192 = vector.shape_cast %swap3A_191 : vector<1x1x16xf32> to vector<16xf32>
      %swap3A_193 = vector.shape_cast %broadcast_in_dim3A_186 : vector<16xf32> to vector<1x1x16xf32>
      tpu.vector_store %arg7[%swap3A_188, %swap3A_189, %swap3A_190], %swap3A_193 {strides = array<i32>} : memref<3x80x128xf32, #tpu.memory_space<vmem>>, vector<1x1x16xf32>,
      %broadcast_in_dim3A_194 = arith.constant 0.000000e+00 : f32
      %broadcast_in_dim3A_195 = vector.broadcast %broadcast_in_dim3A_194 : f32 to vector<16xf32>
      %swap3A_196 = arith.constant 0 : i32
      %swap3A_197 = arith.index_cast %swap3A_196 : i32 to index
      %swap3A_198 = arith.index_cast %scan3A_159 : i32 to index
      %swap3A_199 = arith.constant 64 : index
      %swap3A_200 = tpu.vector_load %arg7[%swap3A_197, %swap3A_198, %swap3A_199] {strides = array<i32>} : memref<3x80x128xf32, #tpu.memory_space<vmem>>, vector<1x1x16xf32>,
      %swap3A_201 = vector.shape_cast %swap3A_200 : vector<1x1x16xf32> to vector<16xf32>
      %swap3A_202 = vector.shape_cast %broadcast_in_dim3A_195 : vector<16xf32> to vector<1x1x16xf32>
      tpu.vector_store %arg7[%swap3A_197, %swap3A_198, %swap3A_199], %swap3A_202 {strides = array<i32>} : memref<3x80x128xf32, #tpu.memory_space<vmem>>, vector<1x1x16xf32>,
      %broadcast_in_dim3A_203 = arith.constant 0.000000e+00 : f32
      %broadcast_in_dim3A_204 = vector.broadcast %broadcast_in_dim3A_203 : f32 to vector<16xf32>
      %swap3A_205 = arith.constant 0 : i32
      %swap3A_206 = arith.index_cast %swap3A_205 : i32 to index
      %swap3A_207 = arith.index_cast %scan3A_159 : i32 to index
      %swap3A_208 = arith.constant 80 : index
      %swap3A_209 = tpu.vector_load %arg7[%swap3A_206, %swap3A_207, %swap3A_208] {strides = array<i32>} : memref<3x80x128xf32, #tpu.memory_space<vmem>>, vector<1x1x16xf32>,
      %swap3A_210 = vector.shape_cast %swap3A_209 : vector<1x1x16xf32> to vector<16xf32>
      %swap3A_211 = vector.shape_cast %broadcast_in_dim3A_204 : vector<16xf32> to vector<1x1x16xf32>
      tpu.vector_store %arg7[%swap3A_206, %swap3A_207, %swap3A_208], %swap3A_211 {strides = array<i32>} : memref<3x80x128xf32, #tpu.memory_space<vmem>>, vector<1x1x16xf32>,
      %broadcast_in_dim3A_212 = arith.constant 0.000000e+00 : f32
      %broadcast_in_dim3A_213 = vector.broadcast %broadcast_in_dim3A_212 : f32 to vector<16xf32>
      %swap3A_214 = arith.constant 0 : i32
      %swap3A_215 = arith.index_cast %swap3A_214 : i32 to index
      %swap3A_216 = arith.index_cast %scan3A_159 : i32 to index
      %swap3A_217 = arith.constant 96 : index
      %swap3A_218 = tpu.vector_load %arg7[%swap3A_215, %swap3A_216, %swap3A_217] {strides = array<i32>} : memref<3x80x128xf32, #tpu.memory_space<vmem>>, vector<1x1x16xf32>,
      %swap3A_219 = vector.shape_cast %swap3A_218 : vector<1x1x16xf32> to vector<16xf32>
      %swap3A_220 = vector.shape_cast %broadcast_in_dim3A_213 : vector<16xf32> to vector<1x1x16xf32>
      tpu.vector_store %arg7[%swap3A_215, %swap3A_216, %swap3A_217], %swap3A_220 {strides = array<i32>} : memref<3x80x128xf32, #tpu.memory_space<vmem>>, vector<1x1x16xf32>,
      %broadcast_in_dim3A_221 = arith.constant 0.000000e+00 : f32
      %broadcast_in_dim3A_222 = vector.broadcast %broadcast_in_dim3A_221 : f32 to vector<16xf32>
      %swap3A_223 = arith.constant 0 : i32
      %swap3A_224 = arith.index_cast %swap3A_223 : i32 to index
      %swap3A_225 = arith.index_cast %scan3A_159 : i32 to index
      %swap3A_226 = arith.constant 112 : index
      %swap3A_227 = tpu.vector_load %arg7[%swap3A_224, %swap3A_225, %swap3A_226] {strides = array<i32>} : memref<3x80x128xf32, #tpu.memory_space<vmem>>, vector<1x1x16xf32>,
      %swap3A_228 = vector.shape_cast %swap3A_227 : vector<1x1x16xf32> to vector<16xf32>
      %swap3A_229 = vector.shape_cast %broadcast_in_dim3A_222 : vector<16xf32> to vector<1x1x16xf32>
      tpu.vector_store %arg7[%swap3A_224, %swap3A_225, %swap3A_226], %swap3A_229 {strides = array<i32>} : memref<3x80x128xf32, #tpu.memory_space<vmem>>, vector<1x1x16xf32>,
    }
    %scan3A_5 = arith.constant 80 : i32
    %add3A_6 = arith.constant 0 : i32
    %add3A_7 = arith.addi %arg1, %add3A_6 : i32
    %lt3A = arith.constant 125 : i32
    %lt3A_8 = arith.cmpi slt, %add3A_7, %lt3A : i32
    %convert_element_type3A = arith.extui %lt3A_8 : i1 to i32
    %cond3A = arith.constant 0 : i32
    %cond3A_9 = arith.cmpi ne, %convert_element_type3A, %cond3A : i32
    scf.if %cond3A_9 {
      %mul3A_159 = arith.constant 80 : i32
      %mul3A_160 = arith.muli %add3A_7, %mul3A_159 : i32
      %run_scoped3A = arith.constant 0 : i32
      "tpu.region"() ({
        %run_scoped3A_161 = tpu.sem_alloc : memref<!tpu.dma_semaphore, #tpu.memory_space<semaphore_mem>>
        %dma_start3A_162 = arith.constant 0 : i32
        %dma_start3A_163 = arith.constant 0 : i32
        %dma_start3A_164 = tpu.memref_slice %arg7[%run_scoped3A, %dma_start3A_162, %dma_start3A_163] : memref<3x80x128xf32, #tpu.memory_space<vmem>> -> memref<1x80x128xf32, #tpu.memory_space<vmem>>
        %dma_start3A_165 = tpu.memref_squeeze %dma_start3A_164 : memref<1x80x128xf32, #tpu.memory_space<vmem>> -> memref<80x128xf32, #tpu.memory_space<vmem>>
        %dma_start3A_166 = arith.constant 0 : i32
        %dma_start3A_167 = tpu.memref_slice %arg8[%mul3A_160, %dma_start3A_166] : memref<10000x128xf32, #tpu.memory_space<vmem_shared>> -> memref<80x128xf32, #tpu.memory_space<vmem_shared>>
        %dma_start3A_168 = arith.constant 0 : i32
        %dma_start3A_169 = tpu.memref_slice %arg8[%mul3A_160, %dma_start3A_168] : memref<10000x128xf32, #tpu.memory_space<vmem_shared>> -> memref<80x128xf32, #tpu.memory_space<vmem_shared>>
        %dma_start3A_170 = arith.constant 0 : i32
        %dma_start3A_171 = arith.constant 0 : i32
        %dma_start3A_172 = tpu.memref_slice %arg7[%run_scoped3A, %dma_start3A_170, %dma_start3A_171] : memref<3x80x128xf32, #tpu.memory_space<vmem>> -> memref<1x80x128xf32, #tpu.memory_space<vmem>>
        %dma_start3A_173 = tpu.memref_squeeze %dma_start3A_172 : memref<1x80x128xf32, #tpu.memory_space<vmem>> -> memref<80x128xf32, #tpu.memory_space<vmem>>
        tpu.enqueue_dma source(%dma_start3A_173 : memref<80x128xf32, #tpu.memory_space<vmem>>) target(%dma_start3A_169 : memref<80x128xf32, #tpu.memory_space<vmem_shared>>) target_semaphore(%run_scoped3A_161 : memref<!tpu.dma_semaphore, #tpu.memory_space<semaphore_mem>>)
        %dma_wait3A = arith.constant 0 : i32
        %dma_wait3A_174 = arith.constant 0 : i32
        %dma_wait3A_175 = tpu.memref_slice %arg7[%run_scoped3A, %dma_wait3A, %dma_wait3A_174] : memref<3x80x128xf32, #tpu.memory_space<vmem>> -> memref<1x80x128xf32, #tpu.memory_space<vmem>>
        %dma_wait3A_176 = tpu.memref_squeeze %dma_wait3A_175 : memref<1x80x128xf32, #tpu.memory_space<vmem>> -> memref<80x128xf32, #tpu.memory_space<vmem>>
        %dma_wait3A_177 = arith.constant 0 : i32
        %dma_wait3A_178 = tpu.memref_slice %arg8[%mul3A_160, %dma_wait3A_177] : memref<10000x128xf32, #tpu.memory_space<vmem_shared>> -> memref<80x128xf32, #tpu.memory_space<vmem_shared>>
        %dma_wait3A_179 = arith.constant 0 : i32
        %dma_wait3A_180 = tpu.memref_slice %arg8[%mul3A_160, %dma_wait3A_179] : memref<10000x128xf32, #tpu.memory_space<vmem_shared>> -> memref<80x128xf32, #tpu.memory_space<vmem_shared>>
        %dma_wait3A_181 = arith.constant 0 : i32
        %dma_wait3A_182 = arith.constant 0 : i32
        %dma_wait3A_183 = tpu.memref_slice %arg7[%run_scoped3A, %dma_wait3A_181, %dma_wait3A_182] : memref<3x80x128xf32, #tpu.memory_space<vmem>> -> memref<1x80x128xf32, #tpu.memory_space<vmem>>
        %dma_wait3A_184 = tpu.memref_squeeze %dma_wait3A_183 : memref<1x80x128xf32, #tpu.memory_space<vmem>> -> memref<80x128xf32, #tpu.memory_space<vmem>>
        tpu.wait_dma2 semaphore(%run_scoped3A_161 : memref<!tpu.dma_semaphore, #tpu.memory_space<semaphore_mem>>) src(%dma_wait3A_184 : memref<80x128xf32, #tpu.memory_space<vmem>>) dst(%dma_wait3A_180 : memref<80x128xf32, #tpu.memory_space<vmem_shared>>)
        tpu.yield
      }) : () -> ()
    } else {
    }
    %add3A_10 = arith.constant 16 : i32
    %add3A_11 = arith.addi %arg1, %add3A_10 : i32
    %lt3A_12 = arith.constant 125 : i32
    %lt3A_13 = arith.cmpi slt, %add3A_11, %lt3A_12 : i32
    %convert_element_type3A_14 = arith.extui %lt3A_13 : i1 to i32
    %cond3A_15 = arith.constant 0 : i32
    %cond3A_16 = arith.cmpi ne, %convert_element_type3A_14, %cond3A_15 : i32
    scf.if %cond3A_16 {
      %mul3A_159 = arith.constant 80 : i32
      %mul3A_160 = arith.muli %add3A_11, %mul3A_159 : i32
      %run_scoped3A = arith.constant 0 : i32
      "tpu.region"() ({
        %run_scoped3A_161 = tpu.sem_alloc : memref<!tpu.dma_semaphore, #tpu.memory_space<semaphore_mem>>
        %dma_start3A_162 = arith.constant 0 : i32
        %dma_start3A_163 = arith.constant 0 : i32
        %dma_start3A_164 = tpu.memref_slice %arg7[%run_scoped3A, %dma_start3A_162, %dma_start3A_163] : memref<3x80x128xf32, #tpu.memory_space<vmem>> -> memref<1x80x128xf32, #tpu.memory_space<vmem>>
        %dma_start3A_165 = tpu.memref_squeeze %dma_start3A_164 : memref<1x80x128xf32, #tpu.memory_space<vmem>> -> memref<80x128xf32, #tpu.memory_space<vmem>>
        %dma_start3A_166 = arith.constant 0 : i32
        %dma_start3A_167 = tpu.memref_slice %arg8[%mul3A_160, %dma_start3A_166] : memref<10000x128xf32, #tpu.memory_space<vmem_shared>> -> memref<80x128xf32, #tpu.memory_space<vmem_shared>>
        %dma_start3A_168 = arith.constant 0 : i32
        %dma_start3A_169 = tpu.memref_slice %arg8[%mul3A_160, %dma_start3A_168] : memref<10000x128xf32, #tpu.memory_space<vmem_shared>> -> memref<80x128xf32, #tpu.memory_space<vmem_shared>>
        %dma_start3A_170 = arith.constant 0 : i32
        %dma_start3A_171 = arith.constant 0 : i32
        %dma_start3A_172 = tpu.memref_slice %arg7[%run_scoped3A, %dma_start3A_170, %dma_start3A_171] : memref<3x80x128xf32, #tpu.memory_space<vmem>> -> memref<1x80x128xf32, #tpu.memory_space<vmem>>
        %dma_start3A_173 = tpu.memref_squeeze %dma_start3A_172 : memref<1x80x128xf32, #tpu.memory_space<vmem>> -> memref<80x128xf32, #tpu.memory_space<vmem>>
        tpu.enqueue_dma source(%dma_start3A_173 : memref<80x128xf32, #tpu.memory_space<vmem>>) target(%dma_start3A_169 : memref<80x128xf32, #tpu.memory_space<vmem_shared>>) target_semaphore(%run_scoped3A_161 : memref<!tpu.dma_semaphore, #tpu.memory_space<semaphore_mem>>)
        %dma_wait3A = arith.constant 0 : i32
        %dma_wait3A_174 = arith.constant 0 : i32
        %dma_wait3A_175 = tpu.memref_slice %arg7[%run_scoped3A, %dma_wait3A, %dma_wait3A_174] : memref<3x80x128xf32, #tpu.memory_space<vmem>> -> memref<1x80x128xf32, #tpu.memory_space<vmem>>
        %dma_wait3A_176 = tpu.memref_squeeze %dma_wait3A_175 : memref<1x80x128xf32, #tpu.memory_space<vmem>> -> memref<80x128xf32, #tpu.memory_space<vmem>>
        %dma_wait3A_177 = arith.constant 0 : i32
        %dma_wait3A_178 = tpu.memref_slice %arg8[%mul3A_160, %dma_wait3A_177] : memref<10000x128xf32, #tpu.memory_space<vmem_shared>> -> memref<80x128xf32, #tpu.memory_space<vmem_shared>>
        %dma_wait3A_179 = arith.constant 0 : i32
        %dma_wait3A_180 = tpu.memref_slice %arg8[%mul3A_160, %dma_wait3A_179] : memref<10000x128xf32, #tpu.memory_space<vmem_shared>> -> memref<80x128xf32, #tpu.memory_space<vmem_shared>>
        %dma_wait3A_181 = arith.constant 0 : i32
        %dma_wait3A_182 = arith.constant 0 : i32
        %dma_wait3A_183 = tpu.memref_slice %arg7[%run_scoped3A, %dma_wait3A_181, %dma_wait3A_182] : memref<3x80x128xf32, #tpu.memory_space<vmem>> -> memref<1x80x128xf32, #tpu.memory_space<vmem>>
        %dma_wait3A_184 = tpu.memref_squeeze %dma_wait3A_183 : memref<1x80x128xf32, #tpu.memory_space<vmem>> -> memref<80x128xf32, #tpu.memory_space<vmem>>
        tpu.wait_dma2 semaphore(%run_scoped3A_161 : memref<!tpu.dma_semaphore, #tpu.memory_space<semaphore_mem>>) src(%dma_wait3A_184 : memref<80x128xf32, #tpu.memory_space<vmem>>) dst(%dma_wait3A_180 : memref<80x128xf32, #tpu.memory_space<vmem_shared>>)
        tpu.yield
      }) : () -> ()
    } else {
    }
    %add3A_17 = arith.constant 32 : i32
    %add3A_18 = arith.addi %arg1, %add3A_17 : i32
    %lt3A_19 = arith.constant 125 : i32
    %lt3A_20 = arith.cmpi slt, %add3A_18, %lt3A_19 : i32
    %convert_element_type3A_21 = arith.extui %lt3A_20 : i1 to i32
    %cond3A_22 = arith.constant 0 : i32
    %cond3A_23 = arith.cmpi ne, %convert_element_type3A_21, %cond3A_22 : i32
    scf.if %cond3A_23 {
      %mul3A_159 = arith.constant 80 : i32
      %mul3A_160 = arith.muli %add3A_18, %mul3A_159 : i32
      %run_scoped3A = arith.constant 0 : i32
      "tpu.region"() ({
        %run_scoped3A_161 = tpu.sem_alloc : memref<!tpu.dma_semaphore, #tpu.memory_space<semaphore_mem>>
        %dma_start3A_162 = arith.constant 0 : i32
        %dma_start3A_163 = arith.constant 0 : i32
        %dma_start3A_164 = tpu.memref_slice %arg7[%run_scoped3A, %dma_start3A_162, %dma_start3A_163] : memref<3x80x128xf32, #tpu.memory_space<vmem>> -> memref<1x80x128xf32, #tpu.memory_space<vmem>>
        %dma_start3A_165 = tpu.memref_squeeze %dma_start3A_164 : memref<1x80x128xf32, #tpu.memory_space<vmem>> -> memref<80x128xf32, #tpu.memory_space<vmem>>
        %dma_start3A_166 = arith.constant 0 : i32
        %dma_start3A_167 = tpu.memref_slice %arg8[%mul3A_160, %dma_start3A_166] : memref<10000x128xf32, #tpu.memory_space<vmem_shared>> -> memref<80x128xf32, #tpu.memory_space<vmem_shared>>
        %dma_start3A_168 = arith.constant 0 : i32
        %dma_start3A_169 = tpu.memref_slice %arg8[%mul3A_160, %dma_start3A_168] : memref<10000x128xf32, #tpu.memory_space<vmem_shared>> -> memref<80x128xf32, #tpu.memory_space<vmem_shared>>
        %dma_start3A_170 = arith.constant 0 : i32
        %dma_start3A_171 = arith.constant 0 : i32
        %dma_start3A_172 = tpu.memref_slice %arg7[%run_scoped3A, %dma_start3A_170, %dma_start3A_171] : memref<3x80x128xf32, #tpu.memory_space<vmem>> -> memref<1x80x128xf32, #tpu.memory_space<vmem>>
        %dma_start3A_173 = tpu.memref_squeeze %dma_start3A_172 : memref<1x80x128xf32, #tpu.memory_space<vmem>> -> memref<80x128xf32, #tpu.memory_space<vmem>>
        tpu.enqueue_dma source(%dma_start3A_173 : memref<80x128xf32, #tpu.memory_space<vmem>>) target(%dma_start3A_169 : memref<80x128xf32, #tpu.memory_space<vmem_shared>>) target_semaphore(%run_scoped3A_161 : memref<!tpu.dma_semaphore, #tpu.memory_space<semaphore_mem>>)
        %dma_wait3A = arith.constant 0 : i32
        %dma_wait3A_174 = arith.constant 0 : i32
        %dma_wait3A_175 = tpu.memref_slice %arg7[%run_scoped3A, %dma_wait3A, %dma_wait3A_174] : memref<3x80x128xf32, #tpu.memory_space<vmem>> -> memref<1x80x128xf32, #tpu.memory_space<vmem>>
        %dma_wait3A_176 = tpu.memref_squeeze %dma_wait3A_175 : memref<1x80x128xf32, #tpu.memory_space<vmem>> -> memref<80x128xf32, #tpu.memory_space<vmem>>
        %dma_wait3A_177 = arith.constant 0 : i32
        %dma_wait3A_178 = tpu.memref_slice %arg8[%mul3A_160, %dma_wait3A_177] : memref<10000x128xf32, #tpu.memory_space<vmem_shared>> -> memref<80x128xf32, #tpu.memory_space<vmem_shared>>
        %dma_wait3A_179 = arith.constant 0 : i32
        %dma_wait3A_180 = tpu.memref_slice %arg8[%mul3A_160, %dma_wait3A_179] : memref<10000x128xf32, #tpu.memory_space<vmem_shared>> -> memref<80x128xf32, #tpu.memory_space<vmem_shared>>
        %dma_wait3A_181 = arith.constant 0 : i32
        %dma_wait3A_182 = arith.constant 0 : i32
        %dma_wait3A_183 = tpu.memref_slice %arg7[%run_scoped3A, %dma_wait3A_181, %dma_wait3A_182] : memref<3x80x128xf32, #tpu.memory_space<vmem>> -> memref<1x80x128xf32, #tpu.memory_space<vmem>>
        %dma_wait3A_184 = tpu.memref_squeeze %dma_wait3A_183 : memref<1x80x128xf32, #tpu.memory_space<vmem>> -> memref<80x128xf32, #tpu.memory_space<vmem>>
        tpu.wait_dma2 semaphore(%run_scoped3A_161 : memref<!tpu.dma_semaphore, #tpu.memory_space<semaphore_mem>>) src(%dma_wait3A_184 : memref<80x128xf32, #tpu.memory_space<vmem>>) dst(%dma_wait3A_180 : memref<80x128xf32, #tpu.memory_space<vmem_shared>>)
        tpu.yield
      }) : () -> ()
    } else {
    }
    %add3A_24 = arith.constant 48 : i32
    %add3A_25 = arith.addi %arg1, %add3A_24 : i32
    %lt3A_26 = arith.constant 125 : i32
    %lt3A_27 = arith.cmpi slt, %add3A_25, %lt3A_26 : i32
    %convert_element_type3A_28 = arith.extui %lt3A_27 : i1 to i32
    %cond3A_29 = arith.constant 0 : i32
    %cond3A_30 = arith.cmpi ne, %convert_element_type3A_28, %cond3A_29 : i32
    scf.if %cond3A_30 {
      %mul3A_159 = arith.constant 80 : i32
      %mul3A_160 = arith.muli %add3A_25, %mul3A_159 : i32
      %run_scoped3A = arith.constant 0 : i32
      "tpu.region"() ({
        %run_scoped3A_161 = tpu.sem_alloc : memref<!tpu.dma_semaphore, #tpu.memory_space<semaphore_mem>>
        %dma_start3A_162 = arith.constant 0 : i32
        %dma_start3A_163 = arith.constant 0 : i32
        %dma_start3A_164 = tpu.memref_slice %arg7[%run_scoped3A, %dma_start3A_162, %dma_start3A_163] : memref<3x80x128xf32, #tpu.memory_space<vmem>> -> memref<1x80x128xf32, #tpu.memory_space<vmem>>
        %dma_start3A_165 = tpu.memref_squeeze %dma_start3A_164 : memref<1x80x128xf32, #tpu.memory_space<vmem>> -> memref<80x128xf32, #tpu.memory_space<vmem>>
        %dma_start3A_166 = arith.constant 0 : i32
        %dma_start3A_167 = tpu.memref_slice %arg8[%mul3A_160, %dma_start3A_166] : memref<10000x128xf32, #tpu.memory_space<vmem_shared>> -> memref<80x128xf32, #tpu.memory_space<vmem_shared>>
        %dma_start3A_168 = arith.constant 0 : i32
        %dma_start3A_169 = tpu.memref_slice %arg8[%mul3A_160, %dma_start3A_168] : memref<10000x128xf32, #tpu.memory_space<vmem_shared>> -> memref<80x128xf32, #tpu.memory_space<vmem_shared>>
        %dma_start3A_170 = arith.constant 0 : i32
        %dma_start3A_171 = arith.constant 0 : i32
        %dma_start3A_172 = tpu.memref_slice %arg7[%run_scoped3A, %dma_start3A_170, %dma_start3A_171] : memref<3x80x128xf32, #tpu.memory_space<vmem>> -> memref<1x80x128xf32, #tpu.memory_space<vmem>>
        %dma_start3A_173 = tpu.memref_squeeze %dma_start3A_172 : memref<1x80x128xf32, #tpu.memory_space<vmem>> -> memref<80x128xf32, #tpu.memory_space<vmem>>
        tpu.enqueue_dma source(%dma_start3A_173 : memref<80x128xf32, #tpu.memory_space<vmem>>) target(%dma_start3A_169 : memref<80x128xf32, #tpu.memory_space<vmem_shared>>) target_semaphore(%run_scoped3A_161 : memref<!tpu.dma_semaphore, #tpu.memory_space<semaphore_mem>>)
        %dma_wait3A = arith.constant 0 : i32
        %dma_wait3A_174 = arith.constant 0 : i32
        %dma_wait3A_175 = tpu.memref_slice %arg7[%run_scoped3A, %dma_wait3A, %dma_wait3A_174] : memref<3x80x128xf32, #tpu.memory_space<vmem>> -> memref<1x80x128xf32, #tpu.memory_space<vmem>>
        %dma_wait3A_176 = tpu.memref_squeeze %dma_wait3A_175 : memref<1x80x128xf32, #tpu.memory_space<vmem>> -> memref<80x128xf32, #tpu.memory_space<vmem>>
        %dma_wait3A_177 = arith.constant 0 : i32
        %dma_wait3A_178 = tpu.memref_slice %arg8[%mul3A_160, %dma_wait3A_177] : memref<10000x128xf32, #tpu.memory_space<vmem_shared>> -> memref<80x128xf32, #tpu.memory_space<vmem_shared>>
        %dma_wait3A_179 = arith.constant 0 : i32
        %dma_wait3A_180 = tpu.memref_slice %arg8[%mul3A_160, %dma_wait3A_179] : memref<10000x128xf32, #tpu.memory_space<vmem_shared>> -> memref<80x128xf32, #tpu.memory_space<vmem_shared>>
        %dma_wait3A_181 = arith.constant 0 : i32
        %dma_wait3A_182 = arith.constant 0 : i32
        %dma_wait3A_183 = tpu.memref_slice %arg7[%run_scoped3A, %dma_wait3A_181, %dma_wait3A_182] : memref<3x80x128xf32, #tpu.memory_space<vmem>> -> memref<1x80x128xf32, #tpu.memory_space<vmem>>
        %dma_wait3A_184 = tpu.memref_squeeze %dma_wait3A_183 : memref<1x80x128xf32, #tpu.memory_space<vmem>> -> memref<80x128xf32, #tpu.memory_space<vmem>>
        tpu.wait_dma2 semaphore(%run_scoped3A_161 : memref<!tpu.dma_semaphore, #tpu.memory_space<semaphore_mem>>) src(%dma_wait3A_184 : memref<80x128xf32, #tpu.memory_space<vmem>>) dst(%dma_wait3A_180 : memref<80x128xf32, #tpu.memory_space<vmem_shared>>)
        tpu.yield
      }) : () -> ()
    } else {
    }
    %add3A_31 = arith.constant 64 : i32
    %add3A_32 = arith.addi %arg1, %add3A_31 : i32
    %lt3A_33 = arith.constant 125 : i32
    %lt3A_34 = arith.cmpi slt, %add3A_32, %lt3A_33 : i32
    %convert_element_type3A_35 = arith.extui %lt3A_34 : i1 to i32
    %cond3A_36 = arith.constant 0 : i32
    %cond3A_37 = arith.cmpi ne, %convert_element_type3A_35, %cond3A_36 : i32
    scf.if %cond3A_37 {
      %mul3A_159 = arith.constant 80 : i32
      %mul3A_160 = arith.muli %add3A_32, %mul3A_159 : i32
      %run_scoped3A = arith.constant 0 : i32
      "tpu.region"() ({
        %run_scoped3A_161 = tpu.sem_alloc : memref<!tpu.dma_semaphore, #tpu.memory_space<semaphore_mem>>
        %dma_start3A_162 = arith.constant 0 : i32
        %dma_start3A_163 = arith.constant 0 : i32
        %dma_start3A_164 = tpu.memref_slice %arg7[%run_scoped3A, %dma_start3A_162, %dma_start3A_163] : memref<3x80x128xf32, #tpu.memory_space<vmem>> -> memref<1x80x128xf32, #tpu.memory_space<vmem>>
        %dma_start3A_165 = tpu.memref_squeeze %dma_start3A_164 : memref<1x80x128xf32, #tpu.memory_space<vmem>> -> memref<80x128xf32, #tpu.memory_space<vmem>>
        %dma_start3A_166 = arith.constant 0 : i32
        %dma_start3A_167 = tpu.memref_slice %arg8[%mul3A_160, %dma_start3A_166] : memref<10000x128xf32, #tpu.memory_space<vmem_shared>> -> memref<80x128xf32, #tpu.memory_space<vmem_shared>>
        %dma_start3A_168 = arith.constant 0 : i32
        %dma_start3A_169 = tpu.memref_slice %arg8[%mul3A_160, %dma_start3A_168] : memref<10000x128xf32, #tpu.memory_space<vmem_shared>> -> memref<80x128xf32, #tpu.memory_space<vmem_shared>>
        %dma_start3A_170 = arith.constant 0 : i32
        %dma_start3A_171 = arith.constant 0 : i32
        %dma_start3A_172 = tpu.memref_slice %arg7[%run_scoped3A, %dma_start3A_170, %dma_start3A_171] : memref<3x80x128xf32, #tpu.memory_space<vmem>> -> memref<1x80x128xf32, #tpu.memory_space<vmem>>
        %dma_start3A_173 = tpu.memref_squeeze %dma_start3A_172 : memref<1x80x128xf32, #tpu.memory_space<vmem>> -> memref<80x128xf32, #tpu.memory_space<vmem>>
        tpu.enqueue_dma source(%dma_start3A_173 : memref<80x128xf32, #tpu.memory_space<vmem>>) target(%dma_start3A_169 : memref<80x128xf32, #tpu.memory_space<vmem_shared>>) target_semaphore(%run_scoped3A_161 : memref<!tpu.dma_semaphore, #tpu.memory_space<semaphore_mem>>)
        %dma_wait3A = arith.constant 0 : i32
        %dma_wait3A_174 = arith.constant 0 : i32
        %dma_wait3A_175 = tpu.memref_slice %arg7[%run_scoped3A, %dma_wait3A, %dma_wait3A_174] : memref<3x80x128xf32, #tpu.memory_space<vmem>> -> memref<1x80x128xf32, #tpu.memory_space<vmem>>
        %dma_wait3A_176 = tpu.memref_squeeze %dma_wait3A_175 : memref<1x80x128xf32, #tpu.memory_space<vmem>> -> memref<80x128xf32, #tpu.memory_space<vmem>>
        %dma_wait3A_177 = arith.constant 0 : i32
        %dma_wait3A_178 = tpu.memref_slice %arg8[%mul3A_160, %dma_wait3A_177] : memref<10000x128xf32, #tpu.memory_space<vmem_shared>> -> memref<80x128xf32, #tpu.memory_space<vmem_shared>>
        %dma_wait3A_179 = arith.constant 0 : i32
        %dma_wait3A_180 = tpu.memref_slice %arg8[%mul3A_160, %dma_wait3A_179] : memref<10000x128xf32, #tpu.memory_space<vmem_shared>> -> memref<80x128xf32, #tpu.memory_space<vmem_shared>>
        %dma_wait3A_181 = arith.constant 0 : i32
        %dma_wait3A_182 = arith.constant 0 : i32
        %dma_wait3A_183 = tpu.memref_slice %arg7[%run_scoped3A, %dma_wait3A_181, %dma_wait3A_182] : memref<3x80x128xf32, #tpu.memory_space<vmem>> -> memref<1x80x128xf32, #tpu.memory_space<vmem>>
        %dma_wait3A_184 = tpu.memref_squeeze %dma_wait3A_183 : memref<1x80x128xf32, #tpu.memory_space<vmem>> -> memref<80x128xf32, #tpu.memory_space<vmem>>
        tpu.wait_dma2 semaphore(%run_scoped3A_161 : memref<!tpu.dma_semaphore, #tpu.memory_space<semaphore_mem>>) src(%dma_wait3A_184 : memref<80x128xf32, #tpu.memory_space<vmem>>) dst(%dma_wait3A_180 : memref<80x128xf32, #tpu.memory_space<vmem_shared>>)
        tpu.yield
      }) : () -> ()
    } else {
    }
    %add3A_38 = arith.constant 80 : i32
    %add3A_39 = arith.addi %arg1, %add3A_38 : i32
    %lt3A_40 = arith.constant 125 : i32
    %lt3A_41 = arith.cmpi slt, %add3A_39, %lt3A_40 : i32
    %convert_element_type3A_42 = arith.extui %lt3A_41 : i1 to i32
    %cond3A_43 = arith.constant 0 : i32
    %cond3A_44 = arith.cmpi ne, %convert_element_type3A_42, %cond3A_43 : i32
    scf.if %cond3A_44 {
      %mul3A_159 = arith.constant 80 : i32
      %mul3A_160 = arith.muli %add3A_39, %mul3A_159 : i32
      %run_scoped3A = arith.constant 0 : i32
      "tpu.region"() ({
        %run_scoped3A_161 = tpu.sem_alloc : memref<!tpu.dma_semaphore, #tpu.memory_space<semaphore_mem>>
        %dma_start3A_162 = arith.constant 0 : i32
        %dma_start3A_163 = arith.constant 0 : i32
        %dma_start3A_164 = tpu.memref_slice %arg7[%run_scoped3A, %dma_start3A_162, %dma_start3A_163] : memref<3x80x128xf32, #tpu.memory_space<vmem>> -> memref<1x80x128xf32, #tpu.memory_space<vmem>>
        %dma_start3A_165 = tpu.memref_squeeze %dma_start3A_164 : memref<1x80x128xf32, #tpu.memory_space<vmem>> -> memref<80x128xf32, #tpu.memory_space<vmem>>
        %dma_start3A_166 = arith.constant 0 : i32
        %dma_start3A_167 = tpu.memref_slice %arg8[%mul3A_160, %dma_start3A_166] : memref<10000x128xf32, #tpu.memory_space<vmem_shared>> -> memref<80x128xf32, #tpu.memory_space<vmem_shared>>
        %dma_start3A_168 = arith.constant 0 : i32
        %dma_start3A_169 = tpu.memref_slice %arg8[%mul3A_160, %dma_start3A_168] : memref<10000x128xf32, #tpu.memory_space<vmem_shared>> -> memref<80x128xf32, #tpu.memory_space<vmem_shared>>
        %dma_start3A_170 = arith.constant 0 : i32
        %dma_start3A_171 = arith.constant 0 : i32
        %dma_start3A_172 = tpu.memref_slice %arg7[%run_scoped3A, %dma_start3A_170, %dma_start3A_171] : memref<3x80x128xf32, #tpu.memory_space<vmem>> -> memref<1x80x128xf32, #tpu.memory_space<vmem>>
        %dma_start3A_173 = tpu.memref_squeeze %dma_start3A_172 : memref<1x80x128xf32, #tpu.memory_space<vmem>> -> memref<80x128xf32, #tpu.memory_space<vmem>>
        tpu.enqueue_dma source(%dma_start3A_173 : memref<80x128xf32, #tpu.memory_space<vmem>>) target(%dma_start3A_169 : memref<80x128xf32, #tpu.memory_space<vmem_shared>>) target_semaphore(%run_scoped3A_161 : memref<!tpu.dma_semaphore, #tpu.memory_space<semaphore_mem>>)
        %dma_wait3A = arith.constant 0 : i32
        %dma_wait3A_174 = arith.constant 0 : i32
        %dma_wait3A_175 = tpu.memref_slice %arg7[%run_scoped3A, %dma_wait3A, %dma_wait3A_174] : memref<3x80x128xf32, #tpu.memory_space<vmem>> -> memref<1x80x128xf32, #tpu.memory_space<vmem>>
        %dma_wait3A_176 = tpu.memref_squeeze %dma_wait3A_175 : memref<1x80x128xf32, #tpu.memory_space<vmem>> -> memref<80x128xf32, #tpu.memory_space<vmem>>
        %dma_wait3A_177 = arith.constant 0 : i32
        %dma_wait3A_178 = tpu.memref_slice %arg8[%mul3A_160, %dma_wait3A_177] : memref<10000x128xf32, #tpu.memory_space<vmem_shared>> -> memref<80x128xf32, #tpu.memory_space<vmem_shared>>
        %dma_wait3A_179 = arith.constant 0 : i32
        %dma_wait3A_180 = tpu.memref_slice %arg8[%mul3A_160, %dma_wait3A_179] : memref<10000x128xf32, #tpu.memory_space<vmem_shared>> -> memref<80x128xf32, #tpu.memory_space<vmem_shared>>
        %dma_wait3A_181 = arith.constant 0 : i32
        %dma_wait3A_182 = arith.constant 0 : i32
        %dma_wait3A_183 = tpu.memref_slice %arg7[%run_scoped3A, %dma_wait3A_181, %dma_wait3A_182] : memref<3x80x128xf32, #tpu.memory_space<vmem>> -> memref<1x80x128xf32, #tpu.memory_space<vmem>>
        %dma_wait3A_184 = tpu.memref_squeeze %dma_wait3A_183 : memref<1x80x128xf32, #tpu.memory_space<vmem>> -> memref<80x128xf32, #tpu.memory_space<vmem>>
        tpu.wait_dma2 semaphore(%run_scoped3A_161 : memref<!tpu.dma_semaphore, #tpu.memory_space<semaphore_mem>>) src(%dma_wait3A_184 : memref<80x128xf32, #tpu.memory_space<vmem>>) dst(%dma_wait3A_180 : memref<80x128xf32, #tpu.memory_space<vmem_shared>>)
        tpu.yield
      }) : () -> ()
    } else {
    }
    %add3A_45 = arith.constant 96 : i32
    %add3A_46 = arith.addi %arg1, %add3A_45 : i32
    %lt3A_47 = arith.constant 125 : i32
    %lt3A_48 = arith.cmpi slt, %add3A_46, %lt3A_47 : i32
    %convert_element_type3A_49 = arith.extui %lt3A_48 : i1 to i32
    %cond3A_50 = arith.constant 0 : i32
    %cond3A_51 = arith.cmpi ne, %convert_element_type3A_49, %cond3A_50 : i32
    scf.if %cond3A_51 {
      %mul3A_159 = arith.constant 80 : i32
      %mul3A_160 = arith.muli %add3A_46, %mul3A_159 : i32
      %run_scoped3A = arith.constant 0 : i32
      "tpu.region"() ({
        %run_scoped3A_161 = tpu.sem_alloc : memref<!tpu.dma_semaphore, #tpu.memory_space<semaphore_mem>>
        %dma_start3A_162 = arith.constant 0 : i32
        %dma_start3A_163 = arith.constant 0 : i32
        %dma_start3A_164 = tpu.memref_slice %arg7[%run_scoped3A, %dma_start3A_162, %dma_start3A_163] : memref<3x80x128xf32, #tpu.memory_space<vmem>> -> memref<1x80x128xf32, #tpu.memory_space<vmem>>
        %dma_start3A_165 = tpu.memref_squeeze %dma_start3A_164 : memref<1x80x128xf32, #tpu.memory_space<vmem>> -> memref<80x128xf32, #tpu.memory_space<vmem>>
        %dma_start3A_166 = arith.constant 0 : i32
        %dma_start3A_167 = tpu.memref_slice %arg8[%mul3A_160, %dma_start3A_166] : memref<10000x128xf32, #tpu.memory_space<vmem_shared>> -> memref<80x128xf32, #tpu.memory_space<vmem_shared>>
        %dma_start3A_168 = arith.constant 0 : i32
        %dma_start3A_169 = tpu.memref_slice %arg8[%mul3A_160, %dma_start3A_168] : memref<10000x128xf32, #tpu.memory_space<vmem_shared>> -> memref<80x128xf32, #tpu.memory_space<vmem_shared>>
        %dma_start3A_170 = arith.constant 0 : i32
        %dma_start3A_171 = arith.constant 0 : i32
        %dma_start3A_172 = tpu.memref_slice %arg7[%run_scoped3A, %dma_start3A_170, %dma_start3A_171] : memref<3x80x128xf32, #tpu.memory_space<vmem>> -> memref<1x80x128xf32, #tpu.memory_space<vmem>>
        %dma_start3A_173 = tpu.memref_squeeze %dma_start3A_172 : memref<1x80x128xf32, #tpu.memory_space<vmem>> -> memref<80x128xf32, #tpu.memory_space<vmem>>
        tpu.enqueue_dma source(%dma_start3A_173 : memref<80x128xf32, #tpu.memory_space<vmem>>) target(%dma_start3A_169 : memref<80x128xf32, #tpu.memory_space<vmem_shared>>) target_semaphore(%run_scoped3A_161 : memref<!tpu.dma_semaphore, #tpu.memory_space<semaphore_mem>>)
        %dma_wait3A = arith.constant 0 : i32
        %dma_wait3A_174 = arith.constant 0 : i32
        %dma_wait3A_175 = tpu.memref_slice %arg7[%run_scoped3A, %dma_wait3A, %dma_wait3A_174] : memref<3x80x128xf32, #tpu.memory_space<vmem>> -> memref<1x80x128xf32, #tpu.memory_space<vmem>>
        %dma_wait3A_176 = tpu.memref_squeeze %dma_wait3A_175 : memref<1x80x128xf32, #tpu.memory_space<vmem>> -> memref<80x128xf32, #tpu.memory_space<vmem>>
        %dma_wait3A_177 = arith.constant 0 : i32
        %dma_wait3A_178 = tpu.memref_slice %arg8[%mul3A_160, %dma_wait3A_177] : memref<10000x128xf32, #tpu.memory_space<vmem_shared>> -> memref<80x128xf32, #tpu.memory_space<vmem_shared>>
        %dma_wait3A_179 = arith.constant 0 : i32
        %dma_wait3A_180 = tpu.memref_slice %arg8[%mul3A_160, %dma_wait3A_179] : memref<10000x128xf32, #tpu.memory_space<vmem_shared>> -> memref<80x128xf32, #tpu.memory_space<vmem_shared>>
        %dma_wait3A_181 = arith.constant 0 : i32
        %dma_wait3A_182 = arith.constant 0 : i32
        %dma_wait3A_183 = tpu.memref_slice %arg7[%run_scoped3A, %dma_wait3A_181, %dma_wait3A_182] : memref<3x80x128xf32, #tpu.memory_space<vmem>> -> memref<1x80x128xf32, #tpu.memory_space<vmem>>
        %dma_wait3A_184 = tpu.memref_squeeze %dma_wait3A_183 : memref<1x80x128xf32, #tpu.memory_space<vmem>> -> memref<80x128xf32, #tpu.memory_space<vmem>>
        tpu.wait_dma2 semaphore(%run_scoped3A_161 : memref<!tpu.dma_semaphore, #tpu.memory_space<semaphore_mem>>) src(%dma_wait3A_184 : memref<80x128xf32, #tpu.memory_space<vmem>>) dst(%dma_wait3A_180 : memref<80x128xf32, #tpu.memory_space<vmem_shared>>)
        tpu.yield
      }) : () -> ()
    } else {
    }
    %add3A_52 = arith.constant 112 : i32
    %add3A_53 = arith.addi %arg1, %add3A_52 : i32
    %lt3A_54 = arith.constant 125 : i32
    %lt3A_55 = arith.cmpi slt, %add3A_53, %lt3A_54 : i32
    %convert_element_type3A_56 = arith.extui %lt3A_55 : i1 to i32
    %cond3A_57 = arith.constant 0 : i32
    %cond3A_58 = arith.cmpi ne, %convert_element_type3A_56, %cond3A_57 : i32
    scf.if %cond3A_58 {
      %mul3A_159 = arith.constant 80 : i32
      %mul3A_160 = arith.muli %add3A_53, %mul3A_159 : i32
      %run_scoped3A = arith.constant 0 : i32
      "tpu.region"() ({
        %run_scoped3A_161 = tpu.sem_alloc : memref<!tpu.dma_semaphore, #tpu.memory_space<semaphore_mem>>
        %dma_start3A_162 = arith.constant 0 : i32
        %dma_start3A_163 = arith.constant 0 : i32
        %dma_start3A_164 = tpu.memref_slice %arg7[%run_scoped3A, %dma_start3A_162, %dma_start3A_163] : memref<3x80x128xf32, #tpu.memory_space<vmem>> -> memref<1x80x128xf32, #tpu.memory_space<vmem>>
        %dma_start3A_165 = tpu.memref_squeeze %dma_start3A_164 : memref<1x80x128xf32, #tpu.memory_space<vmem>> -> memref<80x128xf32, #tpu.memory_space<vmem>>
        %dma_start3A_166 = arith.constant 0 : i32
        %dma_start3A_167 = tpu.memref_slice %arg8[%mul3A_160, %dma_start3A_166] : memref<10000x128xf32, #tpu.memory_space<vmem_shared>> -> memref<80x128xf32, #tpu.memory_space<vmem_shared>>
        %dma_start3A_168 = arith.constant 0 : i32
        %dma_start3A_169 = tpu.memref_slice %arg8[%mul3A_160, %dma_start3A_168] : memref<10000x128xf32, #tpu.memory_space<vmem_shared>> -> memref<80x128xf32, #tpu.memory_space<vmem_shared>>
        %dma_start3A_170 = arith.constant 0 : i32
        %dma_start3A_171 = arith.constant 0 : i32
        %dma_start3A_172 = tpu.memref_slice %arg7[%run_scoped3A, %dma_start3A_170, %dma_start3A_171] : memref<3x80x128xf32, #tpu.memory_space<vmem>> -> memref<1x80x128xf32, #tpu.memory_space<vmem>>
        %dma_start3A_173 = tpu.memref_squeeze %dma_start3A_172 : memref<1x80x128xf32, #tpu.memory_space<vmem>> -> memref<80x128xf32, #tpu.memory_space<vmem>>
        tpu.enqueue_dma source(%dma_start3A_173 : memref<80x128xf32, #tpu.memory_space<vmem>>) target(%dma_start3A_169 : memref<80x128xf32, #tpu.memory_space<vmem_shared>>) target_semaphore(%run_scoped3A_161 : memref<!tpu.dma_semaphore, #tpu.memory_space<semaphore_mem>>)
        %dma_wait3A = arith.constant 0 : i32
        %dma_wait3A_174 = arith.constant 0 : i32
        %dma_wait3A_175 = tpu.memref_slice %arg7[%run_scoped3A, %dma_wait3A, %dma_wait3A_174] : memref<3x80x128xf32, #tpu.memory_space<vmem>> -> memref<1x80x128xf32, #tpu.memory_space<vmem>>
        %dma_wait3A_176 = tpu.memref_squeeze %dma_wait3A_175 : memref<1x80x128xf32, #tpu.memory_space<vmem>> -> memref<80x128xf32, #tpu.memory_space<vmem>>
        %dma_wait3A_177 = arith.constant 0 : i32
        %dma_wait3A_178 = tpu.memref_slice %arg8[%mul3A_160, %dma_wait3A_177] : memref<10000x128xf32, #tpu.memory_space<vmem_shared>> -> memref<80x128xf32, #tpu.memory_space<vmem_shared>>
        %dma_wait3A_179 = arith.constant 0 : i32
        %dma_wait3A_180 = tpu.memref_slice %arg8[%mul3A_160, %dma_wait3A_179] : memref<10000x128xf32, #tpu.memory_space<vmem_shared>> -> memref<80x128xf32, #tpu.memory_space<vmem_shared>>
        %dma_wait3A_181 = arith.constant 0 : i32
        %dma_wait3A_182 = arith.constant 0 : i32
        %dma_wait3A_183 = tpu.memref_slice %arg7[%run_scoped3A, %dma_wait3A_181, %dma_wait3A_182] : memref<3x80x128xf32, #tpu.memory_space<vmem>> -> memref<1x80x128xf32, #tpu.memory_space<vmem>>
        %dma_wait3A_184 = tpu.memref_squeeze %dma_wait3A_183 : memref<1x80x128xf32, #tpu.memory_space<vmem>> -> memref<80x128xf32, #tpu.memory_space<vmem>>
        tpu.wait_dma2 semaphore(%run_scoped3A_161 : memref<!tpu.dma_semaphore, #tpu.memory_space<semaphore_mem>>) src(%dma_wait3A_184 : memref<80x128xf32, #tpu.memory_space<vmem>>) dst(%dma_wait3A_180 : memref<80x128xf32, #tpu.memory_space<vmem_shared>>)
        tpu.yield
      }) : () -> ()
    } else {
    }
    %barrier3A = arith.constant 0 : index
    tpu.barrier barrier_id(%barrier3A)
    %dma_start3A = arith.constant 0 : i32
    %dma_start3A_59 = arith.constant 0 : i32
    %dma_start3A_60 = arith.constant 0 : i32
    %dma_start3A_61 = arith.constant 0 : i32
    %dma_start3A_62 = arith.constant 0 : i32
    %dma_start3A_63 = tpu.memref_slice %arg5[%dma_start3A_60, %dma_start3A_61, %dma_start3A_62] : memref<2x25x80xi32, #tpu.memory_space<vmem>> -> memref<1x25x80xi32, #tpu.memory_space<vmem>>
    %dma_start3A_64 = tpu.memref_squeeze %dma_start3A_63 : memref<1x25x80xi32, #tpu.memory_space<vmem>> -> memref<25x80xi32, #tpu.memory_space<vmem>>
    %dma_start3A_65 = arith.constant 0 : i32
    %dma_start3A_66 = arith.constant 0 : i32
    %dma_start3A_67 = tpu.memref_slice %arg3[%dma_start3A, %add3A, %dma_start3A_59, %dma_start3A_65, %dma_start3A_66] : memref<2x32x5x25x80xi32, #tpu.memory_space<hbm>> -> memref<1x1x1x25x80xi32, #tpu.memory_space<hbm>>
    %dma_start3A_68 = tpu.memref_squeeze %dma_start3A_67 : memref<1x1x1x25x80xi32, #tpu.memory_space<hbm>> -> memref<25x80xi32, #tpu.memory_space<hbm>>
    %dma_start3A_69 = arith.constant 0 : i32
    %dma_start3A_70 = arith.constant 0 : i32
    %dma_start3A_71 = tpu.memref_slice %arg5[%dma_start3A_60, %dma_start3A_69, %dma_start3A_70] : memref<2x25x80xi32, #tpu.memory_space<vmem>> -> memref<1x25x80xi32, #tpu.memory_space<vmem>>
    %dma_start3A_72 = tpu.memref_squeeze %dma_start3A_71 : memref<1x25x80xi32, #tpu.memory_space<vmem>> -> memref<25x80xi32, #tpu.memory_space<vmem>>
    %dma_start3A_73 = arith.constant 0 : i32
    %dma_start3A_74 = arith.constant 0 : i32
    %dma_start3A_75 = tpu.memref_slice %arg3[%dma_start3A, %add3A, %dma_start3A_59, %dma_start3A_73, %dma_start3A_74] : memref<2x32x5x25x80xi32, #tpu.memory_space<hbm>> -> memref<1x1x1x25x80xi32, #tpu.memory_space<hbm>>
    %dma_start3A_76 = tpu.memref_squeeze %dma_start3A_75 : memref<1x1x1x25x80xi32, #tpu.memory_space<hbm>> -> memref<25x80xi32, #tpu.memory_space<hbm>>
    tpu.enqueue_dma source(%dma_start3A_76 : memref<25x80xi32, #tpu.memory_space<hbm>>) target(%dma_start3A_72 : memref<25x80xi32, #tpu.memory_space<vmem>>) target_semaphore(%arg11 : memref<!tpu.dma_semaphore, #tpu.memory_space<semaphore_mem>>)
    %dma_start3A_77 = arith.constant 1 : i32
    %dma_start3A_78 = arith.constant 0 : i32
    %dma_start3A_79 = arith.constant 0 : i32
    %dma_start3A_80 = arith.constant 0 : i32
    %dma_start3A_81 = arith.constant 0 : i32
    %dma_start3A_82 = tpu.memref_slice %arg6[%dma_start3A_79, %dma_start3A_80, %dma_start3A_81] : memref<2x25x80xi32, #tpu.memory_space<vmem>> -> memref<1x25x80xi32, #tpu.memory_space<vmem>>
    %dma_start3A_83 = tpu.memref_squeeze %dma_start3A_82 : memref<1x25x80xi32, #tpu.memory_space<vmem>> -> memref<25x80xi32, #tpu.memory_space<vmem>>
    %dma_start3A_84 = arith.constant 0 : i32
    %dma_start3A_85 = arith.constant 0 : i32
    %dma_start3A_86 = tpu.memref_slice %arg3[%dma_start3A_77, %add3A, %dma_start3A_78, %dma_start3A_84, %dma_start3A_85] : memref<2x32x5x25x80xi32, #tpu.memory_space<hbm>> -> memref<1x1x1x25x80xi32, #tpu.memory_space<hbm>>
    %dma_start3A_87 = tpu.memref_squeeze %dma_start3A_86 : memref<1x1x1x25x80xi32, #tpu.memory_space<hbm>> -> memref<25x80xi32, #tpu.memory_space<hbm>>
    %dma_start3A_88 = arith.constant 0 : i32
    %dma_start3A_89 = arith.constant 0 : i32
    %dma_start3A_90 = tpu.memref_slice %arg6[%dma_start3A_79, %dma_start3A_88, %dma_start3A_89] : memref<2x25x80xi32, #tpu.memory_space<vmem>> -> memref<1x25x80xi32, #tpu.memory_space<vmem>>
    %dma_start3A_91 = tpu.memref_squeeze %dma_start3A_90 : memref<1x25x80xi32, #tpu.memory_space<vmem>> -> memref<25x80xi32, #tpu.memory_space<vmem>>
    %dma_start3A_92 = arith.constant 0 : i32
    %dma_start3A_93 = arith.constant 0 : i32
    %dma_start3A_94 = tpu.memref_slice %arg3[%dma_start3A_77, %add3A, %dma_start3A_78, %dma_start3A_92, %dma_start3A_93] : memref<2x32x5x25x80xi32, #tpu.memory_space<hbm>> -> memref<1x1x1x25x80xi32, #tpu.memory_space<hbm>>
    %dma_start3A_95 = tpu.memref_squeeze %dma_start3A_94 : memref<1x1x1x25x80xi32, #tpu.memory_space<hbm>> -> memref<25x80xi32, #tpu.memory_space<hbm>>
    tpu.enqueue_dma source(%dma_start3A_95 : memref<25x80xi32, #tpu.memory_space<hbm>>) target(%dma_start3A_91 : memref<25x80xi32, #tpu.memory_space<vmem>>) target_semaphore(%arg11 : memref<!tpu.dma_semaphore, #tpu.memory_space<semaphore_mem>>)
    %scan3A_96 = arith.constant 0 : i32
    %scan3A_97 = arith.constant 0 : i32
    %scan3A_98 = arith.constant 5 : i32
    %scan3A_99 = arith.addi %scan3A_97, %scan3A_98 : i32
    %scan3A_100 = arith.constant 1 : i32
    scf.for %scan3A_159 = %scan3A_97 to %scan3A_99 step %scan3A_100  : i32 {
      %rem3A = arith.constant 2 : i32
      %rem3A_160 = arith.remsi %scan3A_159, %rem3A : i32
      %dma_wait3A = arith.constant 0 : i32
      %dma_wait3A_161 = arith.constant 0 : i32
      %dma_wait3A_162 = arith.constant 0 : i32
      %dma_wait3A_163 = tpu.memref_slice %arg5[%rem3A_160, %dma_wait3A_161, %dma_wait3A_162] : memref<2x25x80xi32, #tpu.memory_space<vmem>> -> memref<1x25x80xi32, #tpu.memory_space<vmem>>
      %dma_wait3A_164 = tpu.memref_squeeze %dma_wait3A_163 : memref<1x25x80xi32, #tpu.memory_space<vmem>> -> memref<25x80xi32, #tpu.memory_space<vmem>>
      %dma_wait3A_165 = arith.constant 0 : i32
      %dma_wait3A_166 = arith.constant 0 : i32
      %dma_wait3A_167 = tpu.memref_slice %arg3[%dma_wait3A, %add3A, %scan3A_159, %dma_wait3A_165, %dma_wait3A_166] : memref<2x32x5x25x80xi32, #tpu.memory_space<hbm>> -> memref<1x1x1x25x80xi32, #tpu.memory_space<hbm>>
      %dma_wait3A_168 = tpu.memref_squeeze %dma_wait3A_167 : memref<1x1x1x25x80xi32, #tpu.memory_space<hbm>> -> memref<25x80xi32, #tpu.memory_space<hbm>>
      %dma_wait3A_169 = arith.constant 0 : i32
      %dma_wait3A_170 = arith.constant 0 : i32
      %dma_wait3A_171 = tpu.memref_slice %arg5[%rem3A_160, %dma_wait3A_169, %dma_wait3A_170] : memref<2x25x80xi32, #tpu.memory_space<vmem>> -> memref<1x25x80xi32, #tpu.memory_space<vmem>>
      %dma_wait3A_172 = tpu.memref_squeeze %dma_wait3A_171 : memref<1x25x80xi32, #tpu.memory_space<vmem>> -> memref<25x80xi32, #tpu.memory_space<vmem>>
      %dma_wait3A_173 = arith.constant 0 : i32
      %dma_wait3A_174 = arith.constant 0 : i32
      %dma_wait3A_175 = tpu.memref_slice %arg3[%dma_wait3A, %add3A, %scan3A_159, %dma_wait3A_173, %dma_wait3A_174] : memref<2x32x5x25x80xi32, #tpu.memory_space<hbm>> -> memref<1x1x1x25x80xi32, #tpu.memory_space<hbm>>
      %dma_wait3A_176 = tpu.memref_squeeze %dma_wait3A_175 : memref<1x1x1x25x80xi32, #tpu.memory_space<hbm>> -> memref<25x80xi32, #tpu.memory_space<hbm>>
      tpu.wait_dma2 semaphore(%arg11 : memref<!tpu.dma_semaphore, #tpu.memory_space<semaphore_mem>>) src(%dma_wait3A_176 : memref<25x80xi32, #tpu.memory_space<hbm>>) dst(%dma_wait3A_172 : memref<25x80xi32, #tpu.memory_space<vmem>>)
      %dma_wait3A_177 = arith.constant 1 : i32
      %dma_wait3A_178 = arith.constant 0 : i32
      %dma_wait3A_179 = arith.constant 0 : i32
      %dma_wait3A_180 = tpu.memref_slice %arg6[%rem3A_160, %dma_wait3A_178, %dma_wait3A_179] : memref<2x25x80xi32, #tpu.memory_space<vmem>> -> memref<1x25x80xi32, #tpu.memory_space<vmem>>
      %dma_wait3A_181 = tpu.memref_squeeze %dma_wait3A_180 : memref<1x25x80xi32, #tpu.memory_space<vmem>> -> memref<25x80xi32, #tpu.memory_space<vmem>>
      %dma_wait3A_182 = arith.constant 0 : i32
      %dma_wait3A_183 = arith.constant 0 : i32
      %dma_wait3A_184 = tpu.memref_slice %arg3[%dma_wait3A_177, %add3A, %scan3A_159, %dma_wait3A_182, %dma_wait3A_183] : memref<2x32x5x25x80xi32, #tpu.memory_space<hbm>> -> memref<1x1x1x25x80xi32, #tpu.memory_space<hbm>>
      %dma_wait3A_185 = tpu.memref_squeeze %dma_wait3A_184 : memref<1x1x1x25x80xi32, #tpu.memory_space<hbm>> -> memref<25x80xi32, #tpu.memory_space<hbm>>
      %dma_wait3A_186 = arith.constant 0 : i32
      %dma_wait3A_187 = arith.constant 0 : i32
      %dma_wait3A_188 = tpu.memref_slice %arg6[%rem3A_160, %dma_wait3A_186, %dma_wait3A_187] : memref<2x25x80xi32, #tpu.memory_space<vmem>> -> memref<1x25x80xi32, #tpu.memory_space<vmem>>
      %dma_wait3A_189 = tpu.memref_squeeze %dma_wait3A_188 : memref<1x25x80xi32, #tpu.memory_space<vmem>> -> memref<25x80xi32, #tpu.memory_space<vmem>>
      %dma_wait3A_190 = arith.constant 0 : i32
      %dma_wait3A_191 = arith.constant 0 : i32
      %dma_wait3A_192 = tpu.memref_slice %arg3[%dma_wait3A_177, %add3A, %scan3A_159, %dma_wait3A_190, %dma_wait3A_191] : memref<2x32x5x25x80xi32, #tpu.memory_space<hbm>> -> memref<1x1x1x25x80xi32, #tpu.memory_space<hbm>>
      %dma_wait3A_193 = tpu.memref_squeeze %dma_wait3A_192 : memref<1x1x1x25x80xi32, #tpu.memory_space<hbm>> -> memref<25x80xi32, #tpu.memory_space<hbm>>
      tpu.wait_dma2 semaphore(%arg11 : memref<!tpu.dma_semaphore, #tpu.memory_space<semaphore_mem>>) src(%dma_wait3A_193 : memref<25x80xi32, #tpu.memory_space<hbm>>) dst(%dma_wait3A_189 : memref<25x80xi32, #tpu.memory_space<vmem>>)
      %dma_start3A_194 = arith.constant 0 : i32
      %dma_start3A_195 = arith.constant 0 : i32
      %dma_start3A_196 = arith.constant 0 : i32
      %dma_start3A_197 = arith.constant 0 : i32
      %dma_start3A_198 = tpu.memref_slice %arg7[%dma_start3A_195, %dma_start3A_196, %dma_start3A_197] : memref<3x80x128xf32, #tpu.memory_space<vmem>> -> memref<1x80x128xf32, #tpu.memory_space<vmem>>
      %dma_start3A_199 = tpu.memref_squeeze %dma_start3A_198 : memref<1x80x128xf32, #tpu.memory_space<vmem>> -> memref<80x128xf32, #tpu.memory_space<vmem>>
      %dma_start3A_200 = arith.constant 0 : i32
      %dma_start3A_201 = tpu.memref_slice %arg5[%rem3A_160, %dma_start3A_194, %dma_start3A_200] : memref<2x25x80xi32, #tpu.memory_space<vmem>> -> memref<1x1x80xi32, #tpu.memory_space<vmem>>
      %dma_start3A_202 = tpu.memref_squeeze %dma_start3A_201 : memref<1x1x80xi32, #tpu.memory_space<vmem>> -> memref<80xi32, #tpu.memory_space<vmem>>
      %dma_start3A_203 = arith.constant 0 : i32
      %dma_start3A_204 = arith.constant 0 : i32
      %dma_start3A_205 = tpu.memref_slice %arg2[%dma_start3A_203, %dma_start3A_204] : memref<10000x128xf32, #tpu.memory_space<hbm>> -> memref<10000x128xf32, #tpu.memory_space<hbm>>
      tpu.enqueue_indirect_dma source(%dma_start3A_205 : memref<10000x128xf32, #tpu.memory_space<hbm>>) target(%dma_start3A_199 : memref<80x128xf32, #tpu.memory_space<vmem>>) offsets(%dma_start3A_202 : memref<80xi32, #tpu.memory_space<vmem>>) semaphore(%arg9 : memref<!tpu.dma_semaphore, #tpu.memory_space<semaphore_mem>>)
      %add3A_206 = arith.constant 1 : i32
      %add3A_207 = arith.addi %scan3A_159, %add3A_206 : i32
      %lt3A_208 = arith.constant 5 : i32
      %lt3A_209 = arith.cmpi slt, %add3A_207, %lt3A_208 : i32
      %convert_element_type3A_210 = arith.extui %lt3A_209 : i1 to i32
      %cond3A_211 = arith.constant 0 : i32
      %cond3A_212 = arith.cmpi ne, %convert_element_type3A_210, %cond3A_211 : i32
      scf.if %cond3A_212 {
        %add3A_245 = arith.constant 1 : i32
        %add3A_246 = arith.addi %scan3A_159, %add3A_245 : i32
        %rem3A_247 = arith.constant 2 : i32
        %rem3A_248 = arith.remsi %add3A_246, %rem3A_247 : i32
        %add3A_249 = arith.constant 1 : i32
        %add3A_250 = arith.addi %scan3A_159, %add3A_249 : i32
        %dma_start3A_251 = arith.constant 0 : i32
        %dma_start3A_252 = arith.constant 0 : i32
        %dma_start3A_253 = arith.constant 0 : i32
        %dma_start3A_254 = tpu.memref_slice %arg5[%rem3A_248, %dma_start3A_252, %dma_start3A_253] : memref<2x25x80xi32, #tpu.memory_space<vmem>> -> memref<1x25x80xi32, #tpu.memory_space<vmem>>
        %dma_start3A_255 = tpu.memref_squeeze %dma_start3A_254 : memref<1x25x80xi32, #tpu.memory_space<vmem>> -> memref<25x80xi32, #tpu.memory_space<vmem>>
        %dma_start3A_256 = arith.constant 0 : i32
        %dma_start3A_257 = arith.constant 0 : i32
        %dma_start3A_258 = tpu.memref_slice %arg3[%dma_start3A_251, %add3A, %add3A_250, %dma_start3A_256, %dma_start3A_257] : memref<2x32x5x25x80xi32, #tpu.memory_space<hbm>> -> memref<1x1x1x25x80xi32, #tpu.memory_space<hbm>>
        %dma_start3A_259 = tpu.memref_squeeze %dma_start3A_258 : memref<1x1x1x25x80xi32, #tpu.memory_space<hbm>> -> memref<25x80xi32, #tpu.memory_space<hbm>>
        %dma_start3A_260 = arith.constant 0 : i32
        %dma_start3A_261 = arith.constant 0 : i32
        %dma_start3A_262 = tpu.memref_slice %arg5[%rem3A_248, %dma_start3A_260, %dma_start3A_261] : memref<2x25x80xi32, #tpu.memory_space<vmem>> -> memref<1x25x80xi32, #tpu.memory_space<vmem>>
        %dma_start3A_263 = tpu.memref_squeeze %dma_start3A_262 : memref<1x25x80xi32, #tpu.memory_space<vmem>> -> memref<25x80xi32, #tpu.memory_space<vmem>>
        %dma_start3A_264 = arith.constant 0 : i32
        %dma_start3A_265 = arith.constant 0 : i32
        %dma_start3A_266 = tpu.memref_slice %arg3[%dma_start3A_251, %add3A, %add3A_250, %dma_start3A_264, %dma_start3A_265] : memref<2x32x5x25x80xi32, #tpu.memory_space<hbm>> -> memref<1x1x1x25x80xi32, #tpu.memory_space<hbm>>
        %dma_start3A_267 = tpu.memref_squeeze %dma_start3A_266 : memref<1x1x1x25x80xi32, #tpu.memory_space<hbm>> -> memref<25x80xi32, #tpu.memory_space<hbm>>
        tpu.enqueue_dma source(%dma_start3A_267 : memref<25x80xi32, #tpu.memory_space<hbm>>) target(%dma_start3A_263 : memref<25x80xi32, #tpu.memory_space<vmem>>) target_semaphore(%arg11 : memref<!tpu.dma_semaphore, #tpu.memory_space<semaphore_mem>>)
        %add3A_268 = arith.constant 1 : i32
        %add3A_269 = arith.addi %scan3A_159, %add3A_268 : i32
        %dma_start3A_270 = arith.constant 1 : i32
        %dma_start3A_271 = arith.constant 0 : i32
        %dma_start3A_272 = arith.constant 0 : i32
        %dma_start3A_273 = tpu.memref_slice %arg6[%rem3A_248, %dma_start3A_271, %dma_start3A_272] : memref<2x25x80xi32, #tpu.memory_space<vmem>> -> memref<1x25x80xi32, #tpu.memory_space<vmem>>
        %dma_start3A_274 = tpu.memref_squeeze %dma_start3A_273 : memref<1x25x80xi32, #tpu.memory_space<vmem>> -> memref<25x80xi32, #tpu.memory_space<vmem>>
        %dma_start3A_275 = arith.constant 0 : i32
        %dma_start3A_276 = arith.constant 0 : i32
        %dma_start3A_277 = tpu.memref_slice %arg3[%dma_start3A_270, %add3A, %add3A_269, %dma_start3A_275, %dma_start3A_276] : memref<2x32x5x25x80xi32, #tpu.memory_space<hbm>> -> memref<1x1x1x25x80xi32, #tpu.memory_space<hbm>>
        %dma_start3A_278 = tpu.memref_squeeze %dma_start3A_277 : memref<1x1x1x25x80xi32, #tpu.memory_space<hbm>> -> memref<25x80xi32, #tpu.memory_space<hbm>>
        %dma_start3A_279 = arith.constant 0 : i32
        %dma_start3A_280 = arith.constant 0 : i32
        %dma_start3A_281 = tpu.memref_slice %arg6[%rem3A_248, %dma_start3A_279, %dma_start3A_280] : memref<2x25x80xi32, #tpu.memory_space<vmem>> -> memref<1x25x80xi32, #tpu.memory_space<vmem>>
        %dma_start3A_282 = tpu.memref_squeeze %dma_start3A_281 : memref<1x25x80xi32, #tpu.memory_space<vmem>> -> memref<25x80xi32, #tpu.memory_space<vmem>>
        %dma_start3A_283 = arith.constant 0 : i32
        %dma_start3A_284 = arith.constant 0 : i32
        %dma_start3A_285 = tpu.memref_slice %arg3[%dma_start3A_270, %add3A, %add3A_269, %dma_start3A_283, %dma_start3A_284] : memref<2x32x5x25x80xi32, #tpu.memory_space<hbm>> -> memref<1x1x1x25x80xi32, #tpu.memory_space<hbm>>
        %dma_start3A_286 = tpu.memref_squeeze %dma_start3A_285 : memref<1x1x1x25x80xi32, #tpu.memory_space<hbm>> -> memref<25x80xi32, #tpu.memory_space<hbm>>
        tpu.enqueue_dma source(%dma_start3A_286 : memref<25x80xi32, #tpu.memory_space<hbm>>) target(%dma_start3A_282 : memref<25x80xi32, #tpu.memory_space<vmem>>) target_semaphore(%arg11 : memref<!tpu.dma_semaphore, #tpu.memory_space<semaphore_mem>>)
      } else {
      }
      %scan3A_213 = arith.constant 0 : i32
      %scan3A_214 = arith.constant 0 : i32
      %scan3A_215 = arith.constant 25 : i32
      %scan3A_216 = arith.addi %scan3A_214, %scan3A_215 : i32
      %scan3A_217 = arith.constant 1 : i32
      scf.for %scan3A_245 = %scan3A_214 to %scan3A_216 step %scan3A_217  : i32 {
        %ge3A = arith.constant 2 : i32
        %ge3A_246 = arith.cmpi sge, %scan3A_245, %ge3A : i32
        %convert_element_type3A_247 = arith.extui %ge3A_246 : i1 to i32
        %cond3A_248 = arith.constant 0 : i32
        %cond3A_249 = arith.cmpi ne, %convert_element_type3A_247, %cond3A_248 : i32
        scf.if %cond3A_249 {
          %dma_wait3A_281 = arith.constant 0 : i32
          %dma_wait3A_282 = arith.constant 0 : i32
          %dma_wait3A_283 = arith.constant 0 : i32
          %dma_wait3A_284 = arith.constant 0 : i32
          %dma_wait3A_285 = arith.constant 0 : i32
          %dma_wait3A_286 = tpu.memref_slice %arg7[%dma_wait3A_281, %dma_wait3A_284, %dma_wait3A_285] : memref<3x80x128xf32, #tpu.memory_space<vmem>> -> memref<1x80x128xf32, #tpu.memory_space<vmem>>
          %dma_wait3A_287 = tpu.memref_squeeze %dma_wait3A_286 : memref<1x80x128xf32, #tpu.memory_space<vmem>> -> memref<80x128xf32, #tpu.memory_space<vmem>>
          %dma_wait3A_288 = arith.constant 0 : i32
          %dma_wait3A_289 = tpu.memref_slice %arg6[%dma_wait3A_282, %dma_wait3A_283, %dma_wait3A_288] : memref<2x25x80xi32, #tpu.memory_space<vmem>> -> memref<1x1x80xi32, #tpu.memory_space<vmem>>
          %dma_wait3A_290 = tpu.memref_squeeze %dma_wait3A_289 : memref<1x1x80xi32, #tpu.memory_space<vmem>> -> memref<80xi32, #tpu.memory_space<vmem>>
          %dma_wait3A_291 = arith.constant 0 : i32
          %dma_wait3A_292 = arith.constant 0 : i32
          %dma_wait3A_293 = tpu.memref_slice %arg8[%dma_wait3A_291, %dma_wait3A_292] : memref<10000x128xf32, #tpu.memory_space<vmem_shared>> -> memref<10000x128xf32, #tpu.memory_space<vmem_shared>>
          tpu.wait_indirect_dma semaphore(%arg10 : memref<!tpu.dma_semaphore, #tpu.memory_space<semaphore_mem>>) src(%dma_wait3A_287 : memref<80x128xf32, #tpu.memory_space<vmem>>) dst(%dma_wait3A_293 : memref<10000x128xf32, #tpu.memory_space<vmem_shared>>)
        } else {
        }
        %add3A_250 = arith.constant 1 : i32
        %add3A_251 = arith.addi %scan3A_245, %add3A_250 : i32
        %lt3A_252 = arith.constant 25 : i32
        %lt3A_253 = arith.cmpi slt, %add3A_251, %lt3A_252 : i32
        %convert_element_type3A_254 = arith.extui %lt3A_253 : i1 to i32
        %cond3A_255 = arith.constant 0 : i32
        %cond3A_256 = arith.cmpi ne, %convert_element_type3A_254, %cond3A_255 : i32
        scf.if %cond3A_256 {
          %add3A_281 = arith.constant 1 : i32
          %add3A_282 = arith.addi %scan3A_245, %add3A_281 : i32
          %add3A_283 = arith.constant 1 : i32
          %add3A_284 = arith.addi %scan3A_245, %add3A_283 : i32
          %rem3A_285 = arith.constant 3 : i32
          %rem3A_286 = arith.remsi %add3A_284, %rem3A_285 : i32
          %dma_start3A_287 = arith.constant 0 : i32
          %dma_start3A_288 = arith.constant 0 : i32
          %dma_start3A_289 = tpu.memref_slice %arg7[%rem3A_286, %dma_start3A_287, %dma_start3A_288] : memref<3x80x128xf32, #tpu.memory_space<vmem>> -> memref<1x80x128xf32, #tpu.memory_space<vmem>>
          %dma_start3A_290 = tpu.memref_squeeze %dma_start3A_289 : memref<1x80x128xf32, #tpu.memory_space<vmem>> -> memref<80x128xf32, #tpu.memory_space<vmem>>
          %dma_start3A_291 = arith.constant 0 : i32
          %dma_start3A_292 = tpu.memref_slice %arg5[%rem3A_160, %add3A_282, %dma_start3A_291] : memref<2x25x80xi32, #tpu.memory_space<vmem>> -> memref<1x1x80xi32, #tpu.memory_space<vmem>>
          %dma_start3A_293 = tpu.memref_squeeze %dma_start3A_292 : memref<1x1x80xi32, #tpu.memory_space<vmem>> -> memref<80xi32, #tpu.memory_space<vmem>>
          %dma_start3A_294 = arith.constant 0 : i32
          %dma_start3A_295 = arith.constant 0 : i32
          %dma_start3A_296 = tpu.memref_slice %arg2[%dma_start3A_294, %dma_start3A_295] : memref<10000x128xf32, #tpu.memory_space<hbm>> -> memref<10000x128xf32, #tpu.memory_space<hbm>>
          tpu.enqueue_indirect_dma source(%dma_start3A_296 : memref<10000x128xf32, #tpu.memory_space<hbm>>) target(%dma_start3A_290 : memref<80x128xf32, #tpu.memory_space<vmem>>) offsets(%dma_start3A_293 : memref<80xi32, #tpu.memory_space<vmem>>) semaphore(%arg9 : memref<!tpu.dma_semaphore, #tpu.memory_space<semaphore_mem>>)
        } else {
        }
        %rem3A_257 = arith.constant 3 : i32
        %rem3A_258 = arith.remsi %scan3A_245, %rem3A_257 : i32
        %dma_wait3A_259 = arith.constant 0 : i32
        %dma_wait3A_260 = arith.constant 0 : i32
        %dma_wait3A_261 = tpu.memref_slice %arg7[%rem3A_258, %dma_wait3A_259, %dma_wait3A_260] : memref<3x80x128xf32, #tpu.memory_space<vmem>> -> memref<1x80x128xf32, #tpu.memory_space<vmem>>
        %dma_wait3A_262 = tpu.memref_squeeze %dma_wait3A_261 : memref<1x80x128xf32, #tpu.memory_space<vmem>> -> memref<80x128xf32, #tpu.memory_space<vmem>>
        %dma_wait3A_263 = arith.constant 0 : i32
        %dma_wait3A_264 = tpu.memref_slice %arg5[%rem3A_160, %scan3A_245, %dma_wait3A_263] : memref<2x25x80xi32, #tpu.memory_space<vmem>> -> memref<1x1x80xi32, #tpu.memory_space<vmem>>
        %dma_wait3A_265 = tpu.memref_squeeze %dma_wait3A_264 : memref<1x1x80xi32, #tpu.memory_space<vmem>> -> memref<80xi32, #tpu.memory_space<vmem>>
        %dma_wait3A_266 = arith.constant 0 : i32
        %dma_wait3A_267 = arith.constant 0 : i32
        %dma_wait3A_268 = tpu.memref_slice %arg2[%dma_wait3A_266, %dma_wait3A_267] : memref<10000x128xf32, #tpu.memory_space<hbm>> -> memref<10000x128xf32, #tpu.memory_space<hbm>>
        tpu.wait_indirect_dma semaphore(%arg9 : memref<!tpu.dma_semaphore, #tpu.memory_space<semaphore_mem>>) src(%dma_wait3A_268 : memref<10000x128xf32, #tpu.memory_space<hbm>>) dst(%dma_wait3A_262 : memref<80x128xf32, #tpu.memory_space<vmem>>)
        %rem3A_269 = arith.constant 3 : i32
        %rem3A_270 = arith.remsi %scan3A_245, %rem3A_269 : i32
        %dma_start3A_271 = arith.constant 0 : i32
        %dma_start3A_272 = arith.constant 0 : i32
        %dma_start3A_273 = tpu.memref_slice %arg7[%rem3A_270, %dma_start3A_271, %dma_start3A_272] : memref<3x80x128xf32, #tpu.memory_space<vmem>> -> memref<1x80x128xf32, #tpu.memory_space<vmem>>
        %dma_start3A_274 = tpu.memref_squeeze %dma_start3A_273 : memref<1x80x128xf32, #tpu.memory_space<vmem>> -> memref<80x128xf32, #tpu.memory_space<vmem>>
        %dma_start3A_275 = arith.constant 0 : i32
        %dma_start3A_276 = tpu.memref_slice %arg6[%rem3A_160, %scan3A_245, %dma_start3A_275] : memref<2x25x80xi32, #tpu.memory_space<vmem>> -> memref<1x1x80xi32, #tpu.memory_space<vmem>>
        %dma_start3A_277 = tpu.memref_squeeze %dma_start3A_276 : memref<1x1x80xi32, #tpu.memory_space<vmem>> -> memref<80xi32, #tpu.memory_space<vmem>>
        %dma_start3A_278 = arith.constant 0 : i32
        %dma_start3A_279 = arith.constant 0 : i32
        %dma_start3A_280 = tpu.memref_slice %arg8[%dma_start3A_278, %dma_start3A_279] : memref<10000x128xf32, #tpu.memory_space<vmem_shared>> -> memref<10000x128xf32, #tpu.memory_space<vmem_shared>>
        tpu.enqueue_indirect_dma source(%dma_start3A_274 : memref<80x128xf32, #tpu.memory_space<vmem>>) target(%dma_start3A_280 : memref<10000x128xf32, #tpu.memory_space<vmem_shared>>) offsets(%dma_start3A_277 : memref<80xi32, #tpu.memory_space<vmem>>) semaphore(%arg10 : memref<!tpu.dma_semaphore, #tpu.memory_space<semaphore_mem>>) {add = true}
      }
      %scan3A_218 = arith.constant 25 : i32
      %dma_wait3A_219 = arith.constant 0 : i32
      %dma_wait3A_220 = arith.constant 0 : i32
      %dma_wait3A_221 = arith.constant 0 : i32
      %dma_wait3A_222 = arith.constant 0 : i32
      %dma_wait3A_223 = arith.constant 0 : i32
      %dma_wait3A_224 = tpu.memref_slice %arg7[%dma_wait3A_219, %dma_wait3A_222, %dma_wait3A_223] : memref<3x80x128xf32, #tpu.memory_space<vmem>> -> memref<1x80x128xf32, #tpu.memory_space<vmem>>
      %dma_wait3A_225 = tpu.memref_squeeze %dma_wait3A_224 : memref<1x80x128xf32, #tpu.memory_space<vmem>> -> memref<80x128xf32, #tpu.memory_space<vmem>>
      %dma_wait3A_226 = arith.constant 0 : i32
      %dma_wait3A_227 = tpu.memref_slice %arg6[%dma_wait3A_220, %dma_wait3A_221, %dma_wait3A_226] : memref<2x25x80xi32, #tpu.memory_space<vmem>> -> memref<1x1x80xi32, #tpu.memory_space<vmem>>
      %dma_wait3A_228 = tpu.memref_squeeze %dma_wait3A_227 : memref<1x1x80xi32, #tpu.memory_space<vmem>> -> memref<80xi32, #tpu.memory_space<vmem>>
      %dma_wait3A_229 = arith.constant 0 : i32
      %dma_wait3A_230 = arith.constant 0 : i32
      %dma_wait3A_231 = tpu.memref_slice %arg8[%dma_wait3A_229, %dma_wait3A_230] : memref<10000x128xf32, #tpu.memory_space<vmem_shared>> -> memref<10000x128xf32, #tpu.memory_space<vmem_shared>>
      tpu.wait_indirect_dma semaphore(%arg10 : memref<!tpu.dma_semaphore, #tpu.memory_space<semaphore_mem>>) src(%dma_wait3A_225 : memref<80x128xf32, #tpu.memory_space<vmem>>) dst(%dma_wait3A_231 : memref<10000x128xf32, #tpu.memory_space<vmem_shared>>)
      %dma_wait3A_232 = arith.constant 0 : i32
      %dma_wait3A_233 = arith.constant 0 : i32
      %dma_wait3A_234 = arith.constant 0 : i32
      %dma_wait3A_235 = arith.constant 0 : i32
      %dma_wait3A_236 = arith.constant 0 : i32
      %dma_wait3A_237 = tpu.memref_slice %arg7[%dma_wait3A_232, %dma_wait3A_235, %dma_wait3A_236] : memref<3x80x128xf32, #tpu.memory_space<vmem>> -> memref<1x80x128xf32, #tpu.memory_space<vmem>>
      %dma_wait3A_238 = tpu.memref_squeeze %dma_wait3A_237 : memref<1x80x128xf32, #tpu.memory_space<vmem>> -> memref<80x128xf32, #tpu.memory_space<vmem>>
      %dma_wait3A_239 = arith.constant 0 : i32
      %dma_wait3A_240 = tpu.memref_slice %arg6[%dma_wait3A_233, %dma_wait3A_234, %dma_wait3A_239] : memref<2x25x80xi32, #tpu.memory_space<vmem>> -> memref<1x1x80xi32, #tpu.memory_space<vmem>>
      %dma_wait3A_241 = tpu.memref_squeeze %dma_wait3A_240 : memref<1x1x80xi32, #tpu.memory_space<vmem>> -> memref<80xi32, #tpu.memory_space<vmem>>
      %dma_wait3A_242 = arith.constant 0 : i32
      %dma_wait3A_243 = arith.constant 0 : i32
      %dma_wait3A_244 = tpu.memref_slice %arg8[%dma_wait3A_242, %dma_wait3A_243] : memref<10000x128xf32, #tpu.memory_space<vmem_shared>> -> memref<10000x128xf32, #tpu.memory_space<vmem_shared>>
      tpu.wait_indirect_dma semaphore(%arg10 : memref<!tpu.dma_semaphore, #tpu.memory_space<semaphore_mem>>) src(%dma_wait3A_238 : memref<80x128xf32, #tpu.memory_space<vmem>>) dst(%dma_wait3A_244 : memref<10000x128xf32, #tpu.memory_space<vmem_shared>>)
    }
    %scan3A_101 = arith.constant 5 : i32
    %barrier3A_102 = arith.constant 0 : index
    tpu.barrier barrier_id(%barrier3A_102)
    %add3A_103 = arith.constant 0 : i32
    %add3A_104 = arith.addi %arg1, %add3A_103 : i32
    %lt3A_105 = arith.constant 125 : i32
    %lt3A_106 = arith.cmpi slt, %add3A_104, %lt3A_105 : i32
    %convert_element_type3A_107 = arith.extui %lt3A_106 : i1 to i32
    %cond3A_108 = arith.constant 0 : i32
    %cond3A_109 = arith.cmpi ne, %convert_element_type3A_107, %cond3A_108 : i32
    scf.if %cond3A_109 {
      %mul3A_159 = arith.constant 80 : i32
      %mul3A_160 = arith.muli %add3A_104, %mul3A_159 : i32
      %mul3A_161 = arith.constant 80 : i32
      %mul3A_162 = arith.muli %add3A_104, %mul3A_161 : i32
      "tpu.region"() ({
        %run_scoped3A = tpu.sem_alloc : memref<!tpu.dma_semaphore, #tpu.memory_space<semaphore_mem>>
        %dma_start3A_163 = arith.constant 0 : i32
        %dma_start3A_164 = tpu.memref_slice %arg4[%arg0, %mul3A_162, %dma_start3A_163] : memref<2x10000x128xf32, #tpu.memory_space<hbm>> -> memref<1x80x128xf32, #tpu.memory_space<hbm>>
        %dma_start3A_165 = tpu.memref_squeeze %dma_start3A_164 : memref<1x80x128xf32, #tpu.memory_space<hbm>> -> memref<80x128xf32, #tpu.memory_space<hbm>>
        %dma_start3A_166 = arith.constant 0 : i32
        %dma_start3A_167 = tpu.memref_slice %arg8[%mul3A_160, %dma_start3A_166] : memref<10000x128xf32, #tpu.memory_space<vmem_shared>> -> memref<80x128xf32, #tpu.memory_space<vmem_shared>>
        tpu.enqueue_dma source(%dma_start3A_167 : memref<80x128xf32, #tpu.memory_space<vmem_shared>>) target(%dma_start3A_165 : memref<80x128xf32, #tpu.memory_space<hbm>>) target_semaphore(%run_scoped3A : memref<!tpu.dma_semaphore, #tpu.memory_space<semaphore_mem>>)
        %dma_wait3A = arith.constant 0 : i32
        %dma_wait3A_168 = tpu.memref_slice %arg4[%arg0, %mul3A_162, %dma_wait3A] : memref<2x10000x128xf32, #tpu.memory_space<hbm>> -> memref<1x80x128xf32, #tpu.memory_space<hbm>>
        %dma_wait3A_169 = tpu.memref_squeeze %dma_wait3A_168 : memref<1x80x128xf32, #tpu.memory_space<hbm>> -> memref<80x128xf32, #tpu.memory_space<hbm>>
        %dma_wait3A_170 = arith.constant 0 : i32
        %dma_wait3A_171 = tpu.memref_slice %arg8[%mul3A_160, %dma_wait3A_170] : memref<10000x128xf32, #tpu.memory_space<vmem_shared>> -> memref<80x128xf32, #tpu.memory_space<vmem_shared>>
        tpu.wait_dma2 semaphore(%run_scoped3A : memref<!tpu.dma_semaphore, #tpu.memory_space<semaphore_mem>>) src(%dma_wait3A_171 : memref<80x128xf32, #tpu.memory_space<vmem_shared>>) dst(%dma_wait3A_169 : memref<80x128xf32, #tpu.memory_space<hbm>>)
        tpu.yield
      }) : () -> ()
    } else {
    }
    %add3A_110 = arith.constant 16 : i32
    %add3A_111 = arith.addi %arg1, %add3A_110 : i32
    %lt3A_112 = arith.constant 125 : i32
    %lt3A_113 = arith.cmpi slt, %add3A_111, %lt3A_112 : i32
    %convert_element_type3A_114 = arith.extui %lt3A_113 : i1 to i32
    %cond3A_115 = arith.constant 0 : i32
    %cond3A_116 = arith.cmpi ne, %convert_element_type3A_114, %cond3A_115 : i32
    scf.if %cond3A_116 {
      %mul3A_159 = arith.constant 80 : i32
      %mul3A_160 = arith.muli %add3A_111, %mul3A_159 : i32
      %mul3A_161 = arith.constant 80 : i32
      %mul3A_162 = arith.muli %add3A_111, %mul3A_161 : i32
      "tpu.region"() ({
        %run_scoped3A = tpu.sem_alloc : memref<!tpu.dma_semaphore, #tpu.memory_space<semaphore_mem>>
        %dma_start3A_163 = arith.constant 0 : i32
        %dma_start3A_164 = tpu.memref_slice %arg4[%arg0, %mul3A_162, %dma_start3A_163] : memref<2x10000x128xf32, #tpu.memory_space<hbm>> -> memref<1x80x128xf32, #tpu.memory_space<hbm>>
        %dma_start3A_165 = tpu.memref_squeeze %dma_start3A_164 : memref<1x80x128xf32, #tpu.memory_space<hbm>> -> memref<80x128xf32, #tpu.memory_space<hbm>>
        %dma_start3A_166 = arith.constant 0 : i32
        %dma_start3A_167 = tpu.memref_slice %arg8[%mul3A_160, %dma_start3A_166] : memref<10000x128xf32, #tpu.memory_space<vmem_shared>> -> memref<80x128xf32, #tpu.memory_space<vmem_shared>>
        tpu.enqueue_dma source(%dma_start3A_167 : memref<80x128xf32, #tpu.memory_space<vmem_shared>>) target(%dma_start3A_165 : memref<80x128xf32, #tpu.memory_space<hbm>>) target_semaphore(%run_scoped3A : memref<!tpu.dma_semaphore, #tpu.memory_space<semaphore_mem>>)
        %dma_wait3A = arith.constant 0 : i32
        %dma_wait3A_168 = tpu.memref_slice %arg4[%arg0, %mul3A_162, %dma_wait3A] : memref<2x10000x128xf32, #tpu.memory_space<hbm>> -> memref<1x80x128xf32, #tpu.memory_space<hbm>>
        %dma_wait3A_169 = tpu.memref_squeeze %dma_wait3A_168 : memref<1x80x128xf32, #tpu.memory_space<hbm>> -> memref<80x128xf32, #tpu.memory_space<hbm>>
        %dma_wait3A_170 = arith.constant 0 : i32
        %dma_wait3A_171 = tpu.memref_slice %arg8[%mul3A_160, %dma_wait3A_170] : memref<10000x128xf32, #tpu.memory_space<vmem_shared>> -> memref<80x128xf32, #tpu.memory_space<vmem_shared>>
        tpu.wait_dma2 semaphore(%run_scoped3A : memref<!tpu.dma_semaphore, #tpu.memory_space<semaphore_mem>>) src(%dma_wait3A_171 : memref<80x128xf32, #tpu.memory_space<vmem_shared>>) dst(%dma_wait3A_169 : memref<80x128xf32, #tpu.memory_space<hbm>>)
        tpu.yield
      }) : () -> ()
    } else {
    }
    %add3A_117 = arith.constant 32 : i32
    %add3A_118 = arith.addi %arg1, %add3A_117 : i32
    %lt3A_119 = arith.constant 125 : i32
    %lt3A_120 = arith.cmpi slt, %add3A_118, %lt3A_119 : i32
    %convert_element_type3A_121 = arith.extui %lt3A_120 : i1 to i32
    %cond3A_122 = arith.constant 0 : i32
    %cond3A_123 = arith.cmpi ne, %convert_element_type3A_121, %cond3A_122 : i32
    scf.if %cond3A_123 {
      %mul3A_159 = arith.constant 80 : i32
      %mul3A_160 = arith.muli %add3A_118, %mul3A_159 : i32
      %mul3A_161 = arith.constant 80 : i32
      %mul3A_162 = arith.muli %add3A_118, %mul3A_161 : i32
      "tpu.region"() ({
        %run_scoped3A = tpu.sem_alloc : memref<!tpu.dma_semaphore, #tpu.memory_space<semaphore_mem>>
        %dma_start3A_163 = arith.constant 0 : i32
        %dma_start3A_164 = tpu.memref_slice %arg4[%arg0, %mul3A_162, %dma_start3A_163] : memref<2x10000x128xf32, #tpu.memory_space<hbm>> -> memref<1x80x128xf32, #tpu.memory_space<hbm>>
        %dma_start3A_165 = tpu.memref_squeeze %dma_start3A_164 : memref<1x80x128xf32, #tpu.memory_space<hbm>> -> memref<80x128xf32, #tpu.memory_space<hbm>>
        %dma_start3A_166 = arith.constant 0 : i32
        %dma_start3A_167 = tpu.memref_slice %arg8[%mul3A_160, %dma_start3A_166] : memref<10000x128xf32, #tpu.memory_space<vmem_shared>> -> memref<80x128xf32, #tpu.memory_space<vmem_shared>>
        tpu.enqueue_dma source(%dma_start3A_167 : memref<80x128xf32, #tpu.memory_space<vmem_shared>>) target(%dma_start3A_165 : memref<80x128xf32, #tpu.memory_space<hbm>>) target_semaphore(%run_scoped3A : memref<!tpu.dma_semaphore, #tpu.memory_space<semaphore_mem>>)
        %dma_wait3A = arith.constant 0 : i32
        %dma_wait3A_168 = tpu.memref_slice %arg4[%arg0, %mul3A_162, %dma_wait3A] : memref<2x10000x128xf32, #tpu.memory_space<hbm>> -> memref<1x80x128xf32, #tpu.memory_space<hbm>>
        %dma_wait3A_169 = tpu.memref_squeeze %dma_wait3A_168 : memref<1x80x128xf32, #tpu.memory_space<hbm>> -> memref<80x128xf32, #tpu.memory_space<hbm>>
        %dma_wait3A_170 = arith.constant 0 : i32
        %dma_wait3A_171 = tpu.memref_slice %arg8[%mul3A_160, %dma_wait3A_170] : memref<10000x128xf32, #tpu.memory_space<vmem_shared>> -> memref<80x128xf32, #tpu.memory_space<vmem_shared>>
        tpu.wait_dma2 semaphore(%run_scoped3A : memref<!tpu.dma_semaphore, #tpu.memory_space<semaphore_mem>>) src(%dma_wait3A_171 : memref<80x128xf32, #tpu.memory_space<vmem_shared>>) dst(%dma_wait3A_169 : memref<80x128xf32, #tpu.memory_space<hbm>>)
        tpu.yield
      }) : () -> ()
    } else {
    }
    %add3A_124 = arith.constant 48 : i32
    %add3A_125 = arith.addi %arg1, %add3A_124 : i32
    %lt3A_126 = arith.constant 125 : i32
    %lt3A_127 = arith.cmpi slt, %add3A_125, %lt3A_126 : i32
    %convert_element_type3A_128 = arith.extui %lt3A_127 : i1 to i32
    %cond3A_129 = arith.constant 0 : i32
    %cond3A_130 = arith.cmpi ne, %convert_element_type3A_128, %cond3A_129 : i32
    scf.if %cond3A_130 {
      %mul3A_159 = arith.constant 80 : i32
      %mul3A_160 = arith.muli %add3A_125, %mul3A_159 : i32
      %mul3A_161 = arith.constant 80 : i32
      %mul3A_162 = arith.muli %add3A_125, %mul3A_161 : i32
      "tpu.region"() ({
        %run_scoped3A = tpu.sem_alloc : memref<!tpu.dma_semaphore, #tpu.memory_space<semaphore_mem>>
        %dma_start3A_163 = arith.constant 0 : i32
        %dma_start3A_164 = tpu.memref_slice %arg4[%arg0, %mul3A_162, %dma_start3A_163] : memref<2x10000x128xf32, #tpu.memory_space<hbm>> -> memref<1x80x128xf32, #tpu.memory_space<hbm>>
        %dma_start3A_165 = tpu.memref_squeeze %dma_start3A_164 : memref<1x80x128xf32, #tpu.memory_space<hbm>> -> memref<80x128xf32, #tpu.memory_space<hbm>>
        %dma_start3A_166 = arith.constant 0 : i32
        %dma_start3A_167 = tpu.memref_slice %arg8[%mul3A_160, %dma_start3A_166] : memref<10000x128xf32, #tpu.memory_space<vmem_shared>> -> memref<80x128xf32, #tpu.memory_space<vmem_shared>>
        tpu.enqueue_dma source(%dma_start3A_167 : memref<80x128xf32, #tpu.memory_space<vmem_shared>>) target(%dma_start3A_165 : memref<80x128xf32, #tpu.memory_space<hbm>>) target_semaphore(%run_scoped3A : memref<!tpu.dma_semaphore, #tpu.memory_space<semaphore_mem>>)
        %dma_wait3A = arith.constant 0 : i32
        %dma_wait3A_168 = tpu.memref_slice %arg4[%arg0, %mul3A_162, %dma_wait3A] : memref<2x10000x128xf32, #tpu.memory_space<hbm>> -> memref<1x80x128xf32, #tpu.memory_space<hbm>>
        %dma_wait3A_169 = tpu.memref_squeeze %dma_wait3A_168 : memref<1x80x128xf32, #tpu.memory_space<hbm>> -> memref<80x128xf32, #tpu.memory_space<hbm>>
        %dma_wait3A_170 = arith.constant 0 : i32
        %dma_wait3A_171 = tpu.memref_slice %arg8[%mul3A_160, %dma_wait3A_170] : memref<10000x128xf32, #tpu.memory_space<vmem_shared>> -> memref<80x128xf32, #tpu.memory_space<vmem_shared>>
        tpu.wait_dma2 semaphore(%run_scoped3A : memref<!tpu.dma_semaphore, #tpu.memory_space<semaphore_mem>>) src(%dma_wait3A_171 : memref<80x128xf32, #tpu.memory_space<vmem_shared>>) dst(%dma_wait3A_169 : memref<80x128xf32, #tpu.memory_space<hbm>>)
        tpu.yield
      }) : () -> ()
    } else {
    }
    %add3A_131 = arith.constant 64 : i32
    %add3A_132 = arith.addi %arg1, %add3A_131 : i32
    %lt3A_133 = arith.constant 125 : i32
    %lt3A_134 = arith.cmpi slt, %add3A_132, %lt3A_133 : i32
    %convert_element_type3A_135 = arith.extui %lt3A_134 : i1 to i32
    %cond3A_136 = arith.constant 0 : i32
    %cond3A_137 = arith.cmpi ne, %convert_element_type3A_135, %cond3A_136 : i32
    scf.if %cond3A_137 {
      %mul3A_159 = arith.constant 80 : i32
      %mul3A_160 = arith.muli %add3A_132, %mul3A_159 : i32
      %mul3A_161 = arith.constant 80 : i32
      %mul3A_162 = arith.muli %add3A_132, %mul3A_161 : i32
      "tpu.region"() ({
        %run_scoped3A = tpu.sem_alloc : memref<!tpu.dma_semaphore, #tpu.memory_space<semaphore_mem>>
        %dma_start3A_163 = arith.constant 0 : i32
        %dma_start3A_164 = tpu.memref_slice %arg4[%arg0, %mul3A_162, %dma_start3A_163] : memref<2x10000x128xf32, #tpu.memory_space<hbm>> -> memref<1x80x128xf32, #tpu.memory_space<hbm>>
        %dma_start3A_165 = tpu.memref_squeeze %dma_start3A_164 : memref<1x80x128xf32, #tpu.memory_space<hbm>> -> memref<80x128xf32, #tpu.memory_space<hbm>>
        %dma_start3A_166 = arith.constant 0 : i32
        %dma_start3A_167 = tpu.memref_slice %arg8[%mul3A_160, %dma_start3A_166] : memref<10000x128xf32, #tpu.memory_space<vmem_shared>> -> memref<80x128xf32, #tpu.memory_space<vmem_shared>>
        tpu.enqueue_dma source(%dma_start3A_167 : memref<80x128xf32, #tpu.memory_space<vmem_shared>>) target(%dma_start3A_165 : memref<80x128xf32, #tpu.memory_space<hbm>>) target_semaphore(%run_scoped3A : memref<!tpu.dma_semaphore, #tpu.memory_space<semaphore_mem>>)
        %dma_wait3A = arith.constant 0 : i32
        %dma_wait3A_168 = tpu.memref_slice %arg4[%arg0, %mul3A_162, %dma_wait3A] : memref<2x10000x128xf32, #tpu.memory_space<hbm>> -> memref<1x80x128xf32, #tpu.memory_space<hbm>>
        %dma_wait3A_169 = tpu.memref_squeeze %dma_wait3A_168 : memref<1x80x128xf32, #tpu.memory_space<hbm>> -> memref<80x128xf32, #tpu.memory_space<hbm>>
        %dma_wait3A_170 = arith.constant 0 : i32
        %dma_wait3A_171 = tpu.memref_slice %arg8[%mul3A_160, %dma_wait3A_170] : memref<10000x128xf32, #tpu.memory_space<vmem_shared>> -> memref<80x128xf32, #tpu.memory_space<vmem_shared>>
        tpu.wait_dma2 semaphore(%run_scoped3A : memref<!tpu.dma_semaphore, #tpu.memory_space<semaphore_mem>>) src(%dma_wait3A_171 : memref<80x128xf32, #tpu.memory_space<vmem_shared>>) dst(%dma_wait3A_169 : memref<80x128xf32, #tpu.memory_space<hbm>>)
        tpu.yield
      }) : () -> ()
    } else {
    }
    %add3A_138 = arith.constant 80 : i32
    %add3A_139 = arith.addi %arg1, %add3A_138 : i32
    %lt3A_140 = arith.constant 125 : i32
    %lt3A_141 = arith.cmpi slt, %add3A_139, %lt3A_140 : i32
    %convert_element_type3A_142 = arith.extui %lt3A_141 : i1 to i32
    %cond3A_143 = arith.constant 0 : i32
    %cond3A_144 = arith.cmpi ne, %convert_element_type3A_142, %cond3A_143 : i32
    scf.if %cond3A_144 {
      %mul3A_159 = arith.constant 80 : i32
      %mul3A_160 = arith.muli %add3A_139, %mul3A_159 : i32
      %mul3A_161 = arith.constant 80 : i32
      %mul3A_162 = arith.muli %add3A_139, %mul3A_161 : i32
      "tpu.region"() ({
        %run_scoped3A = tpu.sem_alloc : memref<!tpu.dma_semaphore, #tpu.memory_space<semaphore_mem>>
        %dma_start3A_163 = arith.constant 0 : i32
        %dma_start3A_164 = tpu.memref_slice %arg4[%arg0, %mul3A_162, %dma_start3A_163] : memref<2x10000x128xf32, #tpu.memory_space<hbm>> -> memref<1x80x128xf32, #tpu.memory_space<hbm>>
        %dma_start3A_165 = tpu.memref_squeeze %dma_start3A_164 : memref<1x80x128xf32, #tpu.memory_space<hbm>> -> memref<80x128xf32, #tpu.memory_space<hbm>>
        %dma_start3A_166 = arith.constant 0 : i32
        %dma_start3A_167 = tpu.memref_slice %arg8[%mul3A_160, %dma_start3A_166] : memref<10000x128xf32, #tpu.memory_space<vmem_shared>> -> memref<80x128xf32, #tpu.memory_space<vmem_shared>>
        tpu.enqueue_dma source(%dma_start3A_167 : memref<80x128xf32, #tpu.memory_space<vmem_shared>>) target(%dma_start3A_165 : memref<80x128xf32, #tpu.memory_space<hbm>>) target_semaphore(%run_scoped3A : memref<!tpu.dma_semaphore, #tpu.memory_space<semaphore_mem>>)
        %dma_wait3A = arith.constant 0 : i32
        %dma_wait3A_168 = tpu.memref_slice %arg4[%arg0, %mul3A_162, %dma_wait3A] : memref<2x10000x128xf32, #tpu.memory_space<hbm>> -> memref<1x80x128xf32, #tpu.memory_space<hbm>>
        %dma_wait3A_169 = tpu.memref_squeeze %dma_wait3A_168 : memref<1x80x128xf32, #tpu.memory_space<hbm>> -> memref<80x128xf32, #tpu.memory_space<hbm>>
        %dma_wait3A_170 = arith.constant 0 : i32
        %dma_wait3A_171 = tpu.memref_slice %arg8[%mul3A_160, %dma_wait3A_170] : memref<10000x128xf32, #tpu.memory_space<vmem_shared>> -> memref<80x128xf32, #tpu.memory_space<vmem_shared>>
        tpu.wait_dma2 semaphore(%run_scoped3A : memref<!tpu.dma_semaphore, #tpu.memory_space<semaphore_mem>>) src(%dma_wait3A_171 : memref<80x128xf32, #tpu.memory_space<vmem_shared>>) dst(%dma_wait3A_169 : memref<80x128xf32, #tpu.memory_space<hbm>>)
        tpu.yield
      }) : () -> ()
    } else {
    }
    %add3A_145 = arith.constant 96 : i32
    %add3A_146 = arith.addi %arg1, %add3A_145 : i32
    %lt3A_147 = arith.constant 125 : i32
    %lt3A_148 = arith.cmpi slt, %add3A_146, %lt3A_147 : i32
    %convert_element_type3A_149 = arith.extui %lt3A_148 : i1 to i32
    %cond3A_150 = arith.constant 0 : i32
    %cond3A_151 = arith.cmpi ne, %convert_element_type3A_149, %cond3A_150 : i32
    scf.if %cond3A_151 {
      %mul3A_159 = arith.constant 80 : i32
      %mul3A_160 = arith.muli %add3A_146, %mul3A_159 : i32
      %mul3A_161 = arith.constant 80 : i32
      %mul3A_162 = arith.muli %add3A_146, %mul3A_161 : i32
      "tpu.region"() ({
        %run_scoped3A = tpu.sem_alloc : memref<!tpu.dma_semaphore, #tpu.memory_space<semaphore_mem>>
        %dma_start3A_163 = arith.constant 0 : i32
        %dma_start3A_164 = tpu.memref_slice %arg4[%arg0, %mul3A_162, %dma_start3A_163] : memref<2x10000x128xf32, #tpu.memory_space<hbm>> -> memref<1x80x128xf32, #tpu.memory_space<hbm>>
        %dma_start3A_165 = tpu.memref_squeeze %dma_start3A_164 : memref<1x80x128xf32, #tpu.memory_space<hbm>> -> memref<80x128xf32, #tpu.memory_space<hbm>>
        %dma_start3A_166 = arith.constant 0 : i32
        %dma_start3A_167 = tpu.memref_slice %arg8[%mul3A_160, %dma_start3A_166] : memref<10000x128xf32, #tpu.memory_space<vmem_shared>> -> memref<80x128xf32, #tpu.memory_space<vmem_shared>>
        tpu.enqueue_dma source(%dma_start3A_167 : memref<80x128xf32, #tpu.memory_space<vmem_shared>>) target(%dma_start3A_165 : memref<80x128xf32, #tpu.memory_space<hbm>>) target_semaphore(%run_scoped3A : memref<!tpu.dma_semaphore, #tpu.memory_space<semaphore_mem>>)
        %dma_wait3A = arith.constant 0 : i32
        %dma_wait3A_168 = tpu.memref_slice %arg4[%arg0, %mul3A_162, %dma_wait3A] : memref<2x10000x128xf32, #tpu.memory_space<hbm>> -> memref<1x80x128xf32, #tpu.memory_space<hbm>>
        %dma_wait3A_169 = tpu.memref_squeeze %dma_wait3A_168 : memref<1x80x128xf32, #tpu.memory_space<hbm>> -> memref<80x128xf32, #tpu.memory_space<hbm>>
        %dma_wait3A_170 = arith.constant 0 : i32
        %dma_wait3A_171 = tpu.memref_slice %arg8[%mul3A_160, %dma_wait3A_170] : memref<10000x128xf32, #tpu.memory_space<vmem_shared>> -> memref<80x128xf32, #tpu.memory_space<vmem_shared>>
        tpu.wait_dma2 semaphore(%run_scoped3A : memref<!tpu.dma_semaphore, #tpu.memory_space<semaphore_mem>>) src(%dma_wait3A_171 : memref<80x128xf32, #tpu.memory_space<vmem_shared>>) dst(%dma_wait3A_169 : memref<80x128xf32, #tpu.memory_space<hbm>>)
        tpu.yield
      }) : () -> ()
    } else {
    }
    %add3A_152 = arith.constant 112 : i32
    %add3A_153 = arith.addi %arg1, %add3A_152 : i32
    %lt3A_154 = arith.constant 125 : i32
    %lt3A_155 = arith.cmpi slt, %add3A_153, %lt3A_154 : i32
    %convert_element_type3A_156 = arith.extui %lt3A_155 : i1 to i32
    %cond3A_157 = arith.constant 0 : i32
    %cond3A_158 = arith.cmpi ne, %convert_element_type3A_156, %cond3A_157 : i32
    scf.if %cond3A_158 {
      %mul3A_159 = arith.constant 80 : i32
      %mul3A_160 = arith.muli %add3A_153, %mul3A_159 : i32
      %mul3A_161 = arith.constant 80 : i32
      %mul3A_162 = arith.muli %add3A_153, %mul3A_161 : i32
      "tpu.region"() ({
        %run_scoped3A = tpu.sem_alloc : memref<!tpu.dma_semaphore, #tpu.memory_space<semaphore_mem>>
        %dma_start3A_163 = arith.constant 0 : i32
        %dma_start3A_164 = tpu.memref_slice %arg4[%arg0, %mul3A_162, %dma_start3A_163] : memref<2x10000x128xf32, #tpu.memory_space<hbm>> -> memref<1x80x128xf32, #tpu.memory_space<hbm>>
        %dma_start3A_165 = tpu.memref_squeeze %dma_start3A_164 : memref<1x80x128xf32, #tpu.memory_space<hbm>> -> memref<80x128xf32, #tpu.memory_space<hbm>>
        %dma_start3A_166 = arith.constant 0 : i32
        %dma_start3A_167 = tpu.memref_slice %arg8[%mul3A_160, %dma_start3A_166] : memref<10000x128xf32, #tpu.memory_space<vmem_shared>> -> memref<80x128xf32, #tpu.memory_space<vmem_shared>>
        tpu.enqueue_dma source(%dma_start3A_167 : memref<80x128xf32, #tpu.memory_space<vmem_shared>>) target(%dma_start3A_165 : memref<80x128xf32, #tpu.memory_space<hbm>>) target_semaphore(%run_scoped3A : memref<!tpu.dma_semaphore, #tpu.memory_space<semaphore_mem>>)
        %dma_wait3A = arith.constant 0 : i32
        %dma_wait3A_168 = tpu.memref_slice %arg4[%arg0, %mul3A_162, %dma_wait3A] : memref<2x10000x128xf32, #tpu.memory_space<hbm>> -> memref<1x80x128xf32, #tpu.memory_space<hbm>>
        %dma_wait3A_169 = tpu.memref_squeeze %dma_wait3A_168 : memref<1x80x128xf32, #tpu.memory_space<hbm>> -> memref<80x128xf32, #tpu.memory_space<hbm>>
        %dma_wait3A_170 = arith.constant 0 : i32
        %dma_wait3A_171 = tpu.memref_slice %arg8[%mul3A_160, %dma_wait3A_170] : memref<10000x128xf32, #tpu.memory_space<vmem_shared>> -> memref<80x128xf32, #tpu.memory_space<vmem_shared>>
        tpu.wait_dma2 semaphore(%run_scoped3A : memref<!tpu.dma_semaphore, #tpu.memory_space<semaphore_mem>>) src(%dma_wait3A_171 : memref<80x128xf32, #tpu.memory_space<vmem_shared>>) dst(%dma_wait3A_169 : memref<80x128xf32, #tpu.memory_space<hbm>>)
        tpu.yield
      }) : () -> ()
    } else {
    }
    return
  }
}

module attributes {stable_mosaic.version = 14 : i64} {
  func.func @_prep_body(%arg0: i32, %arg1: memref<5000x128xf32, #tpu.memory_space<vmem>>, %arg2: memref<5000x1xf32, #tpu.memory_space<vmem>>, %arg3: memref<5000x1xf32, #tpu.memory_space<vmem>>, %arg4: memref<5000x1xf32, #tpu.memory_space<vmem>>, %arg5: memref<5000x128xf32, #tpu.memory_space<vmem>>) attributes {dimension_semantics = [#tpu.dimension_semantics<arbitrary>], iteration_bounds = array<i64: 2>, scalar_prefetch = 0 : i64, scratch_operands = 0 : i64, tpu.core_type = #tpu.core_type<tc>, window_params = [{transform_indices = @transform_0, window_bounds = array<i64: 5000, 128>}, {transform_indices = @transform_1, window_bounds = array<i64: 5000, 1>}, {transform_indices = @transform_2, window_bounds = array<i64: 5000, 1>}, {transform_indices = @transform_3, window_bounds = array<i64: 5000, 1>}, {transform_indices = @transform_4, window_bounds = array<i64: 5000, 128>}]} {
    %get3A = arith.constant 0 : index
    %get3A_0 = arith.constant 0 : index
    %get3A_1 = vector.load %arg2[%get3A, %get3A_0] : memref<5000x1xf32, #tpu.memory_space<vmem>>, vector<5000x1xf32>
    %get3A_2 = arith.constant 0 : index
    %get3A_3 = arith.constant 0 : index
    %get3A_4 = vector.load %arg3[%get3A_2, %get3A_3] : memref<5000x1xf32, #tpu.memory_space<vmem>>, vector<5000x1xf32>
    %add3A = arith.addf %get3A_1, %get3A_4 : vector<5000x1xf32>
    %add3A_5 = arith.constant 1.000000e+00 : f32
    %add3A_6 = vector.broadcast %add3A_5 : f32 to vector<5000x1xf32>
    %add3A_7 = arith.addf %add3A, %add3A_6 : vector<5000x1xf32>
    %rsqrt3A = math.rsqrt %add3A_7 : vector<5000x1xf32>
    %swap3A = arith.constant 0 : index
    %swap3A_8 = arith.constant 0 : index
    %swap3A_9 = vector.load %arg4[%swap3A, %swap3A_8] : memref<5000x1xf32, #tpu.memory_space<vmem>>, vector<5000x1xf32>
    tpu.vector_store %arg4[%swap3A, %swap3A_8], %rsqrt3A {strides = array<i32>} : memref<5000x1xf32, #tpu.memory_space<vmem>>, vector<5000x1xf32>,
    %get3A_10 = arith.constant 0 : index
    %get3A_11 = arith.constant 0 : index
    %get3A_12 = vector.load %arg1[%get3A_10, %get3A_11] : memref<5000x128xf32, #tpu.memory_space<vmem>>, vector<5000x128xf32>
    %mul3A = vector.broadcast %rsqrt3A : vector<5000x1xf32> to vector<5000x128xf32>
    %mul3A_13 = arith.mulf %get3A_12, %mul3A : vector<5000x128xf32>
    %swap3A_14 = arith.constant 0 : index
    %swap3A_15 = arith.constant 0 : index
    %swap3A_16 = vector.load %arg5[%swap3A_14, %swap3A_15] : memref<5000x128xf32, #tpu.memory_space<vmem>>, vector<5000x128xf32>
    tpu.vector_store %arg5[%swap3A_14, %swap3A_15], %mul3A_13 {strides = array<i32>} : memref<5000x128xf32, #tpu.memory_space<vmem>>, vector<5000x128xf32>,
    return
  }
  func.func @transform_0(%arg0: i32) -> (i32, i32) {
    %c0_i32 = arith.constant 0 : i32
    %c0_i32_0 = arith.constant 0 : i32
    return %arg0, %c0_i32 : i32, i32
  }
  func.func @transform_1(%arg0: i32) -> (i32, i32) {
    %c0_i32 = arith.constant 0 : i32
    %c0_i32_0 = arith.constant 0 : i32
    return %arg0, %c0_i32 : i32, i32
  }
  func.func @transform_2(%arg0: i32) -> (i32, i32) {
    %c0_i32 = arith.constant 0 : i32
    %c0_i32_0 = arith.constant 0 : i32
    return %arg0, %c0_i32 : i32, i32
  }
  func.func @transform_3(%arg0: i32) -> (i32, i32) {
    %c0_i32 = arith.constant 0 : i32
    %c0_i32_0 = arith.constant 0 : i32
    return %arg0, %c0_i32 : i32, i32
  }
  func.func @transform_4(%arg0: i32) -> (i32, i32) {
    %c0_i32 = arith.constant 0 : i32
    %c0_i32_0 = arith.constant 0 : i32
    return %arg0, %c0_i32 : i32, i32
  }
}

module attributes {stable_mosaic.version = 14 : i64} {
  func.func @_layer0_body(%arg0: i32, %arg1: memref<5000x128xf32, #tpu.memory_space<vmem>>, %arg2: memref<1x5000x128xf32, #tpu.memory_space<vmem>>, %arg3: memref<1x5000x128xf32, #tpu.memory_space<vmem>>, %arg4: memref<5000x1xf32, #tpu.memory_space<vmem>>, %arg5: memref<128x128xf32, #tpu.memory_space<vmem>>, %arg6: memref<1x128xf32, #tpu.memory_space<vmem>>, %arg7: memref<128x256xf32, #tpu.memory_space<vmem>>, %arg8: memref<1x256xf32, #tpu.memory_space<vmem>>, %arg9: memref<256x128xf32, #tpu.memory_space<vmem>>, %arg10: memref<1x128xf32, #tpu.memory_space<vmem>>, %arg11: memref<1x128xf32, #tpu.memory_space<vmem>>, %arg12: memref<1x128xf32, #tpu.memory_space<vmem>>, %arg13: memref<1x128xf32, #tpu.memory_space<vmem>>, %arg14: memref<1x128xf32, #tpu.memory_space<vmem>>, %arg15: memref<128x4xf32, #tpu.memory_space<vmem>>, %arg16: memref<1x4xf32, #tpu.memory_space<vmem>>, %arg17: memref<5000x128xf32, #tpu.memory_space<vmem>>, %arg18: memref<5000x128xf32, #tpu.memory_space<vmem>>, %arg19: memref<5000x4xf32, #tpu.memory_space<vmem>>) attributes {dimension_semantics = [#tpu.dimension_semantics<arbitrary>], iteration_bounds = array<i64: 2>, scalar_prefetch = 0 : i64, scratch_operands = 0 : i64, tpu.core_type = #tpu.core_type<tc>, window_params = [{transform_indices = @transform_0, window_bounds = array<i64: 5000, 128>}, {transform_indices = @transform_1, window_bounds = array<i64: 1, 5000, 128>}, {transform_indices = @transform_2, window_bounds = array<i64: 1, 5000, 128>}, {transform_indices = @transform_3, window_bounds = array<i64: 5000, 1>}, {pipeline_mode = #tpu.pipeline_mode<synchronous>, transform_indices = @transform_4, window_bounds = array<i64: 128, 128>}, {pipeline_mode = #tpu.pipeline_mode<synchronous>, transform_indices = @transform_5, window_bounds = array<i64: 1, 128>}, {pipeline_mode = #tpu.pipeline_mode<synchronous>, transform_indices = @transform_6, window_bounds = array<i64: 128, 256>}, {pipeline_mode = #tpu.pipeline_mode<synchronous>, transform_indices = @transform_7, window_bounds = array<i64: 1, 256>}, {pipeline_mode = #tpu.pipeline_mode<synchronous>, transform_indices = @transform_8, window_bounds = array<i64: 256, 128>}, {pipeline_mode = #tpu.pipeline_mode<synchronous>, transform_indices = @transform_9, window_bounds = array<i64: 1, 128>}, {pipeline_mode = #tpu.pipeline_mode<synchronous>, transform_indices = @transform_10, window_bounds = array<i64: 1, 128>}, {pipeline_mode = #tpu.pipeline_mode<synchronous>, transform_indices = @transform_11, window_bounds = array<i64: 1, 128>}, {pipeline_mode = #tpu.pipeline_mode<synchronous>, transform_indices = @transform_12, window_bounds = array<i64: 1, 128>}, {pipeline_mode = #tpu.pipeline_mode<synchronous>, transform_indices = @transform_13, window_bounds = array<i64: 1, 128>}, {pipeline_mode = #tpu.pipeline_mode<synchronous>, transform_indices = @transform_14, window_bounds = array<i64: 128, 4>}, {pipeline_mode = #tpu.pipeline_mode<synchronous>, transform_indices = @transform_15, window_bounds = array<i64: 1, 4>}, {transform_indices = @transform_16, window_bounds = array<i64: 5000, 128>}, {transform_indices = @transform_17, window_bounds = array<i64: 5000, 128>}, {transform_indices = @transform_18, window_bounds = array<i64: 5000, 4>}]} {
    %get3A = arith.constant 0 : index
    %get3A_0 = arith.constant 0 : index
    %get3A_1 = vector.load %arg4[%get3A, %get3A_0] : memref<5000x1xf32, #tpu.memory_space<vmem>>, vector<5000x1xf32>
    %get3A_2 = arith.constant 0 : index
    %get3A_3 = arith.constant 0 : index
    %get3A_4 = vector.load %arg1[%get3A_2, %get3A_3] : memref<5000x128xf32, #tpu.memory_space<vmem>>, vector<5000x128xf32>
    %get3A_5 = arith.constant 0 : index
    %get3A_6 = arith.constant 0 : index
    %get3A_7 = arith.constant 0 : index
    %get3A_8 = vector.load %arg2[%get3A_5, %get3A_6, %get3A_7] : memref<1x5000x128xf32, #tpu.memory_space<vmem>>, vector<1x5000x128xf32>
    %get3A_9 = vector.shape_cast %get3A_8 : vector<1x5000x128xf32> to vector<5000x128xf32>
    %get3A_10 = arith.constant 0 : index
    %get3A_11 = arith.constant 0 : index
    %get3A_12 = arith.constant 0 : index
    %get3A_13 = vector.load %arg3[%get3A_10, %get3A_11, %get3A_12] : memref<1x5000x128xf32, #tpu.memory_space<vmem>>, vector<1x5000x128xf32>
    %get3A_14 = vector.shape_cast %get3A_13 : vector<1x5000x128xf32> to vector<5000x128xf32>
    %get3A_15 = arith.constant 0 : index
    %get3A_16 = arith.constant 0 : index
    %get3A_17 = vector.load %arg5[%get3A_15, %get3A_16] : memref<128x128xf32, #tpu.memory_space<vmem>>, vector<128x128xf32>
    %get3A_18 = arith.constant 0 : index
    %get3A_19 = arith.constant 0 : index
    %get3A_20 = vector.load %arg6[%get3A_18, %get3A_19] : memref<1x128xf32, #tpu.memory_space<vmem>>, vector<1x128xf32>
    %get3A_21 = arith.constant 0 : index
    %get3A_22 = arith.constant 0 : index
    %get3A_23 = vector.load %arg7[%get3A_21, %get3A_22] : memref<128x256xf32, #tpu.memory_space<vmem>>, vector<128x256xf32>
    %get3A_24 = arith.constant 0 : index
    %get3A_25 = arith.constant 0 : index
    %get3A_26 = vector.load %arg8[%get3A_24, %get3A_25] : memref<1x256xf32, #tpu.memory_space<vmem>>, vector<1x256xf32>
    %get3A_27 = arith.constant 0 : index
    %get3A_28 = arith.constant 0 : index
    %get3A_29 = vector.load %arg9[%get3A_27, %get3A_28] : memref<256x128xf32, #tpu.memory_space<vmem>>, vector<256x128xf32>
    %get3A_30 = arith.constant 0 : index
    %get3A_31 = arith.constant 0 : index
    %get3A_32 = vector.load %arg10[%get3A_30, %get3A_31] : memref<1x128xf32, #tpu.memory_space<vmem>>, vector<1x128xf32>
    %get3A_33 = arith.constant 0 : index
    %get3A_34 = arith.constant 0 : index
    %get3A_35 = vector.load %arg11[%get3A_33, %get3A_34] : memref<1x128xf32, #tpu.memory_space<vmem>>, vector<1x128xf32>
    %get3A_36 = arith.constant 0 : index
    %get3A_37 = arith.constant 0 : index
    %get3A_38 = vector.load %arg12[%get3A_36, %get3A_37] : memref<1x128xf32, #tpu.memory_space<vmem>>, vector<1x128xf32>
    %get3A_39 = arith.constant 0 : index
    %get3A_40 = arith.constant 0 : index
    %get3A_41 = vector.load %arg13[%get3A_39, %get3A_40] : memref<1x128xf32, #tpu.memory_space<vmem>>, vector<1x128xf32>
    %get3A_42 = arith.constant 0 : index
    %get3A_43 = arith.constant 0 : index
    %get3A_44 = vector.load %arg14[%get3A_42, %get3A_43] : memref<1x128xf32, #tpu.memory_space<vmem>>, vector<1x128xf32>
    %add3A = arith.addf %get3A_9, %get3A_14 : vector<5000x128xf32>
    %mul3A = vector.broadcast %get3A_1 : vector<5000x1xf32> to vector<5000x128xf32>
    %mul3A_45 = arith.mulf %mul3A, %add3A : vector<5000x128xf32>
    %mul3A_46 = arith.mulf %get3A_1, %get3A_1 : vector<5000x1xf32>
    %mul3A_47 = vector.broadcast %mul3A_46 : vector<5000x1xf32> to vector<5000x128xf32>
    %mul3A_48 = arith.mulf %mul3A_47, %get3A_4 : vector<5000x128xf32>
    %add3A_49 = arith.addf %mul3A_45, %mul3A_48 : vector<5000x128xf32>
    %dot_general3A = arith.constant dense<0.000000e+00> : vector<5000x128xf32>
    %dot_general3A_50 = tpu.matmul %add3A_49, %get3A_17, %dot_general3A {dimension_numbers = #tpu.dot_dimension_numbers<[1], [0], [0], [1], [0, 0, 1, 1], [], []>, transpose_lhs_hint = false} : vector<5000x128xf32>, vector<128x128xf32>, vector<5000x128xf32> -> vector<5000x128xf32>
    %add3A_51 = arith.addf %get3A_4, %dot_general3A_50 : vector<5000x128xf32>
    %add3A_52 = vector.broadcast %get3A_20 : vector<1x128xf32> to vector<5000x128xf32>
    %add3A_53 = arith.addf %add3A_51, %add3A_52 : vector<5000x128xf32>
    %reduce_sum3A = arith.constant dense<0.000000e+00> : vector<5000xf32>
    %reduce_sum3A_54 = vector.multi_reduction <add>, %add3A_53, %reduce_sum3A [1] : vector<5000x128xf32> to vector<5000xf32>
    %broadcast_in_dim3A = vector.shape_cast %reduce_sum3A_54 : vector<5000xf32> to vector<5000x1xf32>
    %div3A = arith.constant 1.280000e+02 : f32
    %div3A_55 = vector.broadcast %div3A : f32 to vector<5000x1xf32>
    %div3A_56 = arith.divf %broadcast_in_dim3A, %div3A_55 : vector<5000x1xf32>
    %sub3A = vector.broadcast %div3A_56 : vector<5000x1xf32> to vector<5000x128xf32>
    %sub3A_57 = arith.subf %add3A_53, %sub3A : vector<5000x128xf32>
    %integer_pow3A = arith.mulf %sub3A_57, %sub3A_57 : vector<5000x128xf32>
    %reduce_sum3A_58 = arith.constant dense<0.000000e+00> : vector<5000xf32>
    %reduce_sum3A_59 = vector.multi_reduction <add>, %integer_pow3A, %reduce_sum3A_58 [1] : vector<5000x128xf32> to vector<5000xf32>
    %broadcast_in_dim3A_60 = vector.shape_cast %reduce_sum3A_59 : vector<5000xf32> to vector<5000x1xf32>
    %div3A_61 = arith.constant 1.280000e+02 : f32
    %div3A_62 = vector.broadcast %div3A_61 : f32 to vector<5000x1xf32>
    %div3A_63 = arith.divf %broadcast_in_dim3A_60, %div3A_62 : vector<5000x1xf32>
    %sub3A_64 = vector.broadcast %div3A_56 : vector<5000x1xf32> to vector<5000x128xf32>
    %sub3A_65 = arith.subf %add3A_53, %sub3A_64 : vector<5000x128xf32>
    %add3A_66 = arith.constant 9.99999974E-6 : f32
    %add3A_67 = vector.broadcast %add3A_66 : f32 to vector<5000x1xf32>
    %add3A_68 = arith.addf %div3A_63, %add3A_67 : vector<5000x1xf32>
    %rsqrt3A = math.rsqrt %add3A_68 : vector<5000x1xf32>
    %mul3A_69 = vector.broadcast %rsqrt3A : vector<5000x1xf32> to vector<5000x128xf32>
    %mul3A_70 = arith.mulf %sub3A_65, %mul3A_69 : vector<5000x128xf32>
    %mul3A_71 = vector.broadcast %get3A_35 : vector<1x128xf32> to vector<5000x128xf32>
    %mul3A_72 = arith.mulf %mul3A_70, %mul3A_71 : vector<5000x128xf32>
    %add3A_73 = vector.broadcast %get3A_38 : vector<1x128xf32> to vector<5000x128xf32>
    %add3A_74 = arith.addf %mul3A_72, %add3A_73 : vector<5000x128xf32>
    %dot_general3A_75 = arith.constant dense<0.000000e+00> : vector<5000x256xf32>
    %dot_general3A_76 = tpu.matmul %add3A_74, %get3A_23, %dot_general3A_75 {dimension_numbers = #tpu.dot_dimension_numbers<[1], [0], [0], [1], [0, 0, 1, 1], [], []>, transpose_lhs_hint = false} : vector<5000x128xf32>, vector<128x256xf32>, vector<5000x256xf32> -> vector<5000x256xf32>
    %add3A_77 = vector.broadcast %get3A_26 : vector<1x256xf32> to vector<5000x256xf32>
    %add3A_78 = arith.addf %dot_general3A_76, %add3A_77 : vector<5000x256xf32>
    %max3A = arith.constant 0.000000e+00 : f32
    %max3A_79 = vector.broadcast %max3A : f32 to vector<5000x256xf32>
    %max3A_80 = arith.maximumf %add3A_78, %max3A_79 : vector<5000x256xf32>
    %dot_general3A_81 = arith.constant dense<0.000000e+00> : vector<5000x128xf32>
    %dot_general3A_82 = tpu.matmul %max3A_80, %get3A_29, %dot_general3A_81 {dimension_numbers = #tpu.dot_dimension_numbers<[1], [0], [0], [1], [0, 0, 1, 1], [], []>, transpose_lhs_hint = false} : vector<5000x256xf32>, vector<256x128xf32>, vector<5000x128xf32> -> vector<5000x128xf32>
    %add3A_83 = vector.broadcast %get3A_32 : vector<1x128xf32> to vector<5000x128xf32>
    %add3A_84 = arith.addf %dot_general3A_82, %add3A_83 : vector<5000x128xf32>
    %add3A_85 = arith.addf %add3A_74, %add3A_84 : vector<5000x128xf32>
    %reduce_sum3A_86 = arith.constant dense<0.000000e+00> : vector<5000xf32>
    %reduce_sum3A_87 = vector.multi_reduction <add>, %add3A_85, %reduce_sum3A_86 [1] : vector<5000x128xf32> to vector<5000xf32>
    %broadcast_in_dim3A_88 = vector.shape_cast %reduce_sum3A_87 : vector<5000xf32> to vector<5000x1xf32>
    %div3A_89 = arith.constant 1.280000e+02 : f32
    %div3A_90 = vector.broadcast %div3A_89 : f32 to vector<5000x1xf32>
    %div3A_91 = arith.divf %broadcast_in_dim3A_88, %div3A_90 : vector<5000x1xf32>
    %sub3A_92 = vector.broadcast %div3A_91 : vector<5000x1xf32> to vector<5000x128xf32>
    %sub3A_93 = arith.subf %add3A_85, %sub3A_92 : vector<5000x128xf32>
    %integer_pow3A_94 = arith.mulf %sub3A_93, %sub3A_93 : vector<5000x128xf32>
    %reduce_sum3A_95 = arith.constant dense<0.000000e+00> : vector<5000xf32>
    %reduce_sum3A_96 = vector.multi_reduction <add>, %integer_pow3A_94, %reduce_sum3A_95 [1] : vector<5000x128xf32> to vector<5000xf32>
    %broadcast_in_dim3A_97 = vector.shape_cast %reduce_sum3A_96 : vector<5000xf32> to vector<5000x1xf32>
    %div3A_98 = arith.constant 1.280000e+02 : f32
    %div3A_99 = vector.broadcast %div3A_98 : f32 to vector<5000x1xf32>
    %div3A_100 = arith.divf %broadcast_in_dim3A_97, %div3A_99 : vector<5000x1xf32>
    %sub3A_101 = vector.broadcast %div3A_91 : vector<5000x1xf32> to vector<5000x128xf32>
    %sub3A_102 = arith.subf %add3A_85, %sub3A_101 : vector<5000x128xf32>
    %add3A_103 = arith.constant 9.99999974E-6 : f32
    %add3A_104 = vector.broadcast %add3A_103 : f32 to vector<5000x1xf32>
    %add3A_105 = arith.addf %div3A_100, %add3A_104 : vector<5000x1xf32>
    %rsqrt3A_106 = math.rsqrt %add3A_105 : vector<5000x1xf32>
    %mul3A_107 = vector.broadcast %rsqrt3A_106 : vector<5000x1xf32> to vector<5000x128xf32>
    %mul3A_108 = arith.mulf %sub3A_102, %mul3A_107 : vector<5000x128xf32>
    %mul3A_109 = vector.broadcast %get3A_41 : vector<1x128xf32> to vector<5000x128xf32>
    %mul3A_110 = arith.mulf %mul3A_108, %mul3A_109 : vector<5000x128xf32>
    %add3A_111 = vector.broadcast %get3A_44 : vector<1x128xf32> to vector<5000x128xf32>
    %add3A_112 = arith.addf %mul3A_110, %add3A_111 : vector<5000x128xf32>
    %swap3A = arith.constant 0 : index
    %swap3A_113 = arith.constant 0 : index
    %swap3A_114 = vector.load %arg17[%swap3A, %swap3A_113] : memref<5000x128xf32, #tpu.memory_space<vmem>>, vector<5000x128xf32>
    tpu.vector_store %arg17[%swap3A, %swap3A_113], %add3A_112 {strides = array<i32>} : memref<5000x128xf32, #tpu.memory_space<vmem>>, vector<5000x128xf32>,
    %mul3A_115 = vector.broadcast %get3A_1 : vector<5000x1xf32> to vector<5000x128xf32>
    %mul3A_116 = arith.mulf %add3A_112, %mul3A_115 : vector<5000x128xf32>
    %swap3A_117 = arith.constant 0 : index
    %swap3A_118 = arith.constant 0 : index
    %swap3A_119 = vector.load %arg18[%swap3A_117, %swap3A_118] : memref<5000x128xf32, #tpu.memory_space<vmem>>, vector<5000x128xf32>
    tpu.vector_store %arg18[%swap3A_117, %swap3A_118], %mul3A_116 {strides = array<i32>} : memref<5000x128xf32, #tpu.memory_space<vmem>>, vector<5000x128xf32>,
    %get3A_120 = arith.constant 0 : index
    %get3A_121 = arith.constant 0 : index
    %get3A_122 = vector.load %arg15[%get3A_120, %get3A_121] : memref<128x4xf32, #tpu.memory_space<vmem>>, vector<128x4xf32>
    %dot_general3A_123 = arith.constant dense<0.000000e+00> : vector<5000x4xf32>
    %dot_general3A_124 = tpu.matmul %add3A_112, %get3A_122, %dot_general3A_123 {dimension_numbers = #tpu.dot_dimension_numbers<[1], [0], [0], [1], [0, 0, 1, 1], [], []>, transpose_lhs_hint = false} : vector<5000x128xf32>, vector<128x4xf32>, vector<5000x4xf32> -> vector<5000x4xf32>
    %get3A_125 = arith.constant 0 : index
    %get3A_126 = arith.constant 0 : index
    %get3A_127 = vector.load %arg16[%get3A_125, %get3A_126] : memref<1x4xf32, #tpu.memory_space<vmem>>, vector<1x4xf32>
    %add3A_128 = vector.broadcast %get3A_127 : vector<1x4xf32> to vector<5000x4xf32>
    %add3A_129 = arith.addf %dot_general3A_124, %add3A_128 : vector<5000x4xf32>
    %swap3A_130 = arith.constant 0 : index
    %swap3A_131 = arith.constant 0 : index
    %swap3A_132 = vector.load %arg19[%swap3A_130, %swap3A_131] : memref<5000x4xf32, #tpu.memory_space<vmem>>, vector<5000x4xf32>
    tpu.vector_store %arg19[%swap3A_130, %swap3A_131], %add3A_129 {strides = array<i32>} : memref<5000x4xf32, #tpu.memory_space<vmem>>, vector<5000x4xf32>,
    return
  }
  func.func @transform_0(%arg0: i32) -> (i32, i32) {
    %c0_i32 = arith.constant 0 : i32
    %c0_i32_0 = arith.constant 0 : i32
    return %arg0, %c0_i32 : i32, i32
  }
  func.func @transform_1(%arg0: i32) -> (i32, i32, i32) {
    %c0_i32 = arith.constant 0 : i32
    %c0_i32_0 = arith.constant 0 : i32
    %c0_i32_1 = arith.constant 0 : i32
    return %c0_i32, %arg0, %c0_i32_0 : i32, i32, i32
  }
  func.func @transform_2(%arg0: i32) -> (i32, i32, i32) {
    %c1_i32 = arith.constant 1 : i32
    %c0_i32 = arith.constant 0 : i32
    %c0_i32_0 = arith.constant 0 : i32
    return %c1_i32, %arg0, %c0_i32 : i32, i32, i32
  }
  func.func @transform_3(%arg0: i32) -> (i32, i32) {
    %c0_i32 = arith.constant 0 : i32
    %c0_i32_0 = arith.constant 0 : i32
    return %arg0, %c0_i32 : i32, i32
  }
  func.func @transform_4(%arg0: i32) -> (i32, i32) {
    %c0_i32 = arith.constant 0 : i32
    %c0_i32_0 = arith.constant 0 : i32
    %c0_i32_1 = arith.constant 0 : i32
    return %c0_i32, %c0_i32_0 : i32, i32
  }
  func.func @transform_5(%arg0: i32) -> (i32, i32) {
    %c0_i32 = arith.constant 0 : i32
    %c0_i32_0 = arith.constant 0 : i32
    %c0_i32_1 = arith.constant 0 : i32
    return %c0_i32, %c0_i32_0 : i32, i32
  }
  func.func @transform_6(%arg0: i32) -> (i32, i32) {
    %c0_i32 = arith.constant 0 : i32
    %c0_i32_0 = arith.constant 0 : i32
    %c0_i32_1 = arith.constant 0 : i32
    return %c0_i32, %c0_i32_0 : i32, i32
  }
  func.func @transform_7(%arg0: i32) -> (i32, i32) {
    %c0_i32 = arith.constant 0 : i32
    %c0_i32_0 = arith.constant 0 : i32
    %c0_i32_1 = arith.constant 0 : i32
    return %c0_i32, %c0_i32_0 : i32, i32
  }
  func.func @transform_8(%arg0: i32) -> (i32, i32) {
    %c0_i32 = arith.constant 0 : i32
    %c0_i32_0 = arith.constant 0 : i32
    %c0_i32_1 = arith.constant 0 : i32
    return %c0_i32, %c0_i32_0 : i32, i32
  }
  func.func @transform_9(%arg0: i32) -> (i32, i32) {
    %c0_i32 = arith.constant 0 : i32
    %c0_i32_0 = arith.constant 0 : i32
    %c0_i32_1 = arith.constant 0 : i32
    return %c0_i32, %c0_i32_0 : i32, i32
  }
  func.func @transform_10(%arg0: i32) -> (i32, i32) {
    %c0_i32 = arith.constant 0 : i32
    %c0_i32_0 = arith.constant 0 : i32
    %c0_i32_1 = arith.constant 0 : i32
    return %c0_i32, %c0_i32_0 : i32, i32
  }
  func.func @transform_11(%arg0: i32) -> (i32, i32) {
    %c0_i32 = arith.constant 0 : i32
    %c0_i32_0 = arith.constant 0 : i32
    %c0_i32_1 = arith.constant 0 : i32
    return %c0_i32, %c0_i32_0 : i32, i32
  }
  func.func @transform_12(%arg0: i32) -> (i32, i32) {
    %c0_i32 = arith.constant 0 : i32
    %c0_i32_0 = arith.constant 0 : i32
    %c0_i32_1 = arith.constant 0 : i32
    return %c0_i32, %c0_i32_0 : i32, i32
  }
  func.func @transform_13(%arg0: i32) -> (i32, i32) {
    %c0_i32 = arith.constant 0 : i32
    %c0_i32_0 = arith.constant 0 : i32
    %c0_i32_1 = arith.constant 0 : i32
    return %c0_i32, %c0_i32_0 : i32, i32
  }
  func.func @transform_14(%arg0: i32) -> (i32, i32) {
    %c0_i32 = arith.constant 0 : i32
    %c0_i32_0 = arith.constant 0 : i32
    %c0_i32_1 = arith.constant 0 : i32
    return %c0_i32, %c0_i32_0 : i32, i32
  }
  func.func @transform_15(%arg0: i32) -> (i32, i32) {
    %c0_i32 = arith.constant 0 : i32
    %c0_i32_0 = arith.constant 0 : i32
    %c0_i32_1 = arith.constant 0 : i32
    return %c0_i32, %c0_i32_0 : i32, i32
  }
  func.func @transform_16(%arg0: i32) -> (i32, i32) {
    %c0_i32 = arith.constant 0 : i32
    %c0_i32_0 = arith.constant 0 : i32
    return %arg0, %c0_i32 : i32, i32
  }
  func.func @transform_17(%arg0: i32) -> (i32, i32) {
    %c0_i32 = arith.constant 0 : i32
    %c0_i32_0 = arith.constant 0 : i32
    return %arg0, %c0_i32 : i32, i32
  }
  func.func @transform_18(%arg0: i32) -> (i32, i32) {
    %c0_i32 = arith.constant 0 : i32
    %c0_i32_0 = arith.constant 0 : i32
    return %arg0, %c0_i32 : i32, i32
  }
}

module attributes {stable_mosaic.version = 14 : i64} {
  func.func @_layerf_body(%arg0: i32, %arg1: memref<5000x128xf32, #tpu.memory_space<vmem>>, %arg2: memref<1x5000x128xf32, #tpu.memory_space<vmem>>, %arg3: memref<1x5000x128xf32, #tpu.memory_space<vmem>>, %arg4: memref<5000x1xf32, #tpu.memory_space<vmem>>, %arg5: memref<5000x4xf32, #tpu.memory_space<vmem>>, %arg6: memref<128x128xf32, #tpu.memory_space<vmem>>, %arg7: memref<1x128xf32, #tpu.memory_space<vmem>>, %arg8: memref<128x256xf32, #tpu.memory_space<vmem>>, %arg9: memref<1x256xf32, #tpu.memory_space<vmem>>, %arg10: memref<256x128xf32, #tpu.memory_space<vmem>>, %arg11: memref<1x128xf32, #tpu.memory_space<vmem>>, %arg12: memref<1x128xf32, #tpu.memory_space<vmem>>, %arg13: memref<1x128xf32, #tpu.memory_space<vmem>>, %arg14: memref<1x128xf32, #tpu.memory_space<vmem>>, %arg15: memref<1x128xf32, #tpu.memory_space<vmem>>, %arg16: memref<128x4xf32, #tpu.memory_space<vmem>>, %arg17: memref<1x4xf32, #tpu.memory_space<vmem>>, %arg18: memref<5000x132xf32, #tpu.memory_space<vmem>>) attributes {dimension_semantics = [#tpu.dimension_semantics<arbitrary>], iteration_bounds = array<i64: 2>, scalar_prefetch = 0 : i64, scratch_operands = 0 : i64, tpu.core_type = #tpu.core_type<tc>, window_params = [{transform_indices = @transform_0, window_bounds = array<i64: 5000, 128>}, {transform_indices = @transform_1, window_bounds = array<i64: 1, 5000, 128>}, {transform_indices = @transform_2, window_bounds = array<i64: 1, 5000, 128>}, {transform_indices = @transform_3, window_bounds = array<i64: 5000, 1>}, {transform_indices = @transform_4, window_bounds = array<i64: 5000, 4>}, {pipeline_mode = #tpu.pipeline_mode<synchronous>, transform_indices = @transform_5, window_bounds = array<i64: 128, 128>}, {pipeline_mode = #tpu.pipeline_mode<synchronous>, transform_indices = @transform_6, window_bounds = array<i64: 1, 128>}, {pipeline_mode = #tpu.pipeline_mode<synchronous>, transform_indices = @transform_7, window_bounds = array<i64: 128, 256>}, {pipeline_mode = #tpu.pipeline_mode<synchronous>, transform_indices = @transform_8, window_bounds = array<i64: 1, 256>}, {pipeline_mode = #tpu.pipeline_mode<synchronous>, transform_indices = @transform_9, window_bounds = array<i64: 256, 128>}, {pipeline_mode = #tpu.pipeline_mode<synchronous>, transform_indices = @transform_10, window_bounds = array<i64: 1, 128>}, {pipeline_mode = #tpu.pipeline_mode<synchronous>, transform_indices = @transform_11, window_bounds = array<i64: 1, 128>}, {pipeline_mode = #tpu.pipeline_mode<synchronous>, transform_indices = @transform_12, window_bounds = array<i64: 1, 128>}, {pipeline_mode = #tpu.pipeline_mode<synchronous>, transform_indices = @transform_13, window_bounds = array<i64: 1, 128>}, {pipeline_mode = #tpu.pipeline_mode<synchronous>, transform_indices = @transform_14, window_bounds = array<i64: 1, 128>}, {pipeline_mode = #tpu.pipeline_mode<synchronous>, transform_indices = @transform_15, window_bounds = array<i64: 128, 4>}, {pipeline_mode = #tpu.pipeline_mode<synchronous>, transform_indices = @transform_16, window_bounds = array<i64: 1, 4>}, {transform_indices = @transform_17, window_bounds = array<i64: 5000, 132>}]} {
    %get3A = arith.constant 0 : index
    %get3A_0 = arith.constant 0 : index
    %get3A_1 = vector.load %arg4[%get3A, %get3A_0] : memref<5000x1xf32, #tpu.memory_space<vmem>>, vector<5000x1xf32>
    %get3A_2 = arith.constant 0 : index
    %get3A_3 = arith.constant 0 : index
    %get3A_4 = vector.load %arg1[%get3A_2, %get3A_3] : memref<5000x128xf32, #tpu.memory_space<vmem>>, vector<5000x128xf32>
    %get3A_5 = arith.constant 0 : index
    %get3A_6 = arith.constant 0 : index
    %get3A_7 = arith.constant 0 : index
    %get3A_8 = vector.load %arg2[%get3A_5, %get3A_6, %get3A_7] : memref<1x5000x128xf32, #tpu.memory_space<vmem>>, vector<1x5000x128xf32>
    %get3A_9 = vector.shape_cast %get3A_8 : vector<1x5000x128xf32> to vector<5000x128xf32>
    %get3A_10 = arith.constant 0 : index
    %get3A_11 = arith.constant 0 : index
    %get3A_12 = arith.constant 0 : index
    %get3A_13 = vector.load %arg3[%get3A_10, %get3A_11, %get3A_12] : memref<1x5000x128xf32, #tpu.memory_space<vmem>>, vector<1x5000x128xf32>
    %get3A_14 = vector.shape_cast %get3A_13 : vector<1x5000x128xf32> to vector<5000x128xf32>
    %get3A_15 = arith.constant 0 : index
    %get3A_16 = arith.constant 0 : index
    %get3A_17 = vector.load %arg6[%get3A_15, %get3A_16] : memref<128x128xf32, #tpu.memory_space<vmem>>, vector<128x128xf32>
    %get3A_18 = arith.constant 0 : index
    %get3A_19 = arith.constant 0 : index
    %get3A_20 = vector.load %arg7[%get3A_18, %get3A_19] : memref<1x128xf32, #tpu.memory_space<vmem>>, vector<1x128xf32>
    %get3A_21 = arith.constant 0 : index
    %get3A_22 = arith.constant 0 : index
    %get3A_23 = vector.load %arg8[%get3A_21, %get3A_22] : memref<128x256xf32, #tpu.memory_space<vmem>>, vector<128x256xf32>
    %get3A_24 = arith.constant 0 : index
    %get3A_25 = arith.constant 0 : index
    %get3A_26 = vector.load %arg9[%get3A_24, %get3A_25] : memref<1x256xf32, #tpu.memory_space<vmem>>, vector<1x256xf32>
    %get3A_27 = arith.constant 0 : index
    %get3A_28 = arith.constant 0 : index
    %get3A_29 = vector.load %arg10[%get3A_27, %get3A_28] : memref<256x128xf32, #tpu.memory_space<vmem>>, vector<256x128xf32>
    %get3A_30 = arith.constant 0 : index
    %get3A_31 = arith.constant 0 : index
    %get3A_32 = vector.load %arg11[%get3A_30, %get3A_31] : memref<1x128xf32, #tpu.memory_space<vmem>>, vector<1x128xf32>
    %get3A_33 = arith.constant 0 : index
    %get3A_34 = arith.constant 0 : index
    %get3A_35 = vector.load %arg12[%get3A_33, %get3A_34] : memref<1x128xf32, #tpu.memory_space<vmem>>, vector<1x128xf32>
    %get3A_36 = arith.constant 0 : index
    %get3A_37 = arith.constant 0 : index
    %get3A_38 = vector.load %arg13[%get3A_36, %get3A_37] : memref<1x128xf32, #tpu.memory_space<vmem>>, vector<1x128xf32>
    %get3A_39 = arith.constant 0 : index
    %get3A_40 = arith.constant 0 : index
    %get3A_41 = vector.load %arg14[%get3A_39, %get3A_40] : memref<1x128xf32, #tpu.memory_space<vmem>>, vector<1x128xf32>
    %get3A_42 = arith.constant 0 : index
    %get3A_43 = arith.constant 0 : index
    %get3A_44 = vector.load %arg15[%get3A_42, %get3A_43] : memref<1x128xf32, #tpu.memory_space<vmem>>, vector<1x128xf32>
    %add3A = arith.addf %get3A_9, %get3A_14 : vector<5000x128xf32>
    %mul3A = vector.broadcast %get3A_1 : vector<5000x1xf32> to vector<5000x128xf32>
    %mul3A_45 = arith.mulf %mul3A, %add3A : vector<5000x128xf32>
    %mul3A_46 = arith.mulf %get3A_1, %get3A_1 : vector<5000x1xf32>
    %mul3A_47 = vector.broadcast %mul3A_46 : vector<5000x1xf32> to vector<5000x128xf32>
    %mul3A_48 = arith.mulf %mul3A_47, %get3A_4 : vector<5000x128xf32>
    %add3A_49 = arith.addf %mul3A_45, %mul3A_48 : vector<5000x128xf32>
    %dot_general3A = arith.constant dense<0.000000e+00> : vector<5000x128xf32>
    %dot_general3A_50 = tpu.matmul %add3A_49, %get3A_17, %dot_general3A {dimension_numbers = #tpu.dot_dimension_numbers<[1], [0], [0], [1], [0, 0, 1, 1], [], []>, transpose_lhs_hint = false} : vector<5000x128xf32>, vector<128x128xf32>, vector<5000x128xf32> -> vector<5000x128xf32>
    %add3A_51 = arith.addf %get3A_4, %dot_general3A_50 : vector<5000x128xf32>
    %add3A_52 = vector.broadcast %get3A_20 : vector<1x128xf32> to vector<5000x128xf32>
    %add3A_53 = arith.addf %add3A_51, %add3A_52 : vector<5000x128xf32>
    %reduce_sum3A = arith.constant dense<0.000000e+00> : vector<5000xf32>
    %reduce_sum3A_54 = vector.multi_reduction <add>, %add3A_53, %reduce_sum3A [1] : vector<5000x128xf32> to vector<5000xf32>
    %broadcast_in_dim3A = vector.shape_cast %reduce_sum3A_54 : vector<5000xf32> to vector<5000x1xf32>
    %div3A = arith.constant 1.280000e+02 : f32
    %div3A_55 = vector.broadcast %div3A : f32 to vector<5000x1xf32>
    %div3A_56 = arith.divf %broadcast_in_dim3A, %div3A_55 : vector<5000x1xf32>
    %sub3A = vector.broadcast %div3A_56 : vector<5000x1xf32> to vector<5000x128xf32>
    %sub3A_57 = arith.subf %add3A_53, %sub3A : vector<5000x128xf32>
    %integer_pow3A = arith.mulf %sub3A_57, %sub3A_57 : vector<5000x128xf32>
    %reduce_sum3A_58 = arith.constant dense<0.000000e+00> : vector<5000xf32>
    %reduce_sum3A_59 = vector.multi_reduction <add>, %integer_pow3A, %reduce_sum3A_58 [1] : vector<5000x128xf32> to vector<5000xf32>
    %broadcast_in_dim3A_60 = vector.shape_cast %reduce_sum3A_59 : vector<5000xf32> to vector<5000x1xf32>
    %div3A_61 = arith.constant 1.280000e+02 : f32
    %div3A_62 = vector.broadcast %div3A_61 : f32 to vector<5000x1xf32>
    %div3A_63 = arith.divf %broadcast_in_dim3A_60, %div3A_62 : vector<5000x1xf32>
    %sub3A_64 = vector.broadcast %div3A_56 : vector<5000x1xf32> to vector<5000x128xf32>
    %sub3A_65 = arith.subf %add3A_53, %sub3A_64 : vector<5000x128xf32>
    %add3A_66 = arith.constant 9.99999974E-6 : f32
    %add3A_67 = vector.broadcast %add3A_66 : f32 to vector<5000x1xf32>
    %add3A_68 = arith.addf %div3A_63, %add3A_67 : vector<5000x1xf32>
    %rsqrt3A = math.rsqrt %add3A_68 : vector<5000x1xf32>
    %mul3A_69 = vector.broadcast %rsqrt3A : vector<5000x1xf32> to vector<5000x128xf32>
    %mul3A_70 = arith.mulf %sub3A_65, %mul3A_69 : vector<5000x128xf32>
    %mul3A_71 = vector.broadcast %get3A_35 : vector<1x128xf32> to vector<5000x128xf32>
    %mul3A_72 = arith.mulf %mul3A_70, %mul3A_71 : vector<5000x128xf32>
    %add3A_73 = vector.broadcast %get3A_38 : vector<1x128xf32> to vector<5000x128xf32>
    %add3A_74 = arith.addf %mul3A_72, %add3A_73 : vector<5000x128xf32>
    %dot_general3A_75 = arith.constant dense<0.000000e+00> : vector<5000x256xf32>
    %dot_general3A_76 = tpu.matmul %add3A_74, %get3A_23, %dot_general3A_75 {dimension_numbers = #tpu.dot_dimension_numbers<[1], [0], [0], [1], [0, 0, 1, 1], [], []>, transpose_lhs_hint = false} : vector<5000x128xf32>, vector<128x256xf32>, vector<5000x256xf32> -> vector<5000x256xf32>
    %add3A_77 = vector.broadcast %get3A_26 : vector<1x256xf32> to vector<5000x256xf32>
    %add3A_78 = arith.addf %dot_general3A_76, %add3A_77 : vector<5000x256xf32>
    %max3A = arith.constant 0.000000e+00 : f32
    %max3A_79 = vector.broadcast %max3A : f32 to vector<5000x256xf32>
    %max3A_80 = arith.maximumf %add3A_78, %max3A_79 : vector<5000x256xf32>
    %dot_general3A_81 = arith.constant dense<0.000000e+00> : vector<5000x128xf32>
    %dot_general3A_82 = tpu.matmul %max3A_80, %get3A_29, %dot_general3A_81 {dimension_numbers = #tpu.dot_dimension_numbers<[1], [0], [0], [1], [0, 0, 1, 1], [], []>, transpose_lhs_hint = false} : vector<5000x256xf32>, vector<256x128xf32>, vector<5000x128xf32> -> vector<5000x128xf32>
    %add3A_83 = vector.broadcast %get3A_32 : vector<1x128xf32> to vector<5000x128xf32>
    %add3A_84 = arith.addf %dot_general3A_82, %add3A_83 : vector<5000x128xf32>
    %add3A_85 = arith.addf %add3A_74, %add3A_84 : vector<5000x128xf32>
    %reduce_sum3A_86 = arith.constant dense<0.000000e+00> : vector<5000xf32>
    %reduce_sum3A_87 = vector.multi_reduction <add>, %add3A_85, %reduce_sum3A_86 [1] : vector<5000x128xf32> to vector<5000xf32>
    %broadcast_in_dim3A_88 = vector.shape_cast %reduce_sum3A_87 : vector<5000xf32> to vector<5000x1xf32>
    %div3A_89 = arith.constant 1.280000e+02 : f32
    %div3A_90 = vector.broadcast %div3A_89 : f32 to vector<5000x1xf32>
    %div3A_91 = arith.divf %broadcast_in_dim3A_88, %div3A_90 : vector<5000x1xf32>
    %sub3A_92 = vector.broadcast %div3A_91 : vector<5000x1xf32> to vector<5000x128xf32>
    %sub3A_93 = arith.subf %add3A_85, %sub3A_92 : vector<5000x128xf32>
    %integer_pow3A_94 = arith.mulf %sub3A_93, %sub3A_93 : vector<5000x128xf32>
    %reduce_sum3A_95 = arith.constant dense<0.000000e+00> : vector<5000xf32>
    %reduce_sum3A_96 = vector.multi_reduction <add>, %integer_pow3A_94, %reduce_sum3A_95 [1] : vector<5000x128xf32> to vector<5000xf32>
    %broadcast_in_dim3A_97 = vector.shape_cast %reduce_sum3A_96 : vector<5000xf32> to vector<5000x1xf32>
    %div3A_98 = arith.constant 1.280000e+02 : f32
    %div3A_99 = vector.broadcast %div3A_98 : f32 to vector<5000x1xf32>
    %div3A_100 = arith.divf %broadcast_in_dim3A_97, %div3A_99 : vector<5000x1xf32>
    %sub3A_101 = vector.broadcast %div3A_91 : vector<5000x1xf32> to vector<5000x128xf32>
    %sub3A_102 = arith.subf %add3A_85, %sub3A_101 : vector<5000x128xf32>
    %add3A_103 = arith.constant 9.99999974E-6 : f32
    %add3A_104 = vector.broadcast %add3A_103 : f32 to vector<5000x1xf32>
    %add3A_105 = arith.addf %div3A_100, %add3A_104 : vector<5000x1xf32>
    %rsqrt3A_106 = math.rsqrt %add3A_105 : vector<5000x1xf32>
    %mul3A_107 = vector.broadcast %rsqrt3A_106 : vector<5000x1xf32> to vector<5000x128xf32>
    %mul3A_108 = arith.mulf %sub3A_102, %mul3A_107 : vector<5000x128xf32>
    %mul3A_109 = vector.broadcast %get3A_41 : vector<1x128xf32> to vector<5000x128xf32>
    %mul3A_110 = arith.mulf %mul3A_108, %mul3A_109 : vector<5000x128xf32>
    %add3A_111 = vector.broadcast %get3A_44 : vector<1x128xf32> to vector<5000x128xf32>
    %add3A_112 = arith.addf %mul3A_110, %add3A_111 : vector<5000x128xf32>
    %get3A_113 = arith.constant 0 : index
    %get3A_114 = arith.constant 0 : index
    %get3A_115 = vector.load %arg5[%get3A_113, %get3A_114] : memref<5000x4xf32, #tpu.memory_space<vmem>>, vector<5000x4xf32>
    %get3A_116 = arith.constant 0 : index
    %get3A_117 = arith.constant 0 : index
    %get3A_118 = vector.load %arg16[%get3A_116, %get3A_117] : memref<128x4xf32, #tpu.memory_space<vmem>>, vector<128x4xf32>
    %dot_general3A_119 = arith.constant dense<0.000000e+00> : vector<5000x4xf32>
    %dot_general3A_120 = tpu.matmul %add3A_112, %get3A_118, %dot_general3A_119 {dimension_numbers = #tpu.dot_dimension_numbers<[1], [0], [0], [1], [0, 0, 1, 1], [], []>, transpose_lhs_hint = false} : vector<5000x128xf32>, vector<128x4xf32>, vector<5000x4xf32> -> vector<5000x4xf32>
    %add3A_121 = arith.addf %get3A_115, %dot_general3A_120 : vector<5000x4xf32>
    %get3A_122 = arith.constant 0 : index
    %get3A_123 = arith.constant 0 : index
    %get3A_124 = vector.load %arg17[%get3A_122, %get3A_123] : memref<1x4xf32, #tpu.memory_space<vmem>>, vector<1x4xf32>
    %add3A_125 = vector.broadcast %get3A_124 : vector<1x4xf32> to vector<5000x4xf32>
    %add3A_126 = arith.addf %add3A_121, %add3A_125 : vector<5000x4xf32>
    %concatenate3A = tpu.concatenate %add3A_126, %add3A_112 in 1 : vector<5000x4xf32>, vector<5000x128xf32> -> vector<5000x132xf32>
    %swap3A = arith.constant 0 : index
    %swap3A_127 = arith.constant 0 : index
    %swap3A_128 = vector.load %arg18[%swap3A, %swap3A_127] : memref<5000x132xf32, #tpu.memory_space<vmem>>, vector<5000x132xf32>
    tpu.vector_store %arg18[%swap3A, %swap3A_127], %concatenate3A {strides = array<i32>} : memref<5000x132xf32, #tpu.memory_space<vmem>>, vector<5000x132xf32>,
    return
  }
  func.func @transform_0(%arg0: i32) -> (i32, i32) {
    %c0_i32 = arith.constant 0 : i32
    %c0_i32_0 = arith.constant 0 : i32
    return %arg0, %c0_i32 : i32, i32
  }
  func.func @transform_1(%arg0: i32) -> (i32, i32, i32) {
    %c0_i32 = arith.constant 0 : i32
    %c0_i32_0 = arith.constant 0 : i32
    %c0_i32_1 = arith.constant 0 : i32
    return %c0_i32, %arg0, %c0_i32_0 : i32, i32, i32
  }
  func.func @transform_2(%arg0: i32) -> (i32, i32, i32) {
    %c1_i32 = arith.constant 1 : i32
    %c0_i32 = arith.constant 0 : i32
    %c0_i32_0 = arith.constant 0 : i32
    return %c1_i32, %arg0, %c0_i32 : i32, i32, i32
  }
  func.func @transform_3(%arg0: i32) -> (i32, i32) {
    %c0_i32 = arith.constant 0 : i32
    %c0_i32_0 = arith.constant 0 : i32
    return %arg0, %c0_i32 : i32, i32
  }
  func.func @transform_4(%arg0: i32) -> (i32, i32) {
    %c0_i32 = arith.constant 0 : i32
    %c0_i32_0 = arith.constant 0 : i32
    return %arg0, %c0_i32 : i32, i32
  }
  func.func @transform_5(%arg0: i32) -> (i32, i32) {
    %c0_i32 = arith.constant 0 : i32
    %c0_i32_0 = arith.constant 0 : i32
    %c0_i32_1 = arith.constant 0 : i32
    return %c0_i32, %c0_i32_0 : i32, i32
  }
  func.func @transform_6(%arg0: i32) -> (i32, i32) {
    %c0_i32 = arith.constant 0 : i32
    %c0_i32_0 = arith.constant 0 : i32
    %c0_i32_1 = arith.constant 0 : i32
    return %c0_i32, %c0_i32_0 : i32, i32
  }
  func.func @transform_7(%arg0: i32) -> (i32, i32) {
    %c0_i32 = arith.constant 0 : i32
    %c0_i32_0 = arith.constant 0 : i32
    %c0_i32_1 = arith.constant 0 : i32
    return %c0_i32, %c0_i32_0 : i32, i32
  }
  func.func @transform_8(%arg0: i32) -> (i32, i32) {
    %c0_i32 = arith.constant 0 : i32
    %c0_i32_0 = arith.constant 0 : i32
    %c0_i32_1 = arith.constant 0 : i32
    return %c0_i32, %c0_i32_0 : i32, i32
  }
  func.func @transform_9(%arg0: i32) -> (i32, i32) {
    %c0_i32 = arith.constant 0 : i32
    %c0_i32_0 = arith.constant 0 : i32
    %c0_i32_1 = arith.constant 0 : i32
    return %c0_i32, %c0_i32_0 : i32, i32
  }
  func.func @transform_10(%arg0: i32) -> (i32, i32) {
    %c0_i32 = arith.constant 0 : i32
    %c0_i32_0 = arith.constant 0 : i32
    %c0_i32_1 = arith.constant 0 : i32
    return %c0_i32, %c0_i32_0 : i32, i32
  }
  func.func @transform_11(%arg0: i32) -> (i32, i32) {
    %c0_i32 = arith.constant 0 : i32
    %c0_i32_0 = arith.constant 0 : i32
    %c0_i32_1 = arith.constant 0 : i32
    return %c0_i32, %c0_i32_0 : i32, i32
  }
  func.func @transform_12(%arg0: i32) -> (i32, i32) {
    %c0_i32 = arith.constant 0 : i32
    %c0_i32_0 = arith.constant 0 : i32
    %c0_i32_1 = arith.constant 0 : i32
    return %c0_i32, %c0_i32_0 : i32, i32
  }
  func.func @transform_13(%arg0: i32) -> (i32, i32) {
    %c0_i32 = arith.constant 0 : i32
    %c0_i32_0 = arith.constant 0 : i32
    %c0_i32_1 = arith.constant 0 : i32
    return %c0_i32, %c0_i32_0 : i32, i32
  }
  func.func @transform_14(%arg0: i32) -> (i32, i32) {
    %c0_i32 = arith.constant 0 : i32
    %c0_i32_0 = arith.constant 0 : i32
    %c0_i32_1 = arith.constant 0 : i32
    return %c0_i32, %c0_i32_0 : i32, i32
  }
  func.func @transform_15(%arg0: i32) -> (i32, i32) {
    %c0_i32 = arith.constant 0 : i32
    %c0_i32_0 = arith.constant 0 : i32
    %c0_i32_1 = arith.constant 0 : i32
    return %c0_i32, %c0_i32_0 : i32, i32
  }
  func.func @transform_16(%arg0: i32) -> (i32, i32) {
    %c0_i32 = arith.constant 0 : i32
    %c0_i32_0 = arith.constant 0 : i32
    %c0_i32_1 = arith.constant 0 : i32
    return %c0_i32, %c0_i32_0 : i32, i32
  }
  func.func @transform_17(%arg0: i32) -> (i32, i32) {
    %c0_i32 = arith.constant 0 : i32
    %c0_i32_0 = arith.constant 0 : i32
    return %arg0, %c0_i32 : i32, i32
  }
}

</mosaic_0001>

<sc_bundles>
// kernel: kernel.11.cloned.1.call-start
scs
__scs_entry_jumppad:
0x0: {  	(pc) =	sbr.rel $0x88, $3  }
0x1: {  	(tag) =	ssettag $0x0;
	lr =	simm.s32 $0x1  }
0x2: {  	[smem:$0x3F87] =	sst lr;
	_ =	strace $0xD0000000  }
0x3: {  	_ = 	snop  }
0x4: {  	_ = 	snop  }
0x5: {  	_ = 	snop  }
0x6: {  	_ = 	snop  }
0x7: {  	_ = 	snop  }
__scs_overlays_trampoline_lowered:
0x8: {  	[smem:$0x3F96] =	sst s0  }
0x9: {  	[smem:$0x3F97] =	sst s1  }
0xa: {  	[smem:$0x3F98] =	sst s2  }
0xb: {  	[smem:$0x3F99] =	sst s3  }
0xc: {  	[smem:$0x3F9A] =	sst s4  }
0xd: {  	[smem:$0x3F9B] =	sst s5  }
0xe: {  	[smem:$0x3F9C] =	sst s6  }
0xf: {  	[smem:$0x3F9D] =	sst s7  }
0x10: {  	[smem:$0x3F9E] =	sst s8  }
0x11: {  	[smem:$0x3F9F] =	sst s9;
	s0 =	simm.s32 @!p0 $0x0  }
0x12: {  	s1 =	sld [smem:$0x3F85];
	s0 =	simm.s32 @p0 $0x1  }
0x13: {  	[smem:$0x3FA0] =	sst s0;
	s0 =	simm.s32 @!p1 $0x0  }
0x14: {  	s2 =	sld [smem:$0x3F84];
	s0 =	simm.s32 @p1 $0x1  }
0x15: {  	[smem:$0x3FA1] =	sst s0;
	s0 =	simm.s32 @!p2 $0x0  }
0x16: {  	s3 =	sld [smem:$0x3FDB];
	s0 =	simm.s32 @p2 $0x1  }
0x17: {  	s4 =	simm.s32 $0x1BF5;
	[smem:$0x3FA3] =	sst s0  }
0x18: {  	s0 =	sld [smem:$0x3F86];
	_ =	swait.ge [sflag:s4], $0x0  }
0x19: {  	s7 =	sld [smem:$0x3F87]  }
0x1a: {  	s8 =	sadd.s32 $0xFFFFE003, lr  }
0x1b: {  	s9 =	sadd.s32 $0xFFFFFEF7, lr;
	s5 =	simm.s32 $0xFFFFFFFF;
	p2 =	slt.u32 s8, $0xFFFFF086  }
0x1c: {  	p1 =	slt.u32 s9, $0xF7A;
	s5 =	simm.s32 @!p2 $0x0  }
0x1d: {  	s5 =	simm.s32 @p1 $0x1;
	p0 =	seq.s32 s7, s2  }
0x1e: {  	s7 =	smul.u32 @!p0 $0xF7A, s2;
	p2 =	seq.s32 @!p0 s5, $0x0  }
0x1f: {  	s9 =	smul.u32 $0xF7A, s1;
	s8 =	simm.s32 @!p0 $0x1BF5;
	p2 =	por !p2, p0  }
0x20: {  	[sflag:s8] =	ssyncset.s32 @!p0 $0xFFFFF086;
	s6 =	sadd.s32 @!p0 s3, s7;
	s7 =	simm.s32 @!p0 $0x108  }
0x21: {  	s3 =	sadd.s32 s3, s9;
	s6 =	sadd.s32 @!p0 $0x88, s6;
	s7 =	simm.s32 @p2 $0x1082  }
0x22: {  	[simem:s7], [sflag:s8] =	dma.local @!p0 [hbm:s6], $0xF7A  }
0x23: {  	s9 =	sor.u32 $0xD0000000, s2;
	s6 =	simm.s32 $0x108;
	_ =	swait.ge @!p0 [sflag:s8], $0x0  }
0x24: {  	s3 =	sadd.s32 $0x88, s3;
	s6 =	simm.s32 @!p1 $0x1082;
	[sflag:s4] =	ssyncset.s32 $0xFFFFF086  }
0x25: {  	[simem:s6], [sflag:s4] =	dma.local [hbm:s3], $0xF7A  }
0x26: {  	[smem:$0x3F87] =	sst s1;
	(tag) =	ssettag s2;
	_ =	strace s9  }
0x27: {  	s1 =	sld [smem:$0x3F97]  }
0x28: {  	s2 =	sld [smem:$0x3F98]  }
0x29: {  	s4 =	sld [smem:$0x3F9A]  }
0x2a: {  	p0 =	seq.s32 s5, $0x0;
	s5 =	sld [smem:$0x3F9B]  }
0x2b: {  	s6 =	sld [smem:$0x3F9C]  }
0x2c: {  	s7 =	sld [smem:$0x3F9D]  }
0x2d: {  	s3 =	simm.s32 $0x108;
	s8 =	sld [smem:$0x3F9E]  }
0x2e: {  	s3 =	simm.s32 @!p0 $0x1082;
	s9 =	sld [smem:$0x3F9F]  }
0x2f: {  	lr =	sadd.s32 s0, s3;
	s0 =	sld [smem:$0x3F96]  }
0x30: {  	s3 =	sld [smem:$0x3F99]  }
0x31: {  	[smem:$0x3FA2] =	sst s10  }
0x32: {  	s10 =	sld [smem:$0x3FA0];
	_ =	sdelay $0x3  }
0x33: {  	p0 =	seq.s32 s10, $0x1;
	s10 =	sld [smem:$0x3FA2];
	_ =	sdelay $0x3  }
0x34: {  	[smem:$0x3FA2] =	sst s10  }
0x35: {  	s10 =	sld [smem:$0x3FA1];
	_ =	sdelay $0x3  }
0x36: {  	p1 =	seq.s32 s10, $0x1;
	s10 =	sld [smem:$0x3FA2];
	_ =	sdelay $0x3  }
0x37: {  	[smem:$0x3FA2] =	sst s10  }
0x38: {  	s10 =	sld [smem:$0x3FA3]  }
0x39: {  	_ = 	snop;
	(pc) =	sbr.ind lr, $3  }
0x3a: {  	_ = 	snop  }
0x3b: {  	_ = 	snop  }
0x3c: {  	p2 =	seq.s32 s10, $0x1;
	s10 =	sld [smem:$0x3FA2]  }
0x3d: {  	_ =	shalt  }
0x3e: {  	_ =	shalt  }
0x3f: {  	_ =	shalt  }
0x40: {  	_ =	shalt  }
0x41: {  	_ =	shalt  }
0x42: {  	_ =	shalt  }
0x43: {  	_ =	shalt  }
0x44: {  	_ =	shalt  }
0x45: {  	_ =	shalt  }
0x46: {  	_ =	shalt  }
0x47: {  	_ =	shalt  }
0x48: {  	_ =	shalt  }
0x49: {  	_ =	shalt  }
0x4a: {  	_ =	shalt  }
0x4b: {  	_ =	shalt  }
0x4c: {  	_ =	shalt  }
0x4d: {  	_ =	shalt  }
0x4e: {  	_ =	shalt  }
0x4f: {  	_ =	shalt  }
0x50: {  	_ =	shalt  }
0x51: {  	_ =	shalt  }
0x52: {  	_ =	shalt  }
0x53: {  	_ =	shalt  }
0x54: {  	_ =	shalt  }
0x55: {  	_ =	shalt  }
0x56: {  	_ =	shalt  }
0x57: {  	_ =	shalt  }
0x58: {  	_ =	shalt  }
0x59: {  	_ =	shalt  }
0x5a: {  	_ =	shalt  }
0x5b: {  	_ =	shalt  }
0x5c: {  	_ =	shalt  }
0x5d: {  	_ =	shalt  }
0x5e: {  	_ =	shalt  }
0x5f: {  	_ =	shalt  }
0x60: {  	_ =	shalt  }
0x61: {  	_ =	shalt  }
0x62: {  	_ =	shalt  }
0x63: {  	_ =	shalt  }
0x64: {  	_ =	shalt  }
0x65: {  	_ =	shalt  }
0x66: {  	_ =	shalt  }
0x67: {  	_ =	shalt  }
0x68: {  	_ =	shalt  }
0x69: {  	_ =	shalt  }
0x6a: {  	_ =	shalt  }
0x6b: {  	_ =	shalt  }
0x6c: {  	_ =	shalt  }
0x6d: {  	_ =	shalt  }
0x6e: {  	_ =	shalt  }
0x6f: {  	_ =	shalt  }
0x70: {  	_ =	shalt  }
0x71: {  	_ =	shalt  }
0x72: {  	_ =	shalt  }
0x73: {  	_ =	shalt  }
0x74: {  	_ =	shalt  }
0x75: {  	_ =	shalt  }
0x76: {  	_ =	shalt  }
0x77: {  	_ =	shalt  }
0x78: {  	_ =	shalt  }
0x79: {  	_ =	shalt  }
0x7a: {  	_ =	shalt  }
0x7b: {  	_ =	shalt  }
0x7c: {  	_ =	shalt  }
0x7d: {  	_ =	shalt  }
0x7e: {  	_ =	shalt  }
0x7f: {  	_ =	shalt  }
0x80: {  	_ =	shalt  }
0x81: {  	_ =	shalt  }
0x82: {  	_ =	shalt  }
0x83: {  	_ =	shalt  }
0x84: {  	_ =	shalt  }
0x85: {  	_ =	shalt  }
0x86: {  	_ =	shalt  }
0x87: {  	_ =	shalt  }
.Lfunc_end0:
.L_simem_size_0:
called_computation.1_lowered:
.L_overlay_start_0:
0x88: {  	s2 =	sld [smem:$0x3FD9]  }
0x89: {  	s3 =	sld [smem:$0x3FFE];
	_ =	sdelay $0x1  }
0x8a: {  	s1 =	srdreg.scid  }
0x8b: {  	s0 =	sand.u32 $0x1, s1  }
0x8c: {  	s17 =	sshll.u32 s0, $0xA;
	s2 =	sadd.s32 s3, s2  }
0x8d: {  	s2 =	sadd.s32 s2, s17  }
0x8e: {  	[smem:$0x3FAE] =	sst s2  }
0x8f: {  	_ = 	snop  }
0x90: {  	s2 =	sld [smem:$0x3FD0];
	(tm) =	ssettm $0x1  }
0x91: {  	s18 =	sld [smem:$0x3FFB];
	_ =	sdelay $0x3  }
0x92: {  	_ =	strace s18  }
0x93: {  	s3 =	sld [smem:$0x3FFC];
	_ =	sdelay $0x3  }
0x94: {  	_ =	strace s3  }
0x95: {  	s3 =	sld [smem:$0x3FFD];
	_ =	sdelay $0x3  }
0x96: {  	_ =	strace s3  }
0x97: {  	_ =	strace $0x8FFFFFFF  }
0x98: {  	s19 =	sld [smem:$0x3FDB];
	_ =	sdelay $0x1  }
0x99: {  	s4 =	simm.s32 $_scs_section_size  }
0x9a: {  	s5 =	simm.s32 $_size__tile_overlayer_lowered;
	s6 =	simm.s32 $_tile_overlayer_lowered  }
0x9b: {  	s22 =	simm.s32 $0x1BFF;
	s21 =	sshll.u32 s6, $0x1;
	s3 =	sadd.s32 s4, s19  }
0x9c: {  	s7 =	simm.s32 $0x0;
	s20 =	sshll.u32 s5, $0x1;
	s5 =	sadd.s32 s21, s3  }
0x9d: {  	[timem:s7], [sflag:s22] =	dma.local [hbm:s5], s20  }
0x9e: {  	_ =	swait.ge [sflag:s22], s20  }
0x9f: {  	s4 =	ssub.s32 $0x0, s20;
	[sflag:s22] =	ssyncset.done $0x0  }
0xa0: {  	[sflag:s22] =	ssyncadd.s32 s4;
	_ =	sdelay $0x1  }
0xa1: {  	s23 =	simm.s32 $0x1B8B  }
0xa2: {  	_ =	swait.ge [sflag:s23], $0x1  }
0xa3: {  	[sflag:s23] =	ssyncset.done $0x0  }
0xa4: {  	s25 =	simm.s32 $0x1B8E;
	s24 =	sld [smem:$0x3FFE];
	[sflag:s23] =	ssyncadd.s32 $0xFFFFFFFF  }
0xa5: {  	s26 =	simm.s32 $execute0_lowered;
	[smem:$0x3FD2] =	sst s25  }
0xa6: {  	s5 =	sshll.u32 s26, $0x1;
	_ =	strace $0x80000049;
	[dreg:$0x1] =	wrdreg $0xFFFFFFFF  }
0xa7: {  	s28 =	simm.s32 $_size_execute0_lowered;
	s3 =	sadd.s32 s3, s5;
	[dreg:$0x0] =	wrdreg $0x0  }
0xa8: {  	s5 =	sshll.u32 s28, $0x1;
	[dreg:$0x2] =	wrdreg s3  }
0xa9: {  	[dreg:$0x3] =	wrdreg s5  }
0xaa: {  	[dreg:$0x4] =	wrdreg $0xC0  }
0xab: {  	_ =	task [dreg:s7], $0x5FFFF  }
0xac: {  	[dreg:$0x1] =	wrdreg $0xFFFFFFFF  }
0xad: {  	[dreg:$0x0] =	wrdreg $0x60  }
0xae: {  	[dreg:$0x2] =	wrdreg s24  }
0xaf: {  	[dreg:$0x3] =	wrdreg s2  }
0xb0: {  	[dreg:$0x4] =	wrdreg $0xB8000  }
0xb1: {  	[dreg:$0x5] =	wrdreg $0x9  }
0xb2: {  	_ =	task.clear_ibuf [dreg:s7], $0x6FFFF;
	_ =	strace $0x90000049  }
0xb3: {  	s29 =	simm.s32 $0x9;
	_ =	strace $0x8000004B  }
0xb4: {  	_ =	swait.ge [sflag:s29], $0x1  }
0xb5: {  	[sflag:s29] =	ssyncadd.s32 $0xFFFFFFFF  }
0xb6: {  	_ =	strace $0x9000004B  }
0xb7: {  	_ =	sfence  }
0xb8: {  	s30 =	sld [smem:$0x0];
	_ =	sdelay $0x2  }
0xb9: {  	s31 =	sshll.u32 s1, $0xD;
	s1 =	sshrl.u32 s1, $0x2  }
0xba: {  	s3 =	sand.u32 $0x4000, s31;
	s1 =	sadd.s32 s1, s30  }
0xbb: {  	s0 =	sor.u32 s3, s0;
	s1 =	sshll.u32 s1, $0x11  }
0xbc: {  	s0 =	sor.u32 s1, s0  }
0xbd: {  	s0 =	sadd.s32 $0x8F2B, s0  }
0xbe: {  	[sflag:s0] =	ssyncadd.remote.s32 $0x1  }
0xbf: {  	_ =	sfence.sel $0xFFFF  }
0xc0: {  	[dreg:$0x0] =	wrdreg $0xFFFFFFFF;
	(pc) =	sbr.abs _section_cstart, $3  }
0xc1: {  	[dreg:$0x1] =	wrdreg $0xFFFFFFFF  }
0xc2: {  	_ =	task.clear_ibuf [dreg:s7], $0x2FFFF;
	_ =	strace $0x9FFFFFFF  }
0xc3: {  	(tm) =	ssettm $0x7FFFFFFF  }
tec
execute0_lowered:
.L_overlay_start_1:
0x0: {  	(tag) =	ssettag $0x1  }
0x1: {  	s0 =	rddreg [dreg:$0x0]  }
0x2: {  	s1 =	rddreg [dreg:$0x1];
	s26 =	stileid.u32  }
0x3: {  	s3 =	rddreg [dreg:$0x2];
	s2 =	smul.u32 $0xA000, s26;
	s10 =	sor.u32 $0x10, s26  }
0x4: {  	s4 =	simm.s32 $0x0;
	s11 =	sor.u32 $0x20, s26;
	s8 =	smul.u32 $0xA000, s10  }
0x5: {  	s6 =	srdreg.scid;
	s12 =	sor.u32 $0x30, s26;
	s9 =	smul.u32 $0xA000, s11  }
0x6: {  	s28 =	simm.s32 $0x4;
	s14 =	sor.u32 $0x40, s26;
	s13 =	smul.u32 $0xA000, s12  }
0x7: {  	s30 =	simm.s32 $0x3;
	s17 =	sor.u32 $0x50, s26;
	s16 =	smul.u32 $0xA000, s14  }
0x8: {  	s31 =	simm.s32 $0x50;
	s19 =	sor.u32 $0x60, s26;
	s18 =	smul.u32 $0xA000, s17  }
0x9: {  	[smem:$0x7FF] =	sst s4;
	s21 =	sor.u32 $0x70, s26;
	s20 =	smul.u32 $0xA000, s19  }
0xa: {  	s15 =	sand.u32 $0x1, s6;
	s7 =	sshll.u32 s26, $0x1;
	s23 =	smul.u32 $0xA000, s21  }
0xb: {  	s6 =	ssub.s32 $0x2, s15;
	s7 =	sor.u32 s15, s7;
	s15 =	smul.u32 $0x138800, s15  }
0xc: {  	s5 =	sadd.s32 $0x5800, s0;
	s0 =	sadd.s32 $0x53C00, s0;
	s17 =	smul.u32 $0x2800, s17  }
0xd: {  	p0 =	sgt.u32 s26, $0xC;
	_ =	strace $0x8000004A;
	s19 =	smul.u32 $0x2800, s19  }
0xe: {  	s21 =	smul.u32 $0x2800, s21;
	s22 =	sshrl.u32 s6, $0x1;
	s2 =	sshrl.u32 s2, $0x2  }
0xf: {  	s25 =	ssub.s32 s6, s22;
	s6 =	smul.u32 $0x5000, s7;
	s7 =	sadd.s32 s2, s3  }
0x10: {  	s22 =	sshrl.u32 s8, $0x2;
	s24 =	sshrl.u32 s9, $0x2;
	s29 =	sshrl.u32 s13, $0x2  }
0x11: {  	s13 =	sshrl.u32 s16, $0x2;
	s16 =	smul.u32 $0x2800, s11;
	s17 =	sadd.s32 s15, s17  }
0x12: {  	s8 =	sadd.s32 s22, s3;
	s22 =	smul.u32 $0x2800, s26;
	s9 =	sadd.s32 s24, s3  }
0x13: {  	s24 =	smul.u32 $0x2800, s10;
	s10 =	sadd.s32 s29, s3;
	s11 =	sadd.s32 s13, s3  }
0x14: {  	s29 =	sshrl.u32 s18, $0x2;
	s18 =	smul.u32 $0x2800, s12;
	s13 =	sshrl.u32 s20, $0x2  }
0x15: {  	s20 =	smul.u32 $0x2800, s14;
	s14 =	sshrl.u32 s23, $0x2;
	s23 =	sadd.s32 s15, s19  }
0x16: {  	s25 =	smax.u32 s25, $0x1;
	s26 =	simm.s32 $0x4000;
	s12 =	sadd.s32 s29, s3  }
0x17: {  	s13 =	sadd.s32 s13, s3;
	s14 =	sadd.s32 s14, s3;
	s16 =	sadd.s32 s15, s16  }
0x18: {  	s22 =	sadd.s32 s22, s15;
	s29 =	sadd.s32 s15, s24;
	s18 =	sadd.s32 s15, s18  }
0x19: {  	s20 =	sadd.s32 s15, s20;
	s15 =	sadd.s32 s15, s21;
	s21 =	sshrl.u32 s6, $0x3  }
0x1a: {  	s16 =	sshrl.u32 s16, $0x3;
	s24 =	sadd.s32 s1, s21;
	s2 =	sshrl.u32 s22, $0x3  }
0x1b: {  	s22 =	sshrl.u32 s29, $0x3;
	s19 =	sshrl.u32 s18, $0x3;
	s2 =	sadd.s32 s0, s2  }
0x1c: {  	s20 =	sshrl.u32 s20, $0x3;
	s29 =	sadd.s32 s0, s22;
	[dreg:$0x4] =	wrdreg s2  }
0x1d: {  	s15 =	sshrl.u32 s15, $0x3;
	s21 =	sadd.s32 s0, s20;
	[dreg:$0x5] =	wrdreg s29  }
0x1e: {  	s22 =	sshrl.u32 s17, $0x3;
	s2 =	sadd.s32 s0, s16;
	[dreg:$0x8] =	wrdreg s21  }
0x1f: {  	s29 =	sshrl.u32 s23, $0x3;
	s23 =	sadd.s32 s0, s15;
	s21 =	smov.u32 s24  }
0x20: {  	s24 =	sadd.s32 $0x14000, s24;
	[dreg:$0x6] =	wrdreg s2;
	s2 =	sadd.s32 s0, s19  }
0x21: {  	[dreg:$0x7] =	wrdreg s2;
	s2 =	sadd.s32 s0, s22;
	s22 =	sadd.s32 s0, s29  }
0x22: {  	v0 =	vimm.f32 $0.0e+00;
	s0 =	simm.s32 $0x1;
	[dreg:$0x9] =	wrdreg s2;
	s2 =	simm.s32 $0x2  }
.LBB2_1:
0x23: {  	s15 =	simm.s32 $0x0;
	s16 =	simm.s32 $0x200  }
.LBB2_2:
0x24: {  	p1 =	sne.s32 s16, $0x9E00;
	[tilespmem:s15+$0x4070] =	vst v0  }
0x25: {  	[tilespmem:s15+$0x4000] =	vst v0  }
0x26: {  	[tilespmem:s15+$0x4010] =	vst v0  }
.Ltmp0:
0x27: {  	[tilespmem:s15+$0x4020] =	vst v0;
	(pc) =	sbr.rel @p1 .LBB2_2-.Ltmp0, $4  }
0x28: {  	[tilespmem:s15+$0x4030] =	vst v0  }
0x29: {  	[tilespmem:s15+$0x4040] =	vst v0  }
0x2a: {  	[tilespmem:s15+$0x4050] =	vst v0  }
0x2b: {  	[tilespmem:s15+$0x4060] =	vst v0;
	s15 =	sshra.s32 s16, $0x2;
	s16 =	sadd.s32 $0x200, s16  }
0x2c: {  	[tilespmem:s15+$0x4070] =	vst v0  }
0x2d: {  	[tilespmem:s15+$0x4000] =	vst v0  }
0x2e: {  	[tilespmem:s15+$0x4010] =	vst v0  }
0x2f: {  	[tilespmem:s15+$0x4020] =	vst v0  }
0x30: {  	[tilespmem:s15+$0x4030] =	vst v0  }
0x31: {  	[tilespmem:s15+$0x4040] =	vst v0  }
0x32: {  	[tilespmem:s15+$0x4050] =	vst v0  }
0x33: {  	[tilespmem:s15+$0x4060] =	vst v0  }
0x34: {  	[spmem:s7] =	stream.linear.scatter [tilespmem:s26], [sflag:$0x4], $0x2800, $0x38;
	[tilespmem:$0x1F080] =	vst v63  }
0x35: {  	_ =	swait.ge [sflag:s28], $0x2800  }
0x36: {  	[sflag:s28] =	ssyncset.done $0x0  }
0x37: {  	[sflag:s28] =	ssyncadd.s32 $0xFFFFD800  }
0x38: {  	[spmem:s8] =	stream.linear.scatter [tilespmem:s26], [sflag:$0x4], $0x2800, $0x38;
	[tilespmem:$0x1F080] =	vst v63  }
0x39: {  	_ =	swait.ge [sflag:s28], $0x2800  }
0x3a: {  	[sflag:s28] =	ssyncset.done $0x0  }
0x3b: {  	[sflag:s28] =	ssyncadd.s32 $0xFFFFD800  }
0x3c: {  	[spmem:s9] =	stream.linear.scatter [tilespmem:s26], [sflag:$0x4], $0x2800, $0x38;
	[tilespmem:$0x1F080] =	vst v63  }
0x3d: {  	_ =	swait.ge [sflag:s28], $0x2800  }
0x3e: {  	[sflag:s28] =	ssyncset.done $0x0  }
0x3f: {  	[sflag:s28] =	ssyncadd.s32 $0xFFFFD800  }
0x40: {  	[spmem:s10] =	stream.linear.scatter [tilespmem:s26], [sflag:$0x4], $0x2800, $0x38;
	[tilespmem:$0x1F080] =	vst v63  }
0x41: {  	_ =	swait.ge [sflag:s28], $0x2800  }
0x42: {  	[sflag:s28] =	ssyncset.done $0x0  }
0x43: {  	[sflag:s28] =	ssyncadd.s32 $0xFFFFD800  }
0x44: {  	[spmem:s11] =	stream.linear.scatter [tilespmem:s26], [sflag:$0x4], $0x2800, $0x38;
	[tilespmem:$0x1F080] =	vst v63  }
0x45: {  	_ =	swait.ge [sflag:s28], $0x2800  }
0x46: {  	[sflag:s28] =	ssyncset.done $0x0  }
0x47: {  	[sflag:s28] =	ssyncadd.s32 $0xFFFFD800  }
0x48: {  	[spmem:s12] =	stream.linear.scatter [tilespmem:s26], [sflag:$0x4], $0x2800, $0x38;
	[tilespmem:$0x1F080] =	vst v63  }
0x49: {  	_ =	swait.ge [sflag:s28], $0x2800  }
0x4a: {  	[sflag:s28] =	ssyncset.done $0x0  }
0x4b: {  	[sflag:s28] =	ssyncadd.s32 $0xFFFFD800  }
0x4c: {  	[spmem:s13] =	stream.linear.scatter [tilespmem:s26], [sflag:$0x4], $0x2800, $0x38;
	[tilespmem:$0x1F080] =	vst v63  }
0x4d: {  	_ =	swait.ge [sflag:s28], $0x2800  }
0x4e: {  	[sflag:s28] =	ssyncset.done $0x0  }
0x4f: {  	s15 =	simm.s32 @!p0 $0x4000;
	[sflag:s28] =	ssyncadd.s32 $0xFFFFD800  }
0x50: {  	[spmem:s14] =	stream.linear.scatter @!p0 [tilespmem:s15], [sflag:$0x4], $0x2800, $0x38;
	[tilespmem:$0x1F080] =	vst v63  }
0x51: {  	s15 =	simm.s32 @!p0 $0x4  }
0x52: {  	_ =	swait.ge @!p0 [sflag:s15], $0x2800  }
0x53: {  	[sflag:s15] =	ssyncset.done @!p0 $0x0  }
0x54: {  	[sflag:s15] =	ssyncadd.s32 @!p0 $0xFFFFD800  }
0x55: {  	s29 =	simm.s32 $0x0;
	[bflag:$0x0] =	sbarrier.arrive $0xFFFF  }
0x56: {  	[tilespmem:s29], [sflag:$0x3] =	stream.linear.gather [hbm4b:s21+s29], $0xC80, $0x38;
	[tilespmem:$0x1F080] =	vst v63  }
0x57: {  	s20 =	simm.s32 $0x2000  }
0x58: {  	[tilespmem:s20], [sflag:$0x3] =	stream.linear.gather [hbm4b:s24+s29], $0xC80, $0x38;
	[tilespmem:$0x1F080] =	vst v63  }
.LBB2_4:
0x59: {  	_ =	swait.ge [sflag:s30], $0xC80  }
0x5a: {  	s15 =	smov.u32 s29;
	s16 =	sshll.u32 s29, $0xC;
	[sflag:s30] =	ssyncset.done $0x0  }
0x5b: {  	s29 =	sadd.s32 $0x1, s29;
	p1 =	seq.s32 s15, $0x4;
	[sflag:s30] =	ssyncadd.s32 $0xFFFFF380  }
0x5c: {  	s15 =	sshll.u32 @!p1 s29, $0xC;
	_ =	swait.ge [sflag:s30], $0xC80  }
0x5d: {  	s17 =	sadd.s32 @!p1 s6, s15;
	[sflag:s30] =	ssyncset.done $0x0  }
0x5e: {  	s16 =	sand.u32 $0x1000, s16;
	s17 =	sshrl.u32 @!p1 s17, $0x3;
	[sflag:s30] =	ssyncadd.s32 $0xFFFFF380  }
0x5f: {  	[tilespmem:s26], [sflag:$0x1] =	stream.indirect.gather [hbm4b:s5+s31], $0x80, s16, s31, $0xb8;
	[tilespmem:$0x1F080] =	vst v63  }
0x60: {  	s18 =	simm.s32 @!p1 $0x0;
	s15 =	sand.u32 @!p1 $0x1000, s15;
	s17 =	sadd.s32 @!p1 s1, s17  }
0x61: {  	[tilespmem:s15], [sflag:$0x3] =	stream.linear.gather @!p1 [hbm4b:s17+s18], $0xC80, $0x38;
	[tilespmem:$0x1F080] =	vst v63  }
0x62: {  	s15 =	sor.u32 @!p1 $0x2000, s15;
	s17 =	sadd.s32 @!p1 $0x14000, s17  }
0x63: {  	[tilespmem:s15], [sflag:$0x3] =	stream.linear.gather @!p1 [hbm4b:s17+s18], $0xC80, $0x38;
	[tilespmem:$0x1F080] =	vst v63  }
0x64: {  	s17 =	sor.u32 $0x2000, s16;
	s18 =	simm.s32 $0x0  }
.LBB2_5:
0x65: {  	p1 =	slt.u32 s18, $0x2  }
0x66: {  	s15 =	simm.s32 @!p1 $0x2  }
0x67: {  	_ =	swait.ge @!p1 [sflag:s15], $0x2800  }
0x68: {  	p2 =	seq.s32 @!p1 s18, $0x18;
	[sflag:s15] =	ssyncset.done @!p1 $0x0  }
0x69: {  	p2 =	por p1, !p2;
	[sflag:s15] =	ssyncadd.s32 @!p1 $0xFFFFD800;
	s15 =	simm.s32 @!p1 $0x19  }
0x6a: {  	s15 =	sadd.s32 @p2 $0x1, s18  }
0x6b: {  	s19 =	smul.u32 @p2 $0xAB, s15;
	_ =	sdelay $0x1  }
0x6c: {  	s19 =	sshrl.u32 @p2 s19, $0x9  }
0x6d: {  	s19 =	sand.u32 @p2 $0x7F, s19  }
0x6e: {  	s19 =	smul.u32 @p2 $0x3, s19;
	_ =	sdelay $0x1  }
0x6f: {  	s19 =	ssub.s32 @p2 s15, s19  }
0x70: {  	s19 =	sand.u32 @p2 $0xFF, s19  }
0x71: {  	s19 =	smul.u32 @p2 $0xA000, s19  }
0x72: {  	s20 =	sshll.u32 @p2 s15, $0x7  }
0x73: {  	s20 =	sand.u32 @p2 $0x3FFFFF80, s20;
	s19 =	sshrl.u32 @p2 s19, $0x2  }
0x74: {  	s20 =	sadd.s32 @p2 s20, s16;
	s19 =	sadd.s32 @p2 $0x4000, s19  }
0x75: {  	[tilespmem:s19], [sflag:$0x1] =	stream.indirect.gather @p2 [hbm4b:s5+s31], $0x80, s20, s31, $0xb8;
	[tilespmem:$0x1F080] =	vst v63  }
0x76: {  	s20 =	smul.u32 $0xAB, s18;
	_ =	sdelay $0x1  }
0x77: {  	s19 =	sshrl.u32 s20, $0x9  }
0x78: {  	s19 =	sand.u32 $0x7F, s19  }
0x79: {  	s19 =	smul.u32 $0x3, s19;
	_ =	sdelay $0x1  }
0x7a: {  	s19 =	ssub.s32 s18, s19  }
0x7b: {  	s19 =	sand.u32 $0xFF, s19  }
0x7c: {  	p1 =	slt.u32 s15, $0x19;
	s19 =	smul.u32 $0xA000, s19  }
.Ltmp1:
0x7d: {  	_ =	swait.ge [sflag:s0], $0x2800;
	s20 =	sshll.u32 s18, $0x7;
	(pc) =	sbr.rel @p1 .LBB2_5-.Ltmp1, $4  }
0x7e: {  	[sflag:s0] =	ssyncset.done $0x0;
	s18 =	sand.u32 $0x3FFFFF80, s20;
	s19 =	sshrl.u32 s19, $0x2  }
0x7f: {  	[sflag:s0] =	ssyncadd.s32 $0xFFFFD800;
	s18 =	sadd.s32 s18, s17;
	s19 =	sadd.s32 $0x4000, s19  }
0x80: {  	[spmem:s3] =	stream.indirect.scatter.add.f32 [tilespmem:s19], [sflag:$0x2], $0x80, s18, s31, $0xb8;
	[tilespmem:$0x1F080] =	vst v63  }
0x81: {  	s18 =	smov.u32 s15  }
0x82: {  	_ =	swait.ge [sflag:s2], $0x2800;
	p1 =	sne.s32 s29, $0x5  }
.Ltmp2:
0x83: {  	[sflag:s2] =	ssyncset.done $0x0;
	(pc) =	sbr.rel @p1 .LBB2_4-.Ltmp2, $4  }
0x84: {  	[sflag:s2] =	ssyncadd.s32 $0xFFFFD800  }
0x85: {  	_ =	swait.ge [sflag:s2], $0x2800  }
0x86: {  	[sflag:s2] =	ssyncset.done $0x0  }
0x87: {  	[sflag:s2] =	ssyncadd.s32 $0xFFFFD800  }
0x88: {  	s15 =	stileid.u32  }
0x89: {  	[bflag:$0x0] =	sbarrier.arrive $0xFFFF;
	s15 =	sshll.u32 s15, $0x6  }
0x8a: {  	s16 =	sshrl.u32 s7, $0x3;
	s17 =	rddreg [dreg:$0x4];
	s15 =	sor.u32 $0x1C04, s15  }
0x8b: {  	[hbm:s17], [sflag:s15] =	dma.local [spmem:s16], $0x500  }
0x8c: {  	_ =	swait.ge [sflag:s28], $0x500  }
0x8d: {  	[sflag:s28] =	ssyncset.done $0x0  }
0x8e: {  	s20 =	sshrl.u32 s8, $0x3;
	s29 =	rddreg [dreg:$0x5];
	[sflag:s28] =	ssyncadd.s32 $0xFFFFFB00  }
0x8f: {  	[hbm:s29], [sflag:s15] =	dma.local [spmem:s20], $0x500  }
0x90: {  	_ =	swait.ge [sflag:s28], $0x500  }
0x91: {  	[sflag:s28] =	ssyncset.done $0x0  }
0x92: {  	s18 =	sshrl.u32 s9, $0x3;
	s19 =	rddreg [dreg:$0x6];
	[sflag:s28] =	ssyncadd.s32 $0xFFFFFB00  }
0x93: {  	[hbm:s19], [sflag:s15] =	dma.local [spmem:s18], $0x500  }
0x94: {  	_ =	swait.ge [sflag:s28], $0x500  }
0x95: {  	[sflag:s28] =	ssyncset.done $0x0  }
0x96: {  	s20 =	sshrl.u32 s10, $0x3;
	s29 =	rddreg [dreg:$0x7];
	[sflag:s28] =	ssyncadd.s32 $0xFFFFFB00  }
0x97: {  	[hbm:s29], [sflag:s15] =	dma.local [spmem:s20], $0x500  }
0x98: {  	_ =	swait.ge [sflag:s28], $0x500  }
0x99: {  	[sflag:s28] =	ssyncset.done $0x0  }
0x9a: {  	s17 =	sshrl.u32 s11, $0x3;
	s18 =	rddreg [dreg:$0x8];
	[sflag:s28] =	ssyncadd.s32 $0xFFFFFB00  }
0x9b: {  	[hbm:s18], [sflag:s15] =	dma.local [spmem:s17], $0x500  }
0x9c: {  	_ =	swait.ge [sflag:s28], $0x500  }
0x9d: {  	[sflag:s28] =	ssyncset.done $0x0  }
0x9e: {  	s19 =	sshrl.u32 s12, $0x3;
	s20 =	rddreg [dreg:$0x9];
	[sflag:s28] =	ssyncadd.s32 $0xFFFFFB00  }
0x9f: {  	[hbm:s20], [sflag:s15] =	dma.local [spmem:s19], $0x500  }
0xa0: {  	_ =	swait.ge [sflag:s28], $0x500  }
0xa1: {  	[sflag:s28] =	ssyncset.done $0x0  }
0xa2: {  	s29 =	sshrl.u32 s13, $0x3;
	[sflag:s28] =	ssyncadd.s32 $0xFFFFFB00  }
0xa3: {  	[hbm:s22], [sflag:s15] =	dma.local [spmem:s29], $0x500  }
0xa4: {  	_ =	swait.ge [sflag:s28], $0x500  }
0xa5: {  	s4 =	sadd.s32 $0x1, s4;
	[sflag:s28] =	ssyncset.done $0x0  }
0xa6: {  	p1 =	sne.s32 s4, s25;
	s16 =	sshrl.u32 @!p0 s14, $0x3;
	[sflag:s28] =	ssyncadd.s32 $0xFFFFFB00  }
0xa7: {  	[hbm:s23], [sflag:s15] =	dma.local @!p0 [spmem:s16], $0x500  }
.Ltmp3:
0xa8: {  	_ = 	snop;
	(pc) =	sbr.rel @p1 .LBB2_1-.Ltmp3, $4  }
0xa9: {  	s15 =	simm.s32 @!p0 $0x4  }
0xaa: {  	_ =	swait.ge @!p0 [sflag:s15], $0x500  }
0xab: {  	[sflag:s15] =	ssyncset.done @!p0 $0x0  }
0xac: {  	[sflag:s15] =	ssyncadd.s32 @!p0 $0xFFFFFB00  }
0xad: {  	_ =	sfence.sel $0x180000  }
0xae: {  	[bflag:$0x0] =	sbarrier.arrive $0xFFFF  }
0xaf: {  	_ =	strace $0x9000004A  }
0xb0: {  	s0 =	stileid.u32;
	[bflag:$0x2] =	sbarrier.arrive $0xFFFF  }
0xb1: {  	p0 =	sne.s32 s0, $0x0;
	s0 =	rddreg [dreg:$0x3]  }
0xb2: {  	s0 =	sadd.s32 @!p0 $0x100000, s0  }
0xb3: {  	[sflag:s0] =	ssyncadd.tile.s32 @!p0 $0x1;
	_ =	shalt  }
.Lfunc_end2:
_tile_overlayer_lowered:
.L_overlay_start_2:
0xb4: {  	(tag) =	ssettag $0x2  }
0xb5: {  	s0 =	rddreg [dreg:$0x0];
	s2 =	stileid.u32  }
0xb6: {  	s1 =	rddreg [dreg:$0x1];
	p0 =	sne.s32 s2, $0x0  }
0xb7: {  	s3 =	rddreg [dreg:$0x2];
	[bflag:$0x3] =	sbarrier.arrive $0xFFFF;
	s2 =	simm.s32 @!p0 $0x1C04  }
0xb8: {  	[timem:s3], [sflag:s2] =	dma.local @!p0 [hbm:s0], s1  }
0xb9: {  	s0 =	simm.s32 @!p0 $0x4  }
0xba: {  	_ =	swait.ge @!p0 [sflag:s0], s1  }
0xbb: {  	s1 =	ssub.s32 @!p0 $0x0, s1;
	[sflag:s0] =	ssyncset.done @!p0 $0x0  }
0xbc: {  	[sflag:s0] =	ssyncadd.s32 @!p0 s1  }
0xbd: {  	[bflag:$0x3] =	sbarrier.arrive $0xFFFF  }
0xbe: {  	_ =	shalt  }

// kernel: kernel.14.cloned.1.call-start
scs
__scs_entry_jumppad:
0x0: {  	(pc) =	sbr.rel $0x88, $3  }
0x1: {  	(tag) =	ssettag $0x0;
	lr =	simm.s32 $0x1  }
0x2: {  	[smem:$0x3F87] =	sst lr;
	_ =	strace $0xD0000000  }
0x3: {  	_ = 	snop  }
0x4: {  	_ = 	snop  }
0x5: {  	_ = 	snop  }
0x6: {  	_ = 	snop  }
0x7: {  	_ = 	snop  }
__scs_overlays_trampoline_lowered:
0x8: {  	[smem:$0x3F96] =	sst s0  }
0x9: {  	[smem:$0x3F97] =	sst s1  }
0xa: {  	[smem:$0x3F98] =	sst s2  }
0xb: {  	[smem:$0x3F99] =	sst s3  }
0xc: {  	[smem:$0x3F9A] =	sst s4  }
0xd: {  	[smem:$0x3F9B] =	sst s5  }
0xe: {  	[smem:$0x3F9C] =	sst s6  }
0xf: {  	[smem:$0x3F9D] =	sst s7  }
0x10: {  	[smem:$0x3F9E] =	sst s8  }
0x11: {  	[smem:$0x3F9F] =	sst s9;
	s0 =	simm.s32 @!p0 $0x0  }
0x12: {  	s1 =	sld [smem:$0x3F85];
	s0 =	simm.s32 @p0 $0x1  }
0x13: {  	[smem:$0x3FA0] =	sst s0;
	s0 =	simm.s32 @!p1 $0x0  }
0x14: {  	s2 =	sld [smem:$0x3F84];
	s0 =	simm.s32 @p1 $0x1  }
0x15: {  	[smem:$0x3FA1] =	sst s0;
	s0 =	simm.s32 @!p2 $0x0  }
0x16: {  	s3 =	sld [smem:$0x3FDB];
	s0 =	simm.s32 @p2 $0x1  }
0x17: {  	s4 =	simm.s32 $0x1BF5;
	[smem:$0x3FA3] =	sst s0  }
0x18: {  	s0 =	sld [smem:$0x3F86];
	_ =	swait.ge [sflag:s4], $0x0  }
0x19: {  	s7 =	sld [smem:$0x3F87]  }
0x1a: {  	s8 =	sadd.s32 $0xFFFFE003, lr  }
0x1b: {  	s9 =	sadd.s32 $0xFFFFFEF7, lr;
	s5 =	simm.s32 $0xFFFFFFFF;
	p2 =	slt.u32 s8, $0xFFFFF086  }
0x1c: {  	p1 =	slt.u32 s9, $0xF7A;
	s5 =	simm.s32 @!p2 $0x0  }
0x1d: {  	s5 =	simm.s32 @p1 $0x1;
	p0 =	seq.s32 s7, s2  }
0x1e: {  	s7 =	smul.u32 @!p0 $0xF7A, s2;
	p2 =	seq.s32 @!p0 s5, $0x0  }
0x1f: {  	s9 =	smul.u32 $0xF7A, s1;
	s8 =	simm.s32 @!p0 $0x1BF5;
	p2 =	por !p2, p0  }
0x20: {  	[sflag:s8] =	ssyncset.s32 @!p0 $0xFFFFF086;
	s6 =	sadd.s32 @!p0 s3, s7;
	s7 =	simm.s32 @!p0 $0x108  }
0x21: {  	s3 =	sadd.s32 s3, s9;
	s6 =	sadd.s32 @!p0 $0x88, s6;
	s7 =	simm.s32 @p2 $0x1082  }
0x22: {  	[simem:s7], [sflag:s8] =	dma.local @!p0 [hbm:s6], $0xF7A  }
0x23: {  	s9 =	sor.u32 $0xD0000000, s2;
	s6 =	simm.s32 $0x108;
	_ =	swait.ge @!p0 [sflag:s8], $0x0  }
0x24: {  	s3 =	sadd.s32 $0x88, s3;
	s6 =	simm.s32 @!p1 $0x1082;
	[sflag:s4] =	ssyncset.s32 $0xFFFFF086  }
0x25: {  	[simem:s6], [sflag:s4] =	dma.local [hbm:s3], $0xF7A  }
0x26: {  	[smem:$0x3F87] =	sst s1;
	(tag) =	ssettag s2;
	_ =	strace s9  }
0x27: {  	s1 =	sld [smem:$0x3F97]  }
0x28: {  	s2 =	sld [smem:$0x3F98]  }
0x29: {  	s4 =	sld [smem:$0x3F9A]  }
0x2a: {  	p0 =	seq.s32 s5, $0x0;
	s5 =	sld [smem:$0x3F9B]  }
0x2b: {  	s6 =	sld [smem:$0x3F9C]  }
0x2c: {  	s7 =	sld [smem:$0x3F9D]  }
0x2d: {  	s3 =	simm.s32 $0x108;
	s8 =	sld [smem:$0x3F9E]  }
0x2e: {  	s3 =	simm.s32 @!p0 $0x1082;
	s9 =	sld [smem:$0x3F9F]  }
0x2f: {  	lr =	sadd.s32 s0, s3;
	s0 =	sld [smem:$0x3F96]  }
0x30: {  	s3 =	sld [smem:$0x3F99]  }
0x31: {  	[smem:$0x3FA2] =	sst s10  }
0x32: {  	s10 =	sld [smem:$0x3FA0];
	_ =	sdelay $0x3  }
0x33: {  	p0 =	seq.s32 s10, $0x1;
	s10 =	sld [smem:$0x3FA2];
	_ =	sdelay $0x3  }
0x34: {  	[smem:$0x3FA2] =	sst s10  }
0x35: {  	s10 =	sld [smem:$0x3FA1];
	_ =	sdelay $0x3  }
0x36: {  	p1 =	seq.s32 s10, $0x1;
	s10 =	sld [smem:$0x3FA2];
	_ =	sdelay $0x3  }
0x37: {  	[smem:$0x3FA2] =	sst s10  }
0x38: {  	s10 =	sld [smem:$0x3FA3]  }
0x39: {  	_ = 	snop;
	(pc) =	sbr.ind lr, $3  }
0x3a: {  	_ = 	snop  }
0x3b: {  	_ = 	snop  }
0x3c: {  	p2 =	seq.s32 s10, $0x1;
	s10 =	sld [smem:$0x3FA2]  }
0x3d: {  	_ =	shalt  }
0x3e: {  	_ =	shalt  }
0x3f: {  	_ =	shalt  }
0x40: {  	_ =	shalt  }
0x41: {  	_ =	shalt  }
0x42: {  	_ =	shalt  }
0x43: {  	_ =	shalt  }
0x44: {  	_ =	shalt  }
0x45: {  	_ =	shalt  }
0x46: {  	_ =	shalt  }
0x47: {  	_ =	shalt  }
0x48: {  	_ =	shalt  }
0x49: {  	_ =	shalt  }
0x4a: {  	_ =	shalt  }
0x4b: {  	_ =	shalt  }
0x4c: {  	_ =	shalt  }
0x4d: {  	_ =	shalt  }
0x4e: {  	_ =	shalt  }
0x4f: {  	_ =	shalt  }
0x50: {  	_ =	shalt  }
0x51: {  	_ =	shalt  }
0x52: {  	_ =	shalt  }
0x53: {  	_ =	shalt  }
0x54: {  	_ =	shalt  }
0x55: {  	_ =	shalt  }
0x56: {  	_ =	shalt  }
0x57: {  	_ =	shalt  }
0x58: {  	_ =	shalt  }
0x59: {  	_ =	shalt  }
0x5a: {  	_ =	shalt  }
0x5b: {  	_ =	shalt  }
0x5c: {  	_ =	shalt  }
0x5d: {  	_ =	shalt  }
0x5e: {  	_ =	shalt  }
0x5f: {  	_ =	shalt  }
0x60: {  	_ =	shalt  }
0x61: {  	_ =	shalt  }
0x62: {  	_ =	shalt  }
0x63: {  	_ =	shalt  }
0x64: {  	_ =	shalt  }
0x65: {  	_ =	shalt  }
0x66: {  	_ =	shalt  }
0x67: {  	_ =	shalt  }
0x68: {  	_ =	shalt  }
0x69: {  	_ =	shalt  }
0x6a: {  	_ =	shalt  }
0x6b: {  	_ =	shalt  }
0x6c: {  	_ =	shalt  }
0x6d: {  	_ =	shalt  }
0x6e: {  	_ =	shalt  }
0x6f: {  	_ =	shalt  }
0x70: {  	_ =	shalt  }
0x71: {  	_ =	shalt  }
0x72: {  	_ =	shalt  }
0x73: {  	_ =	shalt  }
0x74: {  	_ =	shalt  }
0x75: {  	_ =	shalt  }
0x76: {  	_ =	shalt  }
0x77: {  	_ =	shalt  }
0x78: {  	_ =	shalt  }
0x79: {  	_ =	shalt  }
0x7a: {  	_ =	shalt  }
0x7b: {  	_ =	shalt  }
0x7c: {  	_ =	shalt  }
0x7d: {  	_ =	shalt  }
0x7e: {  	_ =	shalt  }
0x7f: {  	_ =	shalt  }
0x80: {  	_ =	shalt  }
0x81: {  	_ =	shalt  }
0x82: {  	_ =	shalt  }
0x83: {  	_ =	shalt  }
0x84: {  	_ =	shalt  }
0x85: {  	_ =	shalt  }
0x86: {  	_ =	shalt  }
0x87: {  	_ =	shalt  }
.Lfunc_end0:
.L_simem_size_0:
called_computation.2_lowered:
.L_overlay_start_0:
0x88: {  	s2 =	sld [smem:$0x3FD9]  }
0x89: {  	s3 =	sld [smem:$0x3FFE];
	_ =	sdelay $0x1  }
0x8a: {  	s1 =	srdreg.scid  }
0x8b: {  	s0 =	sand.u32 $0x1, s1  }
0x8c: {  	s17 =	sshll.u32 s0, $0xA;
	s2 =	sadd.s32 s3, s2  }
0x8d: {  	s2 =	sadd.s32 s2, s17  }
0x8e: {  	[smem:$0x3FAE] =	sst s2  }
0x8f: {  	_ = 	snop  }
0x90: {  	s2 =	sld [smem:$0x3FD0];
	(tm) =	ssettm $0x1  }
0x91: {  	s18 =	sld [smem:$0x3FFB];
	_ =	sdelay $0x3  }
0x92: {  	_ =	strace s18  }
0x93: {  	s3 =	sld [smem:$0x3FFC];
	_ =	sdelay $0x3  }
0x94: {  	_ =	strace s3  }
0x95: {  	s3 =	sld [smem:$0x3FFD];
	_ =	sdelay $0x3  }
0x96: {  	_ =	strace s3  }
0x97: {  	_ =	strace $0x8FFFFFFF  }
0x98: {  	s19 =	sld [smem:$0x3FDB];
	_ =	sdelay $0x1  }
0x99: {  	s4 =	simm.s32 $_scs_section_size  }
0x9a: {  	s5 =	simm.s32 $_size__tile_overlayer_lowered;
	s6 =	simm.s32 $_tile_overlayer_lowered  }
0x9b: {  	s22 =	simm.s32 $0x1BFF;
	s21 =	sshll.u32 s6, $0x1;
	s3 =	sadd.s32 s4, s19  }
0x9c: {  	s7 =	simm.s32 $0x0;
	s20 =	sshll.u32 s5, $0x1;
	s5 =	sadd.s32 s21, s3  }
0x9d: {  	[timem:s7], [sflag:s22] =	dma.local [hbm:s5], s20  }
0x9e: {  	_ =	swait.ge [sflag:s22], s20  }
0x9f: {  	s4 =	ssub.s32 $0x0, s20;
	[sflag:s22] =	ssyncset.done $0x0  }
0xa0: {  	[sflag:s22] =	ssyncadd.s32 s4;
	_ =	sdelay $0x1  }
0xa1: {  	s23 =	simm.s32 $0x1B8B  }
0xa2: {  	_ =	swait.ge [sflag:s23], $0x1  }
0xa3: {  	[sflag:s23] =	ssyncset.done $0x0  }
0xa4: {  	s25 =	simm.s32 $0x1B8E;
	s24 =	sld [smem:$0x3FFE];
	[sflag:s23] =	ssyncadd.s32 $0xFFFFFFFF  }
0xa5: {  	s26 =	simm.s32 $execute0_lowered;
	[smem:$0x3FD2] =	sst s25  }
0xa6: {  	s5 =	sshll.u32 s26, $0x1;
	_ =	strace $0x8000004C;
	[dreg:$0x1] =	wrdreg $0xFFFFFFFF  }
0xa7: {  	s28 =	simm.s32 $_size_execute0_lowered;
	s3 =	sadd.s32 s3, s5;
	[dreg:$0x0] =	wrdreg $0x0  }
0xa8: {  	s5 =	sshll.u32 s28, $0x1;
	[dreg:$0x2] =	wrdreg s3  }
0xa9: {  	[dreg:$0x3] =	wrdreg s5  }
0xaa: {  	[dreg:$0x4] =	wrdreg $0xC0  }
0xab: {  	_ =	task [dreg:s7], $0x5FFFF  }
0xac: {  	[dreg:$0x1] =	wrdreg $0xFFFFFFFF  }
0xad: {  	[dreg:$0x0] =	wrdreg $0x60  }
0xae: {  	[dreg:$0x2] =	wrdreg s24  }
0xaf: {  	[dreg:$0x3] =	wrdreg s2  }
0xb0: {  	[dreg:$0x4] =	wrdreg $0xB8000  }
0xb1: {  	[dreg:$0x5] =	wrdreg $0x9  }
0xb2: {  	_ =	task.clear_ibuf [dreg:s7], $0x6FFFF;
	_ =	strace $0x9000004C  }
0xb3: {  	s29 =	simm.s32 $0x9;
	_ =	strace $0x8000004E  }
0xb4: {  	_ =	swait.ge [sflag:s29], $0x1  }
0xb5: {  	[sflag:s29] =	ssyncadd.s32 $0xFFFFFFFF  }
0xb6: {  	_ =	strace $0x9000004E  }
0xb7: {  	_ =	sfence  }
0xb8: {  	s30 =	sld [smem:$0x0];
	_ =	sdelay $0x2  }
0xb9: {  	s31 =	sshll.u32 s1, $0xD;
	s1 =	sshrl.u32 s1, $0x2  }
0xba: {  	s3 =	sand.u32 $0x4000, s31;
	s1 =	sadd.s32 s1, s30  }
0xbb: {  	s0 =	sor.u32 s3, s0;
	s1 =	sshll.u32 s1, $0x11  }
0xbc: {  	s0 =	sor.u32 s1, s0  }
0xbd: {  	s0 =	sadd.s32 $0x8F2B, s0  }
0xbe: {  	[sflag:s0] =	ssyncadd.remote.s32 $0x1  }
0xbf: {  	_ =	sfence.sel $0xFFFF  }
0xc0: {  	[dreg:$0x0] =	wrdreg $0xFFFFFFFF;
	(pc) =	sbr.abs _section_cstart, $3  }
0xc1: {  	[dreg:$0x1] =	wrdreg $0xFFFFFFFF  }
0xc2: {  	_ =	task.clear_ibuf [dreg:s7], $0x2FFFF;
	_ =	strace $0x9FFFFFFF  }
0xc3: {  	(tm) =	ssettm $0x7FFFFFFF  }
tec
execute0_lowered:
.L_overlay_start_1:
0x0: {  	(tag) =	ssettag $0x1  }
0x1: {  	s0 =	rddreg [dreg:$0x0]  }
0x2: {  	s1 =	rddreg [dreg:$0x1];
	s26 =	stileid.u32  }
0x3: {  	s3 =	rddreg [dreg:$0x2];
	s2 =	smul.u32 $0xA000, s26;
	s10 =	sor.u32 $0x10, s26  }
0x4: {  	s4 =	simm.s32 $0x0;
	s11 =	sor.u32 $0x20, s26;
	s8 =	smul.u32 $0xA000, s10  }
0x5: {  	s6 =	srdreg.scid;
	s12 =	sor.u32 $0x30, s26;
	s9 =	smul.u32 $0xA000, s11  }
0x6: {  	s28 =	simm.s32 $0x4;
	s14 =	sor.u32 $0x40, s26;
	s13 =	smul.u32 $0xA000, s12  }
0x7: {  	s30 =	simm.s32 $0x3;
	s17 =	sor.u32 $0x50, s26;
	s16 =	smul.u32 $0xA000, s14  }
0x8: {  	s31 =	simm.s32 $0x50;
	s19 =	sor.u32 $0x60, s26;
	s18 =	smul.u32 $0xA000, s17  }
0x9: {  	[smem:$0x7FF] =	sst s4;
	s21 =	sor.u32 $0x70, s26;
	s20 =	smul.u32 $0xA000, s19  }
0xa: {  	s15 =	sand.u32 $0x1, s6;
	s7 =	sshll.u32 s26, $0x1;
	s23 =	smul.u32 $0xA000, s21  }
0xb: {  	s6 =	ssub.s32 $0x2, s15;
	s7 =	sor.u32 s15, s7;
	s15 =	smul.u32 $0x138800, s15  }
0xc: {  	s5 =	sadd.s32 $0x5800, s0;
	s0 =	sadd.s32 $0x53C00, s0;
	s17 =	smul.u32 $0x2800, s17  }
0xd: {  	p0 =	sgt.u32 s26, $0xC;
	_ =	strace $0x8000004D;
	s19 =	smul.u32 $0x2800, s19  }
0xe: {  	s21 =	smul.u32 $0x2800, s21;
	s22 =	sshrl.u32 s6, $0x1;
	s2 =	sshrl.u32 s2, $0x2  }
0xf: {  	s25 =	ssub.s32 s6, s22;
	s6 =	smul.u32 $0x5000, s7;
	s7 =	sadd.s32 s2, s3  }
0x10: {  	s22 =	sshrl.u32 s8, $0x2;
	s24 =	sshrl.u32 s9, $0x2;
	s29 =	sshrl.u32 s13, $0x2  }
0x11: {  	s13 =	sshrl.u32 s16, $0x2;
	s16 =	smul.u32 $0x2800, s11;
	s17 =	sadd.s32 s15, s17  }
0x12: {  	s8 =	sadd.s32 s22, s3;
	s22 =	smul.u32 $0x2800, s26;
	s9 =	sadd.s32 s24, s3  }
0x13: {  	s24 =	smul.u32 $0x2800, s10;
	s10 =	sadd.s32 s29, s3;
	s11 =	sadd.s32 s13, s3  }
0x14: {  	s29 =	sshrl.u32 s18, $0x2;
	s18 =	smul.u32 $0x2800, s12;
	s13 =	sshrl.u32 s20, $0x2  }
0x15: {  	s20 =	smul.u32 $0x2800, s14;
	s14 =	sshrl.u32 s23, $0x2;
	s23 =	sadd.s32 s15, s19  }
0x16: {  	s25 =	smax.u32 s25, $0x1;
	s26 =	simm.s32 $0x4000;
	s12 =	sadd.s32 s29, s3  }
0x17: {  	s13 =	sadd.s32 s13, s3;
	s14 =	sadd.s32 s14, s3;
	s16 =	sadd.s32 s15, s16  }
0x18: {  	s22 =	sadd.s32 s22, s15;
	s29 =	sadd.s32 s15, s24;
	s18 =	sadd.s32 s15, s18  }
0x19: {  	s20 =	sadd.s32 s15, s20;
	s15 =	sadd.s32 s15, s21;
	s21 =	sshrl.u32 s6, $0x3  }
0x1a: {  	s16 =	sshrl.u32 s16, $0x3;
	s24 =	sadd.s32 s1, s21;
	s2 =	sshrl.u32 s22, $0x3  }
0x1b: {  	s22 =	sshrl.u32 s29, $0x3;
	s19 =	sshrl.u32 s18, $0x3;
	s2 =	sadd.s32 s0, s2  }
0x1c: {  	s20 =	sshrl.u32 s20, $0x3;
	s29 =	sadd.s32 s0, s22;
	[dreg:$0x4] =	wrdreg s2  }
0x1d: {  	s15 =	sshrl.u32 s15, $0x3;
	s21 =	sadd.s32 s0, s20;
	[dreg:$0x5] =	wrdreg s29  }
0x1e: {  	s22 =	sshrl.u32 s17, $0x3;
	s2 =	sadd.s32 s0, s16;
	[dreg:$0x8] =	wrdreg s21  }
0x1f: {  	s29 =	sshrl.u32 s23, $0x3;
	s23 =	sadd.s32 s0, s15;
	s21 =	smov.u32 s24  }
0x20: {  	s24 =	sadd.s32 $0x14000, s24;
	[dreg:$0x6] =	wrdreg s2;
	s2 =	sadd.s32 s0, s19  }
0x21: {  	[dreg:$0x7] =	wrdreg s2;
	s2 =	sadd.s32 s0, s22;
	s22 =	sadd.s32 s0, s29  }
0x22: {  	v0 =	vimm.f32 $0.0e+00;
	s0 =	simm.s32 $0x1;
	[dreg:$0x9] =	wrdreg s2;
	s2 =	simm.s32 $0x2  }
.LBB2_1:
0x23: {  	s15 =	simm.s32 $0x0;
	s16 =	simm.s32 $0x200  }
.LBB2_2:
0x24: {  	p1 =	sne.s32 s16, $0x9E00;
	[tilespmem:s15+$0x4070] =	vst v0  }
0x25: {  	[tilespmem:s15+$0x4000] =	vst v0  }
0x26: {  	[tilespmem:s15+$0x4010] =	vst v0  }
.Ltmp0:
0x27: {  	[tilespmem:s15+$0x4020] =	vst v0;
	(pc) =	sbr.rel @p1 .LBB2_2-.Ltmp0, $4  }
0x28: {  	[tilespmem:s15+$0x4030] =	vst v0  }
0x29: {  	[tilespmem:s15+$0x4040] =	vst v0  }
0x2a: {  	[tilespmem:s15+$0x4050] =	vst v0  }
0x2b: {  	[tilespmem:s15+$0x4060] =	vst v0;
	s15 =	sshra.s32 s16, $0x2;
	s16 =	sadd.s32 $0x200, s16  }
0x2c: {  	[tilespmem:s15+$0x4070] =	vst v0  }
0x2d: {  	[tilespmem:s15+$0x4000] =	vst v0  }
0x2e: {  	[tilespmem:s15+$0x4010] =	vst v0  }
0x2f: {  	[tilespmem:s15+$0x4020] =	vst v0  }
0x30: {  	[tilespmem:s15+$0x4030] =	vst v0  }
0x31: {  	[tilespmem:s15+$0x4040] =	vst v0  }
0x32: {  	[tilespmem:s15+$0x4050] =	vst v0  }
0x33: {  	[tilespmem:s15+$0x4060] =	vst v0  }
0x34: {  	[spmem:s7] =	stream.linear.scatter [tilespmem:s26], [sflag:$0x4], $0x2800, $0x38;
	[tilespmem:$0x1F080] =	vst v63  }
0x35: {  	_ =	swait.ge [sflag:s28], $0x2800  }
0x36: {  	[sflag:s28] =	ssyncset.done $0x0  }
0x37: {  	[sflag:s28] =	ssyncadd.s32 $0xFFFFD800  }
0x38: {  	[spmem:s8] =	stream.linear.scatter [tilespmem:s26], [sflag:$0x4], $0x2800, $0x38;
	[tilespmem:$0x1F080] =	vst v63  }
0x39: {  	_ =	swait.ge [sflag:s28], $0x2800  }
0x3a: {  	[sflag:s28] =	ssyncset.done $0x0  }
0x3b: {  	[sflag:s28] =	ssyncadd.s32 $0xFFFFD800  }
0x3c: {  	[spmem:s9] =	stream.linear.scatter [tilespmem:s26], [sflag:$0x4], $0x2800, $0x38;
	[tilespmem:$0x1F080] =	vst v63  }
0x3d: {  	_ =	swait.ge [sflag:s28], $0x2800  }
0x3e: {  	[sflag:s28] =	ssyncset.done $0x0  }
0x3f: {  	[sflag:s28] =	ssyncadd.s32 $0xFFFFD800  }
0x40: {  	[spmem:s10] =	stream.linear.scatter [tilespmem:s26], [sflag:$0x4], $0x2800, $0x38;
	[tilespmem:$0x1F080] =	vst v63  }
0x41: {  	_ =	swait.ge [sflag:s28], $0x2800  }
0x42: {  	[sflag:s28] =	ssyncset.done $0x0  }
0x43: {  	[sflag:s28] =	ssyncadd.s32 $0xFFFFD800  }
0x44: {  	[spmem:s11] =	stream.linear.scatter [tilespmem:s26], [sflag:$0x4], $0x2800, $0x38;
	[tilespmem:$0x1F080] =	vst v63  }
0x45: {  	_ =	swait.ge [sflag:s28], $0x2800  }
0x46: {  	[sflag:s28] =	ssyncset.done $0x0  }
0x47: {  	[sflag:s28] =	ssyncadd.s32 $0xFFFFD800  }
0x48: {  	[spmem:s12] =	stream.linear.scatter [tilespmem:s26], [sflag:$0x4], $0x2800, $0x38;
	[tilespmem:$0x1F080] =	vst v63  }
0x49: {  	_ =	swait.ge [sflag:s28], $0x2800  }
0x4a: {  	[sflag:s28] =	ssyncset.done $0x0  }
0x4b: {  	[sflag:s28] =	ssyncadd.s32 $0xFFFFD800  }
0x4c: {  	[spmem:s13] =	stream.linear.scatter [tilespmem:s26], [sflag:$0x4], $0x2800, $0x38;
	[tilespmem:$0x1F080] =	vst v63  }
0x4d: {  	_ =	swait.ge [sflag:s28], $0x2800  }
0x4e: {  	[sflag:s28] =	ssyncset.done $0x0  }
0x4f: {  	s15 =	simm.s32 @!p0 $0x4000;
	[sflag:s28] =	ssyncadd.s32 $0xFFFFD800  }
0x50: {  	[spmem:s14] =	stream.linear.scatter @!p0 [tilespmem:s15], [sflag:$0x4], $0x2800, $0x38;
	[tilespmem:$0x1F080] =	vst v63  }
0x51: {  	s15 =	simm.s32 @!p0 $0x4  }
0x52: {  	_ =	swait.ge @!p0 [sflag:s15], $0x2800  }
0x53: {  	[sflag:s15] =	ssyncset.done @!p0 $0x0  }
0x54: {  	[sflag:s15] =	ssyncadd.s32 @!p0 $0xFFFFD800  }
0x55: {  	s29 =	simm.s32 $0x0;
	[bflag:$0x0] =	sbarrier.arrive $0xFFFF  }
0x56: {  	[tilespmem:s29], [sflag:$0x3] =	stream.linear.gather [hbm4b:s21+s29], $0xC80, $0x38;
	[tilespmem:$0x1F080] =	vst v63  }
0x57: {  	s20 =	simm.s32 $0x2000  }
0x58: {  	[tilespmem:s20], [sflag:$0x3] =	stream.linear.gather [hbm4b:s24+s29], $0xC80, $0x38;
	[tilespmem:$0x1F080] =	vst v63  }
.LBB2_4:
0x59: {  	_ =	swait.ge [sflag:s30], $0xC80  }
0x5a: {  	s15 =	smov.u32 s29;
	s16 =	sshll.u32 s29, $0xC;
	[sflag:s30] =	ssyncset.done $0x0  }
0x5b: {  	s29 =	sadd.s32 $0x1, s29;
	p1 =	seq.s32 s15, $0x4;
	[sflag:s30] =	ssyncadd.s32 $0xFFFFF380  }
0x5c: {  	s15 =	sshll.u32 @!p1 s29, $0xC;
	_ =	swait.ge [sflag:s30], $0xC80  }
0x5d: {  	s17 =	sadd.s32 @!p1 s6, s15;
	[sflag:s30] =	ssyncset.done $0x0  }
0x5e: {  	s16 =	sand.u32 $0x1000, s16;
	s17 =	sshrl.u32 @!p1 s17, $0x3;
	[sflag:s30] =	ssyncadd.s32 $0xFFFFF380  }
0x5f: {  	[tilespmem:s26], [sflag:$0x1] =	stream.indirect.gather [hbm4b:s5+s31], $0x80, s16, s31, $0xb8;
	[tilespmem:$0x1F080] =	vst v63  }
0x60: {  	s18 =	simm.s32 @!p1 $0x0;
	s15 =	sand.u32 @!p1 $0x1000, s15;
	s17 =	sadd.s32 @!p1 s1, s17  }
0x61: {  	[tilespmem:s15], [sflag:$0x3] =	stream.linear.gather @!p1 [hbm4b:s17+s18], $0xC80, $0x38;
	[tilespmem:$0x1F080] =	vst v63  }
0x62: {  	s15 =	sor.u32 @!p1 $0x2000, s15;
	s17 =	sadd.s32 @!p1 $0x14000, s17  }
0x63: {  	[tilespmem:s15], [sflag:$0x3] =	stream.linear.gather @!p1 [hbm4b:s17+s18], $0xC80, $0x38;
	[tilespmem:$0x1F080] =	vst v63  }
0x64: {  	s17 =	sor.u32 $0x2000, s16;
	s18 =	simm.s32 $0x0  }
.LBB2_5:
0x65: {  	p1 =	slt.u32 s18, $0x2  }
0x66: {  	s15 =	simm.s32 @!p1 $0x2  }
0x67: {  	_ =	swait.ge @!p1 [sflag:s15], $0x2800  }
0x68: {  	p2 =	seq.s32 @!p1 s18, $0x18;
	[sflag:s15] =	ssyncset.done @!p1 $0x0  }
0x69: {  	p2 =	por p1, !p2;
	[sflag:s15] =	ssyncadd.s32 @!p1 $0xFFFFD800;
	s15 =	simm.s32 @!p1 $0x19  }
0x6a: {  	s15 =	sadd.s32 @p2 $0x1, s18  }
0x6b: {  	s19 =	smul.u32 @p2 $0xAB, s15;
	_ =	sdelay $0x1  }
0x6c: {  	s19 =	sshrl.u32 @p2 s19, $0x9  }
0x6d: {  	s19 =	sand.u32 @p2 $0x7F, s19  }
0x6e: {  	s19 =	smul.u32 @p2 $0x3, s19;
	_ =	sdelay $0x1  }
0x6f: {  	s19 =	ssub.s32 @p2 s15, s19  }
0x70: {  	s19 =	sand.u32 @p2 $0xFF, s19  }
0x71: {  	s19 =	smul.u32 @p2 $0xA000, s19  }
0x72: {  	s20 =	sshll.u32 @p2 s15, $0x7  }
0x73: {  	s20 =	sand.u32 @p2 $0x3FFFFF80, s20;
	s19 =	sshrl.u32 @p2 s19, $0x2  }
0x74: {  	s20 =	sadd.s32 @p2 s20, s16;
	s19 =	sadd.s32 @p2 $0x4000, s19  }
0x75: {  	[tilespmem:s19], [sflag:$0x1] =	stream.indirect.gather @p2 [hbm4b:s5+s31], $0x80, s20, s31, $0xb8;
	[tilespmem:$0x1F080] =	vst v63  }
0x76: {  	s20 =	smul.u32 $0xAB, s18;
	_ =	sdelay $0x1  }
0x77: {  	s19 =	sshrl.u32 s20, $0x9  }
0x78: {  	s19 =	sand.u32 $0x7F, s19  }
0x79: {  	s19 =	smul.u32 $0x3, s19;
	_ =	sdelay $0x1  }
0x7a: {  	s19 =	ssub.s32 s18, s19  }
0x7b: {  	s19 =	sand.u32 $0xFF, s19  }
0x7c: {  	p1 =	slt.u32 s15, $0x19;
	s19 =	smul.u32 $0xA000, s19  }
.Ltmp1:
0x7d: {  	_ =	swait.ge [sflag:s0], $0x2800;
	s20 =	sshll.u32 s18, $0x7;
	(pc) =	sbr.rel @p1 .LBB2_5-.Ltmp1, $4  }
0x7e: {  	[sflag:s0] =	ssyncset.done $0x0;
	s18 =	sand.u32 $0x3FFFFF80, s20;
	s19 =	sshrl.u32 s19, $0x2  }
0x7f: {  	[sflag:s0] =	ssyncadd.s32 $0xFFFFD800;
	s18 =	sadd.s32 s18, s17;
	s19 =	sadd.s32 $0x4000, s19  }
0x80: {  	[spmem:s3] =	stream.indirect.scatter.add.f32 [tilespmem:s19], [sflag:$0x2], $0x80, s18, s31, $0xb8;
	[tilespmem:$0x1F080] =	vst v63  }
0x81: {  	s18 =	smov.u32 s15  }
0x82: {  	_ =	swait.ge [sflag:s2], $0x2800;
	p1 =	sne.s32 s29, $0x5  }
.Ltmp2:
0x83: {  	[sflag:s2] =	ssyncset.done $0x0;
	(pc) =	sbr.rel @p1 .LBB2_4-.Ltmp2, $4  }
0x84: {  	[sflag:s2] =	ssyncadd.s32 $0xFFFFD800  }
0x85: {  	_ =	swait.ge [sflag:s2], $0x2800  }
0x86: {  	[sflag:s2] =	ssyncset.done $0x0  }
0x87: {  	[sflag:s2] =	ssyncadd.s32 $0xFFFFD800  }
0x88: {  	s15 =	stileid.u32  }
0x89: {  	[bflag:$0x0] =	sbarrier.arrive $0xFFFF;
	s15 =	sshll.u32 s15, $0x6  }
0x8a: {  	s16 =	sshrl.u32 s7, $0x3;
	s17 =	rddreg [dreg:$0x4];
	s15 =	sor.u32 $0x1C04, s15  }
0x8b: {  	[hbm:s17], [sflag:s15] =	dma.local [spmem:s16], $0x500  }
0x8c: {  	_ =	swait.ge [sflag:s28], $0x500  }
0x8d: {  	[sflag:s28] =	ssyncset.done $0x0  }
0x8e: {  	s20 =	sshrl.u32 s8, $0x3;
	s29 =	rddreg [dreg:$0x5];
	[sflag:s28] =	ssyncadd.s32 $0xFFFFFB00  }
0x8f: {  	[hbm:s29], [sflag:s15] =	dma.local [spmem:s20], $0x500  }
0x90: {  	_ =	swait.ge [sflag:s28], $0x500  }
0x91: {  	[sflag:s28] =	ssyncset.done $0x0  }
0x92: {  	s18 =	sshrl.u32 s9, $0x3;
	s19 =	rddreg [dreg:$0x6];
	[sflag:s28] =	ssyncadd.s32 $0xFFFFFB00  }
0x93: {  	[hbm:s19], [sflag:s15] =	dma.local [spmem:s18], $0x500  }
0x94: {  	_ =	swait.ge [sflag:s28], $0x500  }
0x95: {  	[sflag:s28] =	ssyncset.done $0x0  }
0x96: {  	s20 =	sshrl.u32 s10, $0x3;
	s29 =	rddreg [dreg:$0x7];
	[sflag:s28] =	ssyncadd.s32 $0xFFFFFB00  }
0x97: {  	[hbm:s29], [sflag:s15] =	dma.local [spmem:s20], $0x500  }
0x98: {  	_ =	swait.ge [sflag:s28], $0x500  }
0x99: {  	[sflag:s28] =	ssyncset.done $0x0  }
0x9a: {  	s17 =	sshrl.u32 s11, $0x3;
	s18 =	rddreg [dreg:$0x8];
	[sflag:s28] =	ssyncadd.s32 $0xFFFFFB00  }
0x9b: {  	[hbm:s18], [sflag:s15] =	dma.local [spmem:s17], $0x500  }
0x9c: {  	_ =	swait.ge [sflag:s28], $0x500  }
0x9d: {  	[sflag:s28] =	ssyncset.done $0x0  }
0x9e: {  	s19 =	sshrl.u32 s12, $0x3;
	s20 =	rddreg [dreg:$0x9];
	[sflag:s28] =	ssyncadd.s32 $0xFFFFFB00  }
0x9f: {  	[hbm:s20], [sflag:s15] =	dma.local [spmem:s19], $0x500  }
0xa0: {  	_ =	swait.ge [sflag:s28], $0x500  }
0xa1: {  	[sflag:s28] =	ssyncset.done $0x0  }
0xa2: {  	s29 =	sshrl.u32 s13, $0x3;
	[sflag:s28] =	ssyncadd.s32 $0xFFFFFB00  }
0xa3: {  	[hbm:s22], [sflag:s15] =	dma.local [spmem:s29], $0x500  }
0xa4: {  	_ =	swait.ge [sflag:s28], $0x500  }
0xa5: {  	s4 =	sadd.s32 $0x1, s4;
	[sflag:s28] =	ssyncset.done $0x0  }
0xa6: {  	p1 =	sne.s32 s4, s25;
	s16 =	sshrl.u32 @!p0 s14, $0x3;
	[sflag:s28] =	ssyncadd.s32 $0xFFFFFB00  }
0xa7: {  	[hbm:s23], [sflag:s15] =	dma.local @!p0 [spmem:s16], $0x500  }
.Ltmp3:
0xa8: {  	_ = 	snop;
	(pc) =	sbr.rel @p1 .LBB2_1-.Ltmp3, $4  }
0xa9: {  	s15 =	simm.s32 @!p0 $0x4  }
0xaa: {  	_ =	swait.ge @!p0 [sflag:s15], $0x500  }
0xab: {  	[sflag:s15] =	ssyncset.done @!p0 $0x0  }
0xac: {  	[sflag:s15] =	ssyncadd.s32 @!p0 $0xFFFFFB00  }
0xad: {  	_ =	sfence.sel $0x180000  }
0xae: {  	[bflag:$0x0] =	sbarrier.arrive $0xFFFF  }
0xaf: {  	_ =	strace $0x9000004D  }
0xb0: {  	s0 =	stileid.u32;
	[bflag:$0x2] =	sbarrier.arrive $0xFFFF  }
0xb1: {  	p0 =	sne.s32 s0, $0x0;
	s0 =	rddreg [dreg:$0x3]  }
0xb2: {  	s0 =	sadd.s32 @!p0 $0x100000, s0  }
0xb3: {  	[sflag:s0] =	ssyncadd.tile.s32 @!p0 $0x1;
	_ =	shalt  }
.Lfunc_end2:
_tile_overlayer_lowered:
.L_overlay_start_2:
0xb4: {  	(tag) =	ssettag $0x2  }
0xb5: {  	s0 =	rddreg [dreg:$0x0];
	s2 =	stileid.u32  }
0xb6: {  	s1 =	rddreg [dreg:$0x1];
	p0 =	sne.s32 s2, $0x0  }
0xb7: {  	s3 =	rddreg [dreg:$0x2];
	[bflag:$0x3] =	sbarrier.arrive $0xFFFF;
	s2 =	simm.s32 @!p0 $0x1C04  }
0xb8: {  	[timem:s3], [sflag:s2] =	dma.local @!p0 [hbm:s0], s1  }
0xb9: {  	s0 =	simm.s32 @!p0 $0x4  }
0xba: {  	_ =	swait.ge @!p0 [sflag:s0], s1  }
0xbb: {  	s1 =	ssub.s32 @!p0 $0x0, s1;
	[sflag:s0] =	ssyncset.done @!p0 $0x0  }
0xbc: {  	[sflag:s0] =	ssyncadd.s32 @!p0 s1  }
0xbd: {  	[bflag:$0x3] =	sbarrier.arrive $0xFFFF  }
0xbe: {  	_ =	shalt  }

// kernel: kernel.8.cloned.1.call-start
scs
__scs_entry_jumppad:
0x0: {  	(pc) =	sbr.rel $0x88, $3  }
0x1: {  	(tag) =	ssettag $0x0;
	lr =	simm.s32 $0x1  }
0x2: {  	[smem:$0x3F87] =	sst lr;
	_ =	strace $0xD0000000  }
0x3: {  	_ = 	snop  }
0x4: {  	_ = 	snop  }
0x5: {  	_ = 	snop  }
0x6: {  	_ = 	snop  }
0x7: {  	_ = 	snop  }
__scs_overlays_trampoline_lowered:
0x8: {  	[smem:$0x3F96] =	sst s0  }
0x9: {  	[smem:$0x3F97] =	sst s1  }
0xa: {  	[smem:$0x3F98] =	sst s2  }
0xb: {  	[smem:$0x3F99] =	sst s3  }
0xc: {  	[smem:$0x3F9A] =	sst s4  }
0xd: {  	[smem:$0x3F9B] =	sst s5  }
0xe: {  	[smem:$0x3F9C] =	sst s6  }
0xf: {  	[smem:$0x3F9D] =	sst s7  }
0x10: {  	[smem:$0x3F9E] =	sst s8  }
0x11: {  	[smem:$0x3F9F] =	sst s9;
	s0 =	simm.s32 @!p0 $0x0  }
0x12: {  	s1 =	sld [smem:$0x3F85];
	s0 =	simm.s32 @p0 $0x1  }
0x13: {  	[smem:$0x3FA0] =	sst s0;
	s0 =	simm.s32 @!p1 $0x0  }
0x14: {  	s2 =	sld [smem:$0x3F84];
	s0 =	simm.s32 @p1 $0x1  }
0x15: {  	[smem:$0x3FA1] =	sst s0;
	s0 =	simm.s32 @!p2 $0x0  }
0x16: {  	s3 =	sld [smem:$0x3FDB];
	s0 =	simm.s32 @p2 $0x1  }
0x17: {  	s4 =	simm.s32 $0x1BF5;
	[smem:$0x3FA3] =	sst s0  }
0x18: {  	s0 =	sld [smem:$0x3F86];
	_ =	swait.ge [sflag:s4], $0x0  }
0x19: {  	s7 =	sld [smem:$0x3F87]  }
0x1a: {  	s8 =	sadd.s32 $0xFFFFE003, lr  }
0x1b: {  	s9 =	sadd.s32 $0xFFFFFEF7, lr;
	s5 =	simm.s32 $0xFFFFFFFF;
	p2 =	slt.u32 s8, $0xFFFFF086  }
0x1c: {  	p1 =	slt.u32 s9, $0xF7A;
	s5 =	simm.s32 @!p2 $0x0  }
0x1d: {  	s5 =	simm.s32 @p1 $0x1;
	p0 =	seq.s32 s7, s2  }
0x1e: {  	s7 =	smul.u32 @!p0 $0xF7A, s2;
	p2 =	seq.s32 @!p0 s5, $0x0  }
0x1f: {  	s9 =	smul.u32 $0xF7A, s1;
	s8 =	simm.s32 @!p0 $0x1BF5;
	p2 =	por !p2, p0  }
0x20: {  	[sflag:s8] =	ssyncset.s32 @!p0 $0xFFFFF086;
	s6 =	sadd.s32 @!p0 s3, s7;
	s7 =	simm.s32 @!p0 $0x108  }
0x21: {  	s3 =	sadd.s32 s3, s9;
	s6 =	sadd.s32 @!p0 $0x88, s6;
	s7 =	simm.s32 @p2 $0x1082  }
0x22: {  	[simem:s7], [sflag:s8] =	dma.local @!p0 [hbm:s6], $0xF7A  }
0x23: {  	s9 =	sor.u32 $0xD0000000, s2;
	s6 =	simm.s32 $0x108;
	_ =	swait.ge @!p0 [sflag:s8], $0x0  }
0x24: {  	s3 =	sadd.s32 $0x88, s3;
	s6 =	simm.s32 @!p1 $0x1082;
	[sflag:s4] =	ssyncset.s32 $0xFFFFF086  }
0x25: {  	[simem:s6], [sflag:s4] =	dma.local [hbm:s3], $0xF7A  }
0x26: {  	[smem:$0x3F87] =	sst s1;
	(tag) =	ssettag s2;
	_ =	strace s9  }
0x27: {  	s1 =	sld [smem:$0x3F97]  }
0x28: {  	s2 =	sld [smem:$0x3F98]  }
0x29: {  	s4 =	sld [smem:$0x3F9A]  }
0x2a: {  	p0 =	seq.s32 s5, $0x0;
	s5 =	sld [smem:$0x3F9B]  }
0x2b: {  	s6 =	sld [smem:$0x3F9C]  }
0x2c: {  	s7 =	sld [smem:$0x3F9D]  }
0x2d: {  	s3 =	simm.s32 $0x108;
	s8 =	sld [smem:$0x3F9E]  }
0x2e: {  	s3 =	simm.s32 @!p0 $0x1082;
	s9 =	sld [smem:$0x3F9F]  }
0x2f: {  	lr =	sadd.s32 s0, s3;
	s0 =	sld [smem:$0x3F96]  }
0x30: {  	s3 =	sld [smem:$0x3F99]  }
0x31: {  	[smem:$0x3FA2] =	sst s10  }
0x32: {  	s10 =	sld [smem:$0x3FA0];
	_ =	sdelay $0x3  }
0x33: {  	p0 =	seq.s32 s10, $0x1;
	s10 =	sld [smem:$0x3FA2];
	_ =	sdelay $0x3  }
0x34: {  	[smem:$0x3FA2] =	sst s10  }
0x35: {  	s10 =	sld [smem:$0x3FA1];
	_ =	sdelay $0x3  }
0x36: {  	p1 =	seq.s32 s10, $0x1;
	s10 =	sld [smem:$0x3FA2];
	_ =	sdelay $0x3  }
0x37: {  	[smem:$0x3FA2] =	sst s10  }
0x38: {  	s10 =	sld [smem:$0x3FA3]  }
0x39: {  	_ = 	snop;
	(pc) =	sbr.ind lr, $3  }
0x3a: {  	_ = 	snop  }
0x3b: {  	_ = 	snop  }
0x3c: {  	p2 =	seq.s32 s10, $0x1;
	s10 =	sld [smem:$0x3FA2]  }
0x3d: {  	_ =	shalt  }
0x3e: {  	_ =	shalt  }
0x3f: {  	_ =	shalt  }
0x40: {  	_ =	shalt  }
0x41: {  	_ =	shalt  }
0x42: {  	_ =	shalt  }
0x43: {  	_ =	shalt  }
0x44: {  	_ =	shalt  }
0x45: {  	_ =	shalt  }
0x46: {  	_ =	shalt  }
0x47: {  	_ =	shalt  }
0x48: {  	_ =	shalt  }
0x49: {  	_ =	shalt  }
0x4a: {  	_ =	shalt  }
0x4b: {  	_ =	shalt  }
0x4c: {  	_ =	shalt  }
0x4d: {  	_ =	shalt  }
0x4e: {  	_ =	shalt  }
0x4f: {  	_ =	shalt  }
0x50: {  	_ =	shalt  }
0x51: {  	_ =	shalt  }
0x52: {  	_ =	shalt  }
0x53: {  	_ =	shalt  }
0x54: {  	_ =	shalt  }
0x55: {  	_ =	shalt  }
0x56: {  	_ =	shalt  }
0x57: {  	_ =	shalt  }
0x58: {  	_ =	shalt  }
0x59: {  	_ =	shalt  }
0x5a: {  	_ =	shalt  }
0x5b: {  	_ =	shalt  }
0x5c: {  	_ =	shalt  }
0x5d: {  	_ =	shalt  }
0x5e: {  	_ =	shalt  }
0x5f: {  	_ =	shalt  }
0x60: {  	_ =	shalt  }
0x61: {  	_ =	shalt  }
0x62: {  	_ =	shalt  }
0x63: {  	_ =	shalt  }
0x64: {  	_ =	shalt  }
0x65: {  	_ =	shalt  }
0x66: {  	_ =	shalt  }
0x67: {  	_ =	shalt  }
0x68: {  	_ =	shalt  }
0x69: {  	_ =	shalt  }
0x6a: {  	_ =	shalt  }
0x6b: {  	_ =	shalt  }
0x6c: {  	_ =	shalt  }
0x6d: {  	_ =	shalt  }
0x6e: {  	_ =	shalt  }
0x6f: {  	_ =	shalt  }
0x70: {  	_ =	shalt  }
0x71: {  	_ =	shalt  }
0x72: {  	_ =	shalt  }
0x73: {  	_ =	shalt  }
0x74: {  	_ =	shalt  }
0x75: {  	_ =	shalt  }
0x76: {  	_ =	shalt  }
0x77: {  	_ =	shalt  }
0x78: {  	_ =	shalt  }
0x79: {  	_ =	shalt  }
0x7a: {  	_ =	shalt  }
0x7b: {  	_ =	shalt  }
0x7c: {  	_ =	shalt  }
0x7d: {  	_ =	shalt  }
0x7e: {  	_ =	shalt  }
0x7f: {  	_ =	shalt  }
0x80: {  	_ =	shalt  }
0x81: {  	_ =	shalt  }
0x82: {  	_ =	shalt  }
0x83: {  	_ =	shalt  }
0x84: {  	_ =	shalt  }
0x85: {  	_ =	shalt  }
0x86: {  	_ =	shalt  }
0x87: {  	_ =	shalt  }
.Lfunc_end0:
.L_simem_size_0:
called_computation_lowered:
.L_overlay_start_0:
0x88: {  	s2 =	sld [smem:$0x3FD9]  }
0x89: {  	s3 =	sld [smem:$0x3FFE];
	_ =	sdelay $0x1  }
0x8a: {  	s1 =	srdreg.scid  }
0x8b: {  	s0 =	sand.u32 $0x1, s1  }
0x8c: {  	s17 =	sshll.u32 s0, $0xA;
	s2 =	sadd.s32 s3, s2  }
0x8d: {  	s2 =	sadd.s32 s2, s17  }
0x8e: {  	[smem:$0x3FAE] =	sst s2  }
0x8f: {  	_ = 	snop  }
0x90: {  	s2 =	sld [smem:$0x3FD0];
	(tm) =	ssettm $0x1  }
0x91: {  	s18 =	sld [smem:$0x3FFB];
	_ =	sdelay $0x3  }
0x92: {  	_ =	strace s18  }
0x93: {  	s3 =	sld [smem:$0x3FFC];
	_ =	sdelay $0x3  }
0x94: {  	_ =	strace s3  }
0x95: {  	s3 =	sld [smem:$0x3FFD];
	_ =	sdelay $0x3  }
0x96: {  	_ =	strace s3  }
0x97: {  	_ =	strace $0x8FFFFFFF  }
0x98: {  	s19 =	sld [smem:$0x3FDB];
	_ =	sdelay $0x1  }
0x99: {  	s4 =	simm.s32 $_scs_section_size  }
0x9a: {  	s5 =	simm.s32 $_size__tile_overlayer_lowered;
	s6 =	simm.s32 $_tile_overlayer_lowered  }
0x9b: {  	s22 =	simm.s32 $0x1BFF;
	s21 =	sshll.u32 s6, $0x1;
	s3 =	sadd.s32 s4, s19  }
0x9c: {  	s7 =	simm.s32 $0x0;
	s20 =	sshll.u32 s5, $0x1;
	s5 =	sadd.s32 s21, s3  }
0x9d: {  	[timem:s7], [sflag:s22] =	dma.local [hbm:s5], s20  }
0x9e: {  	_ =	swait.ge [sflag:s22], s20  }
0x9f: {  	s4 =	ssub.s32 $0x0, s20;
	[sflag:s22] =	ssyncset.done $0x0  }
0xa0: {  	[sflag:s22] =	ssyncadd.s32 s4;
	_ =	sdelay $0x1  }
0xa1: {  	s23 =	simm.s32 $0x1B8B  }
0xa2: {  	_ =	swait.ge [sflag:s23], $0x1  }
0xa3: {  	[sflag:s23] =	ssyncset.done $0x0  }
0xa4: {  	s25 =	simm.s32 $0x1B8E;
	s24 =	sld [smem:$0x3FFE];
	[sflag:s23] =	ssyncadd.s32 $0xFFFFFFFF  }
0xa5: {  	s26 =	simm.s32 $execute0_lowered;
	[smem:$0x3FD2] =	sst s25  }
0xa6: {  	s5 =	sshll.u32 s26, $0x1;
	_ =	strace $0x80000046;
	[dreg:$0x1] =	wrdreg $0xFFFFFFFF  }
0xa7: {  	s28 =	simm.s32 $_size_execute0_lowered;
	s3 =	sadd.s32 s3, s5;
	[dreg:$0x0] =	wrdreg $0x0  }
0xa8: {  	s5 =	sshll.u32 s28, $0x1;
	[dreg:$0x2] =	wrdreg s3  }
0xa9: {  	[dreg:$0x3] =	wrdreg s5  }
0xaa: {  	[dreg:$0x4] =	wrdreg $0xC0  }
0xab: {  	_ =	task [dreg:s7], $0x5FFFF  }
0xac: {  	[dreg:$0x1] =	wrdreg $0xFFFFFFFF  }
0xad: {  	[dreg:$0x0] =	wrdreg $0x60  }
0xae: {  	[dreg:$0x2] =	wrdreg s2  }
0xaf: {  	[dreg:$0x3] =	wrdreg s24  }
0xb0: {  	[dreg:$0x4] =	wrdreg $0x43000  }
0xb1: {  	[dreg:$0x5] =	wrdreg $0x9  }
0xb2: {  	_ =	task.clear_ibuf [dreg:s7], $0x6FFFF;
	_ =	strace $0x90000046  }
0xb3: {  	s29 =	simm.s32 $0x9;
	_ =	strace $0x80000048  }
0xb4: {  	_ =	swait.ge [sflag:s29], $0x1  }
0xb5: {  	[sflag:s29] =	ssyncadd.s32 $0xFFFFFFFF  }
0xb6: {  	_ =	strace $0x90000048  }
0xb7: {  	_ =	sfence  }
0xb8: {  	s30 =	sld [smem:$0x0];
	_ =	sdelay $0x2  }
0xb9: {  	s31 =	sshll.u32 s1, $0xD;
	s1 =	sshrl.u32 s1, $0x2  }
0xba: {  	s3 =	sand.u32 $0x4000, s31;
	s1 =	sadd.s32 s1, s30  }
0xbb: {  	s0 =	sor.u32 s3, s0;
	s1 =	sshll.u32 s1, $0x11  }
0xbc: {  	s0 =	sor.u32 s1, s0  }
0xbd: {  	s0 =	sadd.s32 $0x8F2B, s0  }
0xbe: {  	[sflag:s0] =	ssyncadd.remote.s32 $0x1  }
0xbf: {  	_ =	sfence.sel $0xFFFF  }
0xc0: {  	[dreg:$0x0] =	wrdreg $0xFFFFFFFF;
	(pc) =	sbr.abs _section_cstart, $3  }
0xc1: {  	[dreg:$0x1] =	wrdreg $0xFFFFFFFF  }
0xc2: {  	_ =	task.clear_ibuf [dreg:s7], $0x2FFFF;
	_ =	strace $0x9FFFFFFF  }
0xc3: {  	(tm) =	ssettm $0x7FFFFFFF  }
tec
execute0_lowered:
.L_overlay_start_1:
0x0: {  	(tag) =	ssettag $0x1  }
0x1: {  	s3 =	rddreg [dreg:$0x0]  }
0x2: {  	s4 =	rddreg [dreg:$0x1];
	s0 =	srdreg.scid  }
0x3: {  	s19 =	stileid.u32;
	s1 =	rddreg [dreg:$0x2];
	s2 =	simm.s32 $0x0  }
0x4: {  	s11 =	simm.s32 $0xC80;
	s12 =	simm.s32 $0x1900;
	s13 =	simm.s32 $0x2580  }
0x5: {  	s14 =	simm.s32 $0x3200;
	s15 =	simm.s32 $0x4080;
	s16 =	simm.s32 $0x2  }
0x6: {  	s17 =	simm.s32 $0x1;
	s18 =	simm.s32 $0x50;
	s21 =	simm.s32 $0x0  }
0x7: {  	s5 =	sand.u32 $0x1, s0;
	s6 =	sshll.u32 s19, $0x1;
	s0 =	rddreg [dreg:$0x3]  }
0x8: {  	[smem:$0x7FF] =	sst s2;
	s8 =	smul.u32 $0xA00, s19;
	p0 =	sne.s32 s19, $0x0  }
0x9: {  	s19 =	simm.s32 $0x4000;
	s6 =	sor.u32 s5, s6;
	_ =	strace $0x80000047  }
0xa: {  	s7 =	sshll.u32 s5, $0x4;
	s5 =	ssub.s32 $0x2, s5;
	s6 =	smul.u32 $0x5000, s6  }
0xb: {  	s20 =	sshrl.u32 @!p0 s1, $0x3;
	s9 =	sadd.s32 s7, s4;
	s30 =	sshrl.u32 s5, $0x1  }
0xc: {  	s8 =	sshrl.u32 s8, $0x2;
	s10 =	ssub.s32 s5, s30;
	s6 =	sshrl.u32 s6, $0x3  }
0xd: {  	s8 =	sadd.s32 s8, s1;
	s9 =	sadd.s32 $0x5800, s9;
	s31 =	sadd.s32 s3, s6  }
0xe: {  	s10 =	smax.u32 s10, $0x1;
	s3 =	sadd.s32 $0x14000, s31;
	s4 =	sadd.s32 $0x14200, s31  }
0xf: {  	v0 =	vimm.f32 $0.0e+00;
	v1 =	vimm.f32 $1.000000000e+00;
	s5 =	sadd.s32 $0x14400, s31;
	s6 =	sadd.s32 $0x14600, s31;
	s7 =	sadd.s32 $0x14800, s31  }
.LBB2_1:
0x10: {  	[tilespmem:s2], [sflag:$0x1] =	stream.linear.gather [hbm4b:s3+s2], $0xC80, $0x38;
	[tilespmem:$0x4580] =	vst v63  }
0x11: {  	_ = 	snop  }
0x12: {  	[tilespmem:s11], [sflag:$0x1] =	stream.linear.gather [hbm4b:s4+s2], $0xC80, $0x38;
	[tilespmem:$0x4580] =	vst v63  }
0x13: {  	_ = 	snop  }
0x14: {  	[tilespmem:s12], [sflag:$0x1] =	stream.linear.gather [hbm4b:s5+s2], $0xC80, $0x38;
	[tilespmem:$0x4580] =	vst v63  }
0x15: {  	_ = 	snop  }
0x16: {  	[tilespmem:s13], [sflag:$0x1] =	stream.linear.gather [hbm4b:s6+s2], $0xC80, $0x38;
	[tilespmem:$0x4580] =	vst v63  }
0x17: {  	_ = 	snop  }
0x18: {  	[tilespmem:s14], [sflag:$0x1] =	stream.linear.gather [hbm4b:s7+s2], $0xC80, $0x38;
	[tilespmem:$0x4580] =	vst v63  }
0x19: {  	[tilespmem:$0x4080] =	vst v0  }
0x1a: {  	[tilespmem:$0x4090] =	vst v0  }
0x1b: {  	[tilespmem:$0x40A0] =	vst v0  }
0x1c: {  	[tilespmem:$0x40B0] =	vst v0  }
0x1d: {  	[tilespmem:$0x40C0] =	vst v0  }
0x1e: {  	[tilespmem:$0x40D0] =	vst v0  }
0x1f: {  	[tilespmem:$0x40E0] =	vst v0  }
0x20: {  	[tilespmem:$0x40F0] =	vst v0  }
0x21: {  	[tilespmem:$0x4100] =	vst v0  }
0x22: {  	[tilespmem:$0x4110] =	vst v0  }
0x23: {  	[tilespmem:$0x4120] =	vst v0  }
0x24: {  	[tilespmem:$0x4130] =	vst v0  }
0x25: {  	[tilespmem:$0x4140] =	vst v0  }
0x26: {  	[tilespmem:$0x4150] =	vst v0  }
0x27: {  	[tilespmem:$0x4160] =	vst v0  }
0x28: {  	[tilespmem:$0x4170] =	vst v0  }
0x29: {  	[tilespmem:$0x4180] =	vst v0  }
0x2a: {  	[tilespmem:$0x4190] =	vst v0  }
0x2b: {  	[tilespmem:$0x41A0] =	vst v0  }
0x2c: {  	[tilespmem:$0x41B0] =	vst v0  }
0x2d: {  	[tilespmem:$0x41C0] =	vst v0  }
0x2e: {  	[tilespmem:$0x41D0] =	vst v0  }
0x2f: {  	[tilespmem:$0x41E0] =	vst v0  }
0x30: {  	[tilespmem:$0x41F0] =	vst v0  }
0x31: {  	[tilespmem:$0x4200] =	vst v0  }
0x32: {  	[tilespmem:$0x4210] =	vst v0  }
0x33: {  	[tilespmem:$0x4220] =	vst v0  }
0x34: {  	[tilespmem:$0x4230] =	vst v0  }
0x35: {  	[tilespmem:$0x4240] =	vst v0  }
0x36: {  	[tilespmem:$0x4250] =	vst v0  }
0x37: {  	[tilespmem:$0x4260] =	vst v0  }
0x38: {  	[tilespmem:$0x4270] =	vst v0  }
0x39: {  	[tilespmem:$0x4280] =	vst v0  }
0x3a: {  	[tilespmem:$0x4290] =	vst v0  }
0x3b: {  	[tilespmem:$0x42A0] =	vst v0  }
0x3c: {  	[tilespmem:$0x42B0] =	vst v0  }
0x3d: {  	[tilespmem:$0x42C0] =	vst v0  }
0x3e: {  	[tilespmem:$0x42D0] =	vst v0  }
0x3f: {  	[tilespmem:$0x42E0] =	vst v0  }
0x40: {  	[tilespmem:$0x42F0] =	vst v0  }
0x41: {  	[spmem:s8] =	stream.linear.scatter [tilespmem:s15], [sflag:$0x2], $0x280, $0x38;
	[tilespmem:$0x4580] =	vst v63  }
0x42: {  	_ =	swait.ge [sflag:s16], $0x280  }
0x43: {  	[sflag:s16] =	ssyncset.done $0x0  }
0x44: {  	[sflag:s16] =	ssyncadd.s32 $0xFFFFFD80  }
0x45: {  	[tilespmem:$0x4000] =	vst v1  }
0x46: {  	[tilespmem:$0x4010] =	vst v1  }
0x47: {  	[tilespmem:$0x4020] =	vst v1  }
0x48: {  	[tilespmem:$0x4030] =	vst v1  }
0x49: {  	[tilespmem:$0x4040] =	vst v1  }
0x4a: {  	_ =	swait.ge [sflag:s17], $0xC80  }
0x4b: {  	[sflag:s17] =	ssyncset.done $0x0  }
0x4c: {  	[sflag:s17] =	ssyncadd.s32 $0xFFFFF380  }
0x4d: {  	_ =	swait.ge [sflag:s17], $0xC80  }
0x4e: {  	[sflag:s17] =	ssyncset.done $0x0  }
0x4f: {  	[sflag:s17] =	ssyncadd.s32 $0xFFFFF380  }
0x50: {  	_ =	swait.ge [sflag:s17], $0xC80  }
0x51: {  	[sflag:s17] =	ssyncset.done $0x0  }
0x52: {  	[sflag:s17] =	ssyncadd.s32 $0xFFFFF380  }
0x53: {  	_ =	swait.ge [sflag:s17], $0xC80  }
0x54: {  	[sflag:s17] =	ssyncset.done $0x0  }
0x55: {  	[sflag:s17] =	ssyncadd.s32 $0xFFFFF380  }
0x56: {  	_ =	swait.ge [sflag:s17], $0xC80  }
0x57: {  	[sflag:s17] =	ssyncset.done $0x0  }
0x58: {  	[sflag:s17] =	ssyncadd.s32 $0xFFFFF380  }
0x59: {  	s22 =	simm.s32 $0x0;
	[bflag:$0x0] =	sbarrier.arrive $0xFFFF  }
0x5a: {  	[spmem:s1] =	stream.indirect.scatter.add.f32 [tilespmem:s19], [sflag:$0x2], $0x1, s22, s18, $0xb8;
	[tilespmem:$0x4580] =	vst v63  }
0x5b: {  	_ =	swait.ge [sflag:s16], $0x50  }
0x5c: {  	s22 =	simm.s32 $0x200;
	[sflag:s16] =	ssyncset.done $0x0  }
.LBB2_2:
0x5d: {  	s23 =	sshra.s32 s22, $0x2;
	[sflag:s16] =	ssyncadd.s32 $0xFFFFFFB0;
	p1 =	sne.s32 s22, $0xF800  }
0x5e: {  	[spmem:s1] =	stream.indirect.scatter.add.f32 [tilespmem:s19], [sflag:$0x2], $0x1, s23, s18, $0xb8;
	[tilespmem:$0x4580] =	vst v63  }
.Ltmp0:
0x5f: {  	_ = 	snop;
	(pc) =	sbr.rel @p1 .LBB2_2-.Ltmp0, $4  }
0x60: {  	_ = 	snop  }
0x61: {  	s22 =	sadd.s32 $0x200, s22  }
0x62: {  	_ =	swait.ge [sflag:s16], $0x50  }
0x63: {  	[sflag:s16] =	ssyncset.done $0x0  }
0x64: {  	[sflag:s16] =	ssyncadd.s32 $0xFFFFFFB0;
	s22 =	simm.s32 @!p0 $0x1  }
0x65: {  	s23 =	simm.s32 @!p0 $0x20;
	s24 =	simm.s32 @!p0 $0x10;
	s21 =	sadd.s32 $0x1, s21  }
0x66: {  	s25 =	simm.s32 @!p0 $0x1C02;
	[bflag:$0x0] =	sbarrier.arrive $0xFFFF;
	p1 =	sne.s32 s21, s10  }
0x67: {  	[hbm:s9@s23], [sflag:s25] =	dma.strided @!p0 [spmem:s20@s24], $0x500, s22, $0x10   }
.Ltmp1:
0x68: {  	_ = 	snop;
	(pc) =	sbr.rel @p1 .LBB2_1-.Ltmp1, $4  }
0x69: {  	s22 =	simm.s32 @!p0 $0x2  }
0x6a: {  	_ =	swait.ge @!p0 [sflag:s22], $0x500  }
0x6b: {  	[sflag:s22] =	ssyncset.done @!p0 $0x0  }
0x6c: {  	[sflag:s22] =	ssyncadd.s32 @!p0 $0xFFFFFB00  }
0x6d: {  	_ =	sfence.sel $0x180000  }
0x6e: {  	[bflag:$0x0] =	sbarrier.arrive $0xFFFF  }
0x6f: {  	_ =	strace $0x90000047  }
0x70: {  	s0 =	sadd.s32 @!p0 $0x100000, s0;
	[bflag:$0x2] =	sbarrier.arrive $0xFFFF  }
0x71: {  	[sflag:s0] =	ssyncadd.tile.s32 @!p0 $0x1;
	_ =	shalt  }
.Lfunc_end2:
_tile_overlayer_lowered:
.L_overlay_start_2:
0x72: {  	(tag) =	ssettag $0x2  }
0x73: {  	s0 =	rddreg [dreg:$0x0];
	s2 =	stileid.u32  }
0x74: {  	s1 =	rddreg [dreg:$0x1];
	p0 =	sne.s32 s2, $0x0  }
0x75: {  	s3 =	rddreg [dreg:$0x2];
	[bflag:$0x3] =	sbarrier.arrive $0xFFFF;
	s2 =	simm.s32 @!p0 $0x1C02  }
0x76: {  	[timem:s3], [sflag:s2] =	dma.local @!p0 [hbm:s0], s1  }
0x77: {  	s0 =	simm.s32 @!p0 $0x2  }
0x78: {  	_ =	swait.ge @!p0 [sflag:s0], s1  }
0x79: {  	s1 =	ssub.s32 @!p0 $0x0, s1;
	[sflag:s0] =	ssyncset.done @!p0 $0x0  }
0x7a: {  	[sflag:s0] =	ssyncadd.s32 @!p0 s1  }
0x7b: {  	[bflag:$0x3] =	sbarrier.arrive $0xFFFF  }
0x7c: {  	_ =	shalt  }

</sc_bundles>
